<compile_context>
chip_gen: v7x
topology: tpu7x:2x2x1
jax: 0.10.2.dev20260603
libtpu: 0.0.44.dev20260713+nightly
codegen_flags: <defaults>
</compile_context>

<pallas_src>
import functools

import jax
import jax.numpy as jnp
from jax import lax
from jax.experimental import pallas as pl
from jax.experimental.pallas import tpu as pltpu
from jax.experimental.pallas import tpu_sc as plsc

N_NODES = 100000
N_EDGES = 1600000
N_ELEM = 95
N_REF = 5

NC = 2
NS = 16
L = 16
NW = NC * NS

NB = 3136
NP = NB * NW
SL = NP // NS

EC = 1024
NCHUNK_A = (58, 42)
NCHUNK_C = (56, 44)
EP = EC * NS * 100

D3_K1 = 16.0
D3_K2 = 4.0 / 3.0
D3_K3 = -4.0
D3_S6 = 1.0
D3_S8 = 0.9171
D3_A1 = 0.3385
D3_A2 = 2.883
SQRT3 = 3.0 ** 0.5

_MESH = plsc.VectorSubcoreMesh(core_axis_name="c", subcore_axis_name="s",
                               num_cores=NC, num_subcores=NS)
_PARAMS = pltpu.CompilerParams(needs_layout_passes=False,
                               use_tc_tiling_on_sc=False)


def _edge_split(nchunk, ec):
    n0, n1 = nchunk
    assert n0 % 2 == 0 and n1 % 2 == 0 and (n0 + n1) * ec * NS == EP
    cid = lax.axis_index("c")
    sid = lax.axis_index("s")
    ebase = jnp.where(cid == 0, sid * (n0 * ec),
                      NS * (n0 * ec) + sid * (n1 * ec))
    half = jnp.where(cid == 0, n0 // 2, n1 // 2)
    return ebase, half


def _worker_id():
    return lax.axis_index("c") * NS + lax.axis_index("s")


def _zero_acc(zero_v, acc):
    sid = lax.axis_index("s")

    @pl.loop(0, SL // L)
    def _(i):
        zero_v[pl.ds(i * L, L)] = jnp.zeros((L,), jnp.float32)

    pltpu.sync_copy(zero_v, acc.at[pl.ds(sid * SL, SL)])
    plsc.subcore_barrier()


def _acc_to_out(acc, out_h):
    cid = lax.axis_index("c")
    sid = lax.axis_index("s")
    plsc.subcore_barrier()
    pltpu.sync_copy(acc.at[pl.ds(sid * SL, SL)],
                    out_h.at[pl.ds(cid * NP + sid * SL, SL)])


@functools.partial(
    pl.kernel,
    out_type=[jax.ShapeDtypeStruct((NC * NP,), jnp.float32),
              jax.ShapeDtypeStruct((EP,), jnp.int32)],
    mesh=_MESH,
    compiler_params=_PARAMS,
    scratch_types=[
        [pltpu.VMEM((EC,), jnp.int32)] * 2,
        [pltpu.VMEM((EC,), jnp.int32)] * 2,
        [pltpu.VMEM((EC,), jnp.float32)] * 2,
        [pltpu.VMEM((EC,), jnp.int32)] * 2,
        [pltpu.VMEM((EC,), jnp.int32)] * 2,
        [pltpu.VMEM((EC,), jnp.int32)] * 2,
        [pltpu.VMEM((EC,), jnp.float32)] * 2,
        [pltpu.VMEM((EC,), jnp.int32)] * 2,
        pltpu.VMEM((96,), jnp.float32),
        pltpu.VMEM((SL,), jnp.float32),
        pltpu.VMEM_SHARED((NP,), jnp.float32),
        [pltpu.SemaphoreType.DMA] * 2,
        [pltpu.SemaphoreType.DMA] * 2,
        [pltpu.SemaphoreType.DMA] * 2,
        [pltpu.SemaphoreType.DMA] * 2,
    ],
)
def _cn_kernel(z_h, ii_h, jj_h, d_h, rcov_h, cn_out, p_out,
               ii_v, jj_v, d_v, zi_v, zj_v, p_v, val_v, iis_v, rcov_v,
               zero_v, acc, seml, semg, semp, sems):
    pltpu.sync_copy(rcov_h, rcov_v)
    _zero_acc(zero_v, acc)

    ebase, half = _edge_split(NCHUNK_A, EC)

    def base(c):
        return ebase + c * EC

    def issue_lin(c, b):
        pltpu.async_copy(ii_h.at[pl.ds(base(c), EC)], ii_v[b], seml[b])
        pltpu.async_copy(jj_h.at[pl.ds(base(c), EC)], jj_v[b], seml[b])
        pltpu.async_copy(d_h.at[pl.ds(base(c), EC)], d_v[b], seml[b])

    def wait_lin(b):
        pltpu.make_async_copy(ii_h.at[pl.ds(0, EC)], ii_v[b], seml[b]).wait()
        pltpu.make_async_copy(jj_h.at[pl.ds(0, EC)], jj_v[b], seml[b]).wait()
        pltpu.make_async_copy(d_h.at[pl.ds(0, EC)], d_v[b], seml[b]).wait()

    def issue_gat(b):
        pltpu.async_copy(z_h.at[ii_v[b]], zi_v[b], semg[b])
        pltpu.async_copy(z_h.at[jj_v[b]], zj_v[b], semg[b])

    def wait_gat(b):
        pltpu.make_async_copy(z_h.at[pl.ds(0, EC)], zi_v[b], semg[b]).wait()
        pltpu.make_async_copy(z_h.at[pl.ds(0, EC)], zj_v[b], semg[b]).wait()

    def wait_pwrite(b):
        pltpu.make_async_copy(p_v[b], p_out.at[pl.ds(0, EC)], semp[b]).wait()

    def wait_scat(b):
        pltpu.make_async_copy(val_v[b], acc.at[iis_v[b]], sems[b]).wait()

    issue_lin(0, 0)
    wait_lin(0)
    issue_gat(0)
    issue_lin(1, 1)

    @pl.loop(0, half)
    def _pair(m):
        for b in (0, 1):
            c = 2 * m + b
            o = 1 - b
            if b == 0:
                wait_lin(o)
                issue_gat(o)
            else:
                @pl.when(m < half - 1)
                def _():
                    wait_lin(o)
                    issue_gat(o)
            wait_gat(b)

            @pl.when(m >= 1)
            def _():
                wait_pwrite(b)
                wait_scat(b)

            @pl.loop(0, EC // L)
            def _(i):
                s = pl.ds(i * L, L)
                zi = zi_v[b][s]
                zj = zj_v[b][s]
                ri = plsc.load_gather(rcov_v, [zi])
                rj = plsc.load_gather(rcov_v, [zj])
                rco = D3_K2 * (ri + rj)
                t = jnp.exp(-D3_K1 * (rco / d_v[b][s] - 1.0))
                val_v[b][s] = 1.0 / (1.0 + t)
                p_v[b][s] = zi * N_ELEM + zj
                iis_v[b][s] = ii_v[b][s]

            pltpu.async_copy(p_v[b], p_out.at[pl.ds(base(c), EC)], semp[b])
            pltpu.async_copy(val_v[b], acc.at[iis_v[b]], sems[b], add=True)

            @pl.when(m < half - 1)
            def _():
                issue_lin(c + 2, b)

    wait_pwrite(0)
    wait_pwrite(1)
    wait_scat(0)
    wait_scat(1)
    _acc_to_out(acc, cn_out)


@functools.partial(
    pl.kernel,
    out_type=jax.ShapeDtypeStruct((NP, 8), jnp.float32),
    mesh=_MESH,
    compiler_params=_PARAMS,
    scratch_types=[
        pltpu.VMEM((NB,), jnp.float32),
        pltpu.VMEM((NB,), jnp.float32),
        pltpu.VMEM((NB,), jnp.int32),
        pltpu.VMEM((NB, 8), jnp.float32),
        pltpu.VMEM((480,), jnp.float32),
        pltpu.VMEM((96,), jnp.float32),
        pltpu.VMEM((96,), jnp.float32),
    ],
)
def _gw_kernel(cn_h, z_h, rcn_h, q_h, sq_h, out_h,
               cn0_v, cn1_v, z_v, feat_v, rcn_v, q_v, sq_v):
    wid = _worker_id()
    nb = wid * NB
    pltpu.sync_copy(rcn_h, rcn_v)
    pltpu.sync_copy(q_h, q_v)
    pltpu.sync_copy(sq_h, sq_v)
    pltpu.sync_copy(cn_h.at[pl.ds(nb, NB)], cn0_v)
    pltpu.sync_copy(cn_h.at[pl.ds(NP + nb, NB)], cn1_v)
    pltpu.sync_copy(z_h.at[pl.ds(nb, NB)], z_v)

    iota = lax.iota(jnp.int32, L)
    cols = [jnp.full((L,), k, jnp.int32) for k in range(8)]

    @pl.loop(0, NB // L)
    def _(i):
        s = pl.ds(i * L, L)
        z = z_v[s]
        cn = cn0_v[s] + cn1_v[s]
        zb = z * N_REF
        r = [plsc.load_gather(rcn_v, [zb + k]) for k in range(N_REF)]
        maxcn = r[0]
        for k in range(1, N_REF):
            maxcn = jnp.maximum(maxcn, r[k])
        w = []
        norm = None
        for k in range(N_REF):
            d = cn - r[k]
            wk = jnp.exp(D3_K3 * d * d)
            w.append(wk)
            norm = wk if norm is None else norm + wk
        exc = norm < 1e-30
        safe = jnp.where(exc, 1.0, norm)
        rows = i * L + iota
        for k in range(N_REF):
            gwk = jnp.where(exc, jnp.where(r[k] == maxcn, 1.0, 0.0),
                            w[k] / safe)
            plsc.store_scatter(feat_v, [rows, cols[k]], gwk)
        plsc.store_scatter(feat_v, [rows, cols[5]],
                           plsc.load_gather(q_v, [z]))
        plsc.store_scatter(feat_v, [rows, cols[6]],
                           plsc.load_gather(sq_v, [z]))
        plsc.store_scatter(feat_v, [rows, cols[7]], z.astype(jnp.float32))

    pltpu.sync_copy(feat_v, out_h.at[pl.ds(nb, NB), :])


@functools.partial(
    pl.kernel,
    out_type=jax.ShapeDtypeStruct((NC * NP,), jnp.float32),
    mesh=_MESH,
    compiler_params=_PARAMS,
    scratch_types=[
        [pltpu.VMEM((EC,), jnp.int32)] * 2,
        [pltpu.VMEM((EC,), jnp.int32)] * 2,
        [pltpu.VMEM((EC,), jnp.int32)] * 2,
        [pltpu.VMEM((EC,), jnp.float32)] * 2,
        [pltpu.VMEM((EC, 8), jnp.float32)] * 2,
        [pltpu.VMEM((EC, 8), jnp.float32)] * 2,
        [pltpu.VMEM((EC, 16), jnp.int32)] * 2,
        [pltpu.VMEM((EC,), jnp.float32)] * 2,
        [pltpu.VMEM((EC,), jnp.int32)] * 2,
        pltpu.VMEM((SL,), jnp.float32),
        pltpu.VMEM_SHARED((NP,), jnp.float32),
        [pltpu.SemaphoreType.DMA] * 2,
        [pltpu.SemaphoreType.DMA] * 2,
        [pltpu.SemaphoreType.DMA] * 2,
    ],
)
def _edisp_kernel(ii_h, jj_h, d_h, p_h, feat_h, rc6_h, out_h,
                  ii_v, jj_v, p_v, d_v, wi_v, wj_v, rows_v, val_v, iis_v,
                  zero_v, acc, seml, semg, sems):
    _zero_acc(zero_v, acc)

    ebase, half = _edge_split(NCHUNK_C, EC)
    iota = lax.iota(jnp.int32, L)
    cols = [jnp.full((L,), k, jnp.int32) for k in range(16)]

    def base(c):
        return ebase + c * EC

    def issue_lin(c, b):
        pltpu.async_copy(ii_h.at[pl.ds(base(c), EC)], ii_v[b], seml[b])
        pltpu.async_copy(jj_h.at[pl.ds(base(c), EC)], jj_v[b], seml[b])
        pltpu.async_copy(p_h.at[pl.ds(base(c), EC)], p_v[b], seml[b])
        pltpu.async_copy(d_h.at[pl.ds(base(c), EC)], d_v[b], seml[b])

    def wait_lin(b):
        pltpu.make_async_copy(ii_h.at[pl.ds(0, EC)], ii_v[b], seml[b]).wait()
        pltpu.make_async_copy(jj_h.at[pl.ds(0, EC)], jj_v[b], seml[b]).wait()
        pltpu.make_async_copy(p_h.at[pl.ds(0, EC)], p_v[b], seml[b]).wait()
        pltpu.make_async_copy(d_h.at[pl.ds(0, EC)], d_v[b], seml[b]).wait()

    def issue_gat(b):
        pltpu.async_copy(feat_h.at[ii_v[b]], wi_v[b], semg[b])
        pltpu.async_copy(feat_h.at[jj_v[b]], wj_v[b], semg[b])
        pltpu.async_copy(rc6_h.at[p_v[b]], rows_v[b], semg[b])

    def wait_gat(b):
        pltpu.make_async_copy(feat_h.at[pl.ds(0, EC), :], wi_v[b],
                              semg[b]).wait()
        pltpu.make_async_copy(feat_h.at[pl.ds(0, EC), :], wj_v[b],
                              semg[b]).wait()
        pltpu.make_async_copy(rc6_h.at[pl.ds(0, EC), :], rows_v[b],
                              semg[b]).wait()

    def wait_scat(b):
        pltpu.make_async_copy(val_v[b], acc.at[iis_v[b]], sems[b]).wait()

    issue_lin(0, 0)
    wait_lin(0)
    issue_gat(0)
    issue_lin(1, 1)

    @pl.loop(0, half)
    def _pair(m):
      for b in (0, 1):
        c = 2 * m + b
        o = 1 - b
        if b == 0:
            wait_lin(o)
            issue_gat(o)
        else:
            @pl.when(m < half - 1)
            def _():
                wait_lin(o)
                issue_gat(o)
        wait_gat(b)

        @pl.when(m >= 1)
        def _():
            wait_scat(b)

        @pl.loop(0, EC // L)
        def _(i):
            s = pl.ds(i * L, L)
            rows = i * L + iota
            wi = [plsc.load_gather(wi_v[b], [rows, cols[a]])
                  for a in range(N_REF)]
            wj = [plsc.load_gather(wj_v[b], [rows, cols[k]])
                  for k in range(N_REF)]
            c6 = None
            for w in range(13):
                word = plsc.load_gather(rows_v[b], [rows, cols[w]])
                bfp = plsc.bitcast(word, jnp.bfloat16)
                ev, od = plsc.unpack(bfp, format=plsc.PackFormat.INTERLEAVED)
                a0, b0 = divmod(2 * w, 5)
                t = (wi[a0] * wj[b0]) * ev
                c6 = t if c6 is None else c6 + t
                if 2 * w + 1 < N_REF * N_REF:
                    a1, b1 = divmod(2 * w + 1, 5)
                    c6 = c6 + (wi[a1] * wj[b1]) * od
            qi = plsc.load_gather(wi_v[b], [rows, cols[5]])
            qj = plsc.load_gather(wj_v[b], [rows, cols[5]])
            sqi = plsc.load_gather(wi_v[b], [rows, cols[6]])
            sqj = plsc.load_gather(wj_v[b], [rows, cols[6]])
            qq = 3.0 * qi * qj
            c8 = c6 * qq
            rr = D3_A1 * SQRT3 * sqi * sqj + D3_A2
            r = d_v[b][s]
            r2 = r * r
            r6 = r2 * r2 * r2
            r8 = r6 * r2
            rr2 = rr * rr
            rr6 = rr2 * rr2 * rr2
            rr8 = rr6 * rr2
            val_v[b][s] = -0.5 * (D3_S6 * c6 / (r6 + rr6)
                                  + D3_S8 * c8 / (r8 + rr8))
            iis_v[b][s] = ii_v[b][s]

        pltpu.async_copy(val_v[b], acc.at[iis_v[b]], sems[b], add=True)

        @pl.when(m < half - 1)
        def _():
            issue_lin(c + 2, b)

    wait_scat(0)
    wait_scat(1)
    _acc_to_out(acc, out_h)


def _add_body(x_ref, o_ref):
    o_ref[...] = x_ref[0] + x_ref[1]


_add_call = pl.pallas_call(
    _add_body,
    out_shape=jax.ShapeDtypeStruct((NP // 128, 128), jnp.float32),
)


def kernel(atomic_numbers, distances, idx_i, idx_j,
           d3_rcov, d3_rcn, d3_rc6, d3_r2r4):
    z = atomic_numbers.astype(jnp.int32)
    ii = idx_i.astype(jnp.int32)
    jj = idx_j.astype(jnp.int32)
    dist = distances.astype(jnp.float32)

    zp = jnp.pad(z, (0, NP - N_NODES))
    pad_e = EP - N_EDGES
    iip = jnp.pad(ii, (0, pad_e), constant_values=N_NODES)
    jjp = jnp.pad(jj, (0, pad_e))
    dp = jnp.pad(dist, (0, pad_e), constant_values=1.0)

    rcov96 = jnp.pad(d3_rcov.astype(jnp.float32), (0, 96 - N_ELEM))
    rcn480 = jnp.pad(d3_rcn.astype(jnp.float32).reshape(-1),
                     (0, 480 - N_ELEM * N_REF))
    q96 = jnp.pad(d3_r2r4.astype(jnp.float32), (0, 96 - N_ELEM))
    sq96 = jnp.sqrt(q96)
    rc6b = jnp.pad(
        d3_rc6.astype(jnp.bfloat16).reshape(N_ELEM * N_ELEM, N_REF * N_REF),
        ((0, 0), (0, 32 - N_REF * N_REF)))
    rc6p = lax.bitcast_convert_type(
        rc6b.reshape(N_ELEM * N_ELEM, 16, 2), jnp.int32)

    cn_parts, pidx = _cn_kernel(zp, iip, jjp, dp, rcov96)
    feat = _gw_kernel(cn_parts, zp, rcn480, q96, sq96)
    e_parts = _edisp_kernel(iip, jjp, dp, pidx, feat, rc6p)
    edisp = _add_call(e_parts.reshape(NC, NP // 128, 128))
    return edisp.reshape(NP)[:N_NODES]

# --- scband reference (transcript-rebuilt; emitter-appended) ---
"""Pipeline reference for scband-d3-dispersion-71098888618606 (READ-ONLY COPY).

The authoritative reference and input builder live on the scoring server;
editing this copy changes nothing except your own understanding.
"""

import jax, jax.numpy as jnp
import numpy as np

N_NODES = 100000
N_EDGES = 1600000
N_ELEM = 95
N_REF = 5


def setup_inputs(seed: int = 0) -> dict:
    key = jax.random.key(seed)
    k1, k2, k3, k4, k5, k6, k7, k8 = jax.random.split(key, 8)
    atomic_numbers = jax.random.randint(k1, (N_NODES,), 0, 94, dtype=jnp.int64)
    distances = jax.random.uniform(k2, (N_EDGES,), dtype=jnp.float32)
    idx_i = jax.random.randint(k3, (N_EDGES,), 0, N_NODES, dtype=jnp.int64)
    idx_j = jax.random.randint(k4, (N_EDGES,), 0, N_NODES, dtype=jnp.int64)
    # D3 reference data tables (normally loaded from rcov.npy / refcn.csv / rc6.npy / r2r4.npy)
    d3_rcov = jax.random.uniform(k5, (N_ELEM,), dtype=jnp.float32) * 1.5 + 0.5
    d3_rcn = jax.random.uniform(k6, (N_ELEM, N_REF), dtype=jnp.float32) * 8.0
    d3_rc6 = jax.random.uniform(k7, (N_ELEM, N_ELEM, N_REF, N_REF), dtype=jnp.float32) * 40.0 + 1.0
    d3_r2r4 = jax.random.uniform(k8, (N_ELEM,), dtype=jnp.float32) * 2.0 + 1.0
    return {
        'atomic_numbers': atomic_numbers,
        'distances': distances,
        'idx_i': idx_i,
        'idx_j': idx_j,
        'd3_rcov': d3_rcov,
        'd3_rcn': d3_rcn,
        'd3_rc6': d3_rc6,
        'd3_r2r4': d3_r2r4,
    }


def reference(atomic_numbers, distances, idx_i, idx_j, d3_rcov, d3_rcn, d3_rc6, d3_r2r4):
    # D3(BJ) dispersion, truncation='none' (plain dispersion_fn), trainable=False
    D3_K1 = 16.0
    D3_K2 = 4.0 / 3.0
    D3_K3 = -4.0
    D3_S6 = 1.0
    D3_S8 = 0.9171
    D3_A1 = 0.3385
    D3_A2 = 2.883
    distances_model2Bohr = 1.0
    energies_Hartree2model = 1.0

    r = distances * distances_model2Bohr
    Zi = atomic_numbers[idx_i]
    Zj = atomic_numbers[idx_j]

    # Coordination numbers (counting function, scatter-add over edges)
    rco = D3_K2 * (d3_rcov[Zi] + d3_rcov[Zj])
    cn_pair = 1.0 / (1.0 + jnp.exp(-D3_K1 * (rco / r - 1.0)))
    cn = jax.ops.segment_sum(cn_pair, idx_i, num_segments=N_NODES)

    # Gaussian weighting of reference systems (tad-dftd3 style, with
    # exceptional handling when all weights underflow)
    ref_cn = d3_rcn[atomic_numbers]                      # [N, n_ref]
    dcn = cn[:, None] - ref_cn
    w = jnp.exp(D3_K3 * dcn * dcn)
    norm = jnp.sum(w, axis=-1, keepdims=True)
    exceptional = norm < 1e-30
    max_cn = jnp.max(ref_cn, axis=-1, keepdims=True)
    w_exc = jnp.where(ref_cn == max_cn, 1.0, 0.0)
    safe_norm = jnp.where(exceptional, 1.0, norm)
    gw = jnp.where(exceptional, w_exc, w / safe_norm)    # [N, n_ref]

    # Pairwise C6 via reference C6 table gathered per edge
    wi = gw[idx_i]                                       # [E, n_ref]
    wj = gw[idx_j]                                       # [E, n_ref]
    refc6 = d3_rc6[Zi, Zj]                               # [E, n_ref, n_ref]
    c6 = jnp.einsum('ea,eb,eab->e', wi, wj, refc6)

    # C8 and Becke-Johnson damping
    qq = 3.0 * d3_r2r4[Zi] * d3_r2r4[Zj]
    c8 = c6 * qq
    rr = D3_A1 * jnp.sqrt(qq) + D3_A2
    r2 = r * r
    r6 = r2 * r2 * r2
    r8 = r6 * r2
    rr2 = rr * rr
    rr6 = rr2 * rr2 * rr2
    rr8 = rr6 * rr2
    e6 = c6 / (r6 + rr6)
    e8 = c8 / (r8 + rr8)
    e_pair = -0.5 * (D3_S6 * e6 + D3_S8 * e8)

    # Scatter-add pair energies to atoms
    edisp = jax.ops.segment_sum(e_pair, idx_i, num_segments=N_NODES)
    return edisp * energies_Hartree2model

if __name__ == "__main__":
    import jax
    _d = setup_inputs()
    print(jax.jit(kernel)(*tuple(_d.values())))

</pallas_src>

<mosaic_0001>
#map = affine_map<(d0, d1) -> (0)>
module attributes {stable_mosaic.version = 14 : i64} {
  func.func @_cn_kernel(%arg0: i32, %arg1: i32, %arg2: memref<100352xi32, #tpu.memory_space<hbm>>, %arg3: memref<1638400xi32, #tpu.memory_space<hbm>>, %arg4: memref<1638400xi32, #tpu.memory_space<hbm>>, %arg5: memref<1638400xf32, #tpu.memory_space<hbm>>, %arg6: memref<96xf32, #tpu.memory_space<hbm>>, %arg7: memref<200704xf32, #tpu.memory_space<hbm>>, %arg8: memref<1638400xi32, #tpu.memory_space<hbm>>, %arg9: memref<1024xi32, #tpu.memory_space<vmem>>, %arg10: memref<1024xi32, #tpu.memory_space<vmem>>, %arg11: memref<1024xi32, #tpu.memory_space<vmem>>, %arg12: memref<1024xi32, #tpu.memory_space<vmem>>, %arg13: memref<1024xf32, #tpu.memory_space<vmem>>, %arg14: memref<1024xf32, #tpu.memory_space<vmem>>, %arg15: memref<1024xi32, #tpu.memory_space<vmem>>, %arg16: memref<1024xi32, #tpu.memory_space<vmem>>, %arg17: memref<1024xi32, #tpu.memory_space<vmem>>, %arg18: memref<1024xi32, #tpu.memory_space<vmem>>, %arg19: memref<1024xi32, #tpu.memory_space<vmem>>, %arg20: memref<1024xi32, #tpu.memory_space<vmem>>, %arg21: memref<1024xf32, #tpu.memory_space<vmem>>, %arg22: memref<1024xf32, #tpu.memory_space<vmem>>, %arg23: memref<1024xi32, #tpu.memory_space<vmem>>, %arg24: memref<1024xi32, #tpu.memory_space<vmem>>, %arg25: memref<96xf32, #tpu.memory_space<vmem>>, %arg26: memref<6272xf32, #tpu.memory_space<vmem>>, %arg27: memref<100352xf32, #tpu.memory_space<vmem_shared>>, %arg28: memref<!tpu.dma_semaphore, #tpu.memory_space<semaphore_mem>>, %arg29: memref<!tpu.dma_semaphore, #tpu.memory_space<semaphore_mem>>, %arg30: memref<!tpu.dma_semaphore, #tpu.memory_space<semaphore_mem>>, %arg31: memref<!tpu.dma_semaphore, #tpu.memory_space<semaphore_mem>>, %arg32: memref<!tpu.dma_semaphore, #tpu.memory_space<semaphore_mem>>, %arg33: memref<!tpu.dma_semaphore, #tpu.memory_space<semaphore_mem>>, %arg34: memref<!tpu.dma_semaphore, #tpu.memory_space<semaphore_mem>>, %arg35: memref<!tpu.dma_semaphore, #tpu.memory_space<semaphore_mem>>) attributes {dimension_semantics = [#tpu.dimension_semantics<core_parallel>, #tpu.dimension_semantics<subcore_parallel>], iteration_bounds = array<i64: 2, 16>, scalar_prefetch = 0 : i64, scratch_operands = 27 : i64, tpu.core_type = #tpu.core_type<sc_vector_subcore>, window_params = [{transform_indices = #map}, {transform_indices = #map}, {transform_indices = #map}, {transform_indices = #map}, {transform_indices = #map}, {transform_indices = #map}, {transform_indices = #map}]} {
    "tpu.region"() ({
      %run_scoped3A = tpu.sem_alloc : memref<!tpu.dma_semaphore, #tpu.memory_space<semaphore_mem>>
      tpu.enqueue_dma source(%arg6 : memref<96xf32, #tpu.memory_space<hbm>>) target(%arg25 : memref<96xf32, #tpu.memory_space<vmem>>) target_semaphore(%run_scoped3A : memref<!tpu.dma_semaphore, #tpu.memory_space<semaphore_mem>>)
      tpu.wait_dma2 semaphore(%run_scoped3A : memref<!tpu.dma_semaphore, #tpu.memory_space<semaphore_mem>>) src(%arg6 : memref<96xf32, #tpu.memory_space<hbm>>) dst(%arg25 : memref<96xf32, #tpu.memory_space<vmem>>)
      tpu.yield
    }) : () -> ()
    %scan3A = arith.constant 0 : i32
    %scan3A_0 = arith.constant 392 : i32
    %scan3A_1 = arith.addi %scan3A, %scan3A_0 : i32
    %scan3A_2 = arith.constant 1 : i32
    scf.for %scan3A_89 = %scan3A to %scan3A_1 step %scan3A_2  : i32 {
      %mul3A_90 = arith.constant 1 : i32
      %mul3A_91 = arith.muli %scan3A_89, %mul3A_90 : i32
      %add3A_92 = arith.constant 0 : i32
      %add3A_93 = arith.addi %add3A_92, %mul3A_91 : i32
      %broadcast_in_dim3A = arith.constant 0.000000e+00 : f32
      %broadcast_in_dim3A_94 = vector.broadcast %broadcast_in_dim3A : f32 to vector<16xf32>
      %mul3A_95 = arith.constant 16 : i32
      %mul3A_96 = arith.muli %add3A_93, %mul3A_95 : i32
      %swap3A = arith.index_cast %mul3A_96 : i32 to index
      %swap3A_97 = tpu.vector_load %arg26[%swap3A] {strides = array<i32>} : memref<6272xf32, #tpu.memory_space<vmem>>, vector<16xf32>,
      tpu.vector_store %arg26[%swap3A], %broadcast_in_dim3A_94 {strides = array<i32>} : memref<6272xf32, #tpu.memory_space<vmem>>, vector<16xf32>,
    }
    %scan3A_3 = arith.constant 392 : i32
    %mul3A = arith.constant 6272 : i32
    %mul3A_4 = arith.muli %arg1, %mul3A : i32
    "tpu.region"() ({
      %run_scoped3A = tpu.sem_alloc : memref<!tpu.dma_semaphore, #tpu.memory_space<semaphore_mem>>
      %dma_start3A_89 = tpu.memref_slice %arg27[%mul3A_4] : memref<100352xf32, #tpu.memory_space<vmem_shared>> -> memref<6272xf32, #tpu.memory_space<vmem_shared>>
      %dma_start3A_90 = tpu.memref_slice %arg27[%mul3A_4] : memref<100352xf32, #tpu.memory_space<vmem_shared>> -> memref<6272xf32, #tpu.memory_space<vmem_shared>>
      tpu.enqueue_dma source(%arg26 : memref<6272xf32, #tpu.memory_space<vmem>>) target(%dma_start3A_90 : memref<6272xf32, #tpu.memory_space<vmem_shared>>) target_semaphore(%run_scoped3A : memref<!tpu.dma_semaphore, #tpu.memory_space<semaphore_mem>>)
      %dma_wait3A_91 = tpu.memref_slice %arg27[%mul3A_4] : memref<100352xf32, #tpu.memory_space<vmem_shared>> -> memref<6272xf32, #tpu.memory_space<vmem_shared>>
      %dma_wait3A_92 = tpu.memref_slice %arg27[%mul3A_4] : memref<100352xf32, #tpu.memory_space<vmem_shared>> -> memref<6272xf32, #tpu.memory_space<vmem_shared>>
      tpu.wait_dma2 semaphore(%run_scoped3A : memref<!tpu.dma_semaphore, #tpu.memory_space<semaphore_mem>>) src(%arg26 : memref<6272xf32, #tpu.memory_space<vmem>>) dst(%dma_wait3A_92 : memref<6272xf32, #tpu.memory_space<vmem_shared>>)
      tpu.yield
    }) : () -> ()
    %barrier3A = arith.constant 0 : index
    tpu.barrier barrier_id(%barrier3A)
    %eq3A = arith.constant 0 : i32
    %eq3A_5 = arith.cmpi eq, %arg0, %eq3A : i32
    %mul3A_6 = arith.constant 59392 : i32
    %mul3A_7 = arith.muli %arg1, %mul3A_6 : i32
    %mul3A_8 = arith.constant 43008 : i32
    %mul3A_9 = arith.muli %arg1, %mul3A_8 : i32
    %add3A = arith.constant 950272 : i32
    %add3A_10 = arith.addi %add3A, %mul3A_9 : i32
    %select_n3A = arith.select %eq3A_5, %mul3A_7, %add3A_10 : i32
    %eq3A_11 = arith.constant 0 : i32
    %eq3A_12 = arith.cmpi eq, %arg0, %eq3A_11 : i32
    %jit3A = arith.constant 29 : i32
    %jit3A_13 = arith.constant 21 : i32
    %select_n3A_14 = arith.select %eq3A_12, %jit3A, %jit3A_13 : i32
    %add3A_15 = arith.constant 0 : i32
    %add3A_16 = arith.addi %select_n3A, %add3A_15 : i32
    %dma_start3A = tpu.memref_slice %arg3[%add3A_16] : memref<1638400xi32, #tpu.memory_space<hbm>> -> memref<1024xi32, #tpu.memory_space<hbm>>
    %dma_start3A_17 = tpu.memref_slice %arg3[%add3A_16] : memref<1638400xi32, #tpu.memory_space<hbm>> -> memref<1024xi32, #tpu.memory_space<hbm>>
    tpu.enqueue_dma source(%dma_start3A_17 : memref<1024xi32, #tpu.memory_space<hbm>>) target(%arg9 : memref<1024xi32, #tpu.memory_space<vmem>>) target_semaphore(%arg28 : memref<!tpu.dma_semaphore, #tpu.memory_space<semaphore_mem>>)
    %add3A_18 = arith.constant 0 : i32
    %add3A_19 = arith.addi %select_n3A, %add3A_18 : i32
    %dma_start3A_20 = tpu.memref_slice %arg4[%add3A_19] : memref<1638400xi32, #tpu.memory_space<hbm>> -> memref<1024xi32, #tpu.memory_space<hbm>>
    %dma_start3A_21 = tpu.memref_slice %arg4[%add3A_19] : memref<1638400xi32, #tpu.memory_space<hbm>> -> memref<1024xi32, #tpu.memory_space<hbm>>
    tpu.enqueue_dma source(%dma_start3A_21 : memref<1024xi32, #tpu.memory_space<hbm>>) target(%arg11 : memref<1024xi32, #tpu.memory_space<vmem>>) target_semaphore(%arg28 : memref<!tpu.dma_semaphore, #tpu.memory_space<semaphore_mem>>)
    %add3A_22 = arith.constant 0 : i32
    %add3A_23 = arith.addi %select_n3A, %add3A_22 : i32
    %dma_start3A_24 = tpu.memref_slice %arg5[%add3A_23] : memref<1638400xf32, #tpu.memory_space<hbm>> -> memref<1024xf32, #tpu.memory_space<hbm>>
    %dma_start3A_25 = tpu.memref_slice %arg5[%add3A_23] : memref<1638400xf32, #tpu.memory_space<hbm>> -> memref<1024xf32, #tpu.memory_space<hbm>>
    tpu.enqueue_dma source(%dma_start3A_25 : memref<1024xf32, #tpu.memory_space<hbm>>) target(%arg13 : memref<1024xf32, #tpu.memory_space<vmem>>) target_semaphore(%arg28 : memref<!tpu.dma_semaphore, #tpu.memory_space<semaphore_mem>>)
    %dma_wait3A = arith.constant 0 : i32
    %dma_wait3A_26 = tpu.memref_slice %arg3[%dma_wait3A] : memref<1638400xi32, #tpu.memory_space<hbm>> -> memref<1024xi32, #tpu.memory_space<hbm>>
    %dma_wait3A_27 = arith.constant 0 : i32
    %dma_wait3A_28 = tpu.memref_slice %arg3[%dma_wait3A_27] : memref<1638400xi32, #tpu.memory_space<hbm>> -> memref<1024xi32, #tpu.memory_space<hbm>>
    tpu.wait_dma2 semaphore(%arg28 : memref<!tpu.dma_semaphore, #tpu.memory_space<semaphore_mem>>) src(%dma_wait3A_28 : memref<1024xi32, #tpu.memory_space<hbm>>) dst(%arg9 : memref<1024xi32, #tpu.memory_space<vmem>>)
    %dma_wait3A_29 = arith.constant 0 : i32
    %dma_wait3A_30 = tpu.memref_slice %arg4[%dma_wait3A_29] : memref<1638400xi32, #tpu.memory_space<hbm>> -> memref<1024xi32, #tpu.memory_space<hbm>>
    %dma_wait3A_31 = arith.constant 0 : i32
    %dma_wait3A_32 = tpu.memref_slice %arg4[%dma_wait3A_31] : memref<1638400xi32, #tpu.memory_space<hbm>> -> memref<1024xi32, #tpu.memory_space<hbm>>
    tpu.wait_dma2 semaphore(%arg28 : memref<!tpu.dma_semaphore, #tpu.memory_space<semaphore_mem>>) src(%dma_wait3A_32 : memref<1024xi32, #tpu.memory_space<hbm>>) dst(%arg11 : memref<1024xi32, #tpu.memory_space<vmem>>)
    %dma_wait3A_33 = arith.constant 0 : i32
    %dma_wait3A_34 = tpu.memref_slice %arg5[%dma_wait3A_33] : memref<1638400xf32, #tpu.memory_space<hbm>> -> memref<1024xf32, #tpu.memory_space<hbm>>
    %dma_wait3A_35 = arith.constant 0 : i32
    %dma_wait3A_36 = tpu.memref_slice %arg5[%dma_wait3A_35] : memref<1638400xf32, #tpu.memory_space<hbm>> -> memref<1024xf32, #tpu.memory_space<hbm>>
    tpu.wait_dma2 semaphore(%arg28 : memref<!tpu.dma_semaphore, #tpu.memory_space<semaphore_mem>>) src(%dma_wait3A_36 : memref<1024xf32, #tpu.memory_space<hbm>>) dst(%arg13 : memref<1024xf32, #tpu.memory_space<vmem>>)
    %dma_start3A_37 = arith.constant 0 : i32
    %dma_start3A_38 = tpu.memref_slice %arg2[%dma_start3A_37] : memref<100352xi32, #tpu.memory_space<hbm>> -> memref<100352xi32, #tpu.memory_space<hbm>>
    tpu.enqueue_indirect_dma source(%dma_start3A_38 : memref<100352xi32, #tpu.memory_space<hbm>>) target(%arg15 : memref<1024xi32, #tpu.memory_space<vmem>>) offsets(%arg9 : memref<1024xi32, #tpu.memory_space<vmem>>) semaphore(%arg30 : memref<!tpu.dma_semaphore, #tpu.memory_space<semaphore_mem>>)
    %dma_start3A_39 = arith.constant 0 : i32
    %dma_start3A_40 = tpu.memref_slice %arg2[%dma_start3A_39] : memref<100352xi32, #tpu.memory_space<hbm>> -> memref<100352xi32, #tpu.memory_space<hbm>>
    tpu.enqueue_indirect_dma source(%dma_start3A_40 : memref<100352xi32, #tpu.memory_space<hbm>>) target(%arg17 : memref<1024xi32, #tpu.memory_space<vmem>>) offsets(%arg11 : memref<1024xi32, #tpu.memory_space<vmem>>) semaphore(%arg30 : memref<!tpu.dma_semaphore, #tpu.memory_space<semaphore_mem>>)
    %add3A_41 = arith.constant 1024 : i32
    %add3A_42 = arith.addi %select_n3A, %add3A_41 : i32
    %dma_start3A_43 = tpu.memref_slice %arg3[%add3A_42] : memref<1638400xi32, #tpu.memory_space<hbm>> -> memref<1024xi32, #tpu.memory_space<hbm>>
    %dma_start3A_44 = tpu.memref_slice %arg3[%add3A_42] : memref<1638400xi32, #tpu.memory_space<hbm>> -> memref<1024xi32, #tpu.memory_space<hbm>>
    tpu.enqueue_dma source(%dma_start3A_44 : memref<1024xi32, #tpu.memory_space<hbm>>) target(%arg10 : memref<1024xi32, #tpu.memory_space<vmem>>) target_semaphore(%arg29 : memref<!tpu.dma_semaphore, #tpu.memory_space<semaphore_mem>>)
    %add3A_45 = arith.constant 1024 : i32
    %add3A_46 = arith.addi %select_n3A, %add3A_45 : i32
    %dma_start3A_47 = tpu.memref_slice %arg4[%add3A_46] : memref<1638400xi32, #tpu.memory_space<hbm>> -> memref<1024xi32, #tpu.memory_space<hbm>>
    %dma_start3A_48 = tpu.memref_slice %arg4[%add3A_46] : memref<1638400xi32, #tpu.memory_space<hbm>> -> memref<1024xi32, #tpu.memory_space<hbm>>
    tpu.enqueue_dma source(%dma_start3A_48 : memref<1024xi32, #tpu.memory_space<hbm>>) target(%arg12 : memref<1024xi32, #tpu.memory_space<vmem>>) target_semaphore(%arg29 : memref<!tpu.dma_semaphore, #tpu.memory_space<semaphore_mem>>)
    %add3A_49 = arith.constant 1024 : i32
    %add3A_50 = arith.addi %select_n3A, %add3A_49 : i32
    %dma_start3A_51 = tpu.memref_slice %arg5[%add3A_50] : memref<1638400xf32, #tpu.memory_space<hbm>> -> memref<1024xf32, #tpu.memory_space<hbm>>
    %dma_start3A_52 = tpu.memref_slice %arg5[%add3A_50] : memref<1638400xf32, #tpu.memory_space<hbm>> -> memref<1024xf32, #tpu.memory_space<hbm>>
    tpu.enqueue_dma source(%dma_start3A_52 : memref<1024xf32, #tpu.memory_space<hbm>>) target(%arg14 : memref<1024xf32, #tpu.memory_space<vmem>>) target_semaphore(%arg29 : memref<!tpu.dma_semaphore, #tpu.memory_space<semaphore_mem>>)
    %sub3A = arith.constant 0 : i32
    %sub3A_53 = arith.subi %select_n3A_14, %sub3A : i32
    %sub3A_54 = arith.constant 1 : i32
    %sub3A_55 = arith.constant 1 : i32
    %sub3A_56 = arith.subi %sub3A_54, %sub3A_55 : i32
    %add3A_57 = arith.addi %sub3A_53, %sub3A_56 : i32
    %div3A = arith.constant 1 : i32
    %div3A_58 = arith.divsi %add3A_57, %div3A : i32
    %while3A = arith.constant 1 : i32
    %while3A_59 = arith.constant 0 : i32
    %while3A_60 = arith.constant 0 : i32
    %while3A_61 = arith.subi %div3A_58, %while3A_60 : i32
    %while3A_62 = arith.addi %while3A_60, %while3A_61 : i32
    %while3A_63 = arith.constant 1 : i32
    %while3A_64 = arith.divsi %while3A_61, %while3A_63 : i32
    %while3A_65 = arith.muli %while3A_64, %while3A_63 : i32
    %while3A_66 = arith.addi %while3A_60, %while3A_65 : i32
    %while3A_67 = arith.constant 1 : i32
    scf.for %while3A_89 = %while3A_60 to %while3A_66 step %while3A_67  : i32 {
      %mul3A_90 = arith.muli %while3A_89, %while3A : i32
      %add3A_91 = arith.addi %while3A_59, %mul3A_90 : i32
      %mul3A_92 = arith.constant 2 : i32
      %mul3A_93 = arith.muli %mul3A_92, %add3A_91 : i32
      %add3A_94 = arith.constant 0 : i32
      %add3A_95 = arith.addi %mul3A_93, %add3A_94 : i32
      %dma_wait3A_96 = arith.constant 0 : i32
      %dma_wait3A_97 = tpu.memref_slice %arg3[%dma_wait3A_96] : memref<1638400xi32, #tpu.memory_space<hbm>> -> memref<1024xi32, #tpu.memory_space<hbm>>
      %dma_wait3A_98 = arith.constant 0 : i32
      %dma_wait3A_99 = tpu.memref_slice %arg3[%dma_wait3A_98] : memref<1638400xi32, #tpu.memory_space<hbm>> -> memref<1024xi32, #tpu.memory_space<hbm>>
      tpu.wait_dma2 semaphore(%arg29 : memref<!tpu.dma_semaphore, #tpu.memory_space<semaphore_mem>>) src(%dma_wait3A_99 : memref<1024xi32, #tpu.memory_space<hbm>>) dst(%arg10 : memref<1024xi32, #tpu.memory_space<vmem>>)
      %dma_wait3A_100 = arith.constant 0 : i32
      %dma_wait3A_101 = tpu.memref_slice %arg4[%dma_wait3A_100] : memref<1638400xi32, #tpu.memory_space<hbm>> -> memref<1024xi32, #tpu.memory_space<hbm>>
      %dma_wait3A_102 = arith.constant 0 : i32
      %dma_wait3A_103 = tpu.memref_slice %arg4[%dma_wait3A_102] : memref<1638400xi32, #tpu.memory_space<hbm>> -> memref<1024xi32, #tpu.memory_space<hbm>>
      tpu.wait_dma2 semaphore(%arg29 : memref<!tpu.dma_semaphore, #tpu.memory_space<semaphore_mem>>) src(%dma_wait3A_103 : memref<1024xi32, #tpu.memory_space<hbm>>) dst(%arg12 : memref<1024xi32, #tpu.memory_space<vmem>>)
      %dma_wait3A_104 = arith.constant 0 : i32
      %dma_wait3A_105 = tpu.memref_slice %arg5[%dma_wait3A_104] : memref<1638400xf32, #tpu.memory_space<hbm>> -> memref<1024xf32, #tpu.memory_space<hbm>>
      %dma_wait3A_106 = arith.constant 0 : i32
      %dma_wait3A_107 = tpu.memref_slice %arg5[%dma_wait3A_106] : memref<1638400xf32, #tpu.memory_space<hbm>> -> memref<1024xf32, #tpu.memory_space<hbm>>
      tpu.wait_dma2 semaphore(%arg29 : memref<!tpu.dma_semaphore, #tpu.memory_space<semaphore_mem>>) src(%dma_wait3A_107 : memref<1024xf32, #tpu.memory_space<hbm>>) dst(%arg14 : memref<1024xf32, #tpu.memory_space<vmem>>)
      %dma_start3A_108 = arith.constant 0 : i32
      %dma_start3A_109 = tpu.memref_slice %arg2[%dma_start3A_108] : memref<100352xi32, #tpu.memory_space<hbm>> -> memref<100352xi32, #tpu.memory_space<hbm>>
      tpu.enqueue_indirect_dma source(%dma_start3A_109 : memref<100352xi32, #tpu.memory_space<hbm>>) target(%arg16 : memref<1024xi32, #tpu.memory_space<vmem>>) offsets(%arg10 : memref<1024xi32, #tpu.memory_space<vmem>>) semaphore(%arg31 : memref<!tpu.dma_semaphore, #tpu.memory_space<semaphore_mem>>)
      %dma_start3A_110 = arith.constant 0 : i32
      %dma_start3A_111 = tpu.memref_slice %arg2[%dma_start3A_110] : memref<100352xi32, #tpu.memory_space<hbm>> -> memref<100352xi32, #tpu.memory_space<hbm>>
      tpu.enqueue_indirect_dma source(%dma_start3A_111 : memref<100352xi32, #tpu.memory_space<hbm>>) target(%arg18 : memref<1024xi32, #tpu.memory_space<vmem>>) offsets(%arg12 : memref<1024xi32, #tpu.memory_space<vmem>>) semaphore(%arg31 : memref<!tpu.dma_semaphore, #tpu.memory_space<semaphore_mem>>)
      %dma_wait3A_112 = arith.constant 0 : i32
      %dma_wait3A_113 = tpu.memref_slice %arg2[%dma_wait3A_112] : memref<100352xi32, #tpu.memory_space<hbm>> -> memref<1024xi32, #tpu.memory_space<hbm>>
      %dma_wait3A_114 = arith.constant 0 : i32
      %dma_wait3A_115 = tpu.memref_slice %arg2[%dma_wait3A_114] : memref<100352xi32, #tpu.memory_space<hbm>> -> memref<1024xi32, #tpu.memory_space<hbm>>
      tpu.wait_dma2 semaphore(%arg30 : memref<!tpu.dma_semaphore, #tpu.memory_space<semaphore_mem>>) src(%dma_wait3A_115 : memref<1024xi32, #tpu.memory_space<hbm>>) dst(%arg15 : memref<1024xi32, #tpu.memory_space<vmem>>)
      %dma_wait3A_116 = arith.constant 0 : i32
      %dma_wait3A_117 = tpu.memref_slice %arg2[%dma_wait3A_116] : memref<100352xi32, #tpu.memory_space<hbm>> -> memref<1024xi32, #tpu.memory_space<hbm>>
      %dma_wait3A_118 = arith.constant 0 : i32
      %dma_wait3A_119 = tpu.memref_slice %arg2[%dma_wait3A_118] : memref<100352xi32, #tpu.memory_space<hbm>> -> memref<1024xi32, #tpu.memory_space<hbm>>
      tpu.wait_dma2 semaphore(%arg30 : memref<!tpu.dma_semaphore, #tpu.memory_space<semaphore_mem>>) src(%dma_wait3A_119 : memref<1024xi32, #tpu.memory_space<hbm>>) dst(%arg17 : memref<1024xi32, #tpu.memory_space<vmem>>)
      %ge3A = arith.constant 1 : i32
      %ge3A_120 = arith.cmpi sge, %add3A_91, %ge3A : i32
      %convert_element_type3A = arith.extui %ge3A_120 : i1 to i32
      %cond3A = arith.constant 0 : i32
      %cond3A_121 = arith.cmpi ne, %convert_element_type3A, %cond3A : i32
      scf.if %cond3A_121 {
        %dma_wait3A_180 = arith.constant 0 : i32
        %dma_wait3A_181 = tpu.memref_slice %arg8[%dma_wait3A_180] : memref<1638400xi32, #tpu.memory_space<hbm>> -> memref<1024xi32, #tpu.memory_space<hbm>>
        %dma_wait3A_182 = arith.constant 0 : i32
        %dma_wait3A_183 = tpu.memref_slice %arg8[%dma_wait3A_182] : memref<1638400xi32, #tpu.memory_space<hbm>> -> memref<1024xi32, #tpu.memory_space<hbm>>
        tpu.wait_dma2 semaphore(%arg32 : memref<!tpu.dma_semaphore, #tpu.memory_space<semaphore_mem>>) src(%arg19 : memref<1024xi32, #tpu.memory_space<vmem>>) dst(%dma_wait3A_183 : memref<1024xi32, #tpu.memory_space<hbm>>)
        %dma_wait3A_184 = arith.constant 0 : i32
        %dma_wait3A_185 = tpu.memref_slice %arg27[%dma_wait3A_184] : memref<100352xf32, #tpu.memory_space<vmem_shared>> -> memref<100352xf32, #tpu.memory_space<vmem_shared>>
        tpu.wait_indirect_dma semaphore(%arg34 : memref<!tpu.dma_semaphore, #tpu.memory_space<semaphore_mem>>) src(%arg21 : memref<1024xf32, #tpu.memory_space<vmem>>) dst(%dma_wait3A_185 : memref<100352xf32, #tpu.memory_space<vmem_shared>>)
      } else {
      }
      %scan3A_122 = arith.constant 0 : i32
      %scan3A_123 = arith.constant 64 : i32
      %scan3A_124 = arith.addi %scan3A_122, %scan3A_123 : i32
      %scan3A_125 = arith.constant 1 : i32
      scf.for %scan3A_180 = %scan3A_122 to %scan3A_124 step %scan3A_125  : i32 {
        %mul3A_181 = arith.constant 1 : i32
        %mul3A_182 = arith.muli %scan3A_180, %mul3A_181 : i32
        %add3A_183 = arith.constant 0 : i32
        %add3A_184 = arith.addi %add3A_183, %mul3A_182 : i32
        %mul3A_185 = arith.constant 16 : i32
        %mul3A_186 = arith.muli %add3A_184, %mul3A_185 : i32
        %get3A = arith.index_cast %mul3A_186 : i32 to index
        %get3A_187 = tpu.vector_load %arg15[%get3A] {strides = array<i32>} : memref<1024xi32, #tpu.memory_space<vmem>>, vector<16xi32>,
        %get3A_188 = arith.index_cast %mul3A_186 : i32 to index
        %get3A_189 = tpu.vector_load %arg17[%get3A_188] {strides = array<i32>} : memref<1024xi32, #tpu.memory_space<vmem>>, vector<16xi32>,
        %gather3A = tpu.vector_load_idx %arg25[%get3A_187] : memref<96xf32, #tpu.memory_space<vmem>>[vector<16xi32>], vector<16xf32>,
        %gather3A_190 = tpu.vector_load_idx %arg25[%get3A_189] : memref<96xf32, #tpu.memory_space<vmem>>[vector<16xi32>], vector<16xf32>,
        %add3A_191 = arith.addf %gather3A, %gather3A_190 : vector<16xf32>
        %mul3A_192 = arith.constant 1.33333337 : f32
        %mul3A_193 = vector.broadcast %mul3A_192 : f32 to vector<16xf32>
        %mul3A_194 = arith.mulf %mul3A_193, %add3A_191 : vector<16xf32>
        %get3A_195 = arith.index_cast %mul3A_186 : i32 to index
        %get3A_196 = tpu.vector_load %arg13[%get3A_195] {strides = array<i32>} : memref<1024xf32, #tpu.memory_space<vmem>>, vector<16xf32>,
        %div3A_197 = arith.divf %mul3A_194, %get3A_196 : vector<16xf32>
        %sub3A_198 = arith.constant 1.000000e+00 : f32
        %sub3A_199 = vector.broadcast %sub3A_198 : f32 to vector<16xf32>
        %sub3A_200 = arith.subf %div3A_197, %sub3A_199 : vector<16xf32>
        %mul3A_201 = arith.constant -1.600000e+01 : f32
        %mul3A_202 = vector.broadcast %mul3A_201 : f32 to vector<16xf32>
        %mul3A_203 = arith.mulf %mul3A_202, %sub3A_200 : vector<16xf32>
        %exp3A = math.exp %mul3A_203 : vector<16xf32>
        %add3A_204 = arith.constant 1.000000e+00 : f32
        %add3A_205 = vector.broadcast %add3A_204 : f32 to vector<16xf32>
        %add3A_206 = arith.addf %add3A_205, %exp3A : vector<16xf32>
        %div3A_207 = arith.constant 1.000000e+00 : f32
        %div3A_208 = vector.broadcast %div3A_207 : f32 to vector<16xf32>
        %div3A_209 = arith.divf %div3A_208, %add3A_206 : vector<16xf32>
        %swap3A = arith.index_cast %mul3A_186 : i32 to index
        %swap3A_210 = tpu.vector_load %arg21[%swap3A] {strides = array<i32>} : memref<1024xf32, #tpu.memory_space<vmem>>, vector<16xf32>,
        tpu.vector_store %arg21[%swap3A], %div3A_209 {strides = array<i32>} : memref<1024xf32, #tpu.memory_space<vmem>>, vector<16xf32>,
        %mul3A_211 = arith.constant 95 : i32
        %mul3A_212 = vector.broadcast %mul3A_211 : i32 to vector<16xi32>
        %mul3A_213 = arith.muli %get3A_187, %mul3A_212 : vector<16xi32>
        %add3A_214 = arith.addi %mul3A_213, %get3A_189 : vector<16xi32>
        %swap3A_215 = arith.index_cast %mul3A_186 : i32 to index
        %swap3A_216 = tpu.vector_load %arg19[%swap3A_215] {strides = array<i32>} : memref<1024xi32, #tpu.memory_space<vmem>>, vector<16xi32>,
        tpu.vector_store %arg19[%swap3A_215], %add3A_214 {strides = array<i32>} : memref<1024xi32, #tpu.memory_space<vmem>>, vector<16xi32>,
        %get3A_217 = arith.index_cast %mul3A_186 : i32 to index
        %get3A_218 = tpu.vector_load %arg9[%get3A_217] {strides = array<i32>} : memref<1024xi32, #tpu.memory_space<vmem>>, vector<16xi32>,
        %swap3A_219 = arith.index_cast %mul3A_186 : i32 to index
        %swap3A_220 = tpu.vector_load %arg23[%swap3A_219] {strides = array<i32>} : memref<1024xi32, #tpu.memory_space<vmem>>, vector<16xi32>,
        tpu.vector_store %arg23[%swap3A_219], %get3A_218 {strides = array<i32>} : memref<1024xi32, #tpu.memory_space<vmem>>, vector<16xi32>,
      }
      %scan3A_126 = arith.constant 64 : i32
      %mul3A_127 = arith.constant 1024 : i32
      %mul3A_128 = arith.muli %add3A_95, %mul3A_127 : i32
      %add3A_129 = arith.addi %select_n3A, %mul3A_128 : i32
      %dma_start3A_130 = tpu.memref_slice %arg8[%add3A_129] : memref<1638400xi32, #tpu.memory_space<hbm>> -> memref<1024xi32, #tpu.memory_space<hbm>>
      %dma_start3A_131 = tpu.memref_slice %arg8[%add3A_129] : memref<1638400xi32, #tpu.memory_space<hbm>> -> memref<1024xi32, #tpu.memory_space<hbm>>
      tpu.enqueue_dma source(%arg19 : memref<1024xi32, #tpu.memory_space<vmem>>) target(%dma_start3A_131 : memref<1024xi32, #tpu.memory_space<hbm>>) target_semaphore(%arg32 : memref<!tpu.dma_semaphore, #tpu.memory_space<semaphore_mem>>)
      %dma_start3A_132 = arith.constant 0 : i32
      %dma_start3A_133 = tpu.memref_slice %arg27[%dma_start3A_132] : memref<100352xf32, #tpu.memory_space<vmem_shared>> -> memref<100352xf32, #tpu.memory_space<vmem_shared>>
      tpu.enqueue_indirect_dma source(%arg21 : memref<1024xf32, #tpu.memory_space<vmem>>) target(%dma_start3A_133 : memref<100352xf32, #tpu.memory_space<vmem_shared>>) offsets(%arg23 : memref<1024xi32, #tpu.memory_space<vmem>>) semaphore(%arg34 : memref<!tpu.dma_semaphore, #tpu.memory_space<semaphore_mem>>) {add = true}
      %sub3A_134 = arith.constant 1 : i32
      %sub3A_135 = arith.subi %select_n3A_14, %sub3A_134 : i32
      %lt3A = arith.cmpi slt, %add3A_91, %sub3A_135 : i32
      %convert_element_type3A_136 = arith.extui %lt3A : i1 to i32
      %cond3A_137 = arith.constant 0 : i32
      %cond3A_138 = arith.cmpi ne, %convert_element_type3A_136, %cond3A_137 : i32
      scf.if %cond3A_138 {
        %add3A_180 = arith.constant 2 : i32
        %add3A_181 = arith.addi %add3A_95, %add3A_180 : i32
        %mul3A_182 = arith.constant 1024 : i32
        %mul3A_183 = arith.muli %add3A_181, %mul3A_182 : i32
        %add3A_184 = arith.addi %select_n3A, %mul3A_183 : i32
        %dma_start3A_185 = tpu.memref_slice %arg3[%add3A_184] : memref<1638400xi32, #tpu.memory_space<hbm>> -> memref<1024xi32, #tpu.memory_space<hbm>>
        %dma_start3A_186 = tpu.memref_slice %arg3[%add3A_184] : memref<1638400xi32, #tpu.memory_space<hbm>> -> memref<1024xi32, #tpu.memory_space<hbm>>
        tpu.enqueue_dma source(%dma_start3A_186 : memref<1024xi32, #tpu.memory_space<hbm>>) target(%arg9 : memref<1024xi32, #tpu.memory_space<vmem>>) target_semaphore(%arg28 : memref<!tpu.dma_semaphore, #tpu.memory_space<semaphore_mem>>)
        %mul3A_187 = arith.constant 1024 : i32
        %mul3A_188 = arith.muli %add3A_181, %mul3A_187 : i32
        %add3A_189 = arith.addi %select_n3A, %mul3A_188 : i32
        %dma_start3A_190 = tpu.memref_slice %arg4[%add3A_189] : memref<1638400xi32, #tpu.memory_space<hbm>> -> memref<1024xi32, #tpu.memory_space<hbm>>
        %dma_start3A_191 = tpu.memref_slice %arg4[%add3A_189] : memref<1638400xi32, #tpu.memory_space<hbm>> -> memref<1024xi32, #tpu.memory_space<hbm>>
        tpu.enqueue_dma source(%dma_start3A_191 : memref<1024xi32, #tpu.memory_space<hbm>>) target(%arg11 : memref<1024xi32, #tpu.memory_space<vmem>>) target_semaphore(%arg28 : memref<!tpu.dma_semaphore, #tpu.memory_space<semaphore_mem>>)
        %mul3A_192 = arith.constant 1024 : i32
        %mul3A_193 = arith.muli %add3A_181, %mul3A_192 : i32
        %add3A_194 = arith.addi %select_n3A, %mul3A_193 : i32
        %dma_start3A_195 = tpu.memref_slice %arg5[%add3A_194] : memref<1638400xf32, #tpu.memory_space<hbm>> -> memref<1024xf32, #tpu.memory_space<hbm>>
        %dma_start3A_196 = tpu.memref_slice %arg5[%add3A_194] : memref<1638400xf32, #tpu.memory_space<hbm>> -> memref<1024xf32, #tpu.memory_space<hbm>>
        tpu.enqueue_dma source(%dma_start3A_196 : memref<1024xf32, #tpu.memory_space<hbm>>) target(%arg13 : memref<1024xf32, #tpu.memory_space<vmem>>) target_semaphore(%arg28 : memref<!tpu.dma_semaphore, #tpu.memory_space<semaphore_mem>>)
      } else {
      }
      %mul3A_139 = arith.constant 2 : i32
      %mul3A_140 = arith.muli %mul3A_139, %add3A_91 : i32
      %add3A_141 = arith.constant 1 : i32
      %add3A_142 = arith.addi %mul3A_140, %add3A_141 : i32
      %sub3A_143 = arith.constant 1 : i32
      %sub3A_144 = arith.subi %select_n3A_14, %sub3A_143 : i32
      %lt3A_145 = arith.cmpi slt, %add3A_91, %sub3A_144 : i32
      %convert_element_type3A_146 = arith.extui %lt3A_145 : i1 to i32
      %cond3A_147 = arith.constant 0 : i32
      %cond3A_148 = arith.cmpi ne, %convert_element_type3A_146, %cond3A_147 : i32
      scf.if %cond3A_148 {
        %dma_wait3A_180 = arith.constant 0 : i32
        %dma_wait3A_181 = tpu.memref_slice %arg3[%dma_wait3A_180] : memref<1638400xi32, #tpu.memory_space<hbm>> -> memref<1024xi32, #tpu.memory_space<hbm>>
        %dma_wait3A_182 = arith.constant 0 : i32
        %dma_wait3A_183 = tpu.memref_slice %arg3[%dma_wait3A_182] : memref<1638400xi32, #tpu.memory_space<hbm>> -> memref<1024xi32, #tpu.memory_space<hbm>>
        tpu.wait_dma2 semaphore(%arg28 : memref<!tpu.dma_semaphore, #tpu.memory_space<semaphore_mem>>) src(%dma_wait3A_183 : memref<1024xi32, #tpu.memory_space<hbm>>) dst(%arg9 : memref<1024xi32, #tpu.memory_space<vmem>>)
        %dma_wait3A_184 = arith.constant 0 : i32
        %dma_wait3A_185 = tpu.memref_slice %arg4[%dma_wait3A_184] : memref<1638400xi32, #tpu.memory_space<hbm>> -> memref<1024xi32, #tpu.memory_space<hbm>>
        %dma_wait3A_186 = arith.constant 0 : i32
        %dma_wait3A_187 = tpu.memref_slice %arg4[%dma_wait3A_186] : memref<1638400xi32, #tpu.memory_space<hbm>> -> memref<1024xi32, #tpu.memory_space<hbm>>
        tpu.wait_dma2 semaphore(%arg28 : memref<!tpu.dma_semaphore, #tpu.memory_space<semaphore_mem>>) src(%dma_wait3A_187 : memref<1024xi32, #tpu.memory_space<hbm>>) dst(%arg11 : memref<1024xi32, #tpu.memory_space<vmem>>)
        %dma_wait3A_188 = arith.constant 0 : i32
        %dma_wait3A_189 = tpu.memref_slice %arg5[%dma_wait3A_188] : memref<1638400xf32, #tpu.memory_space<hbm>> -> memref<1024xf32, #tpu.memory_space<hbm>>
        %dma_wait3A_190 = arith.constant 0 : i32
        %dma_wait3A_191 = tpu.memref_slice %arg5[%dma_wait3A_190] : memref<1638400xf32, #tpu.memory_space<hbm>> -> memref<1024xf32, #tpu.memory_space<hbm>>
        tpu.wait_dma2 semaphore(%arg28 : memref<!tpu.dma_semaphore, #tpu.memory_space<semaphore_mem>>) src(%dma_wait3A_191 : memref<1024xf32, #tpu.memory_space<hbm>>) dst(%arg13 : memref<1024xf32, #tpu.memory_space<vmem>>)
        %dma_start3A_192 = arith.constant 0 : i32
        %dma_start3A_193 = tpu.memref_slice %arg2[%dma_start3A_192] : memref<100352xi32, #tpu.memory_space<hbm>> -> memref<100352xi32, #tpu.memory_space<hbm>>
        tpu.enqueue_indirect_dma source(%dma_start3A_193 : memref<100352xi32, #tpu.memory_space<hbm>>) target(%arg15 : memref<1024xi32, #tpu.memory_space<vmem>>) offsets(%arg9 : memref<1024xi32, #tpu.memory_space<vmem>>) semaphore(%arg30 : memref<!tpu.dma_semaphore, #tpu.memory_space<semaphore_mem>>)
        %dma_start3A_194 = arith.constant 0 : i32
        %dma_start3A_195 = tpu.memref_slice %arg2[%dma_start3A_194] : memref<100352xi32, #tpu.memory_space<hbm>> -> memref<100352xi32, #tpu.memory_space<hbm>>
        tpu.enqueue_indirect_dma source(%dma_start3A_195 : memref<100352xi32, #tpu.memory_space<hbm>>) target(%arg17 : memref<1024xi32, #tpu.memory_space<vmem>>) offsets(%arg11 : memref<1024xi32, #tpu.memory_space<vmem>>) semaphore(%arg30 : memref<!tpu.dma_semaphore, #tpu.memory_space<semaphore_mem>>)
      } else {
      }
      %dma_wait3A_149 = arith.constant 0 : i32
      %dma_wait3A_150 = tpu.memref_slice %arg2[%dma_wait3A_149] : memref<100352xi32, #tpu.memory_space<hbm>> -> memref<1024xi32, #tpu.memory_space<hbm>>
      %dma_wait3A_151 = arith.constant 0 : i32
      %dma_wait3A_152 = tpu.memref_slice %arg2[%dma_wait3A_151] : memref<100352xi32, #tpu.memory_space<hbm>> -> memref<1024xi32, #tpu.memory_space<hbm>>
      tpu.wait_dma2 semaphore(%arg31 : memref<!tpu.dma_semaphore, #tpu.memory_space<semaphore_mem>>) src(%dma_wait3A_152 : memref<1024xi32, #tpu.memory_space<hbm>>) dst(%arg16 : memref<1024xi32, #tpu.memory_space<vmem>>)
      %dma_wait3A_153 = arith.constant 0 : i32
      %dma_wait3A_154 = tpu.memref_slice %arg2[%dma_wait3A_153] : memref<100352xi32, #tpu.memory_space<hbm>> -> memref<1024xi32, #tpu.memory_space<hbm>>
      %dma_wait3A_155 = arith.constant 0 : i32
      %dma_wait3A_156 = tpu.memref_slice %arg2[%dma_wait3A_155] : memref<100352xi32, #tpu.memory_space<hbm>> -> memref<1024xi32, #tpu.memory_space<hbm>>
      tpu.wait_dma2 semaphore(%arg31 : memref<!tpu.dma_semaphore, #tpu.memory_space<semaphore_mem>>) src(%dma_wait3A_156 : memref<1024xi32, #tpu.memory_space<hbm>>) dst(%arg18 : memref<1024xi32, #tpu.memory_space<vmem>>)
      %ge3A_157 = arith.constant 1 : i32
      %ge3A_158 = arith.cmpi sge, %add3A_91, %ge3A_157 : i32
      %convert_element_type3A_159 = arith.extui %ge3A_158 : i1 to i32
      %cond3A_160 = arith.constant 0 : i32
      %cond3A_161 = arith.cmpi ne, %convert_element_type3A_159, %cond3A_160 : i32
      scf.if %cond3A_161 {
        %dma_wait3A_180 = arith.constant 0 : i32
        %dma_wait3A_181 = tpu.memref_slice %arg8[%dma_wait3A_180] : memref<1638400xi32, #tpu.memory_space<hbm>> -> memref<1024xi32, #tpu.memory_space<hbm>>
        %dma_wait3A_182 = arith.constant 0 : i32
        %dma_wait3A_183 = tpu.memref_slice %arg8[%dma_wait3A_182] : memref<1638400xi32, #tpu.memory_space<hbm>> -> memref<1024xi32, #tpu.memory_space<hbm>>
        tpu.wait_dma2 semaphore(%arg33 : memref<!tpu.dma_semaphore, #tpu.memory_space<semaphore_mem>>) src(%arg20 : memref<1024xi32, #tpu.memory_space<vmem>>) dst(%dma_wait3A_183 : memref<1024xi32, #tpu.memory_space<hbm>>)
        %dma_wait3A_184 = arith.constant 0 : i32
        %dma_wait3A_185 = tpu.memref_slice %arg27[%dma_wait3A_184] : memref<100352xf32, #tpu.memory_space<vmem_shared>> -> memref<100352xf32, #tpu.memory_space<vmem_shared>>
        tpu.wait_indirect_dma semaphore(%arg35 : memref<!tpu.dma_semaphore, #tpu.memory_space<semaphore_mem>>) src(%arg22 : memref<1024xf32, #tpu.memory_space<vmem>>) dst(%dma_wait3A_185 : memref<100352xf32, #tpu.memory_space<vmem_shared>>)
      } else {
      }
      %scan3A_162 = arith.constant 0 : i32
      %scan3A_163 = arith.constant 64 : i32
      %scan3A_164 = arith.addi %scan3A_162, %scan3A_163 : i32
      %scan3A_165 = arith.constant 1 : i32
      scf.for %scan3A_180 = %scan3A_162 to %scan3A_164 step %scan3A_165  : i32 {
        %mul3A_181 = arith.constant 1 : i32
        %mul3A_182 = arith.muli %scan3A_180, %mul3A_181 : i32
        %add3A_183 = arith.constant 0 : i32
        %add3A_184 = arith.addi %add3A_183, %mul3A_182 : i32
        %mul3A_185 = arith.constant 16 : i32
        %mul3A_186 = arith.muli %add3A_184, %mul3A_185 : i32
        %get3A = arith.index_cast %mul3A_186 : i32 to index
        %get3A_187 = tpu.vector_load %arg16[%get3A] {strides = array<i32>} : memref<1024xi32, #tpu.memory_space<vmem>>, vector<16xi32>,
        %get3A_188 = arith.index_cast %mul3A_186 : i32 to index
        %get3A_189 = tpu.vector_load %arg18[%get3A_188] {strides = array<i32>} : memref<1024xi32, #tpu.memory_space<vmem>>, vector<16xi32>,
        %gather3A = tpu.vector_load_idx %arg25[%get3A_187] : memref<96xf32, #tpu.memory_space<vmem>>[vector<16xi32>], vector<16xf32>,
        %gather3A_190 = tpu.vector_load_idx %arg25[%get3A_189] : memref<96xf32, #tpu.memory_space<vmem>>[vector<16xi32>], vector<16xf32>,
        %add3A_191 = arith.addf %gather3A, %gather3A_190 : vector<16xf32>
        %mul3A_192 = arith.constant 1.33333337 : f32
        %mul3A_193 = vector.broadcast %mul3A_192 : f32 to vector<16xf32>
        %mul3A_194 = arith.mulf %mul3A_193, %add3A_191 : vector<16xf32>
        %get3A_195 = arith.index_cast %mul3A_186 : i32 to index
        %get3A_196 = tpu.vector_load %arg14[%get3A_195] {strides = array<i32>} : memref<1024xf32, #tpu.memory_space<vmem>>, vector<16xf32>,
        %div3A_197 = arith.divf %mul3A_194, %get3A_196 : vector<16xf32>
        %sub3A_198 = arith.constant 1.000000e+00 : f32
        %sub3A_199 = vector.broadcast %sub3A_198 : f32 to vector<16xf32>
        %sub3A_200 = arith.subf %div3A_197, %sub3A_199 : vector<16xf32>
        %mul3A_201 = arith.constant -1.600000e+01 : f32
        %mul3A_202 = vector.broadcast %mul3A_201 : f32 to vector<16xf32>
        %mul3A_203 = arith.mulf %mul3A_202, %sub3A_200 : vector<16xf32>
        %exp3A = math.exp %mul3A_203 : vector<16xf32>
        %add3A_204 = arith.constant 1.000000e+00 : f32
        %add3A_205 = vector.broadcast %add3A_204 : f32 to vector<16xf32>
        %add3A_206 = arith.addf %add3A_205, %exp3A : vector<16xf32>
        %div3A_207 = arith.constant 1.000000e+00 : f32
        %div3A_208 = vector.broadcast %div3A_207 : f32 to vector<16xf32>
        %div3A_209 = arith.divf %div3A_208, %add3A_206 : vector<16xf32>
        %swap3A = arith.index_cast %mul3A_186 : i32 to index
        %swap3A_210 = tpu.vector_load %arg22[%swap3A] {strides = array<i32>} : memref<1024xf32, #tpu.memory_space<vmem>>, vector<16xf32>,
        tpu.vector_store %arg22[%swap3A], %div3A_209 {strides = array<i32>} : memref<1024xf32, #tpu.memory_space<vmem>>, vector<16xf32>,
        %mul3A_211 = arith.constant 95 : i32
        %mul3A_212 = vector.broadcast %mul3A_211 : i32 to vector<16xi32>
        %mul3A_213 = arith.muli %get3A_187, %mul3A_212 : vector<16xi32>
        %add3A_214 = arith.addi %mul3A_213, %get3A_189 : vector<16xi32>
        %swap3A_215 = arith.index_cast %mul3A_186 : i32 to index
        %swap3A_216 = tpu.vector_load %arg20[%swap3A_215] {strides = array<i32>} : memref<1024xi32, #tpu.memory_space<vmem>>, vector<16xi32>,
        tpu.vector_store %arg20[%swap3A_215], %add3A_214 {strides = array<i32>} : memref<1024xi32, #tpu.memory_space<vmem>>, vector<16xi32>,
        %get3A_217 = arith.index_cast %mul3A_186 : i32 to index
        %get3A_218 = tpu.vector_load %arg10[%get3A_217] {strides = array<i32>} : memref<1024xi32, #tpu.memory_space<vmem>>, vector<16xi32>,
        %swap3A_219 = arith.index_cast %mul3A_186 : i32 to index
        %swap3A_220 = tpu.vector_load %arg24[%swap3A_219] {strides = array<i32>} : memref<1024xi32, #tpu.memory_space<vmem>>, vector<16xi32>,
        tpu.vector_store %arg24[%swap3A_219], %get3A_218 {strides = array<i32>} : memref<1024xi32, #tpu.memory_space<vmem>>, vector<16xi32>,
      }
      %scan3A_166 = arith.constant 64 : i32
      %mul3A_167 = arith.constant 1024 : i32
      %mul3A_168 = arith.muli %add3A_142, %mul3A_167 : i32
      %add3A_169 = arith.addi %select_n3A, %mul3A_168 : i32
      %dma_start3A_170 = tpu.memref_slice %arg8[%add3A_169] : memref<1638400xi32, #tpu.memory_space<hbm>> -> memref<1024xi32, #tpu.memory_space<hbm>>
      %dma_start3A_171 = tpu.memref_slice %arg8[%add3A_169] : memref<1638400xi32, #tpu.memory_space<hbm>> -> memref<1024xi32, #tpu.memory_space<hbm>>
      tpu.enqueue_dma source(%arg20 : memref<1024xi32, #tpu.memory_space<vmem>>) target(%dma_start3A_171 : memref<1024xi32, #tpu.memory_space<hbm>>) target_semaphore(%arg33 : memref<!tpu.dma_semaphore, #tpu.memory_space<semaphore_mem>>)
      %dma_start3A_172 = arith.constant 0 : i32
      %dma_start3A_173 = tpu.memref_slice %arg27[%dma_start3A_172] : memref<100352xf32, #tpu.memory_space<vmem_shared>> -> memref<100352xf32, #tpu.memory_space<vmem_shared>>
      tpu.enqueue_indirect_dma source(%arg22 : memref<1024xf32, #tpu.memory_space<vmem>>) target(%dma_start3A_173 : memref<100352xf32, #tpu.memory_space<vmem_shared>>) offsets(%arg24 : memref<1024xi32, #tpu.memory_space<vmem>>) semaphore(%arg35 : memref<!tpu.dma_semaphore, #tpu.memory_space<semaphore_mem>>) {add = true}
      %sub3A_174 = arith.constant 1 : i32
      %sub3A_175 = arith.subi %select_n3A_14, %sub3A_174 : i32
      %lt3A_176 = arith.cmpi slt, %add3A_91, %sub3A_175 : i32
      %convert_element_type3A_177 = arith.extui %lt3A_176 : i1 to i32
      %cond3A_178 = arith.constant 0 : i32
      %cond3A_179 = arith.cmpi ne, %convert_element_type3A_177, %cond3A_178 : i32
      scf.if %cond3A_179 {
        %add3A_180 = arith.constant 2 : i32
        %add3A_181 = arith.addi %add3A_142, %add3A_180 : i32
        %mul3A_182 = arith.constant 1024 : i32
        %mul3A_183 = arith.muli %add3A_181, %mul3A_182 : i32
        %add3A_184 = arith.addi %select_n3A, %mul3A_183 : i32
        %dma_start3A_185 = tpu.memref_slice %arg3[%add3A_184] : memref<1638400xi32, #tpu.memory_space<hbm>> -> memref<1024xi32, #tpu.memory_space<hbm>>
        %dma_start3A_186 = tpu.memref_slice %arg3[%add3A_184] : memref<1638400xi32, #tpu.memory_space<hbm>> -> memref<1024xi32, #tpu.memory_space<hbm>>
        tpu.enqueue_dma source(%dma_start3A_186 : memref<1024xi32, #tpu.memory_space<hbm>>) target(%arg10 : memref<1024xi32, #tpu.memory_space<vmem>>) target_semaphore(%arg29 : memref<!tpu.dma_semaphore, #tpu.memory_space<semaphore_mem>>)
        %mul3A_187 = arith.constant 1024 : i32
        %mul3A_188 = arith.muli %add3A_181, %mul3A_187 : i32
        %add3A_189 = arith.addi %select_n3A, %mul3A_188 : i32
        %dma_start3A_190 = tpu.memref_slice %arg4[%add3A_189] : memref<1638400xi32, #tpu.memory_space<hbm>> -> memref<1024xi32, #tpu.memory_space<hbm>>
        %dma_start3A_191 = tpu.memref_slice %arg4[%add3A_189] : memref<1638400xi32, #tpu.memory_space<hbm>> -> memref<1024xi32, #tpu.memory_space<hbm>>
        tpu.enqueue_dma source(%dma_start3A_191 : memref<1024xi32, #tpu.memory_space<hbm>>) target(%arg12 : memref<1024xi32, #tpu.memory_space<vmem>>) target_semaphore(%arg29 : memref<!tpu.dma_semaphore, #tpu.memory_space<semaphore_mem>>)
        %mul3A_192 = arith.constant 1024 : i32
        %mul3A_193 = arith.muli %add3A_181, %mul3A_192 : i32
        %add3A_194 = arith.addi %select_n3A, %mul3A_193 : i32
        %dma_start3A_195 = tpu.memref_slice %arg5[%add3A_194] : memref<1638400xf32, #tpu.memory_space<hbm>> -> memref<1024xf32, #tpu.memory_space<hbm>>
        %dma_start3A_196 = tpu.memref_slice %arg5[%add3A_194] : memref<1638400xf32, #tpu.memory_space<hbm>> -> memref<1024xf32, #tpu.memory_space<hbm>>
        tpu.enqueue_dma source(%dma_start3A_196 : memref<1024xf32, #tpu.memory_space<hbm>>) target(%arg14 : memref<1024xf32, #tpu.memory_space<vmem>>) target_semaphore(%arg29 : memref<!tpu.dma_semaphore, #tpu.memory_space<semaphore_mem>>)
      } else {
      }
    }
    %while3A_68 = arith.constant 1 : i32
    scf.for %while3A_89 = %while3A_66 to %while3A_62 step %while3A_68  : i32 {
      %mul3A_90 = arith.muli %while3A_89, %while3A : i32
      %add3A_91 = arith.addi %while3A_59, %mul3A_90 : i32
      %mul3A_92 = arith.constant 2 : i32
      %mul3A_93 = arith.muli %mul3A_92, %add3A_91 : i32
      %add3A_94 = arith.constant 0 : i32
      %add3A_95 = arith.addi %mul3A_93, %add3A_94 : i32
      %dma_wait3A_96 = arith.constant 0 : i32
      %dma_wait3A_97 = tpu.memref_slice %arg3[%dma_wait3A_96] : memref<1638400xi32, #tpu.memory_space<hbm>> -> memref<1024xi32, #tpu.memory_space<hbm>>
      %dma_wait3A_98 = arith.constant 0 : i32
      %dma_wait3A_99 = tpu.memref_slice %arg3[%dma_wait3A_98] : memref<1638400xi32, #tpu.memory_space<hbm>> -> memref<1024xi32, #tpu.memory_space<hbm>>
      tpu.wait_dma2 semaphore(%arg29 : memref<!tpu.dma_semaphore, #tpu.memory_space<semaphore_mem>>) src(%dma_wait3A_99 : memref<1024xi32, #tpu.memory_space<hbm>>) dst(%arg10 : memref<1024xi32, #tpu.memory_space<vmem>>)
      %dma_wait3A_100 = arith.constant 0 : i32
      %dma_wait3A_101 = tpu.memref_slice %arg4[%dma_wait3A_100] : memref<1638400xi32, #tpu.memory_space<hbm>> -> memref<1024xi32, #tpu.memory_space<hbm>>
      %dma_wait3A_102 = arith.constant 0 : i32
      %dma_wait3A_103 = tpu.memref_slice %arg4[%dma_wait3A_102] : memref<1638400xi32, #tpu.memory_space<hbm>> -> memref<1024xi32, #tpu.memory_space<hbm>>
      tpu.wait_dma2 semaphore(%arg29 : memref<!tpu.dma_semaphore, #tpu.memory_space<semaphore_mem>>) src(%dma_wait3A_103 : memref<1024xi32, #tpu.memory_space<hbm>>) dst(%arg12 : memref<1024xi32, #tpu.memory_space<vmem>>)
      %dma_wait3A_104 = arith.constant 0 : i32
      %dma_wait3A_105 = tpu.memref_slice %arg5[%dma_wait3A_104] : memref<1638400xf32, #tpu.memory_space<hbm>> -> memref<1024xf32, #tpu.memory_space<hbm>>
      %dma_wait3A_106 = arith.constant 0 : i32
      %dma_wait3A_107 = tpu.memref_slice %arg5[%dma_wait3A_106] : memref<1638400xf32, #tpu.memory_space<hbm>> -> memref<1024xf32, #tpu.memory_space<hbm>>
      tpu.wait_dma2 semaphore(%arg29 : memref<!tpu.dma_semaphore, #tpu.memory_space<semaphore_mem>>) src(%dma_wait3A_107 : memref<1024xf32, #tpu.memory_space<hbm>>) dst(%arg14 : memref<1024xf32, #tpu.memory_space<vmem>>)
      %dma_start3A_108 = arith.constant 0 : i32
      %dma_start3A_109 = tpu.memref_slice %arg2[%dma_start3A_108] : memref<100352xi32, #tpu.memory_space<hbm>> -> memref<100352xi32, #tpu.memory_space<hbm>>
      tpu.enqueue_indirect_dma source(%dma_start3A_109 : memref<100352xi32, #tpu.memory_space<hbm>>) target(%arg16 : memref<1024xi32, #tpu.memory_space<vmem>>) offsets(%arg10 : memref<1024xi32, #tpu.memory_space<vmem>>) semaphore(%arg31 : memref<!tpu.dma_semaphore, #tpu.memory_space<semaphore_mem>>)
      %dma_start3A_110 = arith.constant 0 : i32
      %dma_start3A_111 = tpu.memref_slice %arg2[%dma_start3A_110] : memref<100352xi32, #tpu.memory_space<hbm>> -> memref<100352xi32, #tpu.memory_space<hbm>>
      tpu.enqueue_indirect_dma source(%dma_start3A_111 : memref<100352xi32, #tpu.memory_space<hbm>>) target(%arg18 : memref<1024xi32, #tpu.memory_space<vmem>>) offsets(%arg12 : memref<1024xi32, #tpu.memory_space<vmem>>) semaphore(%arg31 : memref<!tpu.dma_semaphore, #tpu.memory_space<semaphore_mem>>)
      %dma_wait3A_112 = arith.constant 0 : i32
      %dma_wait3A_113 = tpu.memref_slice %arg2[%dma_wait3A_112] : memref<100352xi32, #tpu.memory_space<hbm>> -> memref<1024xi32, #tpu.memory_space<hbm>>
      %dma_wait3A_114 = arith.constant 0 : i32
      %dma_wait3A_115 = tpu.memref_slice %arg2[%dma_wait3A_114] : memref<100352xi32, #tpu.memory_space<hbm>> -> memref<1024xi32, #tpu.memory_space<hbm>>
      tpu.wait_dma2 semaphore(%arg30 : memref<!tpu.dma_semaphore, #tpu.memory_space<semaphore_mem>>) src(%dma_wait3A_115 : memref<1024xi32, #tpu.memory_space<hbm>>) dst(%arg15 : memref<1024xi32, #tpu.memory_space<vmem>>)
      %dma_wait3A_116 = arith.constant 0 : i32
      %dma_wait3A_117 = tpu.memref_slice %arg2[%dma_wait3A_116] : memref<100352xi32, #tpu.memory_space<hbm>> -> memref<1024xi32, #tpu.memory_space<hbm>>
      %dma_wait3A_118 = arith.constant 0 : i32
      %dma_wait3A_119 = tpu.memref_slice %arg2[%dma_wait3A_118] : memref<100352xi32, #tpu.memory_space<hbm>> -> memref<1024xi32, #tpu.memory_space<hbm>>
      tpu.wait_dma2 semaphore(%arg30 : memref<!tpu.dma_semaphore, #tpu.memory_space<semaphore_mem>>) src(%dma_wait3A_119 : memref<1024xi32, #tpu.memory_space<hbm>>) dst(%arg17 : memref<1024xi32, #tpu.memory_space<vmem>>)
      %ge3A = arith.constant 1 : i32
      %ge3A_120 = arith.cmpi sge, %add3A_91, %ge3A : i32
      %convert_element_type3A = arith.extui %ge3A_120 : i1 to i32
      %cond3A = arith.constant 0 : i32
      %cond3A_121 = arith.cmpi ne, %convert_element_type3A, %cond3A : i32
      scf.if %cond3A_121 {
        %dma_wait3A_180 = arith.constant 0 : i32
        %dma_wait3A_181 = tpu.memref_slice %arg8[%dma_wait3A_180] : memref<1638400xi32, #tpu.memory_space<hbm>> -> memref<1024xi32, #tpu.memory_space<hbm>>
        %dma_wait3A_182 = arith.constant 0 : i32
        %dma_wait3A_183 = tpu.memref_slice %arg8[%dma_wait3A_182] : memref<1638400xi32, #tpu.memory_space<hbm>> -> memref<1024xi32, #tpu.memory_space<hbm>>
        tpu.wait_dma2 semaphore(%arg32 : memref<!tpu.dma_semaphore, #tpu.memory_space<semaphore_mem>>) src(%arg19 : memref<1024xi32, #tpu.memory_space<vmem>>) dst(%dma_wait3A_183 : memref<1024xi32, #tpu.memory_space<hbm>>)
        %dma_wait3A_184 = arith.constant 0 : i32
        %dma_wait3A_185 = tpu.memref_slice %arg27[%dma_wait3A_184] : memref<100352xf32, #tpu.memory_space<vmem_shared>> -> memref<100352xf32, #tpu.memory_space<vmem_shared>>
        tpu.wait_indirect_dma semaphore(%arg34 : memref<!tpu.dma_semaphore, #tpu.memory_space<semaphore_mem>>) src(%arg21 : memref<1024xf32, #tpu.memory_space<vmem>>) dst(%dma_wait3A_185 : memref<100352xf32, #tpu.memory_space<vmem_shared>>)
      } else {
      }
      %scan3A_122 = arith.constant 0 : i32
      %scan3A_123 = arith.constant 64 : i32
      %scan3A_124 = arith.addi %scan3A_122, %scan3A_123 : i32
      %scan3A_125 = arith.constant 1 : i32
      scf.for %scan3A_180 = %scan3A_122 to %scan3A_124 step %scan3A_125  : i32 {
        %mul3A_181 = arith.constant 1 : i32
        %mul3A_182 = arith.muli %scan3A_180, %mul3A_181 : i32
        %add3A_183 = arith.constant 0 : i32
        %add3A_184 = arith.addi %add3A_183, %mul3A_182 : i32
        %mul3A_185 = arith.constant 16 : i32
        %mul3A_186 = arith.muli %add3A_184, %mul3A_185 : i32
        %get3A = arith.index_cast %mul3A_186 : i32 to index
        %get3A_187 = tpu.vector_load %arg15[%get3A] {strides = array<i32>} : memref<1024xi32, #tpu.memory_space<vmem>>, vector<16xi32>,
        %get3A_188 = arith.index_cast %mul3A_186 : i32 to index
        %get3A_189 = tpu.vector_load %arg17[%get3A_188] {strides = array<i32>} : memref<1024xi32, #tpu.memory_space<vmem>>, vector<16xi32>,
        %gather3A = tpu.vector_load_idx %arg25[%get3A_187] : memref<96xf32, #tpu.memory_space<vmem>>[vector<16xi32>], vector<16xf32>,
        %gather3A_190 = tpu.vector_load_idx %arg25[%get3A_189] : memref<96xf32, #tpu.memory_space<vmem>>[vector<16xi32>], vector<16xf32>,
        %add3A_191 = arith.addf %gather3A, %gather3A_190 : vector<16xf32>
        %mul3A_192 = arith.constant 1.33333337 : f32
        %mul3A_193 = vector.broadcast %mul3A_192 : f32 to vector<16xf32>
        %mul3A_194 = arith.mulf %mul3A_193, %add3A_191 : vector<16xf32>
        %get3A_195 = arith.index_cast %mul3A_186 : i32 to index
        %get3A_196 = tpu.vector_load %arg13[%get3A_195] {strides = array<i32>} : memref<1024xf32, #tpu.memory_space<vmem>>, vector<16xf32>,
        %div3A_197 = arith.divf %mul3A_194, %get3A_196 : vector<16xf32>
        %sub3A_198 = arith.constant 1.000000e+00 : f32
        %sub3A_199 = vector.broadcast %sub3A_198 : f32 to vector<16xf32>
        %sub3A_200 = arith.subf %div3A_197, %sub3A_199 : vector<16xf32>
        %mul3A_201 = arith.constant -1.600000e+01 : f32
        %mul3A_202 = vector.broadcast %mul3A_201 : f32 to vector<16xf32>
        %mul3A_203 = arith.mulf %mul3A_202, %sub3A_200 : vector<16xf32>
        %exp3A = math.exp %mul3A_203 : vector<16xf32>
        %add3A_204 = arith.constant 1.000000e+00 : f32
        %add3A_205 = vector.broadcast %add3A_204 : f32 to vector<16xf32>
        %add3A_206 = arith.addf %add3A_205, %exp3A : vector<16xf32>
        %div3A_207 = arith.constant 1.000000e+00 : f32
        %div3A_208 = vector.broadcast %div3A_207 : f32 to vector<16xf32>
        %div3A_209 = arith.divf %div3A_208, %add3A_206 : vector<16xf32>
        %swap3A = arith.index_cast %mul3A_186 : i32 to index
        %swap3A_210 = tpu.vector_load %arg21[%swap3A] {strides = array<i32>} : memref<1024xf32, #tpu.memory_space<vmem>>, vector<16xf32>,
        tpu.vector_store %arg21[%swap3A], %div3A_209 {strides = array<i32>} : memref<1024xf32, #tpu.memory_space<vmem>>, vector<16xf32>,
        %mul3A_211 = arith.constant 95 : i32
        %mul3A_212 = vector.broadcast %mul3A_211 : i32 to vector<16xi32>
        %mul3A_213 = arith.muli %get3A_187, %mul3A_212 : vector<16xi32>
        %add3A_214 = arith.addi %mul3A_213, %get3A_189 : vector<16xi32>
        %swap3A_215 = arith.index_cast %mul3A_186 : i32 to index
        %swap3A_216 = tpu.vector_load %arg19[%swap3A_215] {strides = array<i32>} : memref<1024xi32, #tpu.memory_space<vmem>>, vector<16xi32>,
        tpu.vector_store %arg19[%swap3A_215], %add3A_214 {strides = array<i32>} : memref<1024xi32, #tpu.memory_space<vmem>>, vector<16xi32>,
        %get3A_217 = arith.index_cast %mul3A_186 : i32 to index
        %get3A_218 = tpu.vector_load %arg9[%get3A_217] {strides = array<i32>} : memref<1024xi32, #tpu.memory_space<vmem>>, vector<16xi32>,
        %swap3A_219 = arith.index_cast %mul3A_186 : i32 to index
        %swap3A_220 = tpu.vector_load %arg23[%swap3A_219] {strides = array<i32>} : memref<1024xi32, #tpu.memory_space<vmem>>, vector<16xi32>,
        tpu.vector_store %arg23[%swap3A_219], %get3A_218 {strides = array<i32>} : memref<1024xi32, #tpu.memory_space<vmem>>, vector<16xi32>,
      }
      %scan3A_126 = arith.constant 64 : i32
      %mul3A_127 = arith.constant 1024 : i32
      %mul3A_128 = arith.muli %add3A_95, %mul3A_127 : i32
      %add3A_129 = arith.addi %select_n3A, %mul3A_128 : i32
      %dma_start3A_130 = tpu.memref_slice %arg8[%add3A_129] : memref<1638400xi32, #tpu.memory_space<hbm>> -> memref<1024xi32, #tpu.memory_space<hbm>>
      %dma_start3A_131 = tpu.memref_slice %arg8[%add3A_129] : memref<1638400xi32, #tpu.memory_space<hbm>> -> memref<1024xi32, #tpu.memory_space<hbm>>
      tpu.enqueue_dma source(%arg19 : memref<1024xi32, #tpu.memory_space<vmem>>) target(%dma_start3A_131 : memref<1024xi32, #tpu.memory_space<hbm>>) target_semaphore(%arg32 : memref<!tpu.dma_semaphore, #tpu.memory_space<semaphore_mem>>)
      %dma_start3A_132 = arith.constant 0 : i32
      %dma_start3A_133 = tpu.memref_slice %arg27[%dma_start3A_132] : memref<100352xf32, #tpu.memory_space<vmem_shared>> -> memref<100352xf32, #tpu.memory_space<vmem_shared>>
      tpu.enqueue_indirect_dma source(%arg21 : memref<1024xf32, #tpu.memory_space<vmem>>) target(%dma_start3A_133 : memref<100352xf32, #tpu.memory_space<vmem_shared>>) offsets(%arg23 : memref<1024xi32, #tpu.memory_space<vmem>>) semaphore(%arg34 : memref<!tpu.dma_semaphore, #tpu.memory_space<semaphore_mem>>) {add = true}
      %sub3A_134 = arith.constant 1 : i32
      %sub3A_135 = arith.subi %select_n3A_14, %sub3A_134 : i32
      %lt3A = arith.cmpi slt, %add3A_91, %sub3A_135 : i32
      %convert_element_type3A_136 = arith.extui %lt3A : i1 to i32
      %cond3A_137 = arith.constant 0 : i32
      %cond3A_138 = arith.cmpi ne, %convert_element_type3A_136, %cond3A_137 : i32
      scf.if %cond3A_138 {
        %add3A_180 = arith.constant 2 : i32
        %add3A_181 = arith.addi %add3A_95, %add3A_180 : i32
        %mul3A_182 = arith.constant 1024 : i32
        %mul3A_183 = arith.muli %add3A_181, %mul3A_182 : i32
        %add3A_184 = arith.addi %select_n3A, %mul3A_183 : i32
        %dma_start3A_185 = tpu.memref_slice %arg3[%add3A_184] : memref<1638400xi32, #tpu.memory_space<hbm>> -> memref<1024xi32, #tpu.memory_space<hbm>>
        %dma_start3A_186 = tpu.memref_slice %arg3[%add3A_184] : memref<1638400xi32, #tpu.memory_space<hbm>> -> memref<1024xi32, #tpu.memory_space<hbm>>
        tpu.enqueue_dma source(%dma_start3A_186 : memref<1024xi32, #tpu.memory_space<hbm>>) target(%arg9 : memref<1024xi32, #tpu.memory_space<vmem>>) target_semaphore(%arg28 : memref<!tpu.dma_semaphore, #tpu.memory_space<semaphore_mem>>)
        %mul3A_187 = arith.constant 1024 : i32
        %mul3A_188 = arith.muli %add3A_181, %mul3A_187 : i32
        %add3A_189 = arith.addi %select_n3A, %mul3A_188 : i32
        %dma_start3A_190 = tpu.memref_slice %arg4[%add3A_189] : memref<1638400xi32, #tpu.memory_space<hbm>> -> memref<1024xi32, #tpu.memory_space<hbm>>
        %dma_start3A_191 = tpu.memref_slice %arg4[%add3A_189] : memref<1638400xi32, #tpu.memory_space<hbm>> -> memref<1024xi32, #tpu.memory_space<hbm>>
        tpu.enqueue_dma source(%dma_start3A_191 : memref<1024xi32, #tpu.memory_space<hbm>>) target(%arg11 : memref<1024xi32, #tpu.memory_space<vmem>>) target_semaphore(%arg28 : memref<!tpu.dma_semaphore, #tpu.memory_space<semaphore_mem>>)
        %mul3A_192 = arith.constant 1024 : i32
        %mul3A_193 = arith.muli %add3A_181, %mul3A_192 : i32
        %add3A_194 = arith.addi %select_n3A, %mul3A_193 : i32
        %dma_start3A_195 = tpu.memref_slice %arg5[%add3A_194] : memref<1638400xf32, #tpu.memory_space<hbm>> -> memref<1024xf32, #tpu.memory_space<hbm>>
        %dma_start3A_196 = tpu.memref_slice %arg5[%add3A_194] : memref<1638400xf32, #tpu.memory_space<hbm>> -> memref<1024xf32, #tpu.memory_space<hbm>>
        tpu.enqueue_dma source(%dma_start3A_196 : memref<1024xf32, #tpu.memory_space<hbm>>) target(%arg13 : memref<1024xf32, #tpu.memory_space<vmem>>) target_semaphore(%arg28 : memref<!tpu.dma_semaphore, #tpu.memory_space<semaphore_mem>>)
      } else {
      }
      %mul3A_139 = arith.constant 2 : i32
      %mul3A_140 = arith.muli %mul3A_139, %add3A_91 : i32
      %add3A_141 = arith.constant 1 : i32
      %add3A_142 = arith.addi %mul3A_140, %add3A_141 : i32
      %sub3A_143 = arith.constant 1 : i32
      %sub3A_144 = arith.subi %select_n3A_14, %sub3A_143 : i32
      %lt3A_145 = arith.cmpi slt, %add3A_91, %sub3A_144 : i32
      %convert_element_type3A_146 = arith.extui %lt3A_145 : i1 to i32
      %cond3A_147 = arith.constant 0 : i32
      %cond3A_148 = arith.cmpi ne, %convert_element_type3A_146, %cond3A_147 : i32
      scf.if %cond3A_148 {
        %dma_wait3A_180 = arith.constant 0 : i32
        %dma_wait3A_181 = tpu.memref_slice %arg3[%dma_wait3A_180] : memref<1638400xi32, #tpu.memory_space<hbm>> -> memref<1024xi32, #tpu.memory_space<hbm>>
        %dma_wait3A_182 = arith.constant 0 : i32
        %dma_wait3A_183 = tpu.memref_slice %arg3[%dma_wait3A_182] : memref<1638400xi32, #tpu.memory_space<hbm>> -> memref<1024xi32, #tpu.memory_space<hbm>>
        tpu.wait_dma2 semaphore(%arg28 : memref<!tpu.dma_semaphore, #tpu.memory_space<semaphore_mem>>) src(%dma_wait3A_183 : memref<1024xi32, #tpu.memory_space<hbm>>) dst(%arg9 : memref<1024xi32, #tpu.memory_space<vmem>>)
        %dma_wait3A_184 = arith.constant 0 : i32
        %dma_wait3A_185 = tpu.memref_slice %arg4[%dma_wait3A_184] : memref<1638400xi32, #tpu.memory_space<hbm>> -> memref<1024xi32, #tpu.memory_space<hbm>>
        %dma_wait3A_186 = arith.constant 0 : i32
        %dma_wait3A_187 = tpu.memref_slice %arg4[%dma_wait3A_186] : memref<1638400xi32, #tpu.memory_space<hbm>> -> memref<1024xi32, #tpu.memory_space<hbm>>
        tpu.wait_dma2 semaphore(%arg28 : memref<!tpu.dma_semaphore, #tpu.memory_space<semaphore_mem>>) src(%dma_wait3A_187 : memref<1024xi32, #tpu.memory_space<hbm>>) dst(%arg11 : memref<1024xi32, #tpu.memory_space<vmem>>)
        %dma_wait3A_188 = arith.constant 0 : i32
        %dma_wait3A_189 = tpu.memref_slice %arg5[%dma_wait3A_188] : memref<1638400xf32, #tpu.memory_space<hbm>> -> memref<1024xf32, #tpu.memory_space<hbm>>
        %dma_wait3A_190 = arith.constant 0 : i32
        %dma_wait3A_191 = tpu.memref_slice %arg5[%dma_wait3A_190] : memref<1638400xf32, #tpu.memory_space<hbm>> -> memref<1024xf32, #tpu.memory_space<hbm>>
        tpu.wait_dma2 semaphore(%arg28 : memref<!tpu.dma_semaphore, #tpu.memory_space<semaphore_mem>>) src(%dma_wait3A_191 : memref<1024xf32, #tpu.memory_space<hbm>>) dst(%arg13 : memref<1024xf32, #tpu.memory_space<vmem>>)
        %dma_start3A_192 = arith.constant 0 : i32
        %dma_start3A_193 = tpu.memref_slice %arg2[%dma_start3A_192] : memref<100352xi32, #tpu.memory_space<hbm>> -> memref<100352xi32, #tpu.memory_space<hbm>>
        tpu.enqueue_indirect_dma source(%dma_start3A_193 : memref<100352xi32, #tpu.memory_space<hbm>>) target(%arg15 : memref<1024xi32, #tpu.memory_space<vmem>>) offsets(%arg9 : memref<1024xi32, #tpu.memory_space<vmem>>) semaphore(%arg30 : memref<!tpu.dma_semaphore, #tpu.memory_space<semaphore_mem>>)
        %dma_start3A_194 = arith.constant 0 : i32
        %dma_start3A_195 = tpu.memref_slice %arg2[%dma_start3A_194] : memref<100352xi32, #tpu.memory_space<hbm>> -> memref<100352xi32, #tpu.memory_space<hbm>>
        tpu.enqueue_indirect_dma source(%dma_start3A_195 : memref<100352xi32, #tpu.memory_space<hbm>>) target(%arg17 : memref<1024xi32, #tpu.memory_space<vmem>>) offsets(%arg11 : memref<1024xi32, #tpu.memory_space<vmem>>) semaphore(%arg30 : memref<!tpu.dma_semaphore, #tpu.memory_space<semaphore_mem>>)
      } else {
      }
      %dma_wait3A_149 = arith.constant 0 : i32
      %dma_wait3A_150 = tpu.memref_slice %arg2[%dma_wait3A_149] : memref<100352xi32, #tpu.memory_space<hbm>> -> memref<1024xi32, #tpu.memory_space<hbm>>
      %dma_wait3A_151 = arith.constant 0 : i32
      %dma_wait3A_152 = tpu.memref_slice %arg2[%dma_wait3A_151] : memref<100352xi32, #tpu.memory_space<hbm>> -> memref<1024xi32, #tpu.memory_space<hbm>>
      tpu.wait_dma2 semaphore(%arg31 : memref<!tpu.dma_semaphore, #tpu.memory_space<semaphore_mem>>) src(%dma_wait3A_152 : memref<1024xi32, #tpu.memory_space<hbm>>) dst(%arg16 : memref<1024xi32, #tpu.memory_space<vmem>>)
      %dma_wait3A_153 = arith.constant 0 : i32
      %dma_wait3A_154 = tpu.memref_slice %arg2[%dma_wait3A_153] : memref<100352xi32, #tpu.memory_space<hbm>> -> memref<1024xi32, #tpu.memory_space<hbm>>
      %dma_wait3A_155 = arith.constant 0 : i32
      %dma_wait3A_156 = tpu.memref_slice %arg2[%dma_wait3A_155] : memref<100352xi32, #tpu.memory_space<hbm>> -> memref<1024xi32, #tpu.memory_space<hbm>>
      tpu.wait_dma2 semaphore(%arg31 : memref<!tpu.dma_semaphore, #tpu.memory_space<semaphore_mem>>) src(%dma_wait3A_156 : memref<1024xi32, #tpu.memory_space<hbm>>) dst(%arg18 : memref<1024xi32, #tpu.memory_space<vmem>>)
      %ge3A_157 = arith.constant 1 : i32
      %ge3A_158 = arith.cmpi sge, %add3A_91, %ge3A_157 : i32
      %convert_element_type3A_159 = arith.extui %ge3A_158 : i1 to i32
      %cond3A_160 = arith.constant 0 : i32
      %cond3A_161 = arith.cmpi ne, %convert_element_type3A_159, %cond3A_160 : i32
      scf.if %cond3A_161 {
        %dma_wait3A_180 = arith.constant 0 : i32
        %dma_wait3A_181 = tpu.memref_slice %arg8[%dma_wait3A_180] : memref<1638400xi32, #tpu.memory_space<hbm>> -> memref<1024xi32, #tpu.memory_space<hbm>>
        %dma_wait3A_182 = arith.constant 0 : i32
        %dma_wait3A_183 = tpu.memref_slice %arg8[%dma_wait3A_182] : memref<1638400xi32, #tpu.memory_space<hbm>> -> memref<1024xi32, #tpu.memory_space<hbm>>
        tpu.wait_dma2 semaphore(%arg33 : memref<!tpu.dma_semaphore, #tpu.memory_space<semaphore_mem>>) src(%arg20 : memref<1024xi32, #tpu.memory_space<vmem>>) dst(%dma_wait3A_183 : memref<1024xi32, #tpu.memory_space<hbm>>)
        %dma_wait3A_184 = arith.constant 0 : i32
        %dma_wait3A_185 = tpu.memref_slice %arg27[%dma_wait3A_184] : memref<100352xf32, #tpu.memory_space<vmem_shared>> -> memref<100352xf32, #tpu.memory_space<vmem_shared>>
        tpu.wait_indirect_dma semaphore(%arg35 : memref<!tpu.dma_semaphore, #tpu.memory_space<semaphore_mem>>) src(%arg22 : memref<1024xf32, #tpu.memory_space<vmem>>) dst(%dma_wait3A_185 : memref<100352xf32, #tpu.memory_space<vmem_shared>>)
      } else {
      }
      %scan3A_162 = arith.constant 0 : i32
      %scan3A_163 = arith.constant 64 : i32
      %scan3A_164 = arith.addi %scan3A_162, %scan3A_163 : i32
      %scan3A_165 = arith.constant 1 : i32
      scf.for %scan3A_180 = %scan3A_162 to %scan3A_164 step %scan3A_165  : i32 {
        %mul3A_181 = arith.constant 1 : i32
        %mul3A_182 = arith.muli %scan3A_180, %mul3A_181 : i32
        %add3A_183 = arith.constant 0 : i32
        %add3A_184 = arith.addi %add3A_183, %mul3A_182 : i32
        %mul3A_185 = arith.constant 16 : i32
        %mul3A_186 = arith.muli %add3A_184, %mul3A_185 : i32
        %get3A = arith.index_cast %mul3A_186 : i32 to index
        %get3A_187 = tpu.vector_load %arg16[%get3A] {strides = array<i32>} : memref<1024xi32, #tpu.memory_space<vmem>>, vector<16xi32>,
        %get3A_188 = arith.index_cast %mul3A_186 : i32 to index
        %get3A_189 = tpu.vector_load %arg18[%get3A_188] {strides = array<i32>} : memref<1024xi32, #tpu.memory_space<vmem>>, vector<16xi32>,
        %gather3A = tpu.vector_load_idx %arg25[%get3A_187] : memref<96xf32, #tpu.memory_space<vmem>>[vector<16xi32>], vector<16xf32>,
        %gather3A_190 = tpu.vector_load_idx %arg25[%get3A_189] : memref<96xf32, #tpu.memory_space<vmem>>[vector<16xi32>], vector<16xf32>,
        %add3A_191 = arith.addf %gather3A, %gather3A_190 : vector<16xf32>
        %mul3A_192 = arith.constant 1.33333337 : f32
        %mul3A_193 = vector.broadcast %mul3A_192 : f32 to vector<16xf32>
        %mul3A_194 = arith.mulf %mul3A_193, %add3A_191 : vector<16xf32>
        %get3A_195 = arith.index_cast %mul3A_186 : i32 to index
        %get3A_196 = tpu.vector_load %arg14[%get3A_195] {strides = array<i32>} : memref<1024xf32, #tpu.memory_space<vmem>>, vector<16xf32>,
        %div3A_197 = arith.divf %mul3A_194, %get3A_196 : vector<16xf32>
        %sub3A_198 = arith.constant 1.000000e+00 : f32
        %sub3A_199 = vector.broadcast %sub3A_198 : f32 to vector<16xf32>
        %sub3A_200 = arith.subf %div3A_197, %sub3A_199 : vector<16xf32>
        %mul3A_201 = arith.constant -1.600000e+01 : f32
        %mul3A_202 = vector.broadcast %mul3A_201 : f32 to vector<16xf32>
        %mul3A_203 = arith.mulf %mul3A_202, %sub3A_200 : vector<16xf32>
        %exp3A = math.exp %mul3A_203 : vector<16xf32>
        %add3A_204 = arith.constant 1.000000e+00 : f32
        %add3A_205 = vector.broadcast %add3A_204 : f32 to vector<16xf32>
        %add3A_206 = arith.addf %add3A_205, %exp3A : vector<16xf32>
        %div3A_207 = arith.constant 1.000000e+00 : f32
        %div3A_208 = vector.broadcast %div3A_207 : f32 to vector<16xf32>
        %div3A_209 = arith.divf %div3A_208, %add3A_206 : vector<16xf32>
        %swap3A = arith.index_cast %mul3A_186 : i32 to index
        %swap3A_210 = tpu.vector_load %arg22[%swap3A] {strides = array<i32>} : memref<1024xf32, #tpu.memory_space<vmem>>, vector<16xf32>,
        tpu.vector_store %arg22[%swap3A], %div3A_209 {strides = array<i32>} : memref<1024xf32, #tpu.memory_space<vmem>>, vector<16xf32>,
        %mul3A_211 = arith.constant 95 : i32
        %mul3A_212 = vector.broadcast %mul3A_211 : i32 to vector<16xi32>
        %mul3A_213 = arith.muli %get3A_187, %mul3A_212 : vector<16xi32>
        %add3A_214 = arith.addi %mul3A_213, %get3A_189 : vector<16xi32>
        %swap3A_215 = arith.index_cast %mul3A_186 : i32 to index
        %swap3A_216 = tpu.vector_load %arg20[%swap3A_215] {strides = array<i32>} : memref<1024xi32, #tpu.memory_space<vmem>>, vector<16xi32>,
        tpu.vector_store %arg20[%swap3A_215], %add3A_214 {strides = array<i32>} : memref<1024xi32, #tpu.memory_space<vmem>>, vector<16xi32>,
        %get3A_217 = arith.index_cast %mul3A_186 : i32 to index
        %get3A_218 = tpu.vector_load %arg10[%get3A_217] {strides = array<i32>} : memref<1024xi32, #tpu.memory_space<vmem>>, vector<16xi32>,
        %swap3A_219 = arith.index_cast %mul3A_186 : i32 to index
        %swap3A_220 = tpu.vector_load %arg24[%swap3A_219] {strides = array<i32>} : memref<1024xi32, #tpu.memory_space<vmem>>, vector<16xi32>,
        tpu.vector_store %arg24[%swap3A_219], %get3A_218 {strides = array<i32>} : memref<1024xi32, #tpu.memory_space<vmem>>, vector<16xi32>,
      }
      %scan3A_166 = arith.constant 64 : i32
      %mul3A_167 = arith.constant 1024 : i32
      %mul3A_168 = arith.muli %add3A_142, %mul3A_167 : i32
      %add3A_169 = arith.addi %select_n3A, %mul3A_168 : i32
      %dma_start3A_170 = tpu.memref_slice %arg8[%add3A_169] : memref<1638400xi32, #tpu.memory_space<hbm>> -> memref<1024xi32, #tpu.memory_space<hbm>>
      %dma_start3A_171 = tpu.memref_slice %arg8[%add3A_169] : memref<1638400xi32, #tpu.memory_space<hbm>> -> memref<1024xi32, #tpu.memory_space<hbm>>
      tpu.enqueue_dma source(%arg20 : memref<1024xi32, #tpu.memory_space<vmem>>) target(%dma_start3A_171 : memref<1024xi32, #tpu.memory_space<hbm>>) target_semaphore(%arg33 : memref<!tpu.dma_semaphore, #tpu.memory_space<semaphore_mem>>)
      %dma_start3A_172 = arith.constant 0 : i32
      %dma_start3A_173 = tpu.memref_slice %arg27[%dma_start3A_172] : memref<100352xf32, #tpu.memory_space<vmem_shared>> -> memref<100352xf32, #tpu.memory_space<vmem_shared>>
      tpu.enqueue_indirect_dma source(%arg22 : memref<1024xf32, #tpu.memory_space<vmem>>) target(%dma_start3A_173 : memref<100352xf32, #tpu.memory_space<vmem_shared>>) offsets(%arg24 : memref<1024xi32, #tpu.memory_space<vmem>>) semaphore(%arg35 : memref<!tpu.dma_semaphore, #tpu.memory_space<semaphore_mem>>) {add = true}
      %sub3A_174 = arith.constant 1 : i32
      %sub3A_175 = arith.subi %select_n3A_14, %sub3A_174 : i32
      %lt3A_176 = arith.cmpi slt, %add3A_91, %sub3A_175 : i32
      %convert_element_type3A_177 = arith.extui %lt3A_176 : i1 to i32
      %cond3A_178 = arith.constant 0 : i32
      %cond3A_179 = arith.cmpi ne, %convert_element_type3A_177, %cond3A_178 : i32
      scf.if %cond3A_179 {
        %add3A_180 = arith.constant 2 : i32
        %add3A_181 = arith.addi %add3A_142, %add3A_180 : i32
        %mul3A_182 = arith.constant 1024 : i32
        %mul3A_183 = arith.muli %add3A_181, %mul3A_182 : i32
        %add3A_184 = arith.addi %select_n3A, %mul3A_183 : i32
        %dma_start3A_185 = tpu.memref_slice %arg3[%add3A_184] : memref<1638400xi32, #tpu.memory_space<hbm>> -> memref<1024xi32, #tpu.memory_space<hbm>>
        %dma_start3A_186 = tpu.memref_slice %arg3[%add3A_184] : memref<1638400xi32, #tpu.memory_space<hbm>> -> memref<1024xi32, #tpu.memory_space<hbm>>
        tpu.enqueue_dma source(%dma_start3A_186 : memref<1024xi32, #tpu.memory_space<hbm>>) target(%arg10 : memref<1024xi32, #tpu.memory_space<vmem>>) target_semaphore(%arg29 : memref<!tpu.dma_semaphore, #tpu.memory_space<semaphore_mem>>)
        %mul3A_187 = arith.constant 1024 : i32
        %mul3A_188 = arith.muli %add3A_181, %mul3A_187 : i32
        %add3A_189 = arith.addi %select_n3A, %mul3A_188 : i32
        %dma_start3A_190 = tpu.memref_slice %arg4[%add3A_189] : memref<1638400xi32, #tpu.memory_space<hbm>> -> memref<1024xi32, #tpu.memory_space<hbm>>
        %dma_start3A_191 = tpu.memref_slice %arg4[%add3A_189] : memref<1638400xi32, #tpu.memory_space<hbm>> -> memref<1024xi32, #tpu.memory_space<hbm>>
        tpu.enqueue_dma source(%dma_start3A_191 : memref<1024xi32, #tpu.memory_space<hbm>>) target(%arg12 : memref<1024xi32, #tpu.memory_space<vmem>>) target_semaphore(%arg29 : memref<!tpu.dma_semaphore, #tpu.memory_space<semaphore_mem>>)
        %mul3A_192 = arith.constant 1024 : i32
        %mul3A_193 = arith.muli %add3A_181, %mul3A_192 : i32
        %add3A_194 = arith.addi %select_n3A, %mul3A_193 : i32
        %dma_start3A_195 = tpu.memref_slice %arg5[%add3A_194] : memref<1638400xf32, #tpu.memory_space<hbm>> -> memref<1024xf32, #tpu.memory_space<hbm>>
        %dma_start3A_196 = tpu.memref_slice %arg5[%add3A_194] : memref<1638400xf32, #tpu.memory_space<hbm>> -> memref<1024xf32, #tpu.memory_space<hbm>>
        tpu.enqueue_dma source(%dma_start3A_196 : memref<1024xf32, #tpu.memory_space<hbm>>) target(%arg14 : memref<1024xf32, #tpu.memory_space<vmem>>) target_semaphore(%arg29 : memref<!tpu.dma_semaphore, #tpu.memory_space<semaphore_mem>>)
      } else {
      }
    }
    %dma_wait3A_69 = arith.constant 0 : i32
    %dma_wait3A_70 = tpu.memref_slice %arg8[%dma_wait3A_69] : memref<1638400xi32, #tpu.memory_space<hbm>> -> memref<1024xi32, #tpu.memory_space<hbm>>
    %dma_wait3A_71 = arith.constant 0 : i32
    %dma_wait3A_72 = tpu.memref_slice %arg8[%dma_wait3A_71] : memref<1638400xi32, #tpu.memory_space<hbm>> -> memref<1024xi32, #tpu.memory_space<hbm>>
    tpu.wait_dma2 semaphore(%arg32 : memref<!tpu.dma_semaphore, #tpu.memory_space<semaphore_mem>>) src(%arg19 : memref<1024xi32, #tpu.memory_space<vmem>>) dst(%dma_wait3A_72 : memref<1024xi32, #tpu.memory_space<hbm>>)
    %dma_wait3A_73 = arith.constant 0 : i32
    %dma_wait3A_74 = tpu.memref_slice %arg8[%dma_wait3A_73] : memref<1638400xi32, #tpu.memory_space<hbm>> -> memref<1024xi32, #tpu.memory_space<hbm>>
    %dma_wait3A_75 = arith.constant 0 : i32
    %dma_wait3A_76 = tpu.memref_slice %arg8[%dma_wait3A_75] : memref<1638400xi32, #tpu.memory_space<hbm>> -> memref<1024xi32, #tpu.memory_space<hbm>>
    tpu.wait_dma2 semaphore(%arg33 : memref<!tpu.dma_semaphore, #tpu.memory_space<semaphore_mem>>) src(%arg20 : memref<1024xi32, #tpu.memory_space<vmem>>) dst(%dma_wait3A_76 : memref<1024xi32, #tpu.memory_space<hbm>>)
    %dma_wait3A_77 = arith.constant 0 : i32
    %dma_wait3A_78 = tpu.memref_slice %arg27[%dma_wait3A_77] : memref<100352xf32, #tpu.memory_space<vmem_shared>> -> memref<100352xf32, #tpu.memory_space<vmem_shared>>
    tpu.wait_indirect_dma semaphore(%arg34 : memref<!tpu.dma_semaphore, #tpu.memory_space<semaphore_mem>>) src(%arg21 : memref<1024xf32, #tpu.memory_space<vmem>>) dst(%dma_wait3A_78 : memref<100352xf32, #tpu.memory_space<vmem_shared>>)
    %dma_wait3A_79 = arith.constant 0 : i32
    %dma_wait3A_80 = tpu.memref_slice %arg27[%dma_wait3A_79] : memref<100352xf32, #tpu.memory_space<vmem_shared>> -> memref<100352xf32, #tpu.memory_space<vmem_shared>>
    tpu.wait_indirect_dma semaphore(%arg35 : memref<!tpu.dma_semaphore, #tpu.memory_space<semaphore_mem>>) src(%arg22 : memref<1024xf32, #tpu.memory_space<vmem>>) dst(%dma_wait3A_80 : memref<100352xf32, #tpu.memory_space<vmem_shared>>)
    %barrier3A_81 = arith.constant 0 : index
    tpu.barrier barrier_id(%barrier3A_81)
    %mul3A_82 = arith.constant 6272 : i32
    %mul3A_83 = arith.muli %arg1, %mul3A_82 : i32
    %mul3A_84 = arith.constant 100352 : i32
    %mul3A_85 = arith.muli %arg0, %mul3A_84 : i32
    %mul3A_86 = arith.constant 6272 : i32
    %mul3A_87 = arith.muli %arg1, %mul3A_86 : i32
    %add3A_88 = arith.addi %mul3A_85, %mul3A_87 : i32
    "tpu.region"() ({
      %run_scoped3A = tpu.sem_alloc : memref<!tpu.dma_semaphore, #tpu.memory_space<semaphore_mem>>
      %dma_start3A_89 = tpu.memref_slice %arg7[%add3A_88] : memref<200704xf32, #tpu.memory_space<hbm>> -> memref<6272xf32, #tpu.memory_space<hbm>>
      %dma_start3A_90 = tpu.memref_slice %arg27[%mul3A_83] : memref<100352xf32, #tpu.memory_space<vmem_shared>> -> memref<6272xf32, #tpu.memory_space<vmem_shared>>
      tpu.enqueue_dma source(%dma_start3A_90 : memref<6272xf32, #tpu.memory_space<vmem_shared>>) target(%dma_start3A_89 : memref<6272xf32, #tpu.memory_space<hbm>>) target_semaphore(%run_scoped3A : memref<!tpu.dma_semaphore, #tpu.memory_space<semaphore_mem>>)
      %dma_wait3A_91 = tpu.memref_slice %arg7[%add3A_88] : memref<200704xf32, #tpu.memory_space<hbm>> -> memref<6272xf32, #tpu.memory_space<hbm>>
      %dma_wait3A_92 = tpu.memref_slice %arg27[%mul3A_83] : memref<100352xf32, #tpu.memory_space<vmem_shared>> -> memref<6272xf32, #tpu.memory_space<vmem_shared>>
      tpu.wait_dma2 semaphore(%run_scoped3A : memref<!tpu.dma_semaphore, #tpu.memory_space<semaphore_mem>>) src(%dma_wait3A_92 : memref<6272xf32, #tpu.memory_space<vmem_shared>>) dst(%dma_wait3A_91 : memref<6272xf32, #tpu.memory_space<hbm>>)
      tpu.yield
    }) : () -> ()
    return
  }
}

#map = affine_map<(d0, d1) -> (0)>
#map1 = affine_map<(d0, d1) -> (0, 0)>
module attributes {stable_mosaic.version = 14 : i64} {
  func.func @_edisp_kernel(%arg0: i32, %arg1: i32, %arg2: memref<1638400xi32, #tpu.memory_space<hbm>>, %arg3: memref<1638400xi32, #tpu.memory_space<hbm>>, %arg4: memref<1638400xf32, #tpu.memory_space<hbm>>, %arg5: memref<1638400xi32, #tpu.memory_space<hbm>>, %arg6: memref<100352x8xf32, #tpu.memory_space<hbm>>, %arg7: memref<9025x16xi32, #tpu.memory_space<hbm>>, %arg8: memref<200704xf32, #tpu.memory_space<hbm>>, %arg9: memref<1024xi32, #tpu.memory_space<vmem>>, %arg10: memref<1024xi32, #tpu.memory_space<vmem>>, %arg11: memref<1024xi32, #tpu.memory_space<vmem>>, %arg12: memref<1024xi32, #tpu.memory_space<vmem>>, %arg13: memref<1024xi32, #tpu.memory_space<vmem>>, %arg14: memref<1024xi32, #tpu.memory_space<vmem>>, %arg15: memref<1024xf32, #tpu.memory_space<vmem>>, %arg16: memref<1024xf32, #tpu.memory_space<vmem>>, %arg17: memref<1024x8xf32, #tpu.memory_space<vmem>>, %arg18: memref<1024x8xf32, #tpu.memory_space<vmem>>, %arg19: memref<1024x8xf32, #tpu.memory_space<vmem>>, %arg20: memref<1024x8xf32, #tpu.memory_space<vmem>>, %arg21: memref<1024x16xi32, #tpu.memory_space<vmem>>, %arg22: memref<1024x16xi32, #tpu.memory_space<vmem>>, %arg23: memref<1024xf32, #tpu.memory_space<vmem>>, %arg24: memref<1024xf32, #tpu.memory_space<vmem>>, %arg25: memref<1024xi32, #tpu.memory_space<vmem>>, %arg26: memref<1024xi32, #tpu.memory_space<vmem>>, %arg27: memref<6272xf32, #tpu.memory_space<vmem>>, %arg28: memref<100352xf32, #tpu.memory_space<vmem_shared>>, %arg29: memref<!tpu.dma_semaphore, #tpu.memory_space<semaphore_mem>>, %arg30: memref<!tpu.dma_semaphore, #tpu.memory_space<semaphore_mem>>, %arg31: memref<!tpu.dma_semaphore, #tpu.memory_space<semaphore_mem>>, %arg32: memref<!tpu.dma_semaphore, #tpu.memory_space<semaphore_mem>>, %arg33: memref<!tpu.dma_semaphore, #tpu.memory_space<semaphore_mem>>, %arg34: memref<!tpu.dma_semaphore, #tpu.memory_space<semaphore_mem>>) attributes {dimension_semantics = [#tpu.dimension_semantics<core_parallel>, #tpu.dimension_semantics<subcore_parallel>], iteration_bounds = array<i64: 2, 16>, scalar_prefetch = 0 : i64, scratch_operands = 26 : i64, tpu.core_type = #tpu.core_type<sc_vector_subcore>, window_params = [{transform_indices = #map}, {transform_indices = #map}, {transform_indices = #map}, {transform_indices = #map}, {transform_indices = #map1}, {transform_indices = #map1}, {transform_indices = #map}]} {
    %scan3A = arith.constant 0 : i32
    %scan3A_0 = arith.constant 392 : i32
    %scan3A_1 = arith.addi %scan3A, %scan3A_0 : i32
    %scan3A_2 = arith.constant 1 : i32
    scf.for %scan3A_129 = %scan3A to %scan3A_1 step %scan3A_2  : i32 {
      %mul3A_130 = arith.constant 1 : i32
      %mul3A_131 = arith.muli %scan3A_129, %mul3A_130 : i32
      %add3A_132 = arith.constant 0 : i32
      %add3A_133 = arith.addi %add3A_132, %mul3A_131 : i32
      %broadcast_in_dim3A_134 = arith.constant 0.000000e+00 : f32
      %broadcast_in_dim3A_135 = vector.broadcast %broadcast_in_dim3A_134 : f32 to vector<16xf32>
      %mul3A_136 = arith.constant 16 : i32
      %mul3A_137 = arith.muli %add3A_133, %mul3A_136 : i32
      %swap3A = arith.index_cast %mul3A_137 : i32 to index
      %swap3A_138 = tpu.vector_load %arg27[%swap3A] {strides = array<i32>} : memref<6272xf32, #tpu.memory_space<vmem>>, vector<16xf32>,
      tpu.vector_store %arg27[%swap3A], %broadcast_in_dim3A_135 {strides = array<i32>} : memref<6272xf32, #tpu.memory_space<vmem>>, vector<16xf32>,
    }
    %scan3A_3 = arith.constant 392 : i32
    %mul3A = arith.constant 6272 : i32
    %mul3A_4 = arith.muli %arg1, %mul3A : i32
    "tpu.region"() ({
      %run_scoped3A = tpu.sem_alloc : memref<!tpu.dma_semaphore, #tpu.memory_space<semaphore_mem>>
      %dma_start3A_129 = tpu.memref_slice %arg28[%mul3A_4] : memref<100352xf32, #tpu.memory_space<vmem_shared>> -> memref<6272xf32, #tpu.memory_space<vmem_shared>>
      %dma_start3A_130 = tpu.memref_slice %arg28[%mul3A_4] : memref<100352xf32, #tpu.memory_space<vmem_shared>> -> memref<6272xf32, #tpu.memory_space<vmem_shared>>
      tpu.enqueue_dma source(%arg27 : memref<6272xf32, #tpu.memory_space<vmem>>) target(%dma_start3A_130 : memref<6272xf32, #tpu.memory_space<vmem_shared>>) target_semaphore(%run_scoped3A : memref<!tpu.dma_semaphore, #tpu.memory_space<semaphore_mem>>)
      %dma_wait3A_131 = tpu.memref_slice %arg28[%mul3A_4] : memref<100352xf32, #tpu.memory_space<vmem_shared>> -> memref<6272xf32, #tpu.memory_space<vmem_shared>>
      %dma_wait3A_132 = tpu.memref_slice %arg28[%mul3A_4] : memref<100352xf32, #tpu.memory_space<vmem_shared>> -> memref<6272xf32, #tpu.memory_space<vmem_shared>>
      tpu.wait_dma2 semaphore(%run_scoped3A : memref<!tpu.dma_semaphore, #tpu.memory_space<semaphore_mem>>) src(%arg27 : memref<6272xf32, #tpu.memory_space<vmem>>) dst(%dma_wait3A_132 : memref<6272xf32, #tpu.memory_space<vmem_shared>>)
      tpu.yield
    }) : () -> ()
    %barrier3A = arith.constant 0 : index
    tpu.barrier barrier_id(%barrier3A)
    %eq3A = arith.constant 0 : i32
    %eq3A_5 = arith.cmpi eq, %arg0, %eq3A : i32
    %mul3A_6 = arith.constant 57344 : i32
    %mul3A_7 = arith.muli %arg1, %mul3A_6 : i32
    %mul3A_8 = arith.constant 45056 : i32
    %mul3A_9 = arith.muli %arg1, %mul3A_8 : i32
    %add3A = arith.constant 917504 : i32
    %add3A_10 = arith.addi %add3A, %mul3A_9 : i32
    %select_n3A = arith.select %eq3A_5, %mul3A_7, %add3A_10 : i32
    %eq3A_11 = arith.constant 0 : i32
    %eq3A_12 = arith.cmpi eq, %arg0, %eq3A_11 : i32
    %jit3A = arith.constant 28 : i32
    %jit3A_13 = arith.constant 22 : i32
    %select_n3A_14 = arith.select %eq3A_12, %jit3A, %jit3A_13 : i32
    %iota3A = tpu.iota {dimensions = array<i32: 0>} : vector<16xi32>
    %broadcast_in_dim3A = arith.constant 0 : i32
    %broadcast_in_dim3A_15 = vector.broadcast %broadcast_in_dim3A : i32 to vector<16xi32>
    %broadcast_in_dim3A_16 = arith.constant 1 : i32
    %broadcast_in_dim3A_17 = vector.broadcast %broadcast_in_dim3A_16 : i32 to vector<16xi32>
    %broadcast_in_dim3A_18 = arith.constant 2 : i32
    %broadcast_in_dim3A_19 = vector.broadcast %broadcast_in_dim3A_18 : i32 to vector<16xi32>
    %broadcast_in_dim3A_20 = arith.constant 3 : i32
    %broadcast_in_dim3A_21 = vector.broadcast %broadcast_in_dim3A_20 : i32 to vector<16xi32>
    %broadcast_in_dim3A_22 = arith.constant 4 : i32
    %broadcast_in_dim3A_23 = vector.broadcast %broadcast_in_dim3A_22 : i32 to vector<16xi32>
    %broadcast_in_dim3A_24 = arith.constant 5 : i32
    %broadcast_in_dim3A_25 = vector.broadcast %broadcast_in_dim3A_24 : i32 to vector<16xi32>
    %broadcast_in_dim3A_26 = arith.constant 6 : i32
    %broadcast_in_dim3A_27 = vector.broadcast %broadcast_in_dim3A_26 : i32 to vector<16xi32>
    %broadcast_in_dim3A_28 = arith.constant 7 : i32
    %broadcast_in_dim3A_29 = vector.broadcast %broadcast_in_dim3A_28 : i32 to vector<16xi32>
    %broadcast_in_dim3A_30 = arith.constant 8 : i32
    %broadcast_in_dim3A_31 = vector.broadcast %broadcast_in_dim3A_30 : i32 to vector<16xi32>
    %broadcast_in_dim3A_32 = arith.constant 9 : i32
    %broadcast_in_dim3A_33 = vector.broadcast %broadcast_in_dim3A_32 : i32 to vector<16xi32>
    %broadcast_in_dim3A_34 = arith.constant 10 : i32
    %broadcast_in_dim3A_35 = vector.broadcast %broadcast_in_dim3A_34 : i32 to vector<16xi32>
    %broadcast_in_dim3A_36 = arith.constant 11 : i32
    %broadcast_in_dim3A_37 = vector.broadcast %broadcast_in_dim3A_36 : i32 to vector<16xi32>
    %broadcast_in_dim3A_38 = arith.constant 12 : i32
    %broadcast_in_dim3A_39 = vector.broadcast %broadcast_in_dim3A_38 : i32 to vector<16xi32>
    %broadcast_in_dim3A_40 = arith.constant 13 : i32
    %broadcast_in_dim3A_41 = vector.broadcast %broadcast_in_dim3A_40 : i32 to vector<16xi32>
    %broadcast_in_dim3A_42 = arith.constant 14 : i32
    %broadcast_in_dim3A_43 = vector.broadcast %broadcast_in_dim3A_42 : i32 to vector<16xi32>
    %broadcast_in_dim3A_44 = arith.constant 15 : i32
    %broadcast_in_dim3A_45 = vector.broadcast %broadcast_in_dim3A_44 : i32 to vector<16xi32>
    %add3A_46 = arith.constant 0 : i32
    %add3A_47 = arith.addi %select_n3A, %add3A_46 : i32
    %dma_start3A = tpu.memref_slice %arg2[%add3A_47] : memref<1638400xi32, #tpu.memory_space<hbm>> -> memref<1024xi32, #tpu.memory_space<hbm>>
    %dma_start3A_48 = tpu.memref_slice %arg2[%add3A_47] : memref<1638400xi32, #tpu.memory_space<hbm>> -> memref<1024xi32, #tpu.memory_space<hbm>>
    tpu.enqueue_dma source(%dma_start3A_48 : memref<1024xi32, #tpu.memory_space<hbm>>) target(%arg9 : memref<1024xi32, #tpu.memory_space<vmem>>) target_semaphore(%arg29 : memref<!tpu.dma_semaphore, #tpu.memory_space<semaphore_mem>>)
    %add3A_49 = arith.constant 0 : i32
    %add3A_50 = arith.addi %select_n3A, %add3A_49 : i32
    %dma_start3A_51 = tpu.memref_slice %arg3[%add3A_50] : memref<1638400xi32, #tpu.memory_space<hbm>> -> memref<1024xi32, #tpu.memory_space<hbm>>
    %dma_start3A_52 = tpu.memref_slice %arg3[%add3A_50] : memref<1638400xi32, #tpu.memory_space<hbm>> -> memref<1024xi32, #tpu.memory_space<hbm>>
    tpu.enqueue_dma source(%dma_start3A_52 : memref<1024xi32, #tpu.memory_space<hbm>>) target(%arg11 : memref<1024xi32, #tpu.memory_space<vmem>>) target_semaphore(%arg29 : memref<!tpu.dma_semaphore, #tpu.memory_space<semaphore_mem>>)
    %add3A_53 = arith.constant 0 : i32
    %add3A_54 = arith.addi %select_n3A, %add3A_53 : i32
    %dma_start3A_55 = tpu.memref_slice %arg5[%add3A_54] : memref<1638400xi32, #tpu.memory_space<hbm>> -> memref<1024xi32, #tpu.memory_space<hbm>>
    %dma_start3A_56 = tpu.memref_slice %arg5[%add3A_54] : memref<1638400xi32, #tpu.memory_space<hbm>> -> memref<1024xi32, #tpu.memory_space<hbm>>
    tpu.enqueue_dma source(%dma_start3A_56 : memref<1024xi32, #tpu.memory_space<hbm>>) target(%arg13 : memref<1024xi32, #tpu.memory_space<vmem>>) target_semaphore(%arg29 : memref<!tpu.dma_semaphore, #tpu.memory_space<semaphore_mem>>)
    %add3A_57 = arith.constant 0 : i32
    %add3A_58 = arith.addi %select_n3A, %add3A_57 : i32
    %dma_start3A_59 = tpu.memref_slice %arg4[%add3A_58] : memref<1638400xf32, #tpu.memory_space<hbm>> -> memref<1024xf32, #tpu.memory_space<hbm>>
    %dma_start3A_60 = tpu.memref_slice %arg4[%add3A_58] : memref<1638400xf32, #tpu.memory_space<hbm>> -> memref<1024xf32, #tpu.memory_space<hbm>>
    tpu.enqueue_dma source(%dma_start3A_60 : memref<1024xf32, #tpu.memory_space<hbm>>) target(%arg15 : memref<1024xf32, #tpu.memory_space<vmem>>) target_semaphore(%arg29 : memref<!tpu.dma_semaphore, #tpu.memory_space<semaphore_mem>>)
    %dma_wait3A = arith.constant 0 : i32
    %dma_wait3A_61 = tpu.memref_slice %arg2[%dma_wait3A] : memref<1638400xi32, #tpu.memory_space<hbm>> -> memref<1024xi32, #tpu.memory_space<hbm>>
    %dma_wait3A_62 = arith.constant 0 : i32
    %dma_wait3A_63 = tpu.memref_slice %arg2[%dma_wait3A_62] : memref<1638400xi32, #tpu.memory_space<hbm>> -> memref<1024xi32, #tpu.memory_space<hbm>>
    tpu.wait_dma2 semaphore(%arg29 : memref<!tpu.dma_semaphore, #tpu.memory_space<semaphore_mem>>) src(%dma_wait3A_63 : memref<1024xi32, #tpu.memory_space<hbm>>) dst(%arg9 : memref<1024xi32, #tpu.memory_space<vmem>>)
    %dma_wait3A_64 = arith.constant 0 : i32
    %dma_wait3A_65 = tpu.memref_slice %arg3[%dma_wait3A_64] : memref<1638400xi32, #tpu.memory_space<hbm>> -> memref<1024xi32, #tpu.memory_space<hbm>>
    %dma_wait3A_66 = arith.constant 0 : i32
    %dma_wait3A_67 = tpu.memref_slice %arg3[%dma_wait3A_66] : memref<1638400xi32, #tpu.memory_space<hbm>> -> memref<1024xi32, #tpu.memory_space<hbm>>
    tpu.wait_dma2 semaphore(%arg29 : memref<!tpu.dma_semaphore, #tpu.memory_space<semaphore_mem>>) src(%dma_wait3A_67 : memref<1024xi32, #tpu.memory_space<hbm>>) dst(%arg11 : memref<1024xi32, #tpu.memory_space<vmem>>)
    %dma_wait3A_68 = arith.constant 0 : i32
    %dma_wait3A_69 = tpu.memref_slice %arg5[%dma_wait3A_68] : memref<1638400xi32, #tpu.memory_space<hbm>> -> memref<1024xi32, #tpu.memory_space<hbm>>
    %dma_wait3A_70 = arith.constant 0 : i32
    %dma_wait3A_71 = tpu.memref_slice %arg5[%dma_wait3A_70] : memref<1638400xi32, #tpu.memory_space<hbm>> -> memref<1024xi32, #tpu.memory_space<hbm>>
    tpu.wait_dma2 semaphore(%arg29 : memref<!tpu.dma_semaphore, #tpu.memory_space<semaphore_mem>>) src(%dma_wait3A_71 : memref<1024xi32, #tpu.memory_space<hbm>>) dst(%arg13 : memref<1024xi32, #tpu.memory_space<vmem>>)
    %dma_wait3A_72 = arith.constant 0 : i32
    %dma_wait3A_73 = tpu.memref_slice %arg4[%dma_wait3A_72] : memref<1638400xf32, #tpu.memory_space<hbm>> -> memref<1024xf32, #tpu.memory_space<hbm>>
    %dma_wait3A_74 = arith.constant 0 : i32
    %dma_wait3A_75 = tpu.memref_slice %arg4[%dma_wait3A_74] : memref<1638400xf32, #tpu.memory_space<hbm>> -> memref<1024xf32, #tpu.memory_space<hbm>>
    tpu.wait_dma2 semaphore(%arg29 : memref<!tpu.dma_semaphore, #tpu.memory_space<semaphore_mem>>) src(%dma_wait3A_75 : memref<1024xf32, #tpu.memory_space<hbm>>) dst(%arg15 : memref<1024xf32, #tpu.memory_space<vmem>>)
    %dma_start3A_76 = arith.constant 0 : i32
    %dma_start3A_77 = arith.constant 0 : i32
    %dma_start3A_78 = tpu.memref_slice %arg6[%dma_start3A_76, %dma_start3A_77] : memref<100352x8xf32, #tpu.memory_space<hbm>> -> memref<100352x8xf32, #tpu.memory_space<hbm>>
    tpu.enqueue_indirect_dma source(%dma_start3A_78 : memref<100352x8xf32, #tpu.memory_space<hbm>>) target(%arg17 : memref<1024x8xf32, #tpu.memory_space<vmem>>) offsets(%arg9 : memref<1024xi32, #tpu.memory_space<vmem>>) semaphore(%arg31 : memref<!tpu.dma_semaphore, #tpu.memory_space<semaphore_mem>>)
    %dma_start3A_79 = arith.constant 0 : i32
    %dma_start3A_80 = arith.constant 0 : i32
    %dma_start3A_81 = tpu.memref_slice %arg6[%dma_start3A_79, %dma_start3A_80] : memref<100352x8xf32, #tpu.memory_space<hbm>> -> memref<100352x8xf32, #tpu.memory_space<hbm>>
    tpu.enqueue_indirect_dma source(%dma_start3A_81 : memref<100352x8xf32, #tpu.memory_space<hbm>>) target(%arg19 : memref<1024x8xf32, #tpu.memory_space<vmem>>) offsets(%arg11 : memref<1024xi32, #tpu.memory_space<vmem>>) semaphore(%arg31 : memref<!tpu.dma_semaphore, #tpu.memory_space<semaphore_mem>>)
    %dma_start3A_82 = arith.constant 0 : i32
    %dma_start3A_83 = arith.constant 0 : i32
    %dma_start3A_84 = tpu.memref_slice %arg7[%dma_start3A_82, %dma_start3A_83] : memref<9025x16xi32, #tpu.memory_space<hbm>> -> memref<9025x16xi32, #tpu.memory_space<hbm>>
    tpu.enqueue_indirect_dma source(%dma_start3A_84 : memref<9025x16xi32, #tpu.memory_space<hbm>>) target(%arg21 : memref<1024x16xi32, #tpu.memory_space<vmem>>) offsets(%arg13 : memref<1024xi32, #tpu.memory_space<vmem>>) semaphore(%arg31 : memref<!tpu.dma_semaphore, #tpu.memory_space<semaphore_mem>>)
    %add3A_85 = arith.constant 1024 : i32
    %add3A_86 = arith.addi %select_n3A, %add3A_85 : i32
    %dma_start3A_87 = tpu.memref_slice %arg2[%add3A_86] : memref<1638400xi32, #tpu.memory_space<hbm>> -> memref<1024xi32, #tpu.memory_space<hbm>>
    %dma_start3A_88 = tpu.memref_slice %arg2[%add3A_86] : memref<1638400xi32, #tpu.memory_space<hbm>> -> memref<1024xi32, #tpu.memory_space<hbm>>
    tpu.enqueue_dma source(%dma_start3A_88 : memref<1024xi32, #tpu.memory_space<hbm>>) target(%arg10 : memref<1024xi32, #tpu.memory_space<vmem>>) target_semaphore(%arg30 : memref<!tpu.dma_semaphore, #tpu.memory_space<semaphore_mem>>)
    %add3A_89 = arith.constant 1024 : i32
    %add3A_90 = arith.addi %select_n3A, %add3A_89 : i32
    %dma_start3A_91 = tpu.memref_slice %arg3[%add3A_90] : memref<1638400xi32, #tpu.memory_space<hbm>> -> memref<1024xi32, #tpu.memory_space<hbm>>
    %dma_start3A_92 = tpu.memref_slice %arg3[%add3A_90] : memref<1638400xi32, #tpu.memory_space<hbm>> -> memref<1024xi32, #tpu.memory_space<hbm>>
    tpu.enqueue_dma source(%dma_start3A_92 : memref<1024xi32, #tpu.memory_space<hbm>>) target(%arg12 : memref<1024xi32, #tpu.memory_space<vmem>>) target_semaphore(%arg30 : memref<!tpu.dma_semaphore, #tpu.memory_space<semaphore_mem>>)
    %add3A_93 = arith.constant 1024 : i32
    %add3A_94 = arith.addi %select_n3A, %add3A_93 : i32
    %dma_start3A_95 = tpu.memref_slice %arg5[%add3A_94] : memref<1638400xi32, #tpu.memory_space<hbm>> -> memref<1024xi32, #tpu.memory_space<hbm>>
    %dma_start3A_96 = tpu.memref_slice %arg5[%add3A_94] : memref<1638400xi32, #tpu.memory_space<hbm>> -> memref<1024xi32, #tpu.memory_space<hbm>>
    tpu.enqueue_dma source(%dma_start3A_96 : memref<1024xi32, #tpu.memory_space<hbm>>) target(%arg14 : memref<1024xi32, #tpu.memory_space<vmem>>) target_semaphore(%arg30 : memref<!tpu.dma_semaphore, #tpu.memory_space<semaphore_mem>>)
    %add3A_97 = arith.constant 1024 : i32
    %add3A_98 = arith.addi %select_n3A, %add3A_97 : i32
    %dma_start3A_99 = tpu.memref_slice %arg4[%add3A_98] : memref<1638400xf32, #tpu.memory_space<hbm>> -> memref<1024xf32, #tpu.memory_space<hbm>>
    %dma_start3A_100 = tpu.memref_slice %arg4[%add3A_98] : memref<1638400xf32, #tpu.memory_space<hbm>> -> memref<1024xf32, #tpu.memory_space<hbm>>
    tpu.enqueue_dma source(%dma_start3A_100 : memref<1024xf32, #tpu.memory_space<hbm>>) target(%arg16 : memref<1024xf32, #tpu.memory_space<vmem>>) target_semaphore(%arg30 : memref<!tpu.dma_semaphore, #tpu.memory_space<semaphore_mem>>)
    %sub3A = arith.constant 0 : i32
    %sub3A_101 = arith.subi %select_n3A_14, %sub3A : i32
    %sub3A_102 = arith.constant 1 : i32
    %sub3A_103 = arith.constant 1 : i32
    %sub3A_104 = arith.subi %sub3A_102, %sub3A_103 : i32
    %add3A_105 = arith.addi %sub3A_101, %sub3A_104 : i32
    %div3A = arith.constant 1 : i32
    %div3A_106 = arith.divsi %add3A_105, %div3A : i32
    %while3A = arith.constant 1 : i32
    %while3A_107 = arith.constant 0 : i32
    %while3A_108 = arith.constant 0 : i32
    %while3A_109 = arith.subi %div3A_106, %while3A_108 : i32
    %while3A_110 = arith.addi %while3A_108, %while3A_109 : i32
    %while3A_111 = arith.constant 1 : i32
    %while3A_112 = arith.divsi %while3A_109, %while3A_111 : i32
    %while3A_113 = arith.muli %while3A_112, %while3A_111 : i32
    %while3A_114 = arith.addi %while3A_108, %while3A_113 : i32
    %while3A_115 = arith.constant 1 : i32
    scf.for %while3A_129 = %while3A_108 to %while3A_114 step %while3A_115  : i32 {
      %mul3A_130 = arith.muli %while3A_129, %while3A : i32
      %add3A_131 = arith.addi %while3A_107, %mul3A_130 : i32
      %mul3A_132 = arith.constant 2 : i32
      %mul3A_133 = arith.muli %mul3A_132, %add3A_131 : i32
      %add3A_134 = arith.constant 0 : i32
      %add3A_135 = arith.addi %mul3A_133, %add3A_134 : i32
      %dma_wait3A_136 = arith.constant 0 : i32
      %dma_wait3A_137 = tpu.memref_slice %arg2[%dma_wait3A_136] : memref<1638400xi32, #tpu.memory_space<hbm>> -> memref<1024xi32, #tpu.memory_space<hbm>>
      %dma_wait3A_138 = arith.constant 0 : i32
      %dma_wait3A_139 = tpu.memref_slice %arg2[%dma_wait3A_138] : memref<1638400xi32, #tpu.memory_space<hbm>> -> memref<1024xi32, #tpu.memory_space<hbm>>
      tpu.wait_dma2 semaphore(%arg30 : memref<!tpu.dma_semaphore, #tpu.memory_space<semaphore_mem>>) src(%dma_wait3A_139 : memref<1024xi32, #tpu.memory_space<hbm>>) dst(%arg10 : memref<1024xi32, #tpu.memory_space<vmem>>)
      %dma_wait3A_140 = arith.constant 0 : i32
      %dma_wait3A_141 = tpu.memref_slice %arg3[%dma_wait3A_140] : memref<1638400xi32, #tpu.memory_space<hbm>> -> memref<1024xi32, #tpu.memory_space<hbm>>
      %dma_wait3A_142 = arith.constant 0 : i32
      %dma_wait3A_143 = tpu.memref_slice %arg3[%dma_wait3A_142] : memref<1638400xi32, #tpu.memory_space<hbm>> -> memref<1024xi32, #tpu.memory_space<hbm>>
      tpu.wait_dma2 semaphore(%arg30 : memref<!tpu.dma_semaphore, #tpu.memory_space<semaphore_mem>>) src(%dma_wait3A_143 : memref<1024xi32, #tpu.memory_space<hbm>>) dst(%arg12 : memref<1024xi32, #tpu.memory_space<vmem>>)
      %dma_wait3A_144 = arith.constant 0 : i32
      %dma_wait3A_145 = tpu.memref_slice %arg5[%dma_wait3A_144] : memref<1638400xi32, #tpu.memory_space<hbm>> -> memref<1024xi32, #tpu.memory_space<hbm>>
      %dma_wait3A_146 = arith.constant 0 : i32
      %dma_wait3A_147 = tpu.memref_slice %arg5[%dma_wait3A_146] : memref<1638400xi32, #tpu.memory_space<hbm>> -> memref<1024xi32, #tpu.memory_space<hbm>>
      tpu.wait_dma2 semaphore(%arg30 : memref<!tpu.dma_semaphore, #tpu.memory_space<semaphore_mem>>) src(%dma_wait3A_147 : memref<1024xi32, #tpu.memory_space<hbm>>) dst(%arg14 : memref<1024xi32, #tpu.memory_space<vmem>>)
      %dma_wait3A_148 = arith.constant 0 : i32
      %dma_wait3A_149 = tpu.memref_slice %arg4[%dma_wait3A_148] : memref<1638400xf32, #tpu.memory_space<hbm>> -> memref<1024xf32, #tpu.memory_space<hbm>>
      %dma_wait3A_150 = arith.constant 0 : i32
      %dma_wait3A_151 = tpu.memref_slice %arg4[%dma_wait3A_150] : memref<1638400xf32, #tpu.memory_space<hbm>> -> memref<1024xf32, #tpu.memory_space<hbm>>
      tpu.wait_dma2 semaphore(%arg30 : memref<!tpu.dma_semaphore, #tpu.memory_space<semaphore_mem>>) src(%dma_wait3A_151 : memref<1024xf32, #tpu.memory_space<hbm>>) dst(%arg16 : memref<1024xf32, #tpu.memory_space<vmem>>)
      %dma_start3A_152 = arith.constant 0 : i32
      %dma_start3A_153 = arith.constant 0 : i32
      %dma_start3A_154 = tpu.memref_slice %arg6[%dma_start3A_152, %dma_start3A_153] : memref<100352x8xf32, #tpu.memory_space<hbm>> -> memref<100352x8xf32, #tpu.memory_space<hbm>>
      tpu.enqueue_indirect_dma source(%dma_start3A_154 : memref<100352x8xf32, #tpu.memory_space<hbm>>) target(%arg18 : memref<1024x8xf32, #tpu.memory_space<vmem>>) offsets(%arg10 : memref<1024xi32, #tpu.memory_space<vmem>>) semaphore(%arg32 : memref<!tpu.dma_semaphore, #tpu.memory_space<semaphore_mem>>)
      %dma_start3A_155 = arith.constant 0 : i32
      %dma_start3A_156 = arith.constant 0 : i32
      %dma_start3A_157 = tpu.memref_slice %arg6[%dma_start3A_155, %dma_start3A_156] : memref<100352x8xf32, #tpu.memory_space<hbm>> -> memref<100352x8xf32, #tpu.memory_space<hbm>>
      tpu.enqueue_indirect_dma source(%dma_start3A_157 : memref<100352x8xf32, #tpu.memory_space<hbm>>) target(%arg20 : memref<1024x8xf32, #tpu.memory_space<vmem>>) offsets(%arg12 : memref<1024xi32, #tpu.memory_space<vmem>>) semaphore(%arg32 : memref<!tpu.dma_semaphore, #tpu.memory_space<semaphore_mem>>)
      %dma_start3A_158 = arith.constant 0 : i32
      %dma_start3A_159 = arith.constant 0 : i32
      %dma_start3A_160 = tpu.memref_slice %arg7[%dma_start3A_158, %dma_start3A_159] : memref<9025x16xi32, #tpu.memory_space<hbm>> -> memref<9025x16xi32, #tpu.memory_space<hbm>>
      tpu.enqueue_indirect_dma source(%dma_start3A_160 : memref<9025x16xi32, #tpu.memory_space<hbm>>) target(%arg22 : memref<1024x16xi32, #tpu.memory_space<vmem>>) offsets(%arg14 : memref<1024xi32, #tpu.memory_space<vmem>>) semaphore(%arg32 : memref<!tpu.dma_semaphore, #tpu.memory_space<semaphore_mem>>)
      %dma_wait3A_161 = arith.constant 0 : i32
      %dma_wait3A_162 = arith.constant 0 : i32
      %dma_wait3A_163 = tpu.memref_slice %arg6[%dma_wait3A_161, %dma_wait3A_162] : memref<100352x8xf32, #tpu.memory_space<hbm>> -> memref<1024x8xf32, #tpu.memory_space<hbm>>
      %dma_wait3A_164 = arith.constant 0 : i32
      %dma_wait3A_165 = arith.constant 0 : i32
      %dma_wait3A_166 = tpu.memref_slice %arg6[%dma_wait3A_164, %dma_wait3A_165] : memref<100352x8xf32, #tpu.memory_space<hbm>> -> memref<1024x8xf32, #tpu.memory_space<hbm>>
      tpu.wait_dma2 semaphore(%arg31 : memref<!tpu.dma_semaphore, #tpu.memory_space<semaphore_mem>>) src(%dma_wait3A_166 : memref<1024x8xf32, #tpu.memory_space<hbm>>) dst(%arg17 : memref<1024x8xf32, #tpu.memory_space<vmem>>)
      %dma_wait3A_167 = arith.constant 0 : i32
      %dma_wait3A_168 = arith.constant 0 : i32
      %dma_wait3A_169 = tpu.memref_slice %arg6[%dma_wait3A_167, %dma_wait3A_168] : memref<100352x8xf32, #tpu.memory_space<hbm>> -> memref<1024x8xf32, #tpu.memory_space<hbm>>
      %dma_wait3A_170 = arith.constant 0 : i32
      %dma_wait3A_171 = arith.constant 0 : i32
      %dma_wait3A_172 = tpu.memref_slice %arg6[%dma_wait3A_170, %dma_wait3A_171] : memref<100352x8xf32, #tpu.memory_space<hbm>> -> memref<1024x8xf32, #tpu.memory_space<hbm>>
      tpu.wait_dma2 semaphore(%arg31 : memref<!tpu.dma_semaphore, #tpu.memory_space<semaphore_mem>>) src(%dma_wait3A_172 : memref<1024x8xf32, #tpu.memory_space<hbm>>) dst(%arg19 : memref<1024x8xf32, #tpu.memory_space<vmem>>)
      %dma_wait3A_173 = arith.constant 0 : i32
      %dma_wait3A_174 = arith.constant 0 : i32
      %dma_wait3A_175 = tpu.memref_slice %arg7[%dma_wait3A_173, %dma_wait3A_174] : memref<9025x16xi32, #tpu.memory_space<hbm>> -> memref<1024x16xi32, #tpu.memory_space<hbm>>
      %dma_wait3A_176 = arith.constant 0 : i32
      %dma_wait3A_177 = arith.constant 0 : i32
      %dma_wait3A_178 = tpu.memref_slice %arg7[%dma_wait3A_176, %dma_wait3A_177] : memref<9025x16xi32, #tpu.memory_space<hbm>> -> memref<1024x16xi32, #tpu.memory_space<hbm>>
      tpu.wait_dma2 semaphore(%arg31 : memref<!tpu.dma_semaphore, #tpu.memory_space<semaphore_mem>>) src(%dma_wait3A_178 : memref<1024x16xi32, #tpu.memory_space<hbm>>) dst(%arg21 : memref<1024x16xi32, #tpu.memory_space<vmem>>)
      %ge3A = arith.constant 1 : i32
      %ge3A_179 = arith.cmpi sge, %add3A_131, %ge3A : i32
      %convert_element_type3A = arith.extui %ge3A_179 : i1 to i32
      %cond3A = arith.constant 0 : i32
      %cond3A_180 = arith.cmpi ne, %convert_element_type3A, %cond3A : i32
      scf.if %cond3A_180 {
        %dma_wait3A_239 = arith.constant 0 : i32
        %dma_wait3A_240 = tpu.memref_slice %arg28[%dma_wait3A_239] : memref<100352xf32, #tpu.memory_space<vmem_shared>> -> memref<100352xf32, #tpu.memory_space<vmem_shared>>
        tpu.wait_indirect_dma semaphore(%arg33 : memref<!tpu.dma_semaphore, #tpu.memory_space<semaphore_mem>>) src(%arg23 : memref<1024xf32, #tpu.memory_space<vmem>>) dst(%dma_wait3A_240 : memref<100352xf32, #tpu.memory_space<vmem_shared>>)
      } else {
      }
      %scan3A_181 = arith.constant 0 : i32
      %scan3A_182 = arith.constant 64 : i32
      %scan3A_183 = arith.addi %scan3A_181, %scan3A_182 : i32
      %scan3A_184 = arith.constant 1 : i32
      scf.for %scan3A_239 = %scan3A_181 to %scan3A_183 step %scan3A_184  : i32 {
        %mul3A_240 = arith.constant 1 : i32
        %mul3A_241 = arith.muli %scan3A_239, %mul3A_240 : i32
        %add3A_242 = arith.constant 0 : i32
        %add3A_243 = arith.addi %add3A_242, %mul3A_241 : i32
        %mul3A_244 = arith.constant 16 : i32
        %mul3A_245 = arith.muli %add3A_243, %mul3A_244 : i32
        %mul3A_246 = arith.constant 16 : i32
        %mul3A_247 = arith.muli %add3A_243, %mul3A_246 : i32
        %add3A_248 = vector.broadcast %mul3A_247 : i32 to vector<16xi32>
        %add3A_249 = arith.addi %add3A_248, %iota3A : vector<16xi32>
        %gather3A = tpu.vector_load_idx %arg17[%add3A_249, %broadcast_in_dim3A_15] : memref<1024x8xf32, #tpu.memory_space<vmem>>[vector<16xi32>, vector<16xi32>], vector<16xf32>,
        %gather3A_250 = tpu.vector_load_idx %arg17[%add3A_249, %broadcast_in_dim3A_17] : memref<1024x8xf32, #tpu.memory_space<vmem>>[vector<16xi32>, vector<16xi32>], vector<16xf32>,
        %gather3A_251 = tpu.vector_load_idx %arg17[%add3A_249, %broadcast_in_dim3A_19] : memref<1024x8xf32, #tpu.memory_space<vmem>>[vector<16xi32>, vector<16xi32>], vector<16xf32>,
        %gather3A_252 = tpu.vector_load_idx %arg17[%add3A_249, %broadcast_in_dim3A_21] : memref<1024x8xf32, #tpu.memory_space<vmem>>[vector<16xi32>, vector<16xi32>], vector<16xf32>,
        %gather3A_253 = tpu.vector_load_idx %arg17[%add3A_249, %broadcast_in_dim3A_23] : memref<1024x8xf32, #tpu.memory_space<vmem>>[vector<16xi32>, vector<16xi32>], vector<16xf32>,
        %gather3A_254 = tpu.vector_load_idx %arg19[%add3A_249, %broadcast_in_dim3A_15] : memref<1024x8xf32, #tpu.memory_space<vmem>>[vector<16xi32>, vector<16xi32>], vector<16xf32>,
        %gather3A_255 = tpu.vector_load_idx %arg19[%add3A_249, %broadcast_in_dim3A_17] : memref<1024x8xf32, #tpu.memory_space<vmem>>[vector<16xi32>, vector<16xi32>], vector<16xf32>,
        %gather3A_256 = tpu.vector_load_idx %arg19[%add3A_249, %broadcast_in_dim3A_19] : memref<1024x8xf32, #tpu.memory_space<vmem>>[vector<16xi32>, vector<16xi32>], vector<16xf32>,
        %gather3A_257 = tpu.vector_load_idx %arg19[%add3A_249, %broadcast_in_dim3A_21] : memref<1024x8xf32, #tpu.memory_space<vmem>>[vector<16xi32>, vector<16xi32>], vector<16xf32>,
        %gather3A_258 = tpu.vector_load_idx %arg19[%add3A_249, %broadcast_in_dim3A_23] : memref<1024x8xf32, #tpu.memory_space<vmem>>[vector<16xi32>, vector<16xi32>], vector<16xf32>,
        %gather3A_259 = tpu.vector_load_idx %arg21[%add3A_249, %broadcast_in_dim3A_15] : memref<1024x16xi32, #tpu.memory_space<vmem>>[vector<16xi32>, vector<16xi32>], vector<16xi32>,
        %bitcast3A = vector.bitcast %gather3A_259 : vector<16xi32> to vector<32xbf16>
        %unpack3A = tpu.unpack_subelements %bitcast3A, 0 {pack_format = #tpu.pack_format<interleaved>} : vector<32xbf16> -> vector<16xf32>
        %unpack3A_260 = tpu.unpack_subelements %bitcast3A, 1 {pack_format = #tpu.pack_format<interleaved>} : vector<32xbf16> -> vector<16xf32>
        %mul3A_261 = arith.mulf %gather3A, %gather3A_254 : vector<16xf32>
        %mul3A_262 = arith.mulf %mul3A_261, %unpack3A : vector<16xf32>
        %mul3A_263 = arith.mulf %gather3A, %gather3A_255 : vector<16xf32>
        %mul3A_264 = arith.mulf %mul3A_263, %unpack3A_260 : vector<16xf32>
        %add3A_265 = arith.addf %mul3A_262, %mul3A_264 : vector<16xf32>
        %gather3A_266 = tpu.vector_load_idx %arg21[%add3A_249, %broadcast_in_dim3A_17] : memref<1024x16xi32, #tpu.memory_space<vmem>>[vector<16xi32>, vector<16xi32>], vector<16xi32>,
        %bitcast3A_267 = vector.bitcast %gather3A_266 : vector<16xi32> to vector<32xbf16>
        %unpack3A_268 = tpu.unpack_subelements %bitcast3A_267, 0 {pack_format = #tpu.pack_format<interleaved>} : vector<32xbf16> -> vector<16xf32>
        %unpack3A_269 = tpu.unpack_subelements %bitcast3A_267, 1 {pack_format = #tpu.pack_format<interleaved>} : vector<32xbf16> -> vector<16xf32>
        %mul3A_270 = arith.mulf %gather3A, %gather3A_256 : vector<16xf32>
        %mul3A_271 = arith.mulf %mul3A_270, %unpack3A_268 : vector<16xf32>
        %add3A_272 = arith.addf %add3A_265, %mul3A_271 : vector<16xf32>
        %mul3A_273 = arith.mulf %gather3A, %gather3A_257 : vector<16xf32>
        %mul3A_274 = arith.mulf %mul3A_273, %unpack3A_269 : vector<16xf32>
        %add3A_275 = arith.addf %add3A_272, %mul3A_274 : vector<16xf32>
        %gather3A_276 = tpu.vector_load_idx %arg21[%add3A_249, %broadcast_in_dim3A_19] : memref<1024x16xi32, #tpu.memory_space<vmem>>[vector<16xi32>, vector<16xi32>], vector<16xi32>,
        %bitcast3A_277 = vector.bitcast %gather3A_276 : vector<16xi32> to vector<32xbf16>
        %unpack3A_278 = tpu.unpack_subelements %bitcast3A_277, 0 {pack_format = #tpu.pack_format<interleaved>} : vector<32xbf16> -> vector<16xf32>
        %unpack3A_279 = tpu.unpack_subelements %bitcast3A_277, 1 {pack_format = #tpu.pack_format<interleaved>} : vector<32xbf16> -> vector<16xf32>
        %mul3A_280 = arith.mulf %gather3A, %gather3A_258 : vector<16xf32>
        %mul3A_281 = arith.mulf %mul3A_280, %unpack3A_278 : vector<16xf32>
        %add3A_282 = arith.addf %add3A_275, %mul3A_281 : vector<16xf32>
        %mul3A_283 = arith.mulf %gather3A_250, %gather3A_254 : vector<16xf32>
        %mul3A_284 = arith.mulf %mul3A_283, %unpack3A_279 : vector<16xf32>
        %add3A_285 = arith.addf %add3A_282, %mul3A_284 : vector<16xf32>
        %gather3A_286 = tpu.vector_load_idx %arg21[%add3A_249, %broadcast_in_dim3A_21] : memref<1024x16xi32, #tpu.memory_space<vmem>>[vector<16xi32>, vector<16xi32>], vector<16xi32>,
        %bitcast3A_287 = vector.bitcast %gather3A_286 : vector<16xi32> to vector<32xbf16>
        %unpack3A_288 = tpu.unpack_subelements %bitcast3A_287, 0 {pack_format = #tpu.pack_format<interleaved>} : vector<32xbf16> -> vector<16xf32>
        %unpack3A_289 = tpu.unpack_subelements %bitcast3A_287, 1 {pack_format = #tpu.pack_format<interleaved>} : vector<32xbf16> -> vector<16xf32>
        %mul3A_290 = arith.mulf %gather3A_250, %gather3A_255 : vector<16xf32>
        %mul3A_291 = arith.mulf %mul3A_290, %unpack3A_288 : vector<16xf32>
        %add3A_292 = arith.addf %add3A_285, %mul3A_291 : vector<16xf32>
        %mul3A_293 = arith.mulf %gather3A_250, %gather3A_256 : vector<16xf32>
        %mul3A_294 = arith.mulf %mul3A_293, %unpack3A_289 : vector<16xf32>
        %add3A_295 = arith.addf %add3A_292, %mul3A_294 : vector<16xf32>
        %gather3A_296 = tpu.vector_load_idx %arg21[%add3A_249, %broadcast_in_dim3A_23] : memref<1024x16xi32, #tpu.memory_space<vmem>>[vector<16xi32>, vector<16xi32>], vector<16xi32>,
        %bitcast3A_297 = vector.bitcast %gather3A_296 : vector<16xi32> to vector<32xbf16>
        %unpack3A_298 = tpu.unpack_subelements %bitcast3A_297, 0 {pack_format = #tpu.pack_format<interleaved>} : vector<32xbf16> -> vector<16xf32>
        %unpack3A_299 = tpu.unpack_subelements %bitcast3A_297, 1 {pack_format = #tpu.pack_format<interleaved>} : vector<32xbf16> -> vector<16xf32>
        %mul3A_300 = arith.mulf %gather3A_250, %gather3A_257 : vector<16xf32>
        %mul3A_301 = arith.mulf %mul3A_300, %unpack3A_298 : vector<16xf32>
        %add3A_302 = arith.addf %add3A_295, %mul3A_301 : vector<16xf32>
        %mul3A_303 = arith.mulf %gather3A_250, %gather3A_258 : vector<16xf32>
        %mul3A_304 = arith.mulf %mul3A_303, %unpack3A_299 : vector<16xf32>
        %add3A_305 = arith.addf %add3A_302, %mul3A_304 : vector<16xf32>
        %gather3A_306 = tpu.vector_load_idx %arg21[%add3A_249, %broadcast_in_dim3A_25] : memref<1024x16xi32, #tpu.memory_space<vmem>>[vector<16xi32>, vector<16xi32>], vector<16xi32>,
        %bitcast3A_307 = vector.bitcast %gather3A_306 : vector<16xi32> to vector<32xbf16>
        %unpack3A_308 = tpu.unpack_subelements %bitcast3A_307, 0 {pack_format = #tpu.pack_format<interleaved>} : vector<32xbf16> -> vector<16xf32>
        %unpack3A_309 = tpu.unpack_subelements %bitcast3A_307, 1 {pack_format = #tpu.pack_format<interleaved>} : vector<32xbf16> -> vector<16xf32>
        %mul3A_310 = arith.mulf %gather3A_251, %gather3A_254 : vector<16xf32>
        %mul3A_311 = arith.mulf %mul3A_310, %unpack3A_308 : vector<16xf32>
        %add3A_312 = arith.addf %add3A_305, %mul3A_311 : vector<16xf32>
        %mul3A_313 = arith.mulf %gather3A_251, %gather3A_255 : vector<16xf32>
        %mul3A_314 = arith.mulf %mul3A_313, %unpack3A_309 : vector<16xf32>
        %add3A_315 = arith.addf %add3A_312, %mul3A_314 : vector<16xf32>
        %gather3A_316 = tpu.vector_load_idx %arg21[%add3A_249, %broadcast_in_dim3A_27] : memref<1024x16xi32, #tpu.memory_space<vmem>>[vector<16xi32>, vector<16xi32>], vector<16xi32>,
        %bitcast3A_317 = vector.bitcast %gather3A_316 : vector<16xi32> to vector<32xbf16>
        %unpack3A_318 = tpu.unpack_subelements %bitcast3A_317, 0 {pack_format = #tpu.pack_format<interleaved>} : vector<32xbf16> -> vector<16xf32>
        %unpack3A_319 = tpu.unpack_subelements %bitcast3A_317, 1 {pack_format = #tpu.pack_format<interleaved>} : vector<32xbf16> -> vector<16xf32>
        %mul3A_320 = arith.mulf %gather3A_251, %gather3A_256 : vector<16xf32>
        %mul3A_321 = arith.mulf %mul3A_320, %unpack3A_318 : vector<16xf32>
        %add3A_322 = arith.addf %add3A_315, %mul3A_321 : vector<16xf32>
        %mul3A_323 = arith.mulf %gather3A_251, %gather3A_257 : vector<16xf32>
        %mul3A_324 = arith.mulf %mul3A_323, %unpack3A_319 : vector<16xf32>
        %add3A_325 = arith.addf %add3A_322, %mul3A_324 : vector<16xf32>
        %gather3A_326 = tpu.vector_load_idx %arg21[%add3A_249, %broadcast_in_dim3A_29] : memref<1024x16xi32, #tpu.memory_space<vmem>>[vector<16xi32>, vector<16xi32>], vector<16xi32>,
        %bitcast3A_327 = vector.bitcast %gather3A_326 : vector<16xi32> to vector<32xbf16>
        %unpack3A_328 = tpu.unpack_subelements %bitcast3A_327, 0 {pack_format = #tpu.pack_format<interleaved>} : vector<32xbf16> -> vector<16xf32>
        %unpack3A_329 = tpu.unpack_subelements %bitcast3A_327, 1 {pack_format = #tpu.pack_format<interleaved>} : vector<32xbf16> -> vector<16xf32>
        %mul3A_330 = arith.mulf %gather3A_251, %gather3A_258 : vector<16xf32>
        %mul3A_331 = arith.mulf %mul3A_330, %unpack3A_328 : vector<16xf32>
        %add3A_332 = arith.addf %add3A_325, %mul3A_331 : vector<16xf32>
        %mul3A_333 = arith.mulf %gather3A_252, %gather3A_254 : vector<16xf32>
        %mul3A_334 = arith.mulf %mul3A_333, %unpack3A_329 : vector<16xf32>
        %add3A_335 = arith.addf %add3A_332, %mul3A_334 : vector<16xf32>
        %gather3A_336 = tpu.vector_load_idx %arg21[%add3A_249, %broadcast_in_dim3A_31] : memref<1024x16xi32, #tpu.memory_space<vmem>>[vector<16xi32>, vector<16xi32>], vector<16xi32>,
        %bitcast3A_337 = vector.bitcast %gather3A_336 : vector<16xi32> to vector<32xbf16>
        %unpack3A_338 = tpu.unpack_subelements %bitcast3A_337, 0 {pack_format = #tpu.pack_format<interleaved>} : vector<32xbf16> -> vector<16xf32>
        %unpack3A_339 = tpu.unpack_subelements %bitcast3A_337, 1 {pack_format = #tpu.pack_format<interleaved>} : vector<32xbf16> -> vector<16xf32>
        %mul3A_340 = arith.mulf %gather3A_252, %gather3A_255 : vector<16xf32>
        %mul3A_341 = arith.mulf %mul3A_340, %unpack3A_338 : vector<16xf32>
        %add3A_342 = arith.addf %add3A_335, %mul3A_341 : vector<16xf32>
        %mul3A_343 = arith.mulf %gather3A_252, %gather3A_256 : vector<16xf32>
        %mul3A_344 = arith.mulf %mul3A_343, %unpack3A_339 : vector<16xf32>
        %add3A_345 = arith.addf %add3A_342, %mul3A_344 : vector<16xf32>
        %gather3A_346 = tpu.vector_load_idx %arg21[%add3A_249, %broadcast_in_dim3A_33] : memref<1024x16xi32, #tpu.memory_space<vmem>>[vector<16xi32>, vector<16xi32>], vector<16xi32>,
        %bitcast3A_347 = vector.bitcast %gather3A_346 : vector<16xi32> to vector<32xbf16>
        %unpack3A_348 = tpu.unpack_subelements %bitcast3A_347, 0 {pack_format = #tpu.pack_format<interleaved>} : vector<32xbf16> -> vector<16xf32>
        %unpack3A_349 = tpu.unpack_subelements %bitcast3A_347, 1 {pack_format = #tpu.pack_format<interleaved>} : vector<32xbf16> -> vector<16xf32>
        %mul3A_350 = arith.mulf %gather3A_252, %gather3A_257 : vector<16xf32>
        %mul3A_351 = arith.mulf %mul3A_350, %unpack3A_348 : vector<16xf32>
        %add3A_352 = arith.addf %add3A_345, %mul3A_351 : vector<16xf32>
        %mul3A_353 = arith.mulf %gather3A_252, %gather3A_258 : vector<16xf32>
        %mul3A_354 = arith.mulf %mul3A_353, %unpack3A_349 : vector<16xf32>
        %add3A_355 = arith.addf %add3A_352, %mul3A_354 : vector<16xf32>
        %gather3A_356 = tpu.vector_load_idx %arg21[%add3A_249, %broadcast_in_dim3A_35] : memref<1024x16xi32, #tpu.memory_space<vmem>>[vector<16xi32>, vector<16xi32>], vector<16xi32>,
        %bitcast3A_357 = vector.bitcast %gather3A_356 : vector<16xi32> to vector<32xbf16>
        %unpack3A_358 = tpu.unpack_subelements %bitcast3A_357, 0 {pack_format = #tpu.pack_format<interleaved>} : vector<32xbf16> -> vector<16xf32>
        %unpack3A_359 = tpu.unpack_subelements %bitcast3A_357, 1 {pack_format = #tpu.pack_format<interleaved>} : vector<32xbf16> -> vector<16xf32>
        %mul3A_360 = arith.mulf %gather3A_253, %gather3A_254 : vector<16xf32>
        %mul3A_361 = arith.mulf %mul3A_360, %unpack3A_358 : vector<16xf32>
        %add3A_362 = arith.addf %add3A_355, %mul3A_361 : vector<16xf32>
        %mul3A_363 = arith.mulf %gather3A_253, %gather3A_255 : vector<16xf32>
        %mul3A_364 = arith.mulf %mul3A_363, %unpack3A_359 : vector<16xf32>
        %add3A_365 = arith.addf %add3A_362, %mul3A_364 : vector<16xf32>
        %gather3A_366 = tpu.vector_load_idx %arg21[%add3A_249, %broadcast_in_dim3A_37] : memref<1024x16xi32, #tpu.memory_space<vmem>>[vector<16xi32>, vector<16xi32>], vector<16xi32>,
        %bitcast3A_367 = vector.bitcast %gather3A_366 : vector<16xi32> to vector<32xbf16>
        %unpack3A_368 = tpu.unpack_subelements %bitcast3A_367, 0 {pack_format = #tpu.pack_format<interleaved>} : vector<32xbf16> -> vector<16xf32>
        %unpack3A_369 = tpu.unpack_subelements %bitcast3A_367, 1 {pack_format = #tpu.pack_format<interleaved>} : vector<32xbf16> -> vector<16xf32>
        %mul3A_370 = arith.mulf %gather3A_253, %gather3A_256 : vector<16xf32>
        %mul3A_371 = arith.mulf %mul3A_370, %unpack3A_368 : vector<16xf32>
        %add3A_372 = arith.addf %add3A_365, %mul3A_371 : vector<16xf32>
        %mul3A_373 = arith.mulf %gather3A_253, %gather3A_257 : vector<16xf32>
        %mul3A_374 = arith.mulf %mul3A_373, %unpack3A_369 : vector<16xf32>
        %add3A_375 = arith.addf %add3A_372, %mul3A_374 : vector<16xf32>
        %gather3A_376 = tpu.vector_load_idx %arg21[%add3A_249, %broadcast_in_dim3A_39] : memref<1024x16xi32, #tpu.memory_space<vmem>>[vector<16xi32>, vector<16xi32>], vector<16xi32>,
        %bitcast3A_377 = vector.bitcast %gather3A_376 : vector<16xi32> to vector<32xbf16>
        %unpack3A_378 = tpu.unpack_subelements %bitcast3A_377, 0 {pack_format = #tpu.pack_format<interleaved>} : vector<32xbf16> -> vector<16xf32>
        %unpack3A_379 = tpu.unpack_subelements %bitcast3A_377, 1 {pack_format = #tpu.pack_format<interleaved>} : vector<32xbf16> -> vector<16xf32>
        %mul3A_380 = arith.mulf %gather3A_253, %gather3A_258 : vector<16xf32>
        %mul3A_381 = arith.mulf %mul3A_380, %unpack3A_378 : vector<16xf32>
        %add3A_382 = arith.addf %add3A_375, %mul3A_381 : vector<16xf32>
        %gather3A_383 = tpu.vector_load_idx %arg17[%add3A_249, %broadcast_in_dim3A_25] : memref<1024x8xf32, #tpu.memory_space<vmem>>[vector<16xi32>, vector<16xi32>], vector<16xf32>,
        %gather3A_384 = tpu.vector_load_idx %arg19[%add3A_249, %broadcast_in_dim3A_25] : memref<1024x8xf32, #tpu.memory_space<vmem>>[vector<16xi32>, vector<16xi32>], vector<16xf32>,
        %gather3A_385 = tpu.vector_load_idx %arg17[%add3A_249, %broadcast_in_dim3A_27] : memref<1024x8xf32, #tpu.memory_space<vmem>>[vector<16xi32>, vector<16xi32>], vector<16xf32>,
        %gather3A_386 = tpu.vector_load_idx %arg19[%add3A_249, %broadcast_in_dim3A_27] : memref<1024x8xf32, #tpu.memory_space<vmem>>[vector<16xi32>, vector<16xi32>], vector<16xf32>,
        %mul3A_387 = arith.constant 3.000000e+00 : f32
        %mul3A_388 = vector.broadcast %mul3A_387 : f32 to vector<16xf32>
        %mul3A_389 = arith.mulf %mul3A_388, %gather3A_383 : vector<16xf32>
        %mul3A_390 = arith.mulf %mul3A_389, %gather3A_384 : vector<16xf32>
        %mul3A_391 = arith.mulf %add3A_382, %mul3A_390 : vector<16xf32>
        %mul3A_392 = arith.constant 0.586299181 : f32
        %mul3A_393 = vector.broadcast %mul3A_392 : f32 to vector<16xf32>
        %mul3A_394 = arith.mulf %mul3A_393, %gather3A_385 : vector<16xf32>
        %mul3A_395 = arith.mulf %mul3A_394, %gather3A_386 : vector<16xf32>
        %add3A_396 = arith.constant 2.883000e+00 : f32
        %add3A_397 = vector.broadcast %add3A_396 : f32 to vector<16xf32>
        %add3A_398 = arith.addf %mul3A_395, %add3A_397 : vector<16xf32>
        %get3A = arith.index_cast %mul3A_245 : i32 to index
        %get3A_399 = tpu.vector_load %arg15[%get3A] {strides = array<i32>} : memref<1024xf32, #tpu.memory_space<vmem>>, vector<16xf32>,
        %mul3A_400 = arith.mulf %get3A_399, %get3A_399 : vector<16xf32>
        %mul3A_401 = arith.mulf %mul3A_400, %mul3A_400 : vector<16xf32>
        %mul3A_402 = arith.mulf %mul3A_401, %mul3A_400 : vector<16xf32>
        %mul3A_403 = arith.mulf %mul3A_402, %mul3A_400 : vector<16xf32>
        %mul3A_404 = arith.mulf %add3A_398, %add3A_398 : vector<16xf32>
        %mul3A_405 = arith.mulf %mul3A_404, %mul3A_404 : vector<16xf32>
        %mul3A_406 = arith.mulf %mul3A_405, %mul3A_404 : vector<16xf32>
        %mul3A_407 = arith.mulf %mul3A_406, %mul3A_404 : vector<16xf32>
        %mul3A_408 = arith.constant 1.000000e+00 : f32
        %mul3A_409 = vector.broadcast %mul3A_408 : f32 to vector<16xf32>
        %mul3A_410 = arith.mulf %mul3A_409, %add3A_382 : vector<16xf32>
        %add3A_411 = arith.addf %mul3A_402, %mul3A_406 : vector<16xf32>
        %div3A_412 = arith.divf %mul3A_410, %add3A_411 : vector<16xf32>
        %mul3A_413 = arith.constant 9.171000e-01 : f32
        %mul3A_414 = vector.broadcast %mul3A_413 : f32 to vector<16xf32>
        %mul3A_415 = arith.mulf %mul3A_414, %mul3A_391 : vector<16xf32>
        %add3A_416 = arith.addf %mul3A_403, %mul3A_407 : vector<16xf32>
        %div3A_417 = arith.divf %mul3A_415, %add3A_416 : vector<16xf32>
        %add3A_418 = arith.addf %div3A_412, %div3A_417 : vector<16xf32>
        %mul3A_419 = arith.constant -5.000000e-01 : f32
        %mul3A_420 = vector.broadcast %mul3A_419 : f32 to vector<16xf32>
        %mul3A_421 = arith.mulf %mul3A_420, %add3A_418 : vector<16xf32>
        %swap3A = arith.index_cast %mul3A_245 : i32 to index
        %swap3A_422 = tpu.vector_load %arg23[%swap3A] {strides = array<i32>} : memref<1024xf32, #tpu.memory_space<vmem>>, vector<16xf32>,
        tpu.vector_store %arg23[%swap3A], %mul3A_421 {strides = array<i32>} : memref<1024xf32, #tpu.memory_space<vmem>>, vector<16xf32>,
        %get3A_423 = arith.index_cast %mul3A_245 : i32 to index
        %get3A_424 = tpu.vector_load %arg9[%get3A_423] {strides = array<i32>} : memref<1024xi32, #tpu.memory_space<vmem>>, vector<16xi32>,
        %swap3A_425 = arith.index_cast %mul3A_245 : i32 to index
        %swap3A_426 = tpu.vector_load %arg25[%swap3A_425] {strides = array<i32>} : memref<1024xi32, #tpu.memory_space<vmem>>, vector<16xi32>,
        tpu.vector_store %arg25[%swap3A_425], %get3A_424 {strides = array<i32>} : memref<1024xi32, #tpu.memory_space<vmem>>, vector<16xi32>,
      }
      %scan3A_185 = arith.constant 64 : i32
      %dma_start3A_186 = arith.constant 0 : i32
      %dma_start3A_187 = tpu.memref_slice %arg28[%dma_start3A_186] : memref<100352xf32, #tpu.memory_space<vmem_shared>> -> memref<100352xf32, #tpu.memory_space<vmem_shared>>
      tpu.enqueue_indirect_dma source(%arg23 : memref<1024xf32, #tpu.memory_space<vmem>>) target(%dma_start3A_187 : memref<100352xf32, #tpu.memory_space<vmem_shared>>) offsets(%arg25 : memref<1024xi32, #tpu.memory_space<vmem>>) semaphore(%arg33 : memref<!tpu.dma_semaphore, #tpu.memory_space<semaphore_mem>>) {add = true}
      %sub3A_188 = arith.constant 1 : i32
      %sub3A_189 = arith.subi %select_n3A_14, %sub3A_188 : i32
      %lt3A = arith.cmpi slt, %add3A_131, %sub3A_189 : i32
      %convert_element_type3A_190 = arith.extui %lt3A : i1 to i32
      %cond3A_191 = arith.constant 0 : i32
      %cond3A_192 = arith.cmpi ne, %convert_element_type3A_190, %cond3A_191 : i32
      scf.if %cond3A_192 {
        %add3A_239 = arith.constant 2 : i32
        %add3A_240 = arith.addi %add3A_135, %add3A_239 : i32
        %mul3A_241 = arith.constant 1024 : i32
        %mul3A_242 = arith.muli %add3A_240, %mul3A_241 : i32
        %add3A_243 = arith.addi %select_n3A, %mul3A_242 : i32
        %dma_start3A_244 = tpu.memref_slice %arg2[%add3A_243] : memref<1638400xi32, #tpu.memory_space<hbm>> -> memref<1024xi32, #tpu.memory_space<hbm>>
        %dma_start3A_245 = tpu.memref_slice %arg2[%add3A_243] : memref<1638400xi32, #tpu.memory_space<hbm>> -> memref<1024xi32, #tpu.memory_space<hbm>>
        tpu.enqueue_dma source(%dma_start3A_245 : memref<1024xi32, #tpu.memory_space<hbm>>) target(%arg9 : memref<1024xi32, #tpu.memory_space<vmem>>) target_semaphore(%arg29 : memref<!tpu.dma_semaphore, #tpu.memory_space<semaphore_mem>>)
        %mul3A_246 = arith.constant 1024 : i32
        %mul3A_247 = arith.muli %add3A_240, %mul3A_246 : i32
        %add3A_248 = arith.addi %select_n3A, %mul3A_247 : i32
        %dma_start3A_249 = tpu.memref_slice %arg3[%add3A_248] : memref<1638400xi32, #tpu.memory_space<hbm>> -> memref<1024xi32, #tpu.memory_space<hbm>>
        %dma_start3A_250 = tpu.memref_slice %arg3[%add3A_248] : memref<1638400xi32, #tpu.memory_space<hbm>> -> memref<1024xi32, #tpu.memory_space<hbm>>
        tpu.enqueue_dma source(%dma_start3A_250 : memref<1024xi32, #tpu.memory_space<hbm>>) target(%arg11 : memref<1024xi32, #tpu.memory_space<vmem>>) target_semaphore(%arg29 : memref<!tpu.dma_semaphore, #tpu.memory_space<semaphore_mem>>)
        %mul3A_251 = arith.constant 1024 : i32
        %mul3A_252 = arith.muli %add3A_240, %mul3A_251 : i32
        %add3A_253 = arith.addi %select_n3A, %mul3A_252 : i32
        %dma_start3A_254 = tpu.memref_slice %arg5[%add3A_253] : memref<1638400xi32, #tpu.memory_space<hbm>> -> memref<1024xi32, #tpu.memory_space<hbm>>
        %dma_start3A_255 = tpu.memref_slice %arg5[%add3A_253] : memref<1638400xi32, #tpu.memory_space<hbm>> -> memref<1024xi32, #tpu.memory_space<hbm>>
        tpu.enqueue_dma source(%dma_start3A_255 : memref<1024xi32, #tpu.memory_space<hbm>>) target(%arg13 : memref<1024xi32, #tpu.memory_space<vmem>>) target_semaphore(%arg29 : memref<!tpu.dma_semaphore, #tpu.memory_space<semaphore_mem>>)
        %mul3A_256 = arith.constant 1024 : i32
        %mul3A_257 = arith.muli %add3A_240, %mul3A_256 : i32
        %add3A_258 = arith.addi %select_n3A, %mul3A_257 : i32
        %dma_start3A_259 = tpu.memref_slice %arg4[%add3A_258] : memref<1638400xf32, #tpu.memory_space<hbm>> -> memref<1024xf32, #tpu.memory_space<hbm>>
        %dma_start3A_260 = tpu.memref_slice %arg4[%add3A_258] : memref<1638400xf32, #tpu.memory_space<hbm>> -> memref<1024xf32, #tpu.memory_space<hbm>>
        tpu.enqueue_dma source(%dma_start3A_260 : memref<1024xf32, #tpu.memory_space<hbm>>) target(%arg15 : memref<1024xf32, #tpu.memory_space<vmem>>) target_semaphore(%arg29 : memref<!tpu.dma_semaphore, #tpu.memory_space<semaphore_mem>>)
      } else {
      }
      %mul3A_193 = arith.constant 2 : i32
      %mul3A_194 = arith.muli %mul3A_193, %add3A_131 : i32
      %add3A_195 = arith.constant 1 : i32
      %add3A_196 = arith.addi %mul3A_194, %add3A_195 : i32
      %sub3A_197 = arith.constant 1 : i32
      %sub3A_198 = arith.subi %select_n3A_14, %sub3A_197 : i32
      %lt3A_199 = arith.cmpi slt, %add3A_131, %sub3A_198 : i32
      %convert_element_type3A_200 = arith.extui %lt3A_199 : i1 to i32
      %cond3A_201 = arith.constant 0 : i32
      %cond3A_202 = arith.cmpi ne, %convert_element_type3A_200, %cond3A_201 : i32
      scf.if %cond3A_202 {
        %dma_wait3A_239 = arith.constant 0 : i32
        %dma_wait3A_240 = tpu.memref_slice %arg2[%dma_wait3A_239] : memref<1638400xi32, #tpu.memory_space<hbm>> -> memref<1024xi32, #tpu.memory_space<hbm>>
        %dma_wait3A_241 = arith.constant 0 : i32
        %dma_wait3A_242 = tpu.memref_slice %arg2[%dma_wait3A_241] : memref<1638400xi32, #tpu.memory_space<hbm>> -> memref<1024xi32, #tpu.memory_space<hbm>>
        tpu.wait_dma2 semaphore(%arg29 : memref<!tpu.dma_semaphore, #tpu.memory_space<semaphore_mem>>) src(%dma_wait3A_242 : memref<1024xi32, #tpu.memory_space<hbm>>) dst(%arg9 : memref<1024xi32, #tpu.memory_space<vmem>>)
        %dma_wait3A_243 = arith.constant 0 : i32
        %dma_wait3A_244 = tpu.memref_slice %arg3[%dma_wait3A_243] : memref<1638400xi32, #tpu.memory_space<hbm>> -> memref<1024xi32, #tpu.memory_space<hbm>>
        %dma_wait3A_245 = arith.constant 0 : i32
        %dma_wait3A_246 = tpu.memref_slice %arg3[%dma_wait3A_245] : memref<1638400xi32, #tpu.memory_space<hbm>> -> memref<1024xi32, #tpu.memory_space<hbm>>
        tpu.wait_dma2 semaphore(%arg29 : memref<!tpu.dma_semaphore, #tpu.memory_space<semaphore_mem>>) src(%dma_wait3A_246 : memref<1024xi32, #tpu.memory_space<hbm>>) dst(%arg11 : memref<1024xi32, #tpu.memory_space<vmem>>)
        %dma_wait3A_247 = arith.constant 0 : i32
        %dma_wait3A_248 = tpu.memref_slice %arg5[%dma_wait3A_247] : memref<1638400xi32, #tpu.memory_space<hbm>> -> memref<1024xi32, #tpu.memory_space<hbm>>
        %dma_wait3A_249 = arith.constant 0 : i32
        %dma_wait3A_250 = tpu.memref_slice %arg5[%dma_wait3A_249] : memref<1638400xi32, #tpu.memory_space<hbm>> -> memref<1024xi32, #tpu.memory_space<hbm>>
        tpu.wait_dma2 semaphore(%arg29 : memref<!tpu.dma_semaphore, #tpu.memory_space<semaphore_mem>>) src(%dma_wait3A_250 : memref<1024xi32, #tpu.memory_space<hbm>>) dst(%arg13 : memref<1024xi32, #tpu.memory_space<vmem>>)
        %dma_wait3A_251 = arith.constant 0 : i32
        %dma_wait3A_252 = tpu.memref_slice %arg4[%dma_wait3A_251] : memref<1638400xf32, #tpu.memory_space<hbm>> -> memref<1024xf32, #tpu.memory_space<hbm>>
        %dma_wait3A_253 = arith.constant 0 : i32
        %dma_wait3A_254 = tpu.memref_slice %arg4[%dma_wait3A_253] : memref<1638400xf32, #tpu.memory_space<hbm>> -> memref<1024xf32, #tpu.memory_space<hbm>>
        tpu.wait_dma2 semaphore(%arg29 : memref<!tpu.dma_semaphore, #tpu.memory_space<semaphore_mem>>) src(%dma_wait3A_254 : memref<1024xf32, #tpu.memory_space<hbm>>) dst(%arg15 : memref<1024xf32, #tpu.memory_space<vmem>>)
        %dma_start3A_255 = arith.constant 0 : i32
        %dma_start3A_256 = arith.constant 0 : i32
        %dma_start3A_257 = tpu.memref_slice %arg6[%dma_start3A_255, %dma_start3A_256] : memref<100352x8xf32, #tpu.memory_space<hbm>> -> memref<100352x8xf32, #tpu.memory_space<hbm>>
        tpu.enqueue_indirect_dma source(%dma_start3A_257 : memref<100352x8xf32, #tpu.memory_space<hbm>>) target(%arg17 : memref<1024x8xf32, #tpu.memory_space<vmem>>) offsets(%arg9 : memref<1024xi32, #tpu.memory_space<vmem>>) semaphore(%arg31 : memref<!tpu.dma_semaphore, #tpu.memory_space<semaphore_mem>>)
        %dma_start3A_258 = arith.constant 0 : i32
        %dma_start3A_259 = arith.constant 0 : i32
        %dma_start3A_260 = tpu.memref_slice %arg6[%dma_start3A_258, %dma_start3A_259] : memref<100352x8xf32, #tpu.memory_space<hbm>> -> memref<100352x8xf32, #tpu.memory_space<hbm>>
        tpu.enqueue_indirect_dma source(%dma_start3A_260 : memref<100352x8xf32, #tpu.memory_space<hbm>>) target(%arg19 : memref<1024x8xf32, #tpu.memory_space<vmem>>) offsets(%arg11 : memref<1024xi32, #tpu.memory_space<vmem>>) semaphore(%arg31 : memref<!tpu.dma_semaphore, #tpu.memory_space<semaphore_mem>>)
        %dma_start3A_261 = arith.constant 0 : i32
        %dma_start3A_262 = arith.constant 0 : i32
        %dma_start3A_263 = tpu.memref_slice %arg7[%dma_start3A_261, %dma_start3A_262] : memref<9025x16xi32, #tpu.memory_space<hbm>> -> memref<9025x16xi32, #tpu.memory_space<hbm>>
        tpu.enqueue_indirect_dma source(%dma_start3A_263 : memref<9025x16xi32, #tpu.memory_space<hbm>>) target(%arg21 : memref<1024x16xi32, #tpu.memory_space<vmem>>) offsets(%arg13 : memref<1024xi32, #tpu.memory_space<vmem>>) semaphore(%arg31 : memref<!tpu.dma_semaphore, #tpu.memory_space<semaphore_mem>>)
      } else {
      }
      %dma_wait3A_203 = arith.constant 0 : i32
      %dma_wait3A_204 = arith.constant 0 : i32
      %dma_wait3A_205 = tpu.memref_slice %arg6[%dma_wait3A_203, %dma_wait3A_204] : memref<100352x8xf32, #tpu.memory_space<hbm>> -> memref<1024x8xf32, #tpu.memory_space<hbm>>
      %dma_wait3A_206 = arith.constant 0 : i32
      %dma_wait3A_207 = arith.constant 0 : i32
      %dma_wait3A_208 = tpu.memref_slice %arg6[%dma_wait3A_206, %dma_wait3A_207] : memref<100352x8xf32, #tpu.memory_space<hbm>> -> memref<1024x8xf32, #tpu.memory_space<hbm>>
      tpu.wait_dma2 semaphore(%arg32 : memref<!tpu.dma_semaphore, #tpu.memory_space<semaphore_mem>>) src(%dma_wait3A_208 : memref<1024x8xf32, #tpu.memory_space<hbm>>) dst(%arg18 : memref<1024x8xf32, #tpu.memory_space<vmem>>)
      %dma_wait3A_209 = arith.constant 0 : i32
      %dma_wait3A_210 = arith.constant 0 : i32
      %dma_wait3A_211 = tpu.memref_slice %arg6[%dma_wait3A_209, %dma_wait3A_210] : memref<100352x8xf32, #tpu.memory_space<hbm>> -> memref<1024x8xf32, #tpu.memory_space<hbm>>
      %dma_wait3A_212 = arith.constant 0 : i32
      %dma_wait3A_213 = arith.constant 0 : i32
      %dma_wait3A_214 = tpu.memref_slice %arg6[%dma_wait3A_212, %dma_wait3A_213] : memref<100352x8xf32, #tpu.memory_space<hbm>> -> memref<1024x8xf32, #tpu.memory_space<hbm>>
      tpu.wait_dma2 semaphore(%arg32 : memref<!tpu.dma_semaphore, #tpu.memory_space<semaphore_mem>>) src(%dma_wait3A_214 : memref<1024x8xf32, #tpu.memory_space<hbm>>) dst(%arg20 : memref<1024x8xf32, #tpu.memory_space<vmem>>)
      %dma_wait3A_215 = arith.constant 0 : i32
      %dma_wait3A_216 = arith.constant 0 : i32
      %dma_wait3A_217 = tpu.memref_slice %arg7[%dma_wait3A_215, %dma_wait3A_216] : memref<9025x16xi32, #tpu.memory_space<hbm>> -> memref<1024x16xi32, #tpu.memory_space<hbm>>
      %dma_wait3A_218 = arith.constant 0 : i32
      %dma_wait3A_219 = arith.constant 0 : i32
      %dma_wait3A_220 = tpu.memref_slice %arg7[%dma_wait3A_218, %dma_wait3A_219] : memref<9025x16xi32, #tpu.memory_space<hbm>> -> memref<1024x16xi32, #tpu.memory_space<hbm>>
      tpu.wait_dma2 semaphore(%arg32 : memref<!tpu.dma_semaphore, #tpu.memory_space<semaphore_mem>>) src(%dma_wait3A_220 : memref<1024x16xi32, #tpu.memory_space<hbm>>) dst(%arg22 : memref<1024x16xi32, #tpu.memory_space<vmem>>)
      %ge3A_221 = arith.constant 1 : i32
      %ge3A_222 = arith.cmpi sge, %add3A_131, %ge3A_221 : i32
      %convert_element_type3A_223 = arith.extui %ge3A_222 : i1 to i32
      %cond3A_224 = arith.constant 0 : i32
      %cond3A_225 = arith.cmpi ne, %convert_element_type3A_223, %cond3A_224 : i32
      scf.if %cond3A_225 {
        %dma_wait3A_239 = arith.constant 0 : i32
        %dma_wait3A_240 = tpu.memref_slice %arg28[%dma_wait3A_239] : memref<100352xf32, #tpu.memory_space<vmem_shared>> -> memref<100352xf32, #tpu.memory_space<vmem_shared>>
        tpu.wait_indirect_dma semaphore(%arg34 : memref<!tpu.dma_semaphore, #tpu.memory_space<semaphore_mem>>) src(%arg24 : memref<1024xf32, #tpu.memory_space<vmem>>) dst(%dma_wait3A_240 : memref<100352xf32, #tpu.memory_space<vmem_shared>>)
      } else {
      }
      %scan3A_226 = arith.constant 0 : i32
      %scan3A_227 = arith.constant 64 : i32
      %scan3A_228 = arith.addi %scan3A_226, %scan3A_227 : i32
      %scan3A_229 = arith.constant 1 : i32
      scf.for %scan3A_239 = %scan3A_226 to %scan3A_228 step %scan3A_229  : i32 {
        %mul3A_240 = arith.constant 1 : i32
        %mul3A_241 = arith.muli %scan3A_239, %mul3A_240 : i32
        %add3A_242 = arith.constant 0 : i32
        %add3A_243 = arith.addi %add3A_242, %mul3A_241 : i32
        %mul3A_244 = arith.constant 16 : i32
        %mul3A_245 = arith.muli %add3A_243, %mul3A_244 : i32
        %mul3A_246 = arith.constant 16 : i32
        %mul3A_247 = arith.muli %add3A_243, %mul3A_246 : i32
        %add3A_248 = vector.broadcast %mul3A_247 : i32 to vector<16xi32>
        %add3A_249 = arith.addi %add3A_248, %iota3A : vector<16xi32>
        %gather3A = tpu.vector_load_idx %arg18[%add3A_249, %broadcast_in_dim3A_15] : memref<1024x8xf32, #tpu.memory_space<vmem>>[vector<16xi32>, vector<16xi32>], vector<16xf32>,
        %gather3A_250 = tpu.vector_load_idx %arg18[%add3A_249, %broadcast_in_dim3A_17] : memref<1024x8xf32, #tpu.memory_space<vmem>>[vector<16xi32>, vector<16xi32>], vector<16xf32>,
        %gather3A_251 = tpu.vector_load_idx %arg18[%add3A_249, %broadcast_in_dim3A_19] : memref<1024x8xf32, #tpu.memory_space<vmem>>[vector<16xi32>, vector<16xi32>], vector<16xf32>,
        %gather3A_252 = tpu.vector_load_idx %arg18[%add3A_249, %broadcast_in_dim3A_21] : memref<1024x8xf32, #tpu.memory_space<vmem>>[vector<16xi32>, vector<16xi32>], vector<16xf32>,
        %gather3A_253 = tpu.vector_load_idx %arg18[%add3A_249, %broadcast_in_dim3A_23] : memref<1024x8xf32, #tpu.memory_space<vmem>>[vector<16xi32>, vector<16xi32>], vector<16xf32>,
        %gather3A_254 = tpu.vector_load_idx %arg20[%add3A_249, %broadcast_in_dim3A_15] : memref<1024x8xf32, #tpu.memory_space<vmem>>[vector<16xi32>, vector<16xi32>], vector<16xf32>,
        %gather3A_255 = tpu.vector_load_idx %arg20[%add3A_249, %broadcast_in_dim3A_17] : memref<1024x8xf32, #tpu.memory_space<vmem>>[vector<16xi32>, vector<16xi32>], vector<16xf32>,
        %gather3A_256 = tpu.vector_load_idx %arg20[%add3A_249, %broadcast_in_dim3A_19] : memref<1024x8xf32, #tpu.memory_space<vmem>>[vector<16xi32>, vector<16xi32>], vector<16xf32>,
        %gather3A_257 = tpu.vector_load_idx %arg20[%add3A_249, %broadcast_in_dim3A_21] : memref<1024x8xf32, #tpu.memory_space<vmem>>[vector<16xi32>, vector<16xi32>], vector<16xf32>,
        %gather3A_258 = tpu.vector_load_idx %arg20[%add3A_249, %broadcast_in_dim3A_23] : memref<1024x8xf32, #tpu.memory_space<vmem>>[vector<16xi32>, vector<16xi32>], vector<16xf32>,
        %gather3A_259 = tpu.vector_load_idx %arg22[%add3A_249, %broadcast_in_dim3A_15] : memref<1024x16xi32, #tpu.memory_space<vmem>>[vector<16xi32>, vector<16xi32>], vector<16xi32>,
        %bitcast3A = vector.bitcast %gather3A_259 : vector<16xi32> to vector<32xbf16>
        %unpack3A = tpu.unpack_subelements %bitcast3A, 0 {pack_format = #tpu.pack_format<interleaved>} : vector<32xbf16> -> vector<16xf32>
        %unpack3A_260 = tpu.unpack_subelements %bitcast3A, 1 {pack_format = #tpu.pack_format<interleaved>} : vector<32xbf16> -> vector<16xf32>
        %mul3A_261 = arith.mulf %gather3A, %gather3A_254 : vector<16xf32>
        %mul3A_262 = arith.mulf %mul3A_261, %unpack3A : vector<16xf32>
        %mul3A_263 = arith.mulf %gather3A, %gather3A_255 : vector<16xf32>
        %mul3A_264 = arith.mulf %mul3A_263, %unpack3A_260 : vector<16xf32>
        %add3A_265 = arith.addf %mul3A_262, %mul3A_264 : vector<16xf32>
        %gather3A_266 = tpu.vector_load_idx %arg22[%add3A_249, %broadcast_in_dim3A_17] : memref<1024x16xi32, #tpu.memory_space<vmem>>[vector<16xi32>, vector<16xi32>], vector<16xi32>,
        %bitcast3A_267 = vector.bitcast %gather3A_266 : vector<16xi32> to vector<32xbf16>
        %unpack3A_268 = tpu.unpack_subelements %bitcast3A_267, 0 {pack_format = #tpu.pack_format<interleaved>} : vector<32xbf16> -> vector<16xf32>
        %unpack3A_269 = tpu.unpack_subelements %bitcast3A_267, 1 {pack_format = #tpu.pack_format<interleaved>} : vector<32xbf16> -> vector<16xf32>
        %mul3A_270 = arith.mulf %gather3A, %gather3A_256 : vector<16xf32>
        %mul3A_271 = arith.mulf %mul3A_270, %unpack3A_268 : vector<16xf32>
        %add3A_272 = arith.addf %add3A_265, %mul3A_271 : vector<16xf32>
        %mul3A_273 = arith.mulf %gather3A, %gather3A_257 : vector<16xf32>
        %mul3A_274 = arith.mulf %mul3A_273, %unpack3A_269 : vector<16xf32>
        %add3A_275 = arith.addf %add3A_272, %mul3A_274 : vector<16xf32>
        %gather3A_276 = tpu.vector_load_idx %arg22[%add3A_249, %broadcast_in_dim3A_19] : memref<1024x16xi32, #tpu.memory_space<vmem>>[vector<16xi32>, vector<16xi32>], vector<16xi32>,
        %bitcast3A_277 = vector.bitcast %gather3A_276 : vector<16xi32> to vector<32xbf16>
        %unpack3A_278 = tpu.unpack_subelements %bitcast3A_277, 0 {pack_format = #tpu.pack_format<interleaved>} : vector<32xbf16> -> vector<16xf32>
        %unpack3A_279 = tpu.unpack_subelements %bitcast3A_277, 1 {pack_format = #tpu.pack_format<interleaved>} : vector<32xbf16> -> vector<16xf32>
        %mul3A_280 = arith.mulf %gather3A, %gather3A_258 : vector<16xf32>
        %mul3A_281 = arith.mulf %mul3A_280, %unpack3A_278 : vector<16xf32>
        %add3A_282 = arith.addf %add3A_275, %mul3A_281 : vector<16xf32>
        %mul3A_283 = arith.mulf %gather3A_250, %gather3A_254 : vector<16xf32>
        %mul3A_284 = arith.mulf %mul3A_283, %unpack3A_279 : vector<16xf32>
        %add3A_285 = arith.addf %add3A_282, %mul3A_284 : vector<16xf32>
        %gather3A_286 = tpu.vector_load_idx %arg22[%add3A_249, %broadcast_in_dim3A_21] : memref<1024x16xi32, #tpu.memory_space<vmem>>[vector<16xi32>, vector<16xi32>], vector<16xi32>,
        %bitcast3A_287 = vector.bitcast %gather3A_286 : vector<16xi32> to vector<32xbf16>
        %unpack3A_288 = tpu.unpack_subelements %bitcast3A_287, 0 {pack_format = #tpu.pack_format<interleaved>} : vector<32xbf16> -> vector<16xf32>
        %unpack3A_289 = tpu.unpack_subelements %bitcast3A_287, 1 {pack_format = #tpu.pack_format<interleaved>} : vector<32xbf16> -> vector<16xf32>
        %mul3A_290 = arith.mulf %gather3A_250, %gather3A_255 : vector<16xf32>
        %mul3A_291 = arith.mulf %mul3A_290, %unpack3A_288 : vector<16xf32>
        %add3A_292 = arith.addf %add3A_285, %mul3A_291 : vector<16xf32>
        %mul3A_293 = arith.mulf %gather3A_250, %gather3A_256 : vector<16xf32>
        %mul3A_294 = arith.mulf %mul3A_293, %unpack3A_289 : vector<16xf32>
        %add3A_295 = arith.addf %add3A_292, %mul3A_294 : vector<16xf32>
        %gather3A_296 = tpu.vector_load_idx %arg22[%add3A_249, %broadcast_in_dim3A_23] : memref<1024x16xi32, #tpu.memory_space<vmem>>[vector<16xi32>, vector<16xi32>], vector<16xi32>,
        %bitcast3A_297 = vector.bitcast %gather3A_296 : vector<16xi32> to vector<32xbf16>
        %unpack3A_298 = tpu.unpack_subelements %bitcast3A_297, 0 {pack_format = #tpu.pack_format<interleaved>} : vector<32xbf16> -> vector<16xf32>
        %unpack3A_299 = tpu.unpack_subelements %bitcast3A_297, 1 {pack_format = #tpu.pack_format<interleaved>} : vector<32xbf16> -> vector<16xf32>
        %mul3A_300 = arith.mulf %gather3A_250, %gather3A_257 : vector<16xf32>
        %mul3A_301 = arith.mulf %mul3A_300, %unpack3A_298 : vector<16xf32>
        %add3A_302 = arith.addf %add3A_295, %mul3A_301 : vector<16xf32>
        %mul3A_303 = arith.mulf %gather3A_250, %gather3A_258 : vector<16xf32>
        %mul3A_304 = arith.mulf %mul3A_303, %unpack3A_299 : vector<16xf32>
        %add3A_305 = arith.addf %add3A_302, %mul3A_304 : vector<16xf32>
        %gather3A_306 = tpu.vector_load_idx %arg22[%add3A_249, %broadcast_in_dim3A_25] : memref<1024x16xi32, #tpu.memory_space<vmem>>[vector<16xi32>, vector<16xi32>], vector<16xi32>,
        %bitcast3A_307 = vector.bitcast %gather3A_306 : vector<16xi32> to vector<32xbf16>
        %unpack3A_308 = tpu.unpack_subelements %bitcast3A_307, 0 {pack_format = #tpu.pack_format<interleaved>} : vector<32xbf16> -> vector<16xf32>
        %unpack3A_309 = tpu.unpack_subelements %bitcast3A_307, 1 {pack_format = #tpu.pack_format<interleaved>} : vector<32xbf16> -> vector<16xf32>
        %mul3A_310 = arith.mulf %gather3A_251, %gather3A_254 : vector<16xf32>
        %mul3A_311 = arith.mulf %mul3A_310, %unpack3A_308 : vector<16xf32>
        %add3A_312 = arith.addf %add3A_305, %mul3A_311 : vector<16xf32>
        %mul3A_313 = arith.mulf %gather3A_251, %gather3A_255 : vector<16xf32>
        %mul3A_314 = arith.mulf %mul3A_313, %unpack3A_309 : vector<16xf32>
        %add3A_315 = arith.addf %add3A_312, %mul3A_314 : vector<16xf32>
        %gather3A_316 = tpu.vector_load_idx %arg22[%add3A_249, %broadcast_in_dim3A_27] : memref<1024x16xi32, #tpu.memory_space<vmem>>[vector<16xi32>, vector<16xi32>], vector<16xi32>,
        %bitcast3A_317 = vector.bitcast %gather3A_316 : vector<16xi32> to vector<32xbf16>
        %unpack3A_318 = tpu.unpack_subelements %bitcast3A_317, 0 {pack_format = #tpu.pack_format<interleaved>} : vector<32xbf16> -> vector<16xf32>
        %unpack3A_319 = tpu.unpack_subelements %bitcast3A_317, 1 {pack_format = #tpu.pack_format<interleaved>} : vector<32xbf16> -> vector<16xf32>
        %mul3A_320 = arith.mulf %gather3A_251, %gather3A_256 : vector<16xf32>
        %mul3A_321 = arith.mulf %mul3A_320, %unpack3A_318 : vector<16xf32>
        %add3A_322 = arith.addf %add3A_315, %mul3A_321 : vector<16xf32>
        %mul3A_323 = arith.mulf %gather3A_251, %gather3A_257 : vector<16xf32>
        %mul3A_324 = arith.mulf %mul3A_323, %unpack3A_319 : vector<16xf32>
        %add3A_325 = arith.addf %add3A_322, %mul3A_324 : vector<16xf32>
        %gather3A_326 = tpu.vector_load_idx %arg22[%add3A_249, %broadcast_in_dim3A_29] : memref<1024x16xi32, #tpu.memory_space<vmem>>[vector<16xi32>, vector<16xi32>], vector<16xi32>,
        %bitcast3A_327 = vector.bitcast %gather3A_326 : vector<16xi32> to vector<32xbf16>
        %unpack3A_328 = tpu.unpack_subelements %bitcast3A_327, 0 {pack_format = #tpu.pack_format<interleaved>} : vector<32xbf16> -> vector<16xf32>
        %unpack3A_329 = tpu.unpack_subelements %bitcast3A_327, 1 {pack_format = #tpu.pack_format<interleaved>} : vector<32xbf16> -> vector<16xf32>
        %mul3A_330 = arith.mulf %gather3A_251, %gather3A_258 : vector<16xf32>
        %mul3A_331 = arith.mulf %mul3A_330, %unpack3A_328 : vector<16xf32>
        %add3A_332 = arith.addf %add3A_325, %mul3A_331 : vector<16xf32>
        %mul3A_333 = arith.mulf %gather3A_252, %gather3A_254 : vector<16xf32>
        %mul3A_334 = arith.mulf %mul3A_333, %unpack3A_329 : vector<16xf32>
        %add3A_335 = arith.addf %add3A_332, %mul3A_334 : vector<16xf32>
        %gather3A_336 = tpu.vector_load_idx %arg22[%add3A_249, %broadcast_in_dim3A_31] : memref<1024x16xi32, #tpu.memory_space<vmem>>[vector<16xi32>, vector<16xi32>], vector<16xi32>,
        %bitcast3A_337 = vector.bitcast %gather3A_336 : vector<16xi32> to vector<32xbf16>
        %unpack3A_338 = tpu.unpack_subelements %bitcast3A_337, 0 {pack_format = #tpu.pack_format<interleaved>} : vector<32xbf16> -> vector<16xf32>
        %unpack3A_339 = tpu.unpack_subelements %bitcast3A_337, 1 {pack_format = #tpu.pack_format<interleaved>} : vector<32xbf16> -> vector<16xf32>
        %mul3A_340 = arith.mulf %gather3A_252, %gather3A_255 : vector<16xf32>
        %mul3A_341 = arith.mulf %mul3A_340, %unpack3A_338 : vector<16xf32>
        %add3A_342 = arith.addf %add3A_335, %mul3A_341 : vector<16xf32>
        %mul3A_343 = arith.mulf %gather3A_252, %gather3A_256 : vector<16xf32>
        %mul3A_344 = arith.mulf %mul3A_343, %unpack3A_339 : vector<16xf32>
        %add3A_345 = arith.addf %add3A_342, %mul3A_344 : vector<16xf32>
        %gather3A_346 = tpu.vector_load_idx %arg22[%add3A_249, %broadcast_in_dim3A_33] : memref<1024x16xi32, #tpu.memory_space<vmem>>[vector<16xi32>, vector<16xi32>], vector<16xi32>,
        %bitcast3A_347 = vector.bitcast %gather3A_346 : vector<16xi32> to vector<32xbf16>
        %unpack3A_348 = tpu.unpack_subelements %bitcast3A_347, 0 {pack_format = #tpu.pack_format<interleaved>} : vector<32xbf16> -> vector<16xf32>
        %unpack3A_349 = tpu.unpack_subelements %bitcast3A_347, 1 {pack_format = #tpu.pack_format<interleaved>} : vector<32xbf16> -> vector<16xf32>
        %mul3A_350 = arith.mulf %gather3A_252, %gather3A_257 : vector<16xf32>
        %mul3A_351 = arith.mulf %mul3A_350, %unpack3A_348 : vector<16xf32>
        %add3A_352 = arith.addf %add3A_345, %mul3A_351 : vector<16xf32>
        %mul3A_353 = arith.mulf %gather3A_252, %gather3A_258 : vector<16xf32>
        %mul3A_354 = arith.mulf %mul3A_353, %unpack3A_349 : vector<16xf32>
        %add3A_355 = arith.addf %add3A_352, %mul3A_354 : vector<16xf32>
        %gather3A_356 = tpu.vector_load_idx %arg22[%add3A_249, %broadcast_in_dim3A_35] : memref<1024x16xi32, #tpu.memory_space<vmem>>[vector<16xi32>, vector<16xi32>], vector<16xi32>,
        %bitcast3A_357 = vector.bitcast %gather3A_356 : vector<16xi32> to vector<32xbf16>
        %unpack3A_358 = tpu.unpack_subelements %bitcast3A_357, 0 {pack_format = #tpu.pack_format<interleaved>} : vector<32xbf16> -> vector<16xf32>
        %unpack3A_359 = tpu.unpack_subelements %bitcast3A_357, 1 {pack_format = #tpu.pack_format<interleaved>} : vector<32xbf16> -> vector<16xf32>
        %mul3A_360 = arith.mulf %gather3A_253, %gather3A_254 : vector<16xf32>
        %mul3A_361 = arith.mulf %mul3A_360, %unpack3A_358 : vector<16xf32>
        %add3A_362 = arith.addf %add3A_355, %mul3A_361 : vector<16xf32>
        %mul3A_363 = arith.mulf %gather3A_253, %gather3A_255 : vector<16xf32>
        %mul3A_364 = arith.mulf %mul3A_363, %unpack3A_359 : vector<16xf32>
        %add3A_365 = arith.addf %add3A_362, %mul3A_364 : vector<16xf32>
        %gather3A_366 = tpu.vector_load_idx %arg22[%add3A_249, %broadcast_in_dim3A_37] : memref<1024x16xi32, #tpu.memory_space<vmem>>[vector<16xi32>, vector<16xi32>], vector<16xi32>,
        %bitcast3A_367 = vector.bitcast %gather3A_366 : vector<16xi32> to vector<32xbf16>
        %unpack3A_368 = tpu.unpack_subelements %bitcast3A_367, 0 {pack_format = #tpu.pack_format<interleaved>} : vector<32xbf16> -> vector<16xf32>
        %unpack3A_369 = tpu.unpack_subelements %bitcast3A_367, 1 {pack_format = #tpu.pack_format<interleaved>} : vector<32xbf16> -> vector<16xf32>
        %mul3A_370 = arith.mulf %gather3A_253, %gather3A_256 : vector<16xf32>
        %mul3A_371 = arith.mulf %mul3A_370, %unpack3A_368 : vector<16xf32>
        %add3A_372 = arith.addf %add3A_365, %mul3A_371 : vector<16xf32>
        %mul3A_373 = arith.mulf %gather3A_253, %gather3A_257 : vector<16xf32>
        %mul3A_374 = arith.mulf %mul3A_373, %unpack3A_369 : vector<16xf32>
        %add3A_375 = arith.addf %add3A_372, %mul3A_374 : vector<16xf32>
        %gather3A_376 = tpu.vector_load_idx %arg22[%add3A_249, %broadcast_in_dim3A_39] : memref<1024x16xi32, #tpu.memory_space<vmem>>[vector<16xi32>, vector<16xi32>], vector<16xi32>,
        %bitcast3A_377 = vector.bitcast %gather3A_376 : vector<16xi32> to vector<32xbf16>
        %unpack3A_378 = tpu.unpack_subelements %bitcast3A_377, 0 {pack_format = #tpu.pack_format<interleaved>} : vector<32xbf16> -> vector<16xf32>
        %unpack3A_379 = tpu.unpack_subelements %bitcast3A_377, 1 {pack_format = #tpu.pack_format<interleaved>} : vector<32xbf16> -> vector<16xf32>
        %mul3A_380 = arith.mulf %gather3A_253, %gather3A_258 : vector<16xf32>
        %mul3A_381 = arith.mulf %mul3A_380, %unpack3A_378 : vector<16xf32>
        %add3A_382 = arith.addf %add3A_375, %mul3A_381 : vector<16xf32>
        %gather3A_383 = tpu.vector_load_idx %arg18[%add3A_249, %broadcast_in_dim3A_25] : memref<1024x8xf32, #tpu.memory_space<vmem>>[vector<16xi32>, vector<16xi32>], vector<16xf32>,
        %gather3A_384 = tpu.vector_load_idx %arg20[%add3A_249, %broadcast_in_dim3A_25] : memref<1024x8xf32, #tpu.memory_space<vmem>>[vector<16xi32>, vector<16xi32>], vector<16xf32>,
        %gather3A_385 = tpu.vector_load_idx %arg18[%add3A_249, %broadcast_in_dim3A_27] : memref<1024x8xf32, #tpu.memory_space<vmem>>[vector<16xi32>, vector<16xi32>], vector<16xf32>,
        %gather3A_386 = tpu.vector_load_idx %arg20[%add3A_249, %broadcast_in_dim3A_27] : memref<1024x8xf32, #tpu.memory_space<vmem>>[vector<16xi32>, vector<16xi32>], vector<16xf32>,
        %mul3A_387 = arith.constant 3.000000e+00 : f32
        %mul3A_388 = vector.broadcast %mul3A_387 : f32 to vector<16xf32>
        %mul3A_389 = arith.mulf %mul3A_388, %gather3A_383 : vector<16xf32>
        %mul3A_390 = arith.mulf %mul3A_389, %gather3A_384 : vector<16xf32>
        %mul3A_391 = arith.mulf %add3A_382, %mul3A_390 : vector<16xf32>
        %mul3A_392 = arith.constant 0.586299181 : f32
        %mul3A_393 = vector.broadcast %mul3A_392 : f32 to vector<16xf32>
        %mul3A_394 = arith.mulf %mul3A_393, %gather3A_385 : vector<16xf32>
        %mul3A_395 = arith.mulf %mul3A_394, %gather3A_386 : vector<16xf32>
        %add3A_396 = arith.constant 2.883000e+00 : f32
        %add3A_397 = vector.broadcast %add3A_396 : f32 to vector<16xf32>
        %add3A_398 = arith.addf %mul3A_395, %add3A_397 : vector<16xf32>
        %get3A = arith.index_cast %mul3A_245 : i32 to index
        %get3A_399 = tpu.vector_load %arg16[%get3A] {strides = array<i32>} : memref<1024xf32, #tpu.memory_space<vmem>>, vector<16xf32>,
        %mul3A_400 = arith.mulf %get3A_399, %get3A_399 : vector<16xf32>
        %mul3A_401 = arith.mulf %mul3A_400, %mul3A_400 : vector<16xf32>
        %mul3A_402 = arith.mulf %mul3A_401, %mul3A_400 : vector<16xf32>
        %mul3A_403 = arith.mulf %mul3A_402, %mul3A_400 : vector<16xf32>
        %mul3A_404 = arith.mulf %add3A_398, %add3A_398 : vector<16xf32>
        %mul3A_405 = arith.mulf %mul3A_404, %mul3A_404 : vector<16xf32>
        %mul3A_406 = arith.mulf %mul3A_405, %mul3A_404 : vector<16xf32>
        %mul3A_407 = arith.mulf %mul3A_406, %mul3A_404 : vector<16xf32>
        %mul3A_408 = arith.constant 1.000000e+00 : f32
        %mul3A_409 = vector.broadcast %mul3A_408 : f32 to vector<16xf32>
        %mul3A_410 = arith.mulf %mul3A_409, %add3A_382 : vector<16xf32>
        %add3A_411 = arith.addf %mul3A_402, %mul3A_406 : vector<16xf32>
        %div3A_412 = arith.divf %mul3A_410, %add3A_411 : vector<16xf32>
        %mul3A_413 = arith.constant 9.171000e-01 : f32
        %mul3A_414 = vector.broadcast %mul3A_413 : f32 to vector<16xf32>
        %mul3A_415 = arith.mulf %mul3A_414, %mul3A_391 : vector<16xf32>
        %add3A_416 = arith.addf %mul3A_403, %mul3A_407 : vector<16xf32>
        %div3A_417 = arith.divf %mul3A_415, %add3A_416 : vector<16xf32>
        %add3A_418 = arith.addf %div3A_412, %div3A_417 : vector<16xf32>
        %mul3A_419 = arith.constant -5.000000e-01 : f32
        %mul3A_420 = vector.broadcast %mul3A_419 : f32 to vector<16xf32>
        %mul3A_421 = arith.mulf %mul3A_420, %add3A_418 : vector<16xf32>
        %swap3A = arith.index_cast %mul3A_245 : i32 to index
        %swap3A_422 = tpu.vector_load %arg24[%swap3A] {strides = array<i32>} : memref<1024xf32, #tpu.memory_space<vmem>>, vector<16xf32>,
        tpu.vector_store %arg24[%swap3A], %mul3A_421 {strides = array<i32>} : memref<1024xf32, #tpu.memory_space<vmem>>, vector<16xf32>,
        %get3A_423 = arith.index_cast %mul3A_245 : i32 to index
        %get3A_424 = tpu.vector_load %arg10[%get3A_423] {strides = array<i32>} : memref<1024xi32, #tpu.memory_space<vmem>>, vector<16xi32>,
        %swap3A_425 = arith.index_cast %mul3A_245 : i32 to index
        %swap3A_426 = tpu.vector_load %arg26[%swap3A_425] {strides = array<i32>} : memref<1024xi32, #tpu.memory_space<vmem>>, vector<16xi32>,
        tpu.vector_store %arg26[%swap3A_425], %get3A_424 {strides = array<i32>} : memref<1024xi32, #tpu.memory_space<vmem>>, vector<16xi32>,
      }
      %scan3A_230 = arith.constant 64 : i32
      %dma_start3A_231 = arith.constant 0 : i32
      %dma_start3A_232 = tpu.memref_slice %arg28[%dma_start3A_231] : memref<100352xf32, #tpu.memory_space<vmem_shared>> -> memref<100352xf32, #tpu.memory_space<vmem_shared>>
      tpu.enqueue_indirect_dma source(%arg24 : memref<1024xf32, #tpu.memory_space<vmem>>) target(%dma_start3A_232 : memref<100352xf32, #tpu.memory_space<vmem_shared>>) offsets(%arg26 : memref<1024xi32, #tpu.memory_space<vmem>>) semaphore(%arg34 : memref<!tpu.dma_semaphore, #tpu.memory_space<semaphore_mem>>) {add = true}
      %sub3A_233 = arith.constant 1 : i32
      %sub3A_234 = arith.subi %select_n3A_14, %sub3A_233 : i32
      %lt3A_235 = arith.cmpi slt, %add3A_131, %sub3A_234 : i32
      %convert_element_type3A_236 = arith.extui %lt3A_235 : i1 to i32
      %cond3A_237 = arith.constant 0 : i32
      %cond3A_238 = arith.cmpi ne, %convert_element_type3A_236, %cond3A_237 : i32
      scf.if %cond3A_238 {
        %add3A_239 = arith.constant 2 : i32
        %add3A_240 = arith.addi %add3A_196, %add3A_239 : i32
        %mul3A_241 = arith.constant 1024 : i32
        %mul3A_242 = arith.muli %add3A_240, %mul3A_241 : i32
        %add3A_243 = arith.addi %select_n3A, %mul3A_242 : i32
        %dma_start3A_244 = tpu.memref_slice %arg2[%add3A_243] : memref<1638400xi32, #tpu.memory_space<hbm>> -> memref<1024xi32, #tpu.memory_space<hbm>>
        %dma_start3A_245 = tpu.memref_slice %arg2[%add3A_243] : memref<1638400xi32, #tpu.memory_space<hbm>> -> memref<1024xi32, #tpu.memory_space<hbm>>
        tpu.enqueue_dma source(%dma_start3A_245 : memref<1024xi32, #tpu.memory_space<hbm>>) target(%arg10 : memref<1024xi32, #tpu.memory_space<vmem>>) target_semaphore(%arg30 : memref<!tpu.dma_semaphore, #tpu.memory_space<semaphore_mem>>)
        %mul3A_246 = arith.constant 1024 : i32
        %mul3A_247 = arith.muli %add3A_240, %mul3A_246 : i32
        %add3A_248 = arith.addi %select_n3A, %mul3A_247 : i32
        %dma_start3A_249 = tpu.memref_slice %arg3[%add3A_248] : memref<1638400xi32, #tpu.memory_space<hbm>> -> memref<1024xi32, #tpu.memory_space<hbm>>
        %dma_start3A_250 = tpu.memref_slice %arg3[%add3A_248] : memref<1638400xi32, #tpu.memory_space<hbm>> -> memref<1024xi32, #tpu.memory_space<hbm>>
        tpu.enqueue_dma source(%dma_start3A_250 : memref<1024xi32, #tpu.memory_space<hbm>>) target(%arg12 : memref<1024xi32, #tpu.memory_space<vmem>>) target_semaphore(%arg30 : memref<!tpu.dma_semaphore, #tpu.memory_space<semaphore_mem>>)
        %mul3A_251 = arith.constant 1024 : i32
        %mul3A_252 = arith.muli %add3A_240, %mul3A_251 : i32
        %add3A_253 = arith.addi %select_n3A, %mul3A_252 : i32
        %dma_start3A_254 = tpu.memref_slice %arg5[%add3A_253] : memref<1638400xi32, #tpu.memory_space<hbm>> -> memref<1024xi32, #tpu.memory_space<hbm>>
        %dma_start3A_255 = tpu.memref_slice %arg5[%add3A_253] : memref<1638400xi32, #tpu.memory_space<hbm>> -> memref<1024xi32, #tpu.memory_space<hbm>>
        tpu.enqueue_dma source(%dma_start3A_255 : memref<1024xi32, #tpu.memory_space<hbm>>) target(%arg14 : memref<1024xi32, #tpu.memory_space<vmem>>) target_semaphore(%arg30 : memref<!tpu.dma_semaphore, #tpu.memory_space<semaphore_mem>>)
        %mul3A_256 = arith.constant 1024 : i32
        %mul3A_257 = arith.muli %add3A_240, %mul3A_256 : i32
        %add3A_258 = arith.addi %select_n3A, %mul3A_257 : i32
        %dma_start3A_259 = tpu.memref_slice %arg4[%add3A_258] : memref<1638400xf32, #tpu.memory_space<hbm>> -> memref<1024xf32, #tpu.memory_space<hbm>>
        %dma_start3A_260 = tpu.memref_slice %arg4[%add3A_258] : memref<1638400xf32, #tpu.memory_space<hbm>> -> memref<1024xf32, #tpu.memory_space<hbm>>
        tpu.enqueue_dma source(%dma_start3A_260 : memref<1024xf32, #tpu.memory_space<hbm>>) target(%arg16 : memref<1024xf32, #tpu.memory_space<vmem>>) target_semaphore(%arg30 : memref<!tpu.dma_semaphore, #tpu.memory_space<semaphore_mem>>)
      } else {
      }
    }
    %while3A_116 = arith.constant 1 : i32
    scf.for %while3A_129 = %while3A_114 to %while3A_110 step %while3A_116  : i32 {
      %mul3A_130 = arith.muli %while3A_129, %while3A : i32
      %add3A_131 = arith.addi %while3A_107, %mul3A_130 : i32
      %mul3A_132 = arith.constant 2 : i32
      %mul3A_133 = arith.muli %mul3A_132, %add3A_131 : i32
      %add3A_134 = arith.constant 0 : i32
      %add3A_135 = arith.addi %mul3A_133, %add3A_134 : i32
      %dma_wait3A_136 = arith.constant 0 : i32
      %dma_wait3A_137 = tpu.memref_slice %arg2[%dma_wait3A_136] : memref<1638400xi32, #tpu.memory_space<hbm>> -> memref<1024xi32, #tpu.memory_space<hbm>>
      %dma_wait3A_138 = arith.constant 0 : i32
      %dma_wait3A_139 = tpu.memref_slice %arg2[%dma_wait3A_138] : memref<1638400xi32, #tpu.memory_space<hbm>> -> memref<1024xi32, #tpu.memory_space<hbm>>
      tpu.wait_dma2 semaphore(%arg30 : memref<!tpu.dma_semaphore, #tpu.memory_space<semaphore_mem>>) src(%dma_wait3A_139 : memref<1024xi32, #tpu.memory_space<hbm>>) dst(%arg10 : memref<1024xi32, #tpu.memory_space<vmem>>)
      %dma_wait3A_140 = arith.constant 0 : i32
      %dma_wait3A_141 = tpu.memref_slice %arg3[%dma_wait3A_140] : memref<1638400xi32, #tpu.memory_space<hbm>> -> memref<1024xi32, #tpu.memory_space<hbm>>
      %dma_wait3A_142 = arith.constant 0 : i32
      %dma_wait3A_143 = tpu.memref_slice %arg3[%dma_wait3A_142] : memref<1638400xi32, #tpu.memory_space<hbm>> -> memref<1024xi32, #tpu.memory_space<hbm>>
      tpu.wait_dma2 semaphore(%arg30 : memref<!tpu.dma_semaphore, #tpu.memory_space<semaphore_mem>>) src(%dma_wait3A_143 : memref<1024xi32, #tpu.memory_space<hbm>>) dst(%arg12 : memref<1024xi32, #tpu.memory_space<vmem>>)
      %dma_wait3A_144 = arith.constant 0 : i32
      %dma_wait3A_145 = tpu.memref_slice %arg5[%dma_wait3A_144] : memref<1638400xi32, #tpu.memory_space<hbm>> -> memref<1024xi32, #tpu.memory_space<hbm>>
      %dma_wait3A_146 = arith.constant 0 : i32
      %dma_wait3A_147 = tpu.memref_slice %arg5[%dma_wait3A_146] : memref<1638400xi32, #tpu.memory_space<hbm>> -> memref<1024xi32, #tpu.memory_space<hbm>>
      tpu.wait_dma2 semaphore(%arg30 : memref<!tpu.dma_semaphore, #tpu.memory_space<semaphore_mem>>) src(%dma_wait3A_147 : memref<1024xi32, #tpu.memory_space<hbm>>) dst(%arg14 : memref<1024xi32, #tpu.memory_space<vmem>>)
      %dma_wait3A_148 = arith.constant 0 : i32
      %dma_wait3A_149 = tpu.memref_slice %arg4[%dma_wait3A_148] : memref<1638400xf32, #tpu.memory_space<hbm>> -> memref<1024xf32, #tpu.memory_space<hbm>>
      %dma_wait3A_150 = arith.constant 0 : i32
      %dma_wait3A_151 = tpu.memref_slice %arg4[%dma_wait3A_150] : memref<1638400xf32, #tpu.memory_space<hbm>> -> memref<1024xf32, #tpu.memory_space<hbm>>
      tpu.wait_dma2 semaphore(%arg30 : memref<!tpu.dma_semaphore, #tpu.memory_space<semaphore_mem>>) src(%dma_wait3A_151 : memref<1024xf32, #tpu.memory_space<hbm>>) dst(%arg16 : memref<1024xf32, #tpu.memory_space<vmem>>)
      %dma_start3A_152 = arith.constant 0 : i32
      %dma_start3A_153 = arith.constant 0 : i32
      %dma_start3A_154 = tpu.memref_slice %arg6[%dma_start3A_152, %dma_start3A_153] : memref<100352x8xf32, #tpu.memory_space<hbm>> -> memref<100352x8xf32, #tpu.memory_space<hbm>>
      tpu.enqueue_indirect_dma source(%dma_start3A_154 : memref<100352x8xf32, #tpu.memory_space<hbm>>) target(%arg18 : memref<1024x8xf32, #tpu.memory_space<vmem>>) offsets(%arg10 : memref<1024xi32, #tpu.memory_space<vmem>>) semaphore(%arg32 : memref<!tpu.dma_semaphore, #tpu.memory_space<semaphore_mem>>)
      %dma_start3A_155 = arith.constant 0 : i32
      %dma_start3A_156 = arith.constant 0 : i32
      %dma_start3A_157 = tpu.memref_slice %arg6[%dma_start3A_155, %dma_start3A_156] : memref<100352x8xf32, #tpu.memory_space<hbm>> -> memref<100352x8xf32, #tpu.memory_space<hbm>>
      tpu.enqueue_indirect_dma source(%dma_start3A_157 : memref<100352x8xf32, #tpu.memory_space<hbm>>) target(%arg20 : memref<1024x8xf32, #tpu.memory_space<vmem>>) offsets(%arg12 : memref<1024xi32, #tpu.memory_space<vmem>>) semaphore(%arg32 : memref<!tpu.dma_semaphore, #tpu.memory_space<semaphore_mem>>)
      %dma_start3A_158 = arith.constant 0 : i32
      %dma_start3A_159 = arith.constant 0 : i32
      %dma_start3A_160 = tpu.memref_slice %arg7[%dma_start3A_158, %dma_start3A_159] : memref<9025x16xi32, #tpu.memory_space<hbm>> -> memref<9025x16xi32, #tpu.memory_space<hbm>>
      tpu.enqueue_indirect_dma source(%dma_start3A_160 : memref<9025x16xi32, #tpu.memory_space<hbm>>) target(%arg22 : memref<1024x16xi32, #tpu.memory_space<vmem>>) offsets(%arg14 : memref<1024xi32, #tpu.memory_space<vmem>>) semaphore(%arg32 : memref<!tpu.dma_semaphore, #tpu.memory_space<semaphore_mem>>)
      %dma_wait3A_161 = arith.constant 0 : i32
      %dma_wait3A_162 = arith.constant 0 : i32
      %dma_wait3A_163 = tpu.memref_slice %arg6[%dma_wait3A_161, %dma_wait3A_162] : memref<100352x8xf32, #tpu.memory_space<hbm>> -> memref<1024x8xf32, #tpu.memory_space<hbm>>
      %dma_wait3A_164 = arith.constant 0 : i32
      %dma_wait3A_165 = arith.constant 0 : i32
      %dma_wait3A_166 = tpu.memref_slice %arg6[%dma_wait3A_164, %dma_wait3A_165] : memref<100352x8xf32, #tpu.memory_space<hbm>> -> memref<1024x8xf32, #tpu.memory_space<hbm>>
      tpu.wait_dma2 semaphore(%arg31 : memref<!tpu.dma_semaphore, #tpu.memory_space<semaphore_mem>>) src(%dma_wait3A_166 : memref<1024x8xf32, #tpu.memory_space<hbm>>) dst(%arg17 : memref<1024x8xf32, #tpu.memory_space<vmem>>)
      %dma_wait3A_167 = arith.constant 0 : i32
      %dma_wait3A_168 = arith.constant 0 : i32
      %dma_wait3A_169 = tpu.memref_slice %arg6[%dma_wait3A_167, %dma_wait3A_168] : memref<100352x8xf32, #tpu.memory_space<hbm>> -> memref<1024x8xf32, #tpu.memory_space<hbm>>
      %dma_wait3A_170 = arith.constant 0 : i32
      %dma_wait3A_171 = arith.constant 0 : i32
      %dma_wait3A_172 = tpu.memref_slice %arg6[%dma_wait3A_170, %dma_wait3A_171] : memref<100352x8xf32, #tpu.memory_space<hbm>> -> memref<1024x8xf32, #tpu.memory_space<hbm>>
      tpu.wait_dma2 semaphore(%arg31 : memref<!tpu.dma_semaphore, #tpu.memory_space<semaphore_mem>>) src(%dma_wait3A_172 : memref<1024x8xf32, #tpu.memory_space<hbm>>) dst(%arg19 : memref<1024x8xf32, #tpu.memory_space<vmem>>)
      %dma_wait3A_173 = arith.constant 0 : i32
      %dma_wait3A_174 = arith.constant 0 : i32
      %dma_wait3A_175 = tpu.memref_slice %arg7[%dma_wait3A_173, %dma_wait3A_174] : memref<9025x16xi32, #tpu.memory_space<hbm>> -> memref<1024x16xi32, #tpu.memory_space<hbm>>
      %dma_wait3A_176 = arith.constant 0 : i32
      %dma_wait3A_177 = arith.constant 0 : i32
      %dma_wait3A_178 = tpu.memref_slice %arg7[%dma_wait3A_176, %dma_wait3A_177] : memref<9025x16xi32, #tpu.memory_space<hbm>> -> memref<1024x16xi32, #tpu.memory_space<hbm>>
      tpu.wait_dma2 semaphore(%arg31 : memref<!tpu.dma_semaphore, #tpu.memory_space<semaphore_mem>>) src(%dma_wait3A_178 : memref<1024x16xi32, #tpu.memory_space<hbm>>) dst(%arg21 : memref<1024x16xi32, #tpu.memory_space<vmem>>)
      %ge3A = arith.constant 1 : i32
      %ge3A_179 = arith.cmpi sge, %add3A_131, %ge3A : i32
      %convert_element_type3A = arith.extui %ge3A_179 : i1 to i32
      %cond3A = arith.constant 0 : i32
      %cond3A_180 = arith.cmpi ne, %convert_element_type3A, %cond3A : i32
      scf.if %cond3A_180 {
        %dma_wait3A_239 = arith.constant 0 : i32
        %dma_wait3A_240 = tpu.memref_slice %arg28[%dma_wait3A_239] : memref<100352xf32, #tpu.memory_space<vmem_shared>> -> memref<100352xf32, #tpu.memory_space<vmem_shared>>
        tpu.wait_indirect_dma semaphore(%arg33 : memref<!tpu.dma_semaphore, #tpu.memory_space<semaphore_mem>>) src(%arg23 : memref<1024xf32, #tpu.memory_space<vmem>>) dst(%dma_wait3A_240 : memref<100352xf32, #tpu.memory_space<vmem_shared>>)
      } else {
      }
      %scan3A_181 = arith.constant 0 : i32
      %scan3A_182 = arith.constant 64 : i32
      %scan3A_183 = arith.addi %scan3A_181, %scan3A_182 : i32
      %scan3A_184 = arith.constant 1 : i32
      scf.for %scan3A_239 = %scan3A_181 to %scan3A_183 step %scan3A_184  : i32 {
        %mul3A_240 = arith.constant 1 : i32
        %mul3A_241 = arith.muli %scan3A_239, %mul3A_240 : i32
        %add3A_242 = arith.constant 0 : i32
        %add3A_243 = arith.addi %add3A_242, %mul3A_241 : i32
        %mul3A_244 = arith.constant 16 : i32
        %mul3A_245 = arith.muli %add3A_243, %mul3A_244 : i32
        %mul3A_246 = arith.constant 16 : i32
        %mul3A_247 = arith.muli %add3A_243, %mul3A_246 : i32
        %add3A_248 = vector.broadcast %mul3A_247 : i32 to vector<16xi32>
        %add3A_249 = arith.addi %add3A_248, %iota3A : vector<16xi32>
        %gather3A = tpu.vector_load_idx %arg17[%add3A_249, %broadcast_in_dim3A_15] : memref<1024x8xf32, #tpu.memory_space<vmem>>[vector<16xi32>, vector<16xi32>], vector<16xf32>,
        %gather3A_250 = tpu.vector_load_idx %arg17[%add3A_249, %broadcast_in_dim3A_17] : memref<1024x8xf32, #tpu.memory_space<vmem>>[vector<16xi32>, vector<16xi32>], vector<16xf32>,
        %gather3A_251 = tpu.vector_load_idx %arg17[%add3A_249, %broadcast_in_dim3A_19] : memref<1024x8xf32, #tpu.memory_space<vmem>>[vector<16xi32>, vector<16xi32>], vector<16xf32>,
        %gather3A_252 = tpu.vector_load_idx %arg17[%add3A_249, %broadcast_in_dim3A_21] : memref<1024x8xf32, #tpu.memory_space<vmem>>[vector<16xi32>, vector<16xi32>], vector<16xf32>,
        %gather3A_253 = tpu.vector_load_idx %arg17[%add3A_249, %broadcast_in_dim3A_23] : memref<1024x8xf32, #tpu.memory_space<vmem>>[vector<16xi32>, vector<16xi32>], vector<16xf32>,
        %gather3A_254 = tpu.vector_load_idx %arg19[%add3A_249, %broadcast_in_dim3A_15] : memref<1024x8xf32, #tpu.memory_space<vmem>>[vector<16xi32>, vector<16xi32>], vector<16xf32>,
        %gather3A_255 = tpu.vector_load_idx %arg19[%add3A_249, %broadcast_in_dim3A_17] : memref<1024x8xf32, #tpu.memory_space<vmem>>[vector<16xi32>, vector<16xi32>], vector<16xf32>,
        %gather3A_256 = tpu.vector_load_idx %arg19[%add3A_249, %broadcast_in_dim3A_19] : memref<1024x8xf32, #tpu.memory_space<vmem>>[vector<16xi32>, vector<16xi32>], vector<16xf32>,
        %gather3A_257 = tpu.vector_load_idx %arg19[%add3A_249, %broadcast_in_dim3A_21] : memref<1024x8xf32, #tpu.memory_space<vmem>>[vector<16xi32>, vector<16xi32>], vector<16xf32>,
        %gather3A_258 = tpu.vector_load_idx %arg19[%add3A_249, %broadcast_in_dim3A_23] : memref<1024x8xf32, #tpu.memory_space<vmem>>[vector<16xi32>, vector<16xi32>], vector<16xf32>,
        %gather3A_259 = tpu.vector_load_idx %arg21[%add3A_249, %broadcast_in_dim3A_15] : memref<1024x16xi32, #tpu.memory_space<vmem>>[vector<16xi32>, vector<16xi32>], vector<16xi32>,
        %bitcast3A = vector.bitcast %gather3A_259 : vector<16xi32> to vector<32xbf16>
        %unpack3A = tpu.unpack_subelements %bitcast3A, 0 {pack_format = #tpu.pack_format<interleaved>} : vector<32xbf16> -> vector<16xf32>
        %unpack3A_260 = tpu.unpack_subelements %bitcast3A, 1 {pack_format = #tpu.pack_format<interleaved>} : vector<32xbf16> -> vector<16xf32>
        %mul3A_261 = arith.mulf %gather3A, %gather3A_254 : vector<16xf32>
        %mul3A_262 = arith.mulf %mul3A_261, %unpack3A : vector<16xf32>
        %mul3A_263 = arith.mulf %gather3A, %gather3A_255 : vector<16xf32>
        %mul3A_264 = arith.mulf %mul3A_263, %unpack3A_260 : vector<16xf32>
        %add3A_265 = arith.addf %mul3A_262, %mul3A_264 : vector<16xf32>
        %gather3A_266 = tpu.vector_load_idx %arg21[%add3A_249, %broadcast_in_dim3A_17] : memref<1024x16xi32, #tpu.memory_space<vmem>>[vector<16xi32>, vector<16xi32>], vector<16xi32>,
        %bitcast3A_267 = vector.bitcast %gather3A_266 : vector<16xi32> to vector<32xbf16>
        %unpack3A_268 = tpu.unpack_subelements %bitcast3A_267, 0 {pack_format = #tpu.pack_format<interleaved>} : vector<32xbf16> -> vector<16xf32>
        %unpack3A_269 = tpu.unpack_subelements %bitcast3A_267, 1 {pack_format = #tpu.pack_format<interleaved>} : vector<32xbf16> -> vector<16xf32>
        %mul3A_270 = arith.mulf %gather3A, %gather3A_256 : vector<16xf32>
        %mul3A_271 = arith.mulf %mul3A_270, %unpack3A_268 : vector<16xf32>
        %add3A_272 = arith.addf %add3A_265, %mul3A_271 : vector<16xf32>
        %mul3A_273 = arith.mulf %gather3A, %gather3A_257 : vector<16xf32>
        %mul3A_274 = arith.mulf %mul3A_273, %unpack3A_269 : vector<16xf32>
        %add3A_275 = arith.addf %add3A_272, %mul3A_274 : vector<16xf32>
        %gather3A_276 = tpu.vector_load_idx %arg21[%add3A_249, %broadcast_in_dim3A_19] : memref<1024x16xi32, #tpu.memory_space<vmem>>[vector<16xi32>, vector<16xi32>], vector<16xi32>,
        %bitcast3A_277 = vector.bitcast %gather3A_276 : vector<16xi32> to vector<32xbf16>
        %unpack3A_278 = tpu.unpack_subelements %bitcast3A_277, 0 {pack_format = #tpu.pack_format<interleaved>} : vector<32xbf16> -> vector<16xf32>
        %unpack3A_279 = tpu.unpack_subelements %bitcast3A_277, 1 {pack_format = #tpu.pack_format<interleaved>} : vector<32xbf16> -> vector<16xf32>
        %mul3A_280 = arith.mulf %gather3A, %gather3A_258 : vector<16xf32>
        %mul3A_281 = arith.mulf %mul3A_280, %unpack3A_278 : vector<16xf32>
        %add3A_282 = arith.addf %add3A_275, %mul3A_281 : vector<16xf32>
        %mul3A_283 = arith.mulf %gather3A_250, %gather3A_254 : vector<16xf32>
        %mul3A_284 = arith.mulf %mul3A_283, %unpack3A_279 : vector<16xf32>
        %add3A_285 = arith.addf %add3A_282, %mul3A_284 : vector<16xf32>
        %gather3A_286 = tpu.vector_load_idx %arg21[%add3A_249, %broadcast_in_dim3A_21] : memref<1024x16xi32, #tpu.memory_space<vmem>>[vector<16xi32>, vector<16xi32>], vector<16xi32>,
        %bitcast3A_287 = vector.bitcast %gather3A_286 : vector<16xi32> to vector<32xbf16>
        %unpack3A_288 = tpu.unpack_subelements %bitcast3A_287, 0 {pack_format = #tpu.pack_format<interleaved>} : vector<32xbf16> -> vector<16xf32>
        %unpack3A_289 = tpu.unpack_subelements %bitcast3A_287, 1 {pack_format = #tpu.pack_format<interleaved>} : vector<32xbf16> -> vector<16xf32>
        %mul3A_290 = arith.mulf %gather3A_250, %gather3A_255 : vector<16xf32>
        %mul3A_291 = arith.mulf %mul3A_290, %unpack3A_288 : vector<16xf32>
        %add3A_292 = arith.addf %add3A_285, %mul3A_291 : vector<16xf32>
        %mul3A_293 = arith.mulf %gather3A_250, %gather3A_256 : vector<16xf32>
        %mul3A_294 = arith.mulf %mul3A_293, %unpack3A_289 : vector<16xf32>
        %add3A_295 = arith.addf %add3A_292, %mul3A_294 : vector<16xf32>
        %gather3A_296 = tpu.vector_load_idx %arg21[%add3A_249, %broadcast_in_dim3A_23] : memref<1024x16xi32, #tpu.memory_space<vmem>>[vector<16xi32>, vector<16xi32>], vector<16xi32>,
        %bitcast3A_297 = vector.bitcast %gather3A_296 : vector<16xi32> to vector<32xbf16>
        %unpack3A_298 = tpu.unpack_subelements %bitcast3A_297, 0 {pack_format = #tpu.pack_format<interleaved>} : vector<32xbf16> -> vector<16xf32>
        %unpack3A_299 = tpu.unpack_subelements %bitcast3A_297, 1 {pack_format = #tpu.pack_format<interleaved>} : vector<32xbf16> -> vector<16xf32>
        %mul3A_300 = arith.mulf %gather3A_250, %gather3A_257 : vector<16xf32>
        %mul3A_301 = arith.mulf %mul3A_300, %unpack3A_298 : vector<16xf32>
        %add3A_302 = arith.addf %add3A_295, %mul3A_301 : vector<16xf32>
        %mul3A_303 = arith.mulf %gather3A_250, %gather3A_258 : vector<16xf32>
        %mul3A_304 = arith.mulf %mul3A_303, %unpack3A_299 : vector<16xf32>
        %add3A_305 = arith.addf %add3A_302, %mul3A_304 : vector<16xf32>
        %gather3A_306 = tpu.vector_load_idx %arg21[%add3A_249, %broadcast_in_dim3A_25] : memref<1024x16xi32, #tpu.memory_space<vmem>>[vector<16xi32>, vector<16xi32>], vector<16xi32>,
        %bitcast3A_307 = vector.bitcast %gather3A_306 : vector<16xi32> to vector<32xbf16>
        %unpack3A_308 = tpu.unpack_subelements %bitcast3A_307, 0 {pack_format = #tpu.pack_format<interleaved>} : vector<32xbf16> -> vector<16xf32>
        %unpack3A_309 = tpu.unpack_subelements %bitcast3A_307, 1 {pack_format = #tpu.pack_format<interleaved>} : vector<32xbf16> -> vector<16xf32>
        %mul3A_310 = arith.mulf %gather3A_251, %gather3A_254 : vector<16xf32>
        %mul3A_311 = arith.mulf %mul3A_310, %unpack3A_308 : vector<16xf32>
        %add3A_312 = arith.addf %add3A_305, %mul3A_311 : vector<16xf32>
        %mul3A_313 = arith.mulf %gather3A_251, %gather3A_255 : vector<16xf32>
        %mul3A_314 = arith.mulf %mul3A_313, %unpack3A_309 : vector<16xf32>
        %add3A_315 = arith.addf %add3A_312, %mul3A_314 : vector<16xf32>
        %gather3A_316 = tpu.vector_load_idx %arg21[%add3A_249, %broadcast_in_dim3A_27] : memref<1024x16xi32, #tpu.memory_space<vmem>>[vector<16xi32>, vector<16xi32>], vector<16xi32>,
        %bitcast3A_317 = vector.bitcast %gather3A_316 : vector<16xi32> to vector<32xbf16>
        %unpack3A_318 = tpu.unpack_subelements %bitcast3A_317, 0 {pack_format = #tpu.pack_format<interleaved>} : vector<32xbf16> -> vector<16xf32>
        %unpack3A_319 = tpu.unpack_subelements %bitcast3A_317, 1 {pack_format = #tpu.pack_format<interleaved>} : vector<32xbf16> -> vector<16xf32>
        %mul3A_320 = arith.mulf %gather3A_251, %gather3A_256 : vector<16xf32>
        %mul3A_321 = arith.mulf %mul3A_320, %unpack3A_318 : vector<16xf32>
        %add3A_322 = arith.addf %add3A_315, %mul3A_321 : vector<16xf32>
        %mul3A_323 = arith.mulf %gather3A_251, %gather3A_257 : vector<16xf32>
        %mul3A_324 = arith.mulf %mul3A_323, %unpack3A_319 : vector<16xf32>
        %add3A_325 = arith.addf %add3A_322, %mul3A_324 : vector<16xf32>
        %gather3A_326 = tpu.vector_load_idx %arg21[%add3A_249, %broadcast_in_dim3A_29] : memref<1024x16xi32, #tpu.memory_space<vmem>>[vector<16xi32>, vector<16xi32>], vector<16xi32>,
        %bitcast3A_327 = vector.bitcast %gather3A_326 : vector<16xi32> to vector<32xbf16>
        %unpack3A_328 = tpu.unpack_subelements %bitcast3A_327, 0 {pack_format = #tpu.pack_format<interleaved>} : vector<32xbf16> -> vector<16xf32>
        %unpack3A_329 = tpu.unpack_subelements %bitcast3A_327, 1 {pack_format = #tpu.pack_format<interleaved>} : vector<32xbf16> -> vector<16xf32>
        %mul3A_330 = arith.mulf %gather3A_251, %gather3A_258 : vector<16xf32>
        %mul3A_331 = arith.mulf %mul3A_330, %unpack3A_328 : vector<16xf32>
        %add3A_332 = arith.addf %add3A_325, %mul3A_331 : vector<16xf32>
        %mul3A_333 = arith.mulf %gather3A_252, %gather3A_254 : vector<16xf32>
        %mul3A_334 = arith.mulf %mul3A_333, %unpack3A_329 : vector<16xf32>
        %add3A_335 = arith.addf %add3A_332, %mul3A_334 : vector<16xf32>
        %gather3A_336 = tpu.vector_load_idx %arg21[%add3A_249, %broadcast_in_dim3A_31] : memref<1024x16xi32, #tpu.memory_space<vmem>>[vector<16xi32>, vector<16xi32>], vector<16xi32>,
        %bitcast3A_337 = vector.bitcast %gather3A_336 : vector<16xi32> to vector<32xbf16>
        %unpack3A_338 = tpu.unpack_subelements %bitcast3A_337, 0 {pack_format = #tpu.pack_format<interleaved>} : vector<32xbf16> -> vector<16xf32>
        %unpack3A_339 = tpu.unpack_subelements %bitcast3A_337, 1 {pack_format = #tpu.pack_format<interleaved>} : vector<32xbf16> -> vector<16xf32>
        %mul3A_340 = arith.mulf %gather3A_252, %gather3A_255 : vector<16xf32>
        %mul3A_341 = arith.mulf %mul3A_340, %unpack3A_338 : vector<16xf32>
        %add3A_342 = arith.addf %add3A_335, %mul3A_341 : vector<16xf32>
        %mul3A_343 = arith.mulf %gather3A_252, %gather3A_256 : vector<16xf32>
        %mul3A_344 = arith.mulf %mul3A_343, %unpack3A_339 : vector<16xf32>
        %add3A_345 = arith.addf %add3A_342, %mul3A_344 : vector<16xf32>
        %gather3A_346 = tpu.vector_load_idx %arg21[%add3A_249, %broadcast_in_dim3A_33] : memref<1024x16xi32, #tpu.memory_space<vmem>>[vector<16xi32>, vector<16xi32>], vector<16xi32>,
        %bitcast3A_347 = vector.bitcast %gather3A_346 : vector<16xi32> to vector<32xbf16>
        %unpack3A_348 = tpu.unpack_subelements %bitcast3A_347, 0 {pack_format = #tpu.pack_format<interleaved>} : vector<32xbf16> -> vector<16xf32>
        %unpack3A_349 = tpu.unpack_subelements %bitcast3A_347, 1 {pack_format = #tpu.pack_format<interleaved>} : vector<32xbf16> -> vector<16xf32>
        %mul3A_350 = arith.mulf %gather3A_252, %gather3A_257 : vector<16xf32>
        %mul3A_351 = arith.mulf %mul3A_350, %unpack3A_348 : vector<16xf32>
        %add3A_352 = arith.addf %add3A_345, %mul3A_351 : vector<16xf32>
        %mul3A_353 = arith.mulf %gather3A_252, %gather3A_258 : vector<16xf32>
        %mul3A_354 = arith.mulf %mul3A_353, %unpack3A_349 : vector<16xf32>
        %add3A_355 = arith.addf %add3A_352, %mul3A_354 : vector<16xf32>
        %gather3A_356 = tpu.vector_load_idx %arg21[%add3A_249, %broadcast_in_dim3A_35] : memref<1024x16xi32, #tpu.memory_space<vmem>>[vector<16xi32>, vector<16xi32>], vector<16xi32>,
        %bitcast3A_357 = vector.bitcast %gather3A_356 : vector<16xi32> to vector<32xbf16>
        %unpack3A_358 = tpu.unpack_subelements %bitcast3A_357, 0 {pack_format = #tpu.pack_format<interleaved>} : vector<32xbf16> -> vector<16xf32>
        %unpack3A_359 = tpu.unpack_subelements %bitcast3A_357, 1 {pack_format = #tpu.pack_format<interleaved>} : vector<32xbf16> -> vector<16xf32>
        %mul3A_360 = arith.mulf %gather3A_253, %gather3A_254 : vector<16xf32>
        %mul3A_361 = arith.mulf %mul3A_360, %unpack3A_358 : vector<16xf32>
        %add3A_362 = arith.addf %add3A_355, %mul3A_361 : vector<16xf32>
        %mul3A_363 = arith.mulf %gather3A_253, %gather3A_255 : vector<16xf32>
        %mul3A_364 = arith.mulf %mul3A_363, %unpack3A_359 : vector<16xf32>
        %add3A_365 = arith.addf %add3A_362, %mul3A_364 : vector<16xf32>
        %gather3A_366 = tpu.vector_load_idx %arg21[%add3A_249, %broadcast_in_dim3A_37] : memref<1024x16xi32, #tpu.memory_space<vmem>>[vector<16xi32>, vector<16xi32>], vector<16xi32>,
        %bitcast3A_367 = vector.bitcast %gather3A_366 : vector<16xi32> to vector<32xbf16>
        %unpack3A_368 = tpu.unpack_subelements %bitcast3A_367, 0 {pack_format = #tpu.pack_format<interleaved>} : vector<32xbf16> -> vector<16xf32>
        %unpack3A_369 = tpu.unpack_subelements %bitcast3A_367, 1 {pack_format = #tpu.pack_format<interleaved>} : vector<32xbf16> -> vector<16xf32>
        %mul3A_370 = arith.mulf %gather3A_253, %gather3A_256 : vector<16xf32>
        %mul3A_371 = arith.mulf %mul3A_370, %unpack3A_368 : vector<16xf32>
        %add3A_372 = arith.addf %add3A_365, %mul3A_371 : vector<16xf32>
        %mul3A_373 = arith.mulf %gather3A_253, %gather3A_257 : vector<16xf32>
        %mul3A_374 = arith.mulf %mul3A_373, %unpack3A_369 : vector<16xf32>
        %add3A_375 = arith.addf %add3A_372, %mul3A_374 : vector<16xf32>
        %gather3A_376 = tpu.vector_load_idx %arg21[%add3A_249, %broadcast_in_dim3A_39] : memref<1024x16xi32, #tpu.memory_space<vmem>>[vector<16xi32>, vector<16xi32>], vector<16xi32>,
        %bitcast3A_377 = vector.bitcast %gather3A_376 : vector<16xi32> to vector<32xbf16>
        %unpack3A_378 = tpu.unpack_subelements %bitcast3A_377, 0 {pack_format = #tpu.pack_format<interleaved>} : vector<32xbf16> -> vector<16xf32>
        %unpack3A_379 = tpu.unpack_subelements %bitcast3A_377, 1 {pack_format = #tpu.pack_format<interleaved>} : vector<32xbf16> -> vector<16xf32>
        %mul3A_380 = arith.mulf %gather3A_253, %gather3A_258 : vector<16xf32>
        %mul3A_381 = arith.mulf %mul3A_380, %unpack3A_378 : vector<16xf32>
        %add3A_382 = arith.addf %add3A_375, %mul3A_381 : vector<16xf32>
        %gather3A_383 = tpu.vector_load_idx %arg17[%add3A_249, %broadcast_in_dim3A_25] : memref<1024x8xf32, #tpu.memory_space<vmem>>[vector<16xi32>, vector<16xi32>], vector<16xf32>,
        %gather3A_384 = tpu.vector_load_idx %arg19[%add3A_249, %broadcast_in_dim3A_25] : memref<1024x8xf32, #tpu.memory_space<vmem>>[vector<16xi32>, vector<16xi32>], vector<16xf32>,
        %gather3A_385 = tpu.vector_load_idx %arg17[%add3A_249, %broadcast_in_dim3A_27] : memref<1024x8xf32, #tpu.memory_space<vmem>>[vector<16xi32>, vector<16xi32>], vector<16xf32>,
        %gather3A_386 = tpu.vector_load_idx %arg19[%add3A_249, %broadcast_in_dim3A_27] : memref<1024x8xf32, #tpu.memory_space<vmem>>[vector<16xi32>, vector<16xi32>], vector<16xf32>,
        %mul3A_387 = arith.constant 3.000000e+00 : f32
        %mul3A_388 = vector.broadcast %mul3A_387 : f32 to vector<16xf32>
        %mul3A_389 = arith.mulf %mul3A_388, %gather3A_383 : vector<16xf32>
        %mul3A_390 = arith.mulf %mul3A_389, %gather3A_384 : vector<16xf32>
        %mul3A_391 = arith.mulf %add3A_382, %mul3A_390 : vector<16xf32>
        %mul3A_392 = arith.constant 0.586299181 : f32
        %mul3A_393 = vector.broadcast %mul3A_392 : f32 to vector<16xf32>
        %mul3A_394 = arith.mulf %mul3A_393, %gather3A_385 : vector<16xf32>
        %mul3A_395 = arith.mulf %mul3A_394, %gather3A_386 : vector<16xf32>
        %add3A_396 = arith.constant 2.883000e+00 : f32
        %add3A_397 = vector.broadcast %add3A_396 : f32 to vector<16xf32>
        %add3A_398 = arith.addf %mul3A_395, %add3A_397 : vector<16xf32>
        %get3A = arith.index_cast %mul3A_245 : i32 to index
        %get3A_399 = tpu.vector_load %arg15[%get3A] {strides = array<i32>} : memref<1024xf32, #tpu.memory_space<vmem>>, vector<16xf32>,
        %mul3A_400 = arith.mulf %get3A_399, %get3A_399 : vector<16xf32>
        %mul3A_401 = arith.mulf %mul3A_400, %mul3A_400 : vector<16xf32>
        %mul3A_402 = arith.mulf %mul3A_401, %mul3A_400 : vector<16xf32>
        %mul3A_403 = arith.mulf %mul3A_402, %mul3A_400 : vector<16xf32>
        %mul3A_404 = arith.mulf %add3A_398, %add3A_398 : vector<16xf32>
        %mul3A_405 = arith.mulf %mul3A_404, %mul3A_404 : vector<16xf32>
        %mul3A_406 = arith.mulf %mul3A_405, %mul3A_404 : vector<16xf32>
        %mul3A_407 = arith.mulf %mul3A_406, %mul3A_404 : vector<16xf32>
        %mul3A_408 = arith.constant 1.000000e+00 : f32
        %mul3A_409 = vector.broadcast %mul3A_408 : f32 to vector<16xf32>
        %mul3A_410 = arith.mulf %mul3A_409, %add3A_382 : vector<16xf32>
        %add3A_411 = arith.addf %mul3A_402, %mul3A_406 : vector<16xf32>
        %div3A_412 = arith.divf %mul3A_410, %add3A_411 : vector<16xf32>
        %mul3A_413 = arith.constant 9.171000e-01 : f32
        %mul3A_414 = vector.broadcast %mul3A_413 : f32 to vector<16xf32>
        %mul3A_415 = arith.mulf %mul3A_414, %mul3A_391 : vector<16xf32>
        %add3A_416 = arith.addf %mul3A_403, %mul3A_407 : vector<16xf32>
        %div3A_417 = arith.divf %mul3A_415, %add3A_416 : vector<16xf32>
        %add3A_418 = arith.addf %div3A_412, %div3A_417 : vector<16xf32>
        %mul3A_419 = arith.constant -5.000000e-01 : f32
        %mul3A_420 = vector.broadcast %mul3A_419 : f32 to vector<16xf32>
        %mul3A_421 = arith.mulf %mul3A_420, %add3A_418 : vector<16xf32>
        %swap3A = arith.index_cast %mul3A_245 : i32 to index
        %swap3A_422 = tpu.vector_load %arg23[%swap3A] {strides = array<i32>} : memref<1024xf32, #tpu.memory_space<vmem>>, vector<16xf32>,
        tpu.vector_store %arg23[%swap3A], %mul3A_421 {strides = array<i32>} : memref<1024xf32, #tpu.memory_space<vmem>>, vector<16xf32>,
        %get3A_423 = arith.index_cast %mul3A_245 : i32 to index
        %get3A_424 = tpu.vector_load %arg9[%get3A_423] {strides = array<i32>} : memref<1024xi32, #tpu.memory_space<vmem>>, vector<16xi32>,
        %swap3A_425 = arith.index_cast %mul3A_245 : i32 to index
        %swap3A_426 = tpu.vector_load %arg25[%swap3A_425] {strides = array<i32>} : memref<1024xi32, #tpu.memory_space<vmem>>, vector<16xi32>,
        tpu.vector_store %arg25[%swap3A_425], %get3A_424 {strides = array<i32>} : memref<1024xi32, #tpu.memory_space<vmem>>, vector<16xi32>,
      }
      %scan3A_185 = arith.constant 64 : i32
      %dma_start3A_186 = arith.constant 0 : i32
      %dma_start3A_187 = tpu.memref_slice %arg28[%dma_start3A_186] : memref<100352xf32, #tpu.memory_space<vmem_shared>> -> memref<100352xf32, #tpu.memory_space<vmem_shared>>
      tpu.enqueue_indirect_dma source(%arg23 : memref<1024xf32, #tpu.memory_space<vmem>>) target(%dma_start3A_187 : memref<100352xf32, #tpu.memory_space<vmem_shared>>) offsets(%arg25 : memref<1024xi32, #tpu.memory_space<vmem>>) semaphore(%arg33 : memref<!tpu.dma_semaphore, #tpu.memory_space<semaphore_mem>>) {add = true}
      %sub3A_188 = arith.constant 1 : i32
      %sub3A_189 = arith.subi %select_n3A_14, %sub3A_188 : i32
      %lt3A = arith.cmpi slt, %add3A_131, %sub3A_189 : i32
      %convert_element_type3A_190 = arith.extui %lt3A : i1 to i32
      %cond3A_191 = arith.constant 0 : i32
      %cond3A_192 = arith.cmpi ne, %convert_element_type3A_190, %cond3A_191 : i32
      scf.if %cond3A_192 {
        %add3A_239 = arith.constant 2 : i32
        %add3A_240 = arith.addi %add3A_135, %add3A_239 : i32
        %mul3A_241 = arith.constant 1024 : i32
        %mul3A_242 = arith.muli %add3A_240, %mul3A_241 : i32
        %add3A_243 = arith.addi %select_n3A, %mul3A_242 : i32
        %dma_start3A_244 = tpu.memref_slice %arg2[%add3A_243] : memref<1638400xi32, #tpu.memory_space<hbm>> -> memref<1024xi32, #tpu.memory_space<hbm>>
        %dma_start3A_245 = tpu.memref_slice %arg2[%add3A_243] : memref<1638400xi32, #tpu.memory_space<hbm>> -> memref<1024xi32, #tpu.memory_space<hbm>>
        tpu.enqueue_dma source(%dma_start3A_245 : memref<1024xi32, #tpu.memory_space<hbm>>) target(%arg9 : memref<1024xi32, #tpu.memory_space<vmem>>) target_semaphore(%arg29 : memref<!tpu.dma_semaphore, #tpu.memory_space<semaphore_mem>>)
        %mul3A_246 = arith.constant 1024 : i32
        %mul3A_247 = arith.muli %add3A_240, %mul3A_246 : i32
        %add3A_248 = arith.addi %select_n3A, %mul3A_247 : i32
        %dma_start3A_249 = tpu.memref_slice %arg3[%add3A_248] : memref<1638400xi32, #tpu.memory_space<hbm>> -> memref<1024xi32, #tpu.memory_space<hbm>>
        %dma_start3A_250 = tpu.memref_slice %arg3[%add3A_248] : memref<1638400xi32, #tpu.memory_space<hbm>> -> memref<1024xi32, #tpu.memory_space<hbm>>
        tpu.enqueue_dma source(%dma_start3A_250 : memref<1024xi32, #tpu.memory_space<hbm>>) target(%arg11 : memref<1024xi32, #tpu.memory_space<vmem>>) target_semaphore(%arg29 : memref<!tpu.dma_semaphore, #tpu.memory_space<semaphore_mem>>)
        %mul3A_251 = arith.constant 1024 : i32
        %mul3A_252 = arith.muli %add3A_240, %mul3A_251 : i32
        %add3A_253 = arith.addi %select_n3A, %mul3A_252 : i32
        %dma_start3A_254 = tpu.memref_slice %arg5[%add3A_253] : memref<1638400xi32, #tpu.memory_space<hbm>> -> memref<1024xi32, #tpu.memory_space<hbm>>
        %dma_start3A_255 = tpu.memref_slice %arg5[%add3A_253] : memref<1638400xi32, #tpu.memory_space<hbm>> -> memref<1024xi32, #tpu.memory_space<hbm>>
        tpu.enqueue_dma source(%dma_start3A_255 : memref<1024xi32, #tpu.memory_space<hbm>>) target(%arg13 : memref<1024xi32, #tpu.memory_space<vmem>>) target_semaphore(%arg29 : memref<!tpu.dma_semaphore, #tpu.memory_space<semaphore_mem>>)
        %mul3A_256 = arith.constant 1024 : i32
        %mul3A_257 = arith.muli %add3A_240, %mul3A_256 : i32
        %add3A_258 = arith.addi %select_n3A, %mul3A_257 : i32
        %dma_start3A_259 = tpu.memref_slice %arg4[%add3A_258] : memref<1638400xf32, #tpu.memory_space<hbm>> -> memref<1024xf32, #tpu.memory_space<hbm>>
        %dma_start3A_260 = tpu.memref_slice %arg4[%add3A_258] : memref<1638400xf32, #tpu.memory_space<hbm>> -> memref<1024xf32, #tpu.memory_space<hbm>>
        tpu.enqueue_dma source(%dma_start3A_260 : memref<1024xf32, #tpu.memory_space<hbm>>) target(%arg15 : memref<1024xf32, #tpu.memory_space<vmem>>) target_semaphore(%arg29 : memref<!tpu.dma_semaphore, #tpu.memory_space<semaphore_mem>>)
      } else {
      }
      %mul3A_193 = arith.constant 2 : i32
      %mul3A_194 = arith.muli %mul3A_193, %add3A_131 : i32
      %add3A_195 = arith.constant 1 : i32
      %add3A_196 = arith.addi %mul3A_194, %add3A_195 : i32
      %sub3A_197 = arith.constant 1 : i32
      %sub3A_198 = arith.subi %select_n3A_14, %sub3A_197 : i32
      %lt3A_199 = arith.cmpi slt, %add3A_131, %sub3A_198 : i32
      %convert_element_type3A_200 = arith.extui %lt3A_199 : i1 to i32
      %cond3A_201 = arith.constant 0 : i32
      %cond3A_202 = arith.cmpi ne, %convert_element_type3A_200, %cond3A_201 : i32
      scf.if %cond3A_202 {
        %dma_wait3A_239 = arith.constant 0 : i32
        %dma_wait3A_240 = tpu.memref_slice %arg2[%dma_wait3A_239] : memref<1638400xi32, #tpu.memory_space<hbm>> -> memref<1024xi32, #tpu.memory_space<hbm>>
        %dma_wait3A_241 = arith.constant 0 : i32
        %dma_wait3A_242 = tpu.memref_slice %arg2[%dma_wait3A_241] : memref<1638400xi32, #tpu.memory_space<hbm>> -> memref<1024xi32, #tpu.memory_space<hbm>>
        tpu.wait_dma2 semaphore(%arg29 : memref<!tpu.dma_semaphore, #tpu.memory_space<semaphore_mem>>) src(%dma_wait3A_242 : memref<1024xi32, #tpu.memory_space<hbm>>) dst(%arg9 : memref<1024xi32, #tpu.memory_space<vmem>>)
        %dma_wait3A_243 = arith.constant 0 : i32
        %dma_wait3A_244 = tpu.memref_slice %arg3[%dma_wait3A_243] : memref<1638400xi32, #tpu.memory_space<hbm>> -> memref<1024xi32, #tpu.memory_space<hbm>>
        %dma_wait3A_245 = arith.constant 0 : i32
        %dma_wait3A_246 = tpu.memref_slice %arg3[%dma_wait3A_245] : memref<1638400xi32, #tpu.memory_space<hbm>> -> memref<1024xi32, #tpu.memory_space<hbm>>
        tpu.wait_dma2 semaphore(%arg29 : memref<!tpu.dma_semaphore, #tpu.memory_space<semaphore_mem>>) src(%dma_wait3A_246 : memref<1024xi32, #tpu.memory_space<hbm>>) dst(%arg11 : memref<1024xi32, #tpu.memory_space<vmem>>)
        %dma_wait3A_247 = arith.constant 0 : i32
        %dma_wait3A_248 = tpu.memref_slice %arg5[%dma_wait3A_247] : memref<1638400xi32, #tpu.memory_space<hbm>> -> memref<1024xi32, #tpu.memory_space<hbm>>
        %dma_wait3A_249 = arith.constant 0 : i32
        %dma_wait3A_250 = tpu.memref_slice %arg5[%dma_wait3A_249] : memref<1638400xi32, #tpu.memory_space<hbm>> -> memref<1024xi32, #tpu.memory_space<hbm>>
        tpu.wait_dma2 semaphore(%arg29 : memref<!tpu.dma_semaphore, #tpu.memory_space<semaphore_mem>>) src(%dma_wait3A_250 : memref<1024xi32, #tpu.memory_space<hbm>>) dst(%arg13 : memref<1024xi32, #tpu.memory_space<vmem>>)
        %dma_wait3A_251 = arith.constant 0 : i32
        %dma_wait3A_252 = tpu.memref_slice %arg4[%dma_wait3A_251] : memref<1638400xf32, #tpu.memory_space<hbm>> -> memref<1024xf32, #tpu.memory_space<hbm>>
        %dma_wait3A_253 = arith.constant 0 : i32
        %dma_wait3A_254 = tpu.memref_slice %arg4[%dma_wait3A_253] : memref<1638400xf32, #tpu.memory_space<hbm>> -> memref<1024xf32, #tpu.memory_space<hbm>>
        tpu.wait_dma2 semaphore(%arg29 : memref<!tpu.dma_semaphore, #tpu.memory_space<semaphore_mem>>) src(%dma_wait3A_254 : memref<1024xf32, #tpu.memory_space<hbm>>) dst(%arg15 : memref<1024xf32, #tpu.memory_space<vmem>>)
        %dma_start3A_255 = arith.constant 0 : i32
        %dma_start3A_256 = arith.constant 0 : i32
        %dma_start3A_257 = tpu.memref_slice %arg6[%dma_start3A_255, %dma_start3A_256] : memref<100352x8xf32, #tpu.memory_space<hbm>> -> memref<100352x8xf32, #tpu.memory_space<hbm>>
        tpu.enqueue_indirect_dma source(%dma_start3A_257 : memref<100352x8xf32, #tpu.memory_space<hbm>>) target(%arg17 : memref<1024x8xf32, #tpu.memory_space<vmem>>) offsets(%arg9 : memref<1024xi32, #tpu.memory_space<vmem>>) semaphore(%arg31 : memref<!tpu.dma_semaphore, #tpu.memory_space<semaphore_mem>>)
        %dma_start3A_258 = arith.constant 0 : i32
        %dma_start3A_259 = arith.constant 0 : i32
        %dma_start3A_260 = tpu.memref_slice %arg6[%dma_start3A_258, %dma_start3A_259] : memref<100352x8xf32, #tpu.memory_space<hbm>> -> memref<100352x8xf32, #tpu.memory_space<hbm>>
        tpu.enqueue_indirect_dma source(%dma_start3A_260 : memref<100352x8xf32, #tpu.memory_space<hbm>>) target(%arg19 : memref<1024x8xf32, #tpu.memory_space<vmem>>) offsets(%arg11 : memref<1024xi32, #tpu.memory_space<vmem>>) semaphore(%arg31 : memref<!tpu.dma_semaphore, #tpu.memory_space<semaphore_mem>>)
        %dma_start3A_261 = arith.constant 0 : i32
        %dma_start3A_262 = arith.constant 0 : i32
        %dma_start3A_263 = tpu.memref_slice %arg7[%dma_start3A_261, %dma_start3A_262] : memref<9025x16xi32, #tpu.memory_space<hbm>> -> memref<9025x16xi32, #tpu.memory_space<hbm>>
        tpu.enqueue_indirect_dma source(%dma_start3A_263 : memref<9025x16xi32, #tpu.memory_space<hbm>>) target(%arg21 : memref<1024x16xi32, #tpu.memory_space<vmem>>) offsets(%arg13 : memref<1024xi32, #tpu.memory_space<vmem>>) semaphore(%arg31 : memref<!tpu.dma_semaphore, #tpu.memory_space<semaphore_mem>>)
      } else {
      }
      %dma_wait3A_203 = arith.constant 0 : i32
      %dma_wait3A_204 = arith.constant 0 : i32
      %dma_wait3A_205 = tpu.memref_slice %arg6[%dma_wait3A_203, %dma_wait3A_204] : memref<100352x8xf32, #tpu.memory_space<hbm>> -> memref<1024x8xf32, #tpu.memory_space<hbm>>
      %dma_wait3A_206 = arith.constant 0 : i32
      %dma_wait3A_207 = arith.constant 0 : i32
      %dma_wait3A_208 = tpu.memref_slice %arg6[%dma_wait3A_206, %dma_wait3A_207] : memref<100352x8xf32, #tpu.memory_space<hbm>> -> memref<1024x8xf32, #tpu.memory_space<hbm>>
      tpu.wait_dma2 semaphore(%arg32 : memref<!tpu.dma_semaphore, #tpu.memory_space<semaphore_mem>>) src(%dma_wait3A_208 : memref<1024x8xf32, #tpu.memory_space<hbm>>) dst(%arg18 : memref<1024x8xf32, #tpu.memory_space<vmem>>)
      %dma_wait3A_209 = arith.constant 0 : i32
      %dma_wait3A_210 = arith.constant 0 : i32
      %dma_wait3A_211 = tpu.memref_slice %arg6[%dma_wait3A_209, %dma_wait3A_210] : memref<100352x8xf32, #tpu.memory_space<hbm>> -> memref<1024x8xf32, #tpu.memory_space<hbm>>
      %dma_wait3A_212 = arith.constant 0 : i32
      %dma_wait3A_213 = arith.constant 0 : i32
      %dma_wait3A_214 = tpu.memref_slice %arg6[%dma_wait3A_212, %dma_wait3A_213] : memref<100352x8xf32, #tpu.memory_space<hbm>> -> memref<1024x8xf32, #tpu.memory_space<hbm>>
      tpu.wait_dma2 semaphore(%arg32 : memref<!tpu.dma_semaphore, #tpu.memory_space<semaphore_mem>>) src(%dma_wait3A_214 : memref<1024x8xf32, #tpu.memory_space<hbm>>) dst(%arg20 : memref<1024x8xf32, #tpu.memory_space<vmem>>)
      %dma_wait3A_215 = arith.constant 0 : i32
      %dma_wait3A_216 = arith.constant 0 : i32
      %dma_wait3A_217 = tpu.memref_slice %arg7[%dma_wait3A_215, %dma_wait3A_216] : memref<9025x16xi32, #tpu.memory_space<hbm>> -> memref<1024x16xi32, #tpu.memory_space<hbm>>
      %dma_wait3A_218 = arith.constant 0 : i32
      %dma_wait3A_219 = arith.constant 0 : i32
      %dma_wait3A_220 = tpu.memref_slice %arg7[%dma_wait3A_218, %dma_wait3A_219] : memref<9025x16xi32, #tpu.memory_space<hbm>> -> memref<1024x16xi32, #tpu.memory_space<hbm>>
      tpu.wait_dma2 semaphore(%arg32 : memref<!tpu.dma_semaphore, #tpu.memory_space<semaphore_mem>>) src(%dma_wait3A_220 : memref<1024x16xi32, #tpu.memory_space<hbm>>) dst(%arg22 : memref<1024x16xi32, #tpu.memory_space<vmem>>)
      %ge3A_221 = arith.constant 1 : i32
      %ge3A_222 = arith.cmpi sge, %add3A_131, %ge3A_221 : i32
      %convert_element_type3A_223 = arith.extui %ge3A_222 : i1 to i32
      %cond3A_224 = arith.constant 0 : i32
      %cond3A_225 = arith.cmpi ne, %convert_element_type3A_223, %cond3A_224 : i32
      scf.if %cond3A_225 {
        %dma_wait3A_239 = arith.constant 0 : i32
        %dma_wait3A_240 = tpu.memref_slice %arg28[%dma_wait3A_239] : memref<100352xf32, #tpu.memory_space<vmem_shared>> -> memref<100352xf32, #tpu.memory_space<vmem_shared>>
        tpu.wait_indirect_dma semaphore(%arg34 : memref<!tpu.dma_semaphore, #tpu.memory_space<semaphore_mem>>) src(%arg24 : memref<1024xf32, #tpu.memory_space<vmem>>) dst(%dma_wait3A_240 : memref<100352xf32, #tpu.memory_space<vmem_shared>>)
      } else {
      }
      %scan3A_226 = arith.constant 0 : i32
      %scan3A_227 = arith.constant 64 : i32
      %scan3A_228 = arith.addi %scan3A_226, %scan3A_227 : i32
      %scan3A_229 = arith.constant 1 : i32
      scf.for %scan3A_239 = %scan3A_226 to %scan3A_228 step %scan3A_229  : i32 {
        %mul3A_240 = arith.constant 1 : i32
        %mul3A_241 = arith.muli %scan3A_239, %mul3A_240 : i32
        %add3A_242 = arith.constant 0 : i32
        %add3A_243 = arith.addi %add3A_242, %mul3A_241 : i32
        %mul3A_244 = arith.constant 16 : i32
        %mul3A_245 = arith.muli %add3A_243, %mul3A_244 : i32
        %mul3A_246 = arith.constant 16 : i32
        %mul3A_247 = arith.muli %add3A_243, %mul3A_246 : i32
        %add3A_248 = vector.broadcast %mul3A_247 : i32 to vector<16xi32>
        %add3A_249 = arith.addi %add3A_248, %iota3A : vector<16xi32>
        %gather3A = tpu.vector_load_idx %arg18[%add3A_249, %broadcast_in_dim3A_15] : memref<1024x8xf32, #tpu.memory_space<vmem>>[vector<16xi32>, vector<16xi32>], vector<16xf32>,
        %gather3A_250 = tpu.vector_load_idx %arg18[%add3A_249, %broadcast_in_dim3A_17] : memref<1024x8xf32, #tpu.memory_space<vmem>>[vector<16xi32>, vector<16xi32>], vector<16xf32>,
        %gather3A_251 = tpu.vector_load_idx %arg18[%add3A_249, %broadcast_in_dim3A_19] : memref<1024x8xf32, #tpu.memory_space<vmem>>[vector<16xi32>, vector<16xi32>], vector<16xf32>,
        %gather3A_252 = tpu.vector_load_idx %arg18[%add3A_249, %broadcast_in_dim3A_21] : memref<1024x8xf32, #tpu.memory_space<vmem>>[vector<16xi32>, vector<16xi32>], vector<16xf32>,
        %gather3A_253 = tpu.vector_load_idx %arg18[%add3A_249, %broadcast_in_dim3A_23] : memref<1024x8xf32, #tpu.memory_space<vmem>>[vector<16xi32>, vector<16xi32>], vector<16xf32>,
        %gather3A_254 = tpu.vector_load_idx %arg20[%add3A_249, %broadcast_in_dim3A_15] : memref<1024x8xf32, #tpu.memory_space<vmem>>[vector<16xi32>, vector<16xi32>], vector<16xf32>,
        %gather3A_255 = tpu.vector_load_idx %arg20[%add3A_249, %broadcast_in_dim3A_17] : memref<1024x8xf32, #tpu.memory_space<vmem>>[vector<16xi32>, vector<16xi32>], vector<16xf32>,
        %gather3A_256 = tpu.vector_load_idx %arg20[%add3A_249, %broadcast_in_dim3A_19] : memref<1024x8xf32, #tpu.memory_space<vmem>>[vector<16xi32>, vector<16xi32>], vector<16xf32>,
        %gather3A_257 = tpu.vector_load_idx %arg20[%add3A_249, %broadcast_in_dim3A_21] : memref<1024x8xf32, #tpu.memory_space<vmem>>[vector<16xi32>, vector<16xi32>], vector<16xf32>,
        %gather3A_258 = tpu.vector_load_idx %arg20[%add3A_249, %broadcast_in_dim3A_23] : memref<1024x8xf32, #tpu.memory_space<vmem>>[vector<16xi32>, vector<16xi32>], vector<16xf32>,
        %gather3A_259 = tpu.vector_load_idx %arg22[%add3A_249, %broadcast_in_dim3A_15] : memref<1024x16xi32, #tpu.memory_space<vmem>>[vector<16xi32>, vector<16xi32>], vector<16xi32>,
        %bitcast3A = vector.bitcast %gather3A_259 : vector<16xi32> to vector<32xbf16>
        %unpack3A = tpu.unpack_subelements %bitcast3A, 0 {pack_format = #tpu.pack_format<interleaved>} : vector<32xbf16> -> vector<16xf32>
        %unpack3A_260 = tpu.unpack_subelements %bitcast3A, 1 {pack_format = #tpu.pack_format<interleaved>} : vector<32xbf16> -> vector<16xf32>
        %mul3A_261 = arith.mulf %gather3A, %gather3A_254 : vector<16xf32>
        %mul3A_262 = arith.mulf %mul3A_261, %unpack3A : vector<16xf32>
        %mul3A_263 = arith.mulf %gather3A, %gather3A_255 : vector<16xf32>
        %mul3A_264 = arith.mulf %mul3A_263, %unpack3A_260 : vector<16xf32>
        %add3A_265 = arith.addf %mul3A_262, %mul3A_264 : vector<16xf32>
        %gather3A_266 = tpu.vector_load_idx %arg22[%add3A_249, %broadcast_in_dim3A_17] : memref<1024x16xi32, #tpu.memory_space<vmem>>[vector<16xi32>, vector<16xi32>], vector<16xi32>,
        %bitcast3A_267 = vector.bitcast %gather3A_266 : vector<16xi32> to vector<32xbf16>
        %unpack3A_268 = tpu.unpack_subelements %bitcast3A_267, 0 {pack_format = #tpu.pack_format<interleaved>} : vector<32xbf16> -> vector<16xf32>
        %unpack3A_269 = tpu.unpack_subelements %bitcast3A_267, 1 {pack_format = #tpu.pack_format<interleaved>} : vector<32xbf16> -> vector<16xf32>
        %mul3A_270 = arith.mulf %gather3A, %gather3A_256 : vector<16xf32>
        %mul3A_271 = arith.mulf %mul3A_270, %unpack3A_268 : vector<16xf32>
        %add3A_272 = arith.addf %add3A_265, %mul3A_271 : vector<16xf32>
        %mul3A_273 = arith.mulf %gather3A, %gather3A_257 : vector<16xf32>
        %mul3A_274 = arith.mulf %mul3A_273, %unpack3A_269 : vector<16xf32>
        %add3A_275 = arith.addf %add3A_272, %mul3A_274 : vector<16xf32>
        %gather3A_276 = tpu.vector_load_idx %arg22[%add3A_249, %broadcast_in_dim3A_19] : memref<1024x16xi32, #tpu.memory_space<vmem>>[vector<16xi32>, vector<16xi32>], vector<16xi32>,
        %bitcast3A_277 = vector.bitcast %gather3A_276 : vector<16xi32> to vector<32xbf16>
        %unpack3A_278 = tpu.unpack_subelements %bitcast3A_277, 0 {pack_format = #tpu.pack_format<interleaved>} : vector<32xbf16> -> vector<16xf32>
        %unpack3A_279 = tpu.unpack_subelements %bitcast3A_277, 1 {pack_format = #tpu.pack_format<interleaved>} : vector<32xbf16> -> vector<16xf32>
        %mul3A_280 = arith.mulf %gather3A, %gather3A_258 : vector<16xf32>
        %mul3A_281 = arith.mulf %mul3A_280, %unpack3A_278 : vector<16xf32>
        %add3A_282 = arith.addf %add3A_275, %mul3A_281 : vector<16xf32>
        %mul3A_283 = arith.mulf %gather3A_250, %gather3A_254 : vector<16xf32>
        %mul3A_284 = arith.mulf %mul3A_283, %unpack3A_279 : vector<16xf32>
        %add3A_285 = arith.addf %add3A_282, %mul3A_284 : vector<16xf32>
        %gather3A_286 = tpu.vector_load_idx %arg22[%add3A_249, %broadcast_in_dim3A_21] : memref<1024x16xi32, #tpu.memory_space<vmem>>[vector<16xi32>, vector<16xi32>], vector<16xi32>,
        %bitcast3A_287 = vector.bitcast %gather3A_286 : vector<16xi32> to vector<32xbf16>
        %unpack3A_288 = tpu.unpack_subelements %bitcast3A_287, 0 {pack_format = #tpu.pack_format<interleaved>} : vector<32xbf16> -> vector<16xf32>
        %unpack3A_289 = tpu.unpack_subelements %bitcast3A_287, 1 {pack_format = #tpu.pack_format<interleaved>} : vector<32xbf16> -> vector<16xf32>
        %mul3A_290 = arith.mulf %gather3A_250, %gather3A_255 : vector<16xf32>
        %mul3A_291 = arith.mulf %mul3A_290, %unpack3A_288 : vector<16xf32>
        %add3A_292 = arith.addf %add3A_285, %mul3A_291 : vector<16xf32>
        %mul3A_293 = arith.mulf %gather3A_250, %gather3A_256 : vector<16xf32>
        %mul3A_294 = arith.mulf %mul3A_293, %unpack3A_289 : vector<16xf32>
        %add3A_295 = arith.addf %add3A_292, %mul3A_294 : vector<16xf32>
        %gather3A_296 = tpu.vector_load_idx %arg22[%add3A_249, %broadcast_in_dim3A_23] : memref<1024x16xi32, #tpu.memory_space<vmem>>[vector<16xi32>, vector<16xi32>], vector<16xi32>,
        %bitcast3A_297 = vector.bitcast %gather3A_296 : vector<16xi32> to vector<32xbf16>
        %unpack3A_298 = tpu.unpack_subelements %bitcast3A_297, 0 {pack_format = #tpu.pack_format<interleaved>} : vector<32xbf16> -> vector<16xf32>
        %unpack3A_299 = tpu.unpack_subelements %bitcast3A_297, 1 {pack_format = #tpu.pack_format<interleaved>} : vector<32xbf16> -> vector<16xf32>
        %mul3A_300 = arith.mulf %gather3A_250, %gather3A_257 : vector<16xf32>
        %mul3A_301 = arith.mulf %mul3A_300, %unpack3A_298 : vector<16xf32>
        %add3A_302 = arith.addf %add3A_295, %mul3A_301 : vector<16xf32>
        %mul3A_303 = arith.mulf %gather3A_250, %gather3A_258 : vector<16xf32>
        %mul3A_304 = arith.mulf %mul3A_303, %unpack3A_299 : vector<16xf32>
        %add3A_305 = arith.addf %add3A_302, %mul3A_304 : vector<16xf32>
        %gather3A_306 = tpu.vector_load_idx %arg22[%add3A_249, %broadcast_in_dim3A_25] : memref<1024x16xi32, #tpu.memory_space<vmem>>[vector<16xi32>, vector<16xi32>], vector<16xi32>,
        %bitcast3A_307 = vector.bitcast %gather3A_306 : vector<16xi32> to vector<32xbf16>
        %unpack3A_308 = tpu.unpack_subelements %bitcast3A_307, 0 {pack_format = #tpu.pack_format<interleaved>} : vector<32xbf16> -> vector<16xf32>
        %unpack3A_309 = tpu.unpack_subelements %bitcast3A_307, 1 {pack_format = #tpu.pack_format<interleaved>} : vector<32xbf16> -> vector<16xf32>
        %mul3A_310 = arith.mulf %gather3A_251, %gather3A_254 : vector<16xf32>
        %mul3A_311 = arith.mulf %mul3A_310, %unpack3A_308 : vector<16xf32>
        %add3A_312 = arith.addf %add3A_305, %mul3A_311 : vector<16xf32>
        %mul3A_313 = arith.mulf %gather3A_251, %gather3A_255 : vector<16xf32>
        %mul3A_314 = arith.mulf %mul3A_313, %unpack3A_309 : vector<16xf32>
        %add3A_315 = arith.addf %add3A_312, %mul3A_314 : vector<16xf32>
        %gather3A_316 = tpu.vector_load_idx %arg22[%add3A_249, %broadcast_in_dim3A_27] : memref<1024x16xi32, #tpu.memory_space<vmem>>[vector<16xi32>, vector<16xi32>], vector<16xi32>,
        %bitcast3A_317 = vector.bitcast %gather3A_316 : vector<16xi32> to vector<32xbf16>
        %unpack3A_318 = tpu.unpack_subelements %bitcast3A_317, 0 {pack_format = #tpu.pack_format<interleaved>} : vector<32xbf16> -> vector<16xf32>
        %unpack3A_319 = tpu.unpack_subelements %bitcast3A_317, 1 {pack_format = #tpu.pack_format<interleaved>} : vector<32xbf16> -> vector<16xf32>
        %mul3A_320 = arith.mulf %gather3A_251, %gather3A_256 : vector<16xf32>
        %mul3A_321 = arith.mulf %mul3A_320, %unpack3A_318 : vector<16xf32>
        %add3A_322 = arith.addf %add3A_315, %mul3A_321 : vector<16xf32>
        %mul3A_323 = arith.mulf %gather3A_251, %gather3A_257 : vector<16xf32>
        %mul3A_324 = arith.mulf %mul3A_323, %unpack3A_319 : vector<16xf32>
        %add3A_325 = arith.addf %add3A_322, %mul3A_324 : vector<16xf32>
        %gather3A_326 = tpu.vector_load_idx %arg22[%add3A_249, %broadcast_in_dim3A_29] : memref<1024x16xi32, #tpu.memory_space<vmem>>[vector<16xi32>, vector<16xi32>], vector<16xi32>,
        %bitcast3A_327 = vector.bitcast %gather3A_326 : vector<16xi32> to vector<32xbf16>
        %unpack3A_328 = tpu.unpack_subelements %bitcast3A_327, 0 {pack_format = #tpu.pack_format<interleaved>} : vector<32xbf16> -> vector<16xf32>
        %unpack3A_329 = tpu.unpack_subelements %bitcast3A_327, 1 {pack_format = #tpu.pack_format<interleaved>} : vector<32xbf16> -> vector<16xf32>
        %mul3A_330 = arith.mulf %gather3A_251, %gather3A_258 : vector<16xf32>
        %mul3A_331 = arith.mulf %mul3A_330, %unpack3A_328 : vector<16xf32>
        %add3A_332 = arith.addf %add3A_325, %mul3A_331 : vector<16xf32>
        %mul3A_333 = arith.mulf %gather3A_252, %gather3A_254 : vector<16xf32>
        %mul3A_334 = arith.mulf %mul3A_333, %unpack3A_329 : vector<16xf32>
        %add3A_335 = arith.addf %add3A_332, %mul3A_334 : vector<16xf32>
        %gather3A_336 = tpu.vector_load_idx %arg22[%add3A_249, %broadcast_in_dim3A_31] : memref<1024x16xi32, #tpu.memory_space<vmem>>[vector<16xi32>, vector<16xi32>], vector<16xi32>,
        %bitcast3A_337 = vector.bitcast %gather3A_336 : vector<16xi32> to vector<32xbf16>
        %unpack3A_338 = tpu.unpack_subelements %bitcast3A_337, 0 {pack_format = #tpu.pack_format<interleaved>} : vector<32xbf16> -> vector<16xf32>
        %unpack3A_339 = tpu.unpack_subelements %bitcast3A_337, 1 {pack_format = #tpu.pack_format<interleaved>} : vector<32xbf16> -> vector<16xf32>
        %mul3A_340 = arith.mulf %gather3A_252, %gather3A_255 : vector<16xf32>
        %mul3A_341 = arith.mulf %mul3A_340, %unpack3A_338 : vector<16xf32>
        %add3A_342 = arith.addf %add3A_335, %mul3A_341 : vector<16xf32>
        %mul3A_343 = arith.mulf %gather3A_252, %gather3A_256 : vector<16xf32>
        %mul3A_344 = arith.mulf %mul3A_343, %unpack3A_339 : vector<16xf32>
        %add3A_345 = arith.addf %add3A_342, %mul3A_344 : vector<16xf32>
        %gather3A_346 = tpu.vector_load_idx %arg22[%add3A_249, %broadcast_in_dim3A_33] : memref<1024x16xi32, #tpu.memory_space<vmem>>[vector<16xi32>, vector<16xi32>], vector<16xi32>,
        %bitcast3A_347 = vector.bitcast %gather3A_346 : vector<16xi32> to vector<32xbf16>
        %unpack3A_348 = tpu.unpack_subelements %bitcast3A_347, 0 {pack_format = #tpu.pack_format<interleaved>} : vector<32xbf16> -> vector<16xf32>
        %unpack3A_349 = tpu.unpack_subelements %bitcast3A_347, 1 {pack_format = #tpu.pack_format<interleaved>} : vector<32xbf16> -> vector<16xf32>
        %mul3A_350 = arith.mulf %gather3A_252, %gather3A_257 : vector<16xf32>
        %mul3A_351 = arith.mulf %mul3A_350, %unpack3A_348 : vector<16xf32>
        %add3A_352 = arith.addf %add3A_345, %mul3A_351 : vector<16xf32>
        %mul3A_353 = arith.mulf %gather3A_252, %gather3A_258 : vector<16xf32>
        %mul3A_354 = arith.mulf %mul3A_353, %unpack3A_349 : vector<16xf32>
        %add3A_355 = arith.addf %add3A_352, %mul3A_354 : vector<16xf32>
        %gather3A_356 = tpu.vector_load_idx %arg22[%add3A_249, %broadcast_in_dim3A_35] : memref<1024x16xi32, #tpu.memory_space<vmem>>[vector<16xi32>, vector<16xi32>], vector<16xi32>,
        %bitcast3A_357 = vector.bitcast %gather3A_356 : vector<16xi32> to vector<32xbf16>
        %unpack3A_358 = tpu.unpack_subelements %bitcast3A_357, 0 {pack_format = #tpu.pack_format<interleaved>} : vector<32xbf16> -> vector<16xf32>
        %unpack3A_359 = tpu.unpack_subelements %bitcast3A_357, 1 {pack_format = #tpu.pack_format<interleaved>} : vector<32xbf16> -> vector<16xf32>
        %mul3A_360 = arith.mulf %gather3A_253, %gather3A_254 : vector<16xf32>
        %mul3A_361 = arith.mulf %mul3A_360, %unpack3A_358 : vector<16xf32>
        %add3A_362 = arith.addf %add3A_355, %mul3A_361 : vector<16xf32>
        %mul3A_363 = arith.mulf %gather3A_253, %gather3A_255 : vector<16xf32>
        %mul3A_364 = arith.mulf %mul3A_363, %unpack3A_359 : vector<16xf32>
        %add3A_365 = arith.addf %add3A_362, %mul3A_364 : vector<16xf32>
        %gather3A_366 = tpu.vector_load_idx %arg22[%add3A_249, %broadcast_in_dim3A_37] : memref<1024x16xi32, #tpu.memory_space<vmem>>[vector<16xi32>, vector<16xi32>], vector<16xi32>,
        %bitcast3A_367 = vector.bitcast %gather3A_366 : vector<16xi32> to vector<32xbf16>
        %unpack3A_368 = tpu.unpack_subelements %bitcast3A_367, 0 {pack_format = #tpu.pack_format<interleaved>} : vector<32xbf16> -> vector<16xf32>
        %unpack3A_369 = tpu.unpack_subelements %bitcast3A_367, 1 {pack_format = #tpu.pack_format<interleaved>} : vector<32xbf16> -> vector<16xf32>
        %mul3A_370 = arith.mulf %gather3A_253, %gather3A_256 : vector<16xf32>
        %mul3A_371 = arith.mulf %mul3A_370, %unpack3A_368 : vector<16xf32>
        %add3A_372 = arith.addf %add3A_365, %mul3A_371 : vector<16xf32>
        %mul3A_373 = arith.mulf %gather3A_253, %gather3A_257 : vector<16xf32>
        %mul3A_374 = arith.mulf %mul3A_373, %unpack3A_369 : vector<16xf32>
        %add3A_375 = arith.addf %add3A_372, %mul3A_374 : vector<16xf32>
        %gather3A_376 = tpu.vector_load_idx %arg22[%add3A_249, %broadcast_in_dim3A_39] : memref<1024x16xi32, #tpu.memory_space<vmem>>[vector<16xi32>, vector<16xi32>], vector<16xi32>,
        %bitcast3A_377 = vector.bitcast %gather3A_376 : vector<16xi32> to vector<32xbf16>
        %unpack3A_378 = tpu.unpack_subelements %bitcast3A_377, 0 {pack_format = #tpu.pack_format<interleaved>} : vector<32xbf16> -> vector<16xf32>
        %unpack3A_379 = tpu.unpack_subelements %bitcast3A_377, 1 {pack_format = #tpu.pack_format<interleaved>} : vector<32xbf16> -> vector<16xf32>
        %mul3A_380 = arith.mulf %gather3A_253, %gather3A_258 : vector<16xf32>
        %mul3A_381 = arith.mulf %mul3A_380, %unpack3A_378 : vector<16xf32>
        %add3A_382 = arith.addf %add3A_375, %mul3A_381 : vector<16xf32>
        %gather3A_383 = tpu.vector_load_idx %arg18[%add3A_249, %broadcast_in_dim3A_25] : memref<1024x8xf32, #tpu.memory_space<vmem>>[vector<16xi32>, vector<16xi32>], vector<16xf32>,
        %gather3A_384 = tpu.vector_load_idx %arg20[%add3A_249, %broadcast_in_dim3A_25] : memref<1024x8xf32, #tpu.memory_space<vmem>>[vector<16xi32>, vector<16xi32>], vector<16xf32>,
        %gather3A_385 = tpu.vector_load_idx %arg18[%add3A_249, %broadcast_in_dim3A_27] : memref<1024x8xf32, #tpu.memory_space<vmem>>[vector<16xi32>, vector<16xi32>], vector<16xf32>,
        %gather3A_386 = tpu.vector_load_idx %arg20[%add3A_249, %broadcast_in_dim3A_27] : memref<1024x8xf32, #tpu.memory_space<vmem>>[vector<16xi32>, vector<16xi32>], vector<16xf32>,
        %mul3A_387 = arith.constant 3.000000e+00 : f32
        %mul3A_388 = vector.broadcast %mul3A_387 : f32 to vector<16xf32>
        %mul3A_389 = arith.mulf %mul3A_388, %gather3A_383 : vector<16xf32>
        %mul3A_390 = arith.mulf %mul3A_389, %gather3A_384 : vector<16xf32>
        %mul3A_391 = arith.mulf %add3A_382, %mul3A_390 : vector<16xf32>
        %mul3A_392 = arith.constant 0.586299181 : f32
        %mul3A_393 = vector.broadcast %mul3A_392 : f32 to vector<16xf32>
        %mul3A_394 = arith.mulf %mul3A_393, %gather3A_385 : vector<16xf32>
        %mul3A_395 = arith.mulf %mul3A_394, %gather3A_386 : vector<16xf32>
        %add3A_396 = arith.constant 2.883000e+00 : f32
        %add3A_397 = vector.broadcast %add3A_396 : f32 to vector<16xf32>
        %add3A_398 = arith.addf %mul3A_395, %add3A_397 : vector<16xf32>
        %get3A = arith.index_cast %mul3A_245 : i32 to index
        %get3A_399 = tpu.vector_load %arg16[%get3A] {strides = array<i32>} : memref<1024xf32, #tpu.memory_space<vmem>>, vector<16xf32>,
        %mul3A_400 = arith.mulf %get3A_399, %get3A_399 : vector<16xf32>
        %mul3A_401 = arith.mulf %mul3A_400, %mul3A_400 : vector<16xf32>
        %mul3A_402 = arith.mulf %mul3A_401, %mul3A_400 : vector<16xf32>
        %mul3A_403 = arith.mulf %mul3A_402, %mul3A_400 : vector<16xf32>
        %mul3A_404 = arith.mulf %add3A_398, %add3A_398 : vector<16xf32>
        %mul3A_405 = arith.mulf %mul3A_404, %mul3A_404 : vector<16xf32>
        %mul3A_406 = arith.mulf %mul3A_405, %mul3A_404 : vector<16xf32>
        %mul3A_407 = arith.mulf %mul3A_406, %mul3A_404 : vector<16xf32>
        %mul3A_408 = arith.constant 1.000000e+00 : f32
        %mul3A_409 = vector.broadcast %mul3A_408 : f32 to vector<16xf32>
        %mul3A_410 = arith.mulf %mul3A_409, %add3A_382 : vector<16xf32>
        %add3A_411 = arith.addf %mul3A_402, %mul3A_406 : vector<16xf32>
        %div3A_412 = arith.divf %mul3A_410, %add3A_411 : vector<16xf32>
        %mul3A_413 = arith.constant 9.171000e-01 : f32
        %mul3A_414 = vector.broadcast %mul3A_413 : f32 to vector<16xf32>
        %mul3A_415 = arith.mulf %mul3A_414, %mul3A_391 : vector<16xf32>
        %add3A_416 = arith.addf %mul3A_403, %mul3A_407 : vector<16xf32>
        %div3A_417 = arith.divf %mul3A_415, %add3A_416 : vector<16xf32>
        %add3A_418 = arith.addf %div3A_412, %div3A_417 : vector<16xf32>
        %mul3A_419 = arith.constant -5.000000e-01 : f32
        %mul3A_420 = vector.broadcast %mul3A_419 : f32 to vector<16xf32>
        %mul3A_421 = arith.mulf %mul3A_420, %add3A_418 : vector<16xf32>
        %swap3A = arith.index_cast %mul3A_245 : i32 to index
        %swap3A_422 = tpu.vector_load %arg24[%swap3A] {strides = array<i32>} : memref<1024xf32, #tpu.memory_space<vmem>>, vector<16xf32>,
        tpu.vector_store %arg24[%swap3A], %mul3A_421 {strides = array<i32>} : memref<1024xf32, #tpu.memory_space<vmem>>, vector<16xf32>,
        %get3A_423 = arith.index_cast %mul3A_245 : i32 to index
        %get3A_424 = tpu.vector_load %arg10[%get3A_423] {strides = array<i32>} : memref<1024xi32, #tpu.memory_space<vmem>>, vector<16xi32>,
        %swap3A_425 = arith.index_cast %mul3A_245 : i32 to index
        %swap3A_426 = tpu.vector_load %arg26[%swap3A_425] {strides = array<i32>} : memref<1024xi32, #tpu.memory_space<vmem>>, vector<16xi32>,
        tpu.vector_store %arg26[%swap3A_425], %get3A_424 {strides = array<i32>} : memref<1024xi32, #tpu.memory_space<vmem>>, vector<16xi32>,
      }
      %scan3A_230 = arith.constant 64 : i32
      %dma_start3A_231 = arith.constant 0 : i32
      %dma_start3A_232 = tpu.memref_slice %arg28[%dma_start3A_231] : memref<100352xf32, #tpu.memory_space<vmem_shared>> -> memref<100352xf32, #tpu.memory_space<vmem_shared>>
      tpu.enqueue_indirect_dma source(%arg24 : memref<1024xf32, #tpu.memory_space<vmem>>) target(%dma_start3A_232 : memref<100352xf32, #tpu.memory_space<vmem_shared>>) offsets(%arg26 : memref<1024xi32, #tpu.memory_space<vmem>>) semaphore(%arg34 : memref<!tpu.dma_semaphore, #tpu.memory_space<semaphore_mem>>) {add = true}
      %sub3A_233 = arith.constant 1 : i32
      %sub3A_234 = arith.subi %select_n3A_14, %sub3A_233 : i32
      %lt3A_235 = arith.cmpi slt, %add3A_131, %sub3A_234 : i32
      %convert_element_type3A_236 = arith.extui %lt3A_235 : i1 to i32
      %cond3A_237 = arith.constant 0 : i32
      %cond3A_238 = arith.cmpi ne, %convert_element_type3A_236, %cond3A_237 : i32
      scf.if %cond3A_238 {
        %add3A_239 = arith.constant 2 : i32
        %add3A_240 = arith.addi %add3A_196, %add3A_239 : i32
        %mul3A_241 = arith.constant 1024 : i32
        %mul3A_242 = arith.muli %add3A_240, %mul3A_241 : i32
        %add3A_243 = arith.addi %select_n3A, %mul3A_242 : i32
        %dma_start3A_244 = tpu.memref_slice %arg2[%add3A_243] : memref<1638400xi32, #tpu.memory_space<hbm>> -> memref<1024xi32, #tpu.memory_space<hbm>>
        %dma_start3A_245 = tpu.memref_slice %arg2[%add3A_243] : memref<1638400xi32, #tpu.memory_space<hbm>> -> memref<1024xi32, #tpu.memory_space<hbm>>
        tpu.enqueue_dma source(%dma_start3A_245 : memref<1024xi32, #tpu.memory_space<hbm>>) target(%arg10 : memref<1024xi32, #tpu.memory_space<vmem>>) target_semaphore(%arg30 : memref<!tpu.dma_semaphore, #tpu.memory_space<semaphore_mem>>)
        %mul3A_246 = arith.constant 1024 : i32
        %mul3A_247 = arith.muli %add3A_240, %mul3A_246 : i32
        %add3A_248 = arith.addi %select_n3A, %mul3A_247 : i32
        %dma_start3A_249 = tpu.memref_slice %arg3[%add3A_248] : memref<1638400xi32, #tpu.memory_space<hbm>> -> memref<1024xi32, #tpu.memory_space<hbm>>
        %dma_start3A_250 = tpu.memref_slice %arg3[%add3A_248] : memref<1638400xi32, #tpu.memory_space<hbm>> -> memref<1024xi32, #tpu.memory_space<hbm>>
        tpu.enqueue_dma source(%dma_start3A_250 : memref<1024xi32, #tpu.memory_space<hbm>>) target(%arg12 : memref<1024xi32, #tpu.memory_space<vmem>>) target_semaphore(%arg30 : memref<!tpu.dma_semaphore, #tpu.memory_space<semaphore_mem>>)
        %mul3A_251 = arith.constant 1024 : i32
        %mul3A_252 = arith.muli %add3A_240, %mul3A_251 : i32
        %add3A_253 = arith.addi %select_n3A, %mul3A_252 : i32
        %dma_start3A_254 = tpu.memref_slice %arg5[%add3A_253] : memref<1638400xi32, #tpu.memory_space<hbm>> -> memref<1024xi32, #tpu.memory_space<hbm>>
        %dma_start3A_255 = tpu.memref_slice %arg5[%add3A_253] : memref<1638400xi32, #tpu.memory_space<hbm>> -> memref<1024xi32, #tpu.memory_space<hbm>>
        tpu.enqueue_dma source(%dma_start3A_255 : memref<1024xi32, #tpu.memory_space<hbm>>) target(%arg14 : memref<1024xi32, #tpu.memory_space<vmem>>) target_semaphore(%arg30 : memref<!tpu.dma_semaphore, #tpu.memory_space<semaphore_mem>>)
        %mul3A_256 = arith.constant 1024 : i32
        %mul3A_257 = arith.muli %add3A_240, %mul3A_256 : i32
        %add3A_258 = arith.addi %select_n3A, %mul3A_257 : i32
        %dma_start3A_259 = tpu.memref_slice %arg4[%add3A_258] : memref<1638400xf32, #tpu.memory_space<hbm>> -> memref<1024xf32, #tpu.memory_space<hbm>>
        %dma_start3A_260 = tpu.memref_slice %arg4[%add3A_258] : memref<1638400xf32, #tpu.memory_space<hbm>> -> memref<1024xf32, #tpu.memory_space<hbm>>
        tpu.enqueue_dma source(%dma_start3A_260 : memref<1024xf32, #tpu.memory_space<hbm>>) target(%arg16 : memref<1024xf32, #tpu.memory_space<vmem>>) target_semaphore(%arg30 : memref<!tpu.dma_semaphore, #tpu.memory_space<semaphore_mem>>)
      } else {
      }
    }
    %dma_wait3A_117 = arith.constant 0 : i32
    %dma_wait3A_118 = tpu.memref_slice %arg28[%dma_wait3A_117] : memref<100352xf32, #tpu.memory_space<vmem_shared>> -> memref<100352xf32, #tpu.memory_space<vmem_shared>>
    tpu.wait_indirect_dma semaphore(%arg33 : memref<!tpu.dma_semaphore, #tpu.memory_space<semaphore_mem>>) src(%arg23 : memref<1024xf32, #tpu.memory_space<vmem>>) dst(%dma_wait3A_118 : memref<100352xf32, #tpu.memory_space<vmem_shared>>)
    %dma_wait3A_119 = arith.constant 0 : i32
    %dma_wait3A_120 = tpu.memref_slice %arg28[%dma_wait3A_119] : memref<100352xf32, #tpu.memory_space<vmem_shared>> -> memref<100352xf32, #tpu.memory_space<vmem_shared>>
    tpu.wait_indirect_dma semaphore(%arg34 : memref<!tpu.dma_semaphore, #tpu.memory_space<semaphore_mem>>) src(%arg24 : memref<1024xf32, #tpu.memory_space<vmem>>) dst(%dma_wait3A_120 : memref<100352xf32, #tpu.memory_space<vmem_shared>>)
    %barrier3A_121 = arith.constant 0 : index
    tpu.barrier barrier_id(%barrier3A_121)
    %mul3A_122 = arith.constant 6272 : i32
    %mul3A_123 = arith.muli %arg1, %mul3A_122 : i32
    %mul3A_124 = arith.constant 100352 : i32
    %mul3A_125 = arith.muli %arg0, %mul3A_124 : i32
    %mul3A_126 = arith.constant 6272 : i32
    %mul3A_127 = arith.muli %arg1, %mul3A_126 : i32
    %add3A_128 = arith.addi %mul3A_125, %mul3A_127 : i32
    "tpu.region"() ({
      %run_scoped3A = tpu.sem_alloc : memref<!tpu.dma_semaphore, #tpu.memory_space<semaphore_mem>>
      %dma_start3A_129 = tpu.memref_slice %arg8[%add3A_128] : memref<200704xf32, #tpu.memory_space<hbm>> -> memref<6272xf32, #tpu.memory_space<hbm>>
      %dma_start3A_130 = tpu.memref_slice %arg28[%mul3A_123] : memref<100352xf32, #tpu.memory_space<vmem_shared>> -> memref<6272xf32, #tpu.memory_space<vmem_shared>>
      tpu.enqueue_dma source(%dma_start3A_130 : memref<6272xf32, #tpu.memory_space<vmem_shared>>) target(%dma_start3A_129 : memref<6272xf32, #tpu.memory_space<hbm>>) target_semaphore(%run_scoped3A : memref<!tpu.dma_semaphore, #tpu.memory_space<semaphore_mem>>)
      %dma_wait3A_131 = tpu.memref_slice %arg8[%add3A_128] : memref<200704xf32, #tpu.memory_space<hbm>> -> memref<6272xf32, #tpu.memory_space<hbm>>
      %dma_wait3A_132 = tpu.memref_slice %arg28[%mul3A_123] : memref<100352xf32, #tpu.memory_space<vmem_shared>> -> memref<6272xf32, #tpu.memory_space<vmem_shared>>
      tpu.wait_dma2 semaphore(%run_scoped3A : memref<!tpu.dma_semaphore, #tpu.memory_space<semaphore_mem>>) src(%dma_wait3A_132 : memref<6272xf32, #tpu.memory_space<vmem_shared>>) dst(%dma_wait3A_131 : memref<6272xf32, #tpu.memory_space<hbm>>)
      tpu.yield
    }) : () -> ()
    return
  }
}

#map = affine_map<(d0, d1) -> (0)>
#map1 = affine_map<(d0, d1) -> (0, 0)>
module attributes {stable_mosaic.version = 14 : i64} {
  func.func @_gw_kernel(%arg0: i32, %arg1: i32, %arg2: memref<200704xf32, #tpu.memory_space<hbm>>, %arg3: memref<100352xi32, #tpu.memory_space<hbm>>, %arg4: memref<480xf32, #tpu.memory_space<hbm>>, %arg5: memref<96xf32, #tpu.memory_space<hbm>>, %arg6: memref<96xf32, #tpu.memory_space<hbm>>, %arg7: memref<100352x8xf32, #tpu.memory_space<hbm>>, %arg8: memref<3136xf32, #tpu.memory_space<vmem>>, %arg9: memref<3136xf32, #tpu.memory_space<vmem>>, %arg10: memref<3136xi32, #tpu.memory_space<vmem>>, %arg11: memref<3136x8xf32, #tpu.memory_space<vmem>>, %arg12: memref<480xf32, #tpu.memory_space<vmem>>, %arg13: memref<96xf32, #tpu.memory_space<vmem>>, %arg14: memref<96xf32, #tpu.memory_space<vmem>>) attributes {dimension_semantics = [#tpu.dimension_semantics<core_parallel>, #tpu.dimension_semantics<subcore_parallel>], iteration_bounds = array<i64: 2, 16>, scalar_prefetch = 0 : i64, scratch_operands = 7 : i64, tpu.core_type = #tpu.core_type<sc_vector_subcore>, window_params = [{transform_indices = #map}, {transform_indices = #map}, {transform_indices = #map}, {transform_indices = #map}, {transform_indices = #map}, {transform_indices = #map1}]} {
    %mul3A = arith.constant 16 : i32
    %mul3A_0 = arith.muli %arg0, %mul3A : i32
    %add3A = arith.addi %mul3A_0, %arg1 : i32
    %mul3A_1 = arith.constant 3136 : i32
    %mul3A_2 = arith.muli %add3A, %mul3A_1 : i32
    "tpu.region"() ({
      %run_scoped3A = tpu.sem_alloc : memref<!tpu.dma_semaphore, #tpu.memory_space<semaphore_mem>>
      tpu.enqueue_dma source(%arg4 : memref<480xf32, #tpu.memory_space<hbm>>) target(%arg12 : memref<480xf32, #tpu.memory_space<vmem>>) target_semaphore(%run_scoped3A : memref<!tpu.dma_semaphore, #tpu.memory_space<semaphore_mem>>)
      tpu.wait_dma2 semaphore(%run_scoped3A : memref<!tpu.dma_semaphore, #tpu.memory_space<semaphore_mem>>) src(%arg4 : memref<480xf32, #tpu.memory_space<hbm>>) dst(%arg12 : memref<480xf32, #tpu.memory_space<vmem>>)
      tpu.yield
    }) : () -> ()
    "tpu.region"() ({
      %run_scoped3A = tpu.sem_alloc : memref<!tpu.dma_semaphore, #tpu.memory_space<semaphore_mem>>
      tpu.enqueue_dma source(%arg5 : memref<96xf32, #tpu.memory_space<hbm>>) target(%arg13 : memref<96xf32, #tpu.memory_space<vmem>>) target_semaphore(%run_scoped3A : memref<!tpu.dma_semaphore, #tpu.memory_space<semaphore_mem>>)
      tpu.wait_dma2 semaphore(%run_scoped3A : memref<!tpu.dma_semaphore, #tpu.memory_space<semaphore_mem>>) src(%arg5 : memref<96xf32, #tpu.memory_space<hbm>>) dst(%arg13 : memref<96xf32, #tpu.memory_space<vmem>>)
      tpu.yield
    }) : () -> ()
    "tpu.region"() ({
      %run_scoped3A = tpu.sem_alloc : memref<!tpu.dma_semaphore, #tpu.memory_space<semaphore_mem>>
      tpu.enqueue_dma source(%arg6 : memref<96xf32, #tpu.memory_space<hbm>>) target(%arg14 : memref<96xf32, #tpu.memory_space<vmem>>) target_semaphore(%run_scoped3A : memref<!tpu.dma_semaphore, #tpu.memory_space<semaphore_mem>>)
      tpu.wait_dma2 semaphore(%run_scoped3A : memref<!tpu.dma_semaphore, #tpu.memory_space<semaphore_mem>>) src(%arg6 : memref<96xf32, #tpu.memory_space<hbm>>) dst(%arg14 : memref<96xf32, #tpu.memory_space<vmem>>)
      tpu.yield
    }) : () -> ()
    "tpu.region"() ({
      %run_scoped3A = tpu.sem_alloc : memref<!tpu.dma_semaphore, #tpu.memory_space<semaphore_mem>>
      %dma_start3A = tpu.memref_slice %arg2[%mul3A_2] : memref<200704xf32, #tpu.memory_space<hbm>> -> memref<3136xf32, #tpu.memory_space<hbm>>
      %dma_start3A_24 = tpu.memref_slice %arg2[%mul3A_2] : memref<200704xf32, #tpu.memory_space<hbm>> -> memref<3136xf32, #tpu.memory_space<hbm>>
      tpu.enqueue_dma source(%dma_start3A_24 : memref<3136xf32, #tpu.memory_space<hbm>>) target(%arg8 : memref<3136xf32, #tpu.memory_space<vmem>>) target_semaphore(%run_scoped3A : memref<!tpu.dma_semaphore, #tpu.memory_space<semaphore_mem>>)
      %dma_wait3A = tpu.memref_slice %arg2[%mul3A_2] : memref<200704xf32, #tpu.memory_space<hbm>> -> memref<3136xf32, #tpu.memory_space<hbm>>
      %dma_wait3A_25 = tpu.memref_slice %arg2[%mul3A_2] : memref<200704xf32, #tpu.memory_space<hbm>> -> memref<3136xf32, #tpu.memory_space<hbm>>
      tpu.wait_dma2 semaphore(%run_scoped3A : memref<!tpu.dma_semaphore, #tpu.memory_space<semaphore_mem>>) src(%dma_wait3A_25 : memref<3136xf32, #tpu.memory_space<hbm>>) dst(%arg8 : memref<3136xf32, #tpu.memory_space<vmem>>)
      tpu.yield
    }) : () -> ()
    %add3A_3 = arith.constant 100352 : i32
    %add3A_4 = arith.addi %add3A_3, %mul3A_2 : i32
    "tpu.region"() ({
      %run_scoped3A = tpu.sem_alloc : memref<!tpu.dma_semaphore, #tpu.memory_space<semaphore_mem>>
      %dma_start3A = tpu.memref_slice %arg2[%add3A_4] : memref<200704xf32, #tpu.memory_space<hbm>> -> memref<3136xf32, #tpu.memory_space<hbm>>
      %dma_start3A_24 = tpu.memref_slice %arg2[%add3A_4] : memref<200704xf32, #tpu.memory_space<hbm>> -> memref<3136xf32, #tpu.memory_space<hbm>>
      tpu.enqueue_dma source(%dma_start3A_24 : memref<3136xf32, #tpu.memory_space<hbm>>) target(%arg9 : memref<3136xf32, #tpu.memory_space<vmem>>) target_semaphore(%run_scoped3A : memref<!tpu.dma_semaphore, #tpu.memory_space<semaphore_mem>>)
      %dma_wait3A = tpu.memref_slice %arg2[%add3A_4] : memref<200704xf32, #tpu.memory_space<hbm>> -> memref<3136xf32, #tpu.memory_space<hbm>>
      %dma_wait3A_25 = tpu.memref_slice %arg2[%add3A_4] : memref<200704xf32, #tpu.memory_space<hbm>> -> memref<3136xf32, #tpu.memory_space<hbm>>
      tpu.wait_dma2 semaphore(%run_scoped3A : memref<!tpu.dma_semaphore, #tpu.memory_space<semaphore_mem>>) src(%dma_wait3A_25 : memref<3136xf32, #tpu.memory_space<hbm>>) dst(%arg9 : memref<3136xf32, #tpu.memory_space<vmem>>)
      tpu.yield
    }) : () -> ()
    "tpu.region"() ({
      %run_scoped3A = tpu.sem_alloc : memref<!tpu.dma_semaphore, #tpu.memory_space<semaphore_mem>>
      %dma_start3A = tpu.memref_slice %arg3[%mul3A_2] : memref<100352xi32, #tpu.memory_space<hbm>> -> memref<3136xi32, #tpu.memory_space<hbm>>
      %dma_start3A_24 = tpu.memref_slice %arg3[%mul3A_2] : memref<100352xi32, #tpu.memory_space<hbm>> -> memref<3136xi32, #tpu.memory_space<hbm>>
      tpu.enqueue_dma source(%dma_start3A_24 : memref<3136xi32, #tpu.memory_space<hbm>>) target(%arg10 : memref<3136xi32, #tpu.memory_space<vmem>>) target_semaphore(%run_scoped3A : memref<!tpu.dma_semaphore, #tpu.memory_space<semaphore_mem>>)
      %dma_wait3A = tpu.memref_slice %arg3[%mul3A_2] : memref<100352xi32, #tpu.memory_space<hbm>> -> memref<3136xi32, #tpu.memory_space<hbm>>
      %dma_wait3A_25 = tpu.memref_slice %arg3[%mul3A_2] : memref<100352xi32, #tpu.memory_space<hbm>> -> memref<3136xi32, #tpu.memory_space<hbm>>
      tpu.wait_dma2 semaphore(%run_scoped3A : memref<!tpu.dma_semaphore, #tpu.memory_space<semaphore_mem>>) src(%dma_wait3A_25 : memref<3136xi32, #tpu.memory_space<hbm>>) dst(%arg10 : memref<3136xi32, #tpu.memory_space<vmem>>)
      tpu.yield
    }) : () -> ()
    %iota3A = tpu.iota {dimensions = array<i32: 0>} : vector<16xi32>
    %broadcast_in_dim3A = arith.constant 0 : i32
    %broadcast_in_dim3A_5 = vector.broadcast %broadcast_in_dim3A : i32 to vector<16xi32>
    %broadcast_in_dim3A_6 = arith.constant 1 : i32
    %broadcast_in_dim3A_7 = vector.broadcast %broadcast_in_dim3A_6 : i32 to vector<16xi32>
    %broadcast_in_dim3A_8 = arith.constant 2 : i32
    %broadcast_in_dim3A_9 = vector.broadcast %broadcast_in_dim3A_8 : i32 to vector<16xi32>
    %broadcast_in_dim3A_10 = arith.constant 3 : i32
    %broadcast_in_dim3A_11 = vector.broadcast %broadcast_in_dim3A_10 : i32 to vector<16xi32>
    %broadcast_in_dim3A_12 = arith.constant 4 : i32
    %broadcast_in_dim3A_13 = vector.broadcast %broadcast_in_dim3A_12 : i32 to vector<16xi32>
    %broadcast_in_dim3A_14 = arith.constant 5 : i32
    %broadcast_in_dim3A_15 = vector.broadcast %broadcast_in_dim3A_14 : i32 to vector<16xi32>
    %broadcast_in_dim3A_16 = arith.constant 6 : i32
    %broadcast_in_dim3A_17 = vector.broadcast %broadcast_in_dim3A_16 : i32 to vector<16xi32>
    %broadcast_in_dim3A_18 = arith.constant 7 : i32
    %broadcast_in_dim3A_19 = vector.broadcast %broadcast_in_dim3A_18 : i32 to vector<16xi32>
    %scan3A = arith.constant 0 : i32
    %scan3A_20 = arith.constant 196 : i32
    %scan3A_21 = arith.addi %scan3A, %scan3A_20 : i32
    %scan3A_22 = arith.constant 1 : i32
    scf.for %scan3A_24 = %scan3A to %scan3A_21 step %scan3A_22  : i32 {
      %mul3A_25 = arith.constant 1 : i32
      %mul3A_26 = arith.muli %scan3A_24, %mul3A_25 : i32
      %add3A_27 = arith.constant 0 : i32
      %add3A_28 = arith.addi %add3A_27, %mul3A_26 : i32
      %mul3A_29 = arith.constant 16 : i32
      %mul3A_30 = arith.muli %add3A_28, %mul3A_29 : i32
      %get3A = arith.index_cast %mul3A_30 : i32 to index
      %get3A_31 = tpu.vector_load %arg10[%get3A] {strides = array<i32>} : memref<3136xi32, #tpu.memory_space<vmem>>, vector<16xi32>,
      %get3A_32 = arith.index_cast %mul3A_30 : i32 to index
      %get3A_33 = tpu.vector_load %arg8[%get3A_32] {strides = array<i32>} : memref<3136xf32, #tpu.memory_space<vmem>>, vector<16xf32>,
      %get3A_34 = arith.index_cast %mul3A_30 : i32 to index
      %get3A_35 = tpu.vector_load %arg9[%get3A_34] {strides = array<i32>} : memref<3136xf32, #tpu.memory_space<vmem>>, vector<16xf32>,
      %add3A_36 = arith.addf %get3A_33, %get3A_35 : vector<16xf32>
      %mul3A_37 = arith.constant 5 : i32
      %mul3A_38 = vector.broadcast %mul3A_37 : i32 to vector<16xi32>
      %mul3A_39 = arith.muli %get3A_31, %mul3A_38 : vector<16xi32>
      %add3A_40 = arith.constant 0 : i32
      %add3A_41 = vector.broadcast %add3A_40 : i32 to vector<16xi32>
      %add3A_42 = arith.addi %mul3A_39, %add3A_41 : vector<16xi32>
      %gather3A = tpu.vector_load_idx %arg12[%add3A_42] : memref<480xf32, #tpu.memory_space<vmem>>[vector<16xi32>], vector<16xf32>,
      %add3A_43 = arith.constant 1 : i32
      %add3A_44 = vector.broadcast %add3A_43 : i32 to vector<16xi32>
      %add3A_45 = arith.addi %mul3A_39, %add3A_44 : vector<16xi32>
      %gather3A_46 = tpu.vector_load_idx %arg12[%add3A_45] : memref<480xf32, #tpu.memory_space<vmem>>[vector<16xi32>], vector<16xf32>,
      %add3A_47 = arith.constant 2 : i32
      %add3A_48 = vector.broadcast %add3A_47 : i32 to vector<16xi32>
      %add3A_49 = arith.addi %mul3A_39, %add3A_48 : vector<16xi32>
      %gather3A_50 = tpu.vector_load_idx %arg12[%add3A_49] : memref<480xf32, #tpu.memory_space<vmem>>[vector<16xi32>], vector<16xf32>,
      %add3A_51 = arith.constant 3 : i32
      %add3A_52 = vector.broadcast %add3A_51 : i32 to vector<16xi32>
      %add3A_53 = arith.addi %mul3A_39, %add3A_52 : vector<16xi32>
      %gather3A_54 = tpu.vector_load_idx %arg12[%add3A_53] : memref<480xf32, #tpu.memory_space<vmem>>[vector<16xi32>], vector<16xf32>,
      %add3A_55 = arith.constant 4 : i32
      %add3A_56 = vector.broadcast %add3A_55 : i32 to vector<16xi32>
      %add3A_57 = arith.addi %mul3A_39, %add3A_56 : vector<16xi32>
      %gather3A_58 = tpu.vector_load_idx %arg12[%add3A_57] : memref<480xf32, #tpu.memory_space<vmem>>[vector<16xi32>], vector<16xf32>,
      %max3A = arith.maximumf %gather3A, %gather3A_46 : vector<16xf32>
      %max3A_59 = arith.maximumf %max3A, %gather3A_50 : vector<16xf32>
      %max3A_60 = arith.maximumf %max3A_59, %gather3A_54 : vector<16xf32>
      %max3A_61 = arith.maximumf %max3A_60, %gather3A_58 : vector<16xf32>
      %sub3A = arith.subf %add3A_36, %gather3A : vector<16xf32>
      %mul3A_62 = arith.constant -4.000000e+00 : f32
      %mul3A_63 = vector.broadcast %mul3A_62 : f32 to vector<16xf32>
      %mul3A_64 = arith.mulf %mul3A_63, %sub3A : vector<16xf32>
      %mul3A_65 = arith.mulf %mul3A_64, %sub3A : vector<16xf32>
      %exp3A = math.exp %mul3A_65 : vector<16xf32>
      %sub3A_66 = arith.subf %add3A_36, %gather3A_46 : vector<16xf32>
      %mul3A_67 = arith.constant -4.000000e+00 : f32
      %mul3A_68 = vector.broadcast %mul3A_67 : f32 to vector<16xf32>
      %mul3A_69 = arith.mulf %mul3A_68, %sub3A_66 : vector<16xf32>
      %mul3A_70 = arith.mulf %mul3A_69, %sub3A_66 : vector<16xf32>
      %exp3A_71 = math.exp %mul3A_70 : vector<16xf32>
      %add3A_72 = arith.addf %exp3A, %exp3A_71 : vector<16xf32>
      %sub3A_73 = arith.subf %add3A_36, %gather3A_50 : vector<16xf32>
      %mul3A_74 = arith.constant -4.000000e+00 : f32
      %mul3A_75 = vector.broadcast %mul3A_74 : f32 to vector<16xf32>
      %mul3A_76 = arith.mulf %mul3A_75, %sub3A_73 : vector<16xf32>
      %mul3A_77 = arith.mulf %mul3A_76, %sub3A_73 : vector<16xf32>
      %exp3A_78 = math.exp %mul3A_77 : vector<16xf32>
      %add3A_79 = arith.addf %add3A_72, %exp3A_78 : vector<16xf32>
      %sub3A_80 = arith.subf %add3A_36, %gather3A_54 : vector<16xf32>
      %mul3A_81 = arith.constant -4.000000e+00 : f32
      %mul3A_82 = vector.broadcast %mul3A_81 : f32 to vector<16xf32>
      %mul3A_83 = arith.mulf %mul3A_82, %sub3A_80 : vector<16xf32>
      %mul3A_84 = arith.mulf %mul3A_83, %sub3A_80 : vector<16xf32>
      %exp3A_85 = math.exp %mul3A_84 : vector<16xf32>
      %add3A_86 = arith.addf %add3A_79, %exp3A_85 : vector<16xf32>
      %sub3A_87 = arith.subf %add3A_36, %gather3A_58 : vector<16xf32>
      %mul3A_88 = arith.constant -4.000000e+00 : f32
      %mul3A_89 = vector.broadcast %mul3A_88 : f32 to vector<16xf32>
      %mul3A_90 = arith.mulf %mul3A_89, %sub3A_87 : vector<16xf32>
      %mul3A_91 = arith.mulf %mul3A_90, %sub3A_87 : vector<16xf32>
      %exp3A_92 = math.exp %mul3A_91 : vector<16xf32>
      %add3A_93 = arith.addf %add3A_86, %exp3A_92 : vector<16xf32>
      %lt3A = arith.constant 1.000000e-30 : f32
      %lt3A_94 = vector.broadcast %lt3A : f32 to vector<16xf32>
      %lt3A_95 = arith.cmpf olt, %add3A_93, %lt3A_94 : vector<16xf32>
      %jit3A = arith.constant 1.000000e+00 : f32
      %broadcast_in_dim3A_96 = vector.broadcast %jit3A : f32 to vector<16xf32>
      %select_n3A = arith.select %lt3A_95, %broadcast_in_dim3A_96, %add3A_93 : vector<16xi1>, vector<16xf32>
      %mul3A_97 = arith.constant 16 : i32
      %mul3A_98 = arith.muli %add3A_28, %mul3A_97 : i32
      %add3A_99 = vector.broadcast %mul3A_98 : i32 to vector<16xi32>
      %add3A_100 = arith.addi %add3A_99, %iota3A : vector<16xi32>
      %eq3A = arith.cmpf oeq, %gather3A, %max3A_61 : vector<16xf32>
      %jit3A_101 = arith.constant 1.000000e+00 : f32
      %jit3A_102 = arith.constant 0.000000e+00 : f32
      %broadcast_in_dim3A_103 = vector.broadcast %jit3A_101 : f32 to vector<16xf32>
      %broadcast_in_dim3A_104 = vector.broadcast %jit3A_102 : f32 to vector<16xf32>
      %select_n3A_105 = arith.select %eq3A, %broadcast_in_dim3A_103, %broadcast_in_dim3A_104 : vector<16xi1>, vector<16xf32>
      %div3A = arith.divf %exp3A, %select_n3A : vector<16xf32>
      %select_n3A_106 = arith.select %lt3A_95, %select_n3A_105, %div3A : vector<16xi1>, vector<16xf32>
      tpu.vector_store_idx %arg11[%add3A_100, %broadcast_in_dim3A_5], %select_n3A_106 : memref<3136x8xf32, #tpu.memory_space<vmem>>[vector<16xi32>, vector<16xi32>], vector<16xf32>,
      %eq3A_107 = arith.cmpf oeq, %gather3A_46, %max3A_61 : vector<16xf32>
      %jit3A_108 = arith.constant 1.000000e+00 : f32
      %jit3A_109 = arith.constant 0.000000e+00 : f32
      %broadcast_in_dim3A_110 = vector.broadcast %jit3A_108 : f32 to vector<16xf32>
      %broadcast_in_dim3A_111 = vector.broadcast %jit3A_109 : f32 to vector<16xf32>
      %select_n3A_112 = arith.select %eq3A_107, %broadcast_in_dim3A_110, %broadcast_in_dim3A_111 : vector<16xi1>, vector<16xf32>
      %div3A_113 = arith.divf %exp3A_71, %select_n3A : vector<16xf32>
      %select_n3A_114 = arith.select %lt3A_95, %select_n3A_112, %div3A_113 : vector<16xi1>, vector<16xf32>
      tpu.vector_store_idx %arg11[%add3A_100, %broadcast_in_dim3A_7], %select_n3A_114 : memref<3136x8xf32, #tpu.memory_space<vmem>>[vector<16xi32>, vector<16xi32>], vector<16xf32>,
      %eq3A_115 = arith.cmpf oeq, %gather3A_50, %max3A_61 : vector<16xf32>
      %jit3A_116 = arith.constant 1.000000e+00 : f32
      %jit3A_117 = arith.constant 0.000000e+00 : f32
      %broadcast_in_dim3A_118 = vector.broadcast %jit3A_116 : f32 to vector<16xf32>
      %broadcast_in_dim3A_119 = vector.broadcast %jit3A_117 : f32 to vector<16xf32>
      %select_n3A_120 = arith.select %eq3A_115, %broadcast_in_dim3A_118, %broadcast_in_dim3A_119 : vector<16xi1>, vector<16xf32>
      %div3A_121 = arith.divf %exp3A_78, %select_n3A : vector<16xf32>
      %select_n3A_122 = arith.select %lt3A_95, %select_n3A_120, %div3A_121 : vector<16xi1>, vector<16xf32>
      tpu.vector_store_idx %arg11[%add3A_100, %broadcast_in_dim3A_9], %select_n3A_122 : memref<3136x8xf32, #tpu.memory_space<vmem>>[vector<16xi32>, vector<16xi32>], vector<16xf32>,
      %eq3A_123 = arith.cmpf oeq, %gather3A_54, %max3A_61 : vector<16xf32>
      %jit3A_124 = arith.constant 1.000000e+00 : f32
      %jit3A_125 = arith.constant 0.000000e+00 : f32
      %broadcast_in_dim3A_126 = vector.broadcast %jit3A_124 : f32 to vector<16xf32>
      %broadcast_in_dim3A_127 = vector.broadcast %jit3A_125 : f32 to vector<16xf32>
      %select_n3A_128 = arith.select %eq3A_123, %broadcast_in_dim3A_126, %broadcast_in_dim3A_127 : vector<16xi1>, vector<16xf32>
      %div3A_129 = arith.divf %exp3A_85, %select_n3A : vector<16xf32>
      %select_n3A_130 = arith.select %lt3A_95, %select_n3A_128, %div3A_129 : vector<16xi1>, vector<16xf32>
      tpu.vector_store_idx %arg11[%add3A_100, %broadcast_in_dim3A_11], %select_n3A_130 : memref<3136x8xf32, #tpu.memory_space<vmem>>[vector<16xi32>, vector<16xi32>], vector<16xf32>,
      %eq3A_131 = arith.cmpf oeq, %gather3A_58, %max3A_61 : vector<16xf32>
      %jit3A_132 = arith.constant 1.000000e+00 : f32
      %jit3A_133 = arith.constant 0.000000e+00 : f32
      %broadcast_in_dim3A_134 = vector.broadcast %jit3A_132 : f32 to vector<16xf32>
      %broadcast_in_dim3A_135 = vector.broadcast %jit3A_133 : f32 to vector<16xf32>
      %select_n3A_136 = arith.select %eq3A_131, %broadcast_in_dim3A_134, %broadcast_in_dim3A_135 : vector<16xi1>, vector<16xf32>
      %div3A_137 = arith.divf %exp3A_92, %select_n3A : vector<16xf32>
      %select_n3A_138 = arith.select %lt3A_95, %select_n3A_136, %div3A_137 : vector<16xi1>, vector<16xf32>
      tpu.vector_store_idx %arg11[%add3A_100, %broadcast_in_dim3A_13], %select_n3A_138 : memref<3136x8xf32, #tpu.memory_space<vmem>>[vector<16xi32>, vector<16xi32>], vector<16xf32>,
      %gather3A_139 = tpu.vector_load_idx %arg13[%get3A_31] : memref<96xf32, #tpu.memory_space<vmem>>[vector<16xi32>], vector<16xf32>,
      tpu.vector_store_idx %arg11[%add3A_100, %broadcast_in_dim3A_15], %gather3A_139 : memref<3136x8xf32, #tpu.memory_space<vmem>>[vector<16xi32>, vector<16xi32>], vector<16xf32>,
      %gather3A_140 = tpu.vector_load_idx %arg14[%get3A_31] : memref<96xf32, #tpu.memory_space<vmem>>[vector<16xi32>], vector<16xf32>,
      tpu.vector_store_idx %arg11[%add3A_100, %broadcast_in_dim3A_17], %gather3A_140 : memref<3136x8xf32, #tpu.memory_space<vmem>>[vector<16xi32>, vector<16xi32>], vector<16xf32>,
      %convert_element_type3A = arith.sitofp %get3A_31 : vector<16xi32> to vector<16xf32>
      tpu.vector_store_idx %arg11[%add3A_100, %broadcast_in_dim3A_19], %convert_element_type3A : memref<3136x8xf32, #tpu.memory_space<vmem>>[vector<16xi32>, vector<16xi32>], vector<16xf32>,
    }
    %scan3A_23 = arith.constant 196 : i32
    "tpu.region"() ({
      %run_scoped3A = tpu.sem_alloc : memref<!tpu.dma_semaphore, #tpu.memory_space<semaphore_mem>>
      %dma_start3A = arith.constant 0 : i32
      %dma_start3A_24 = tpu.memref_slice %arg7[%mul3A_2, %dma_start3A] : memref<100352x8xf32, #tpu.memory_space<hbm>> -> memref<3136x8xf32, #tpu.memory_space<hbm>>
      %dma_start3A_25 = arith.constant 0 : i32
      %dma_start3A_26 = tpu.memref_slice %arg7[%mul3A_2, %dma_start3A_25] : memref<100352x8xf32, #tpu.memory_space<hbm>> -> memref<3136x8xf32, #tpu.memory_space<hbm>>
      tpu.enqueue_dma source(%arg11 : memref<3136x8xf32, #tpu.memory_space<vmem>>) target(%dma_start3A_26 : memref<3136x8xf32, #tpu.memory_space<hbm>>) target_semaphore(%run_scoped3A : memref<!tpu.dma_semaphore, #tpu.memory_space<semaphore_mem>>)
      %dma_wait3A = arith.constant 0 : i32
      %dma_wait3A_27 = tpu.memref_slice %arg7[%mul3A_2, %dma_wait3A] : memref<100352x8xf32, #tpu.memory_space<hbm>> -> memref<3136x8xf32, #tpu.memory_space<hbm>>
      %dma_wait3A_28 = arith.constant 0 : i32
      %dma_wait3A_29 = tpu.memref_slice %arg7[%mul3A_2, %dma_wait3A_28] : memref<100352x8xf32, #tpu.memory_space<hbm>> -> memref<3136x8xf32, #tpu.memory_space<hbm>>
      tpu.wait_dma2 semaphore(%run_scoped3A : memref<!tpu.dma_semaphore, #tpu.memory_space<semaphore_mem>>) src(%arg11 : memref<3136x8xf32, #tpu.memory_space<vmem>>) dst(%dma_wait3A_29 : memref<3136x8xf32, #tpu.memory_space<hbm>>)
      tpu.yield
    }) : () -> ()
    return
  }
}

module attributes {stable_mosaic.version = 14 : i64} {
  func.func @_add_body(%arg0: memref<2x784x128xf32, #tpu.memory_space<vmem>>, %arg1: memref<784x128xf32, #tpu.memory_space<vmem>>) attributes {dimension_semantics = [], scalar_prefetch = 0 : i64, scratch_operands = 0 : i64, tpu.core_type = #tpu.core_type<tc>} {
    %get3A = arith.constant 0 : index
    %get3A_0 = arith.constant 0 : index
    %get3A_1 = arith.constant 0 : index
    %get3A_2 = vector.load %arg0[%get3A, %get3A_0, %get3A_1] : memref<2x784x128xf32, #tpu.memory_space<vmem>>, vector<1x784x128xf32>
    %get3A_3 = vector.shape_cast %get3A_2 : vector<1x784x128xf32> to vector<784x128xf32>
    %get3A_4 = arith.constant 1 : index
    %get3A_5 = arith.constant 0 : index
    %get3A_6 = arith.constant 0 : index
    %get3A_7 = vector.load %arg0[%get3A_4, %get3A_5, %get3A_6] : memref<2x784x128xf32, #tpu.memory_space<vmem>>, vector<1x784x128xf32>
    %get3A_8 = vector.shape_cast %get3A_7 : vector<1x784x128xf32> to vector<784x128xf32>
    %add3A = arith.addf %get3A_3, %get3A_8 : vector<784x128xf32>
    %swap3A = arith.constant 0 : index
    %swap3A_9 = arith.constant 0 : index
    %swap3A_10 = vector.load %arg1[%swap3A, %swap3A_9] : memref<784x128xf32, #tpu.memory_space<vmem>>, vector<784x128xf32>
    tpu.vector_store %arg1[%swap3A, %swap3A_9], %add3A {strides = array<i32>} : memref<784x128xf32, #tpu.memory_space<vmem>>, vector<784x128xf32>,
    return
  }
}

</mosaic_0001>

<sc_bundles>
// kernel: kernel.12.cloned.1.call-start
scs
__scs_entry_jumppad:
0x0: {  	(pc) =	sbr.rel $0x88, $3  }
0x1: {  	(tag) =	ssettag $0x0;
	lr =	simm.s32 $0x1  }
0x2: {  	[smem:$0x3F99] =	sst lr;
	_ =	strace $0xD0000000  }
0x3: {  	_ = 	snop  }
0x4: {  	_ = 	snop  }
0x5: {  	_ = 	snop  }
0x6: {  	_ = 	snop  }
0x7: {  	_ = 	snop  }
__scs_overlays_trampoline_lowered:
0x8: {  	[smem:$0x3FA8] =	sst s0  }
0x9: {  	[smem:$0x3FA9] =	sst s1  }
0xa: {  	[smem:$0x3FAA] =	sst s2  }
0xb: {  	[smem:$0x3FAB] =	sst s3  }
0xc: {  	[smem:$0x3FAC] =	sst s4  }
0xd: {  	[smem:$0x3FAD] =	sst s5  }
0xe: {  	[smem:$0x3FAE] =	sst s6  }
0xf: {  	[smem:$0x3FAF] =	sst s7  }
0x10: {  	[smem:$0x3FB0] =	sst s8  }
0x11: {  	[smem:$0x3FB1] =	sst s9;
	s0 =	simm.s32 @!p0 $0x0  }
0x12: {  	s1 =	sld [smem:$0x3F97];
	s0 =	simm.s32 @p0 $0x1  }
0x13: {  	[smem:$0x3FB2] =	sst s0;
	s0 =	simm.s32 @!p1 $0x0  }
0x14: {  	s2 =	sld [smem:$0x3F96];
	s0 =	simm.s32 @p1 $0x1  }
0x15: {  	[smem:$0x3FB3] =	sst s0;
	s0 =	simm.s32 @!p2 $0x0  }
0x16: {  	s3 =	sld [smem:$0x3FDB];
	s0 =	simm.s32 @p2 $0x1  }
0x17: {  	s4 =	simm.s32 $0x1BF5;
	[smem:$0x3FB5] =	sst s0  }
0x18: {  	s0 =	sld [smem:$0x3F98];
	_ =	swait.ge [sflag:s4], $0x0  }
0x19: {  	s7 =	sld [smem:$0x3F99]  }
0x1a: {  	s8 =	sadd.s32 $0xFFFFE003, lr  }
0x1b: {  	s9 =	sadd.s32 $0xFFFFFEF7, lr;
	s5 =	simm.s32 $0xFFFFFFFF;
	p2 =	slt.u32 s8, $0xFFFFF086  }
0x1c: {  	p1 =	slt.u32 s9, $0xF7A;
	s5 =	simm.s32 @!p2 $0x0  }
0x1d: {  	s5 =	simm.s32 @p1 $0x1;
	p0 =	seq.s32 s7, s2  }
0x1e: {  	s7 =	smul.u32 @!p0 $0xF7A, s2;
	p2 =	seq.s32 @!p0 s5, $0x0  }
0x1f: {  	s9 =	smul.u32 $0xF7A, s1;
	s8 =	simm.s32 @!p0 $0x1BF5;
	p2 =	por !p2, p0  }
0x20: {  	[sflag:s8] =	ssyncset.s32 @!p0 $0xFFFFF086;
	s6 =	sadd.s32 @!p0 s3, s7;
	s7 =	simm.s32 @!p0 $0x108  }
0x21: {  	s3 =	sadd.s32 s3, s9;
	s6 =	sadd.s32 @!p0 $0x88, s6;
	s7 =	simm.s32 @p2 $0x1082  }
0x22: {  	[simem:s7], [sflag:s8] =	dma.local @!p0 [hbm:s6], $0xF7A  }
0x23: {  	s9 =	sor.u32 $0xD0000000, s2;
	s6 =	simm.s32 $0x108;
	_ =	swait.ge @!p0 [sflag:s8], $0x0  }
0x24: {  	s3 =	sadd.s32 $0x88, s3;
	s6 =	simm.s32 @!p1 $0x1082;
	[sflag:s4] =	ssyncset.s32 $0xFFFFF086  }
0x25: {  	[simem:s6], [sflag:s4] =	dma.local [hbm:s3], $0xF7A  }
0x26: {  	[smem:$0x3F99] =	sst s1;
	(tag) =	ssettag s2;
	_ =	strace s9  }
0x27: {  	s1 =	sld [smem:$0x3FA9]  }
0x28: {  	s2 =	sld [smem:$0x3FAA]  }
0x29: {  	s4 =	sld [smem:$0x3FAC]  }
0x2a: {  	p0 =	seq.s32 s5, $0x0;
	s5 =	sld [smem:$0x3FAD]  }
0x2b: {  	s6 =	sld [smem:$0x3FAE]  }
0x2c: {  	s7 =	sld [smem:$0x3FAF]  }
0x2d: {  	s3 =	simm.s32 $0x108;
	s8 =	sld [smem:$0x3FB0]  }
0x2e: {  	s3 =	simm.s32 @!p0 $0x1082;
	s9 =	sld [smem:$0x3FB1]  }
0x2f: {  	lr =	sadd.s32 s0, s3;
	s0 =	sld [smem:$0x3FA8]  }
0x30: {  	s3 =	sld [smem:$0x3FAB]  }
0x31: {  	[smem:$0x3FB4] =	sst s10  }
0x32: {  	s10 =	sld [smem:$0x3FB2];
	_ =	sdelay $0x3  }
0x33: {  	p0 =	seq.s32 s10, $0x1;
	s10 =	sld [smem:$0x3FB4];
	_ =	sdelay $0x3  }
0x34: {  	[smem:$0x3FB4] =	sst s10  }
0x35: {  	s10 =	sld [smem:$0x3FB3];
	_ =	sdelay $0x3  }
0x36: {  	p1 =	seq.s32 s10, $0x1;
	s10 =	sld [smem:$0x3FB4];
	_ =	sdelay $0x3  }
0x37: {  	[smem:$0x3FB4] =	sst s10  }
0x38: {  	s10 =	sld [smem:$0x3FB5]  }
0x39: {  	_ = 	snop;
	(pc) =	sbr.ind lr, $3  }
0x3a: {  	_ = 	snop  }
0x3b: {  	_ = 	snop  }
0x3c: {  	p2 =	seq.s32 s10, $0x1;
	s10 =	sld [smem:$0x3FB4]  }
0x3d: {  	_ =	shalt  }
0x3e: {  	_ =	shalt  }
0x3f: {  	_ =	shalt  }
0x40: {  	_ =	shalt  }
0x41: {  	_ =	shalt  }
0x42: {  	_ =	shalt  }
0x43: {  	_ =	shalt  }
0x44: {  	_ =	shalt  }
0x45: {  	_ =	shalt  }
0x46: {  	_ =	shalt  }
0x47: {  	_ =	shalt  }
0x48: {  	_ =	shalt  }
0x49: {  	_ =	shalt  }
0x4a: {  	_ =	shalt  }
0x4b: {  	_ =	shalt  }
0x4c: {  	_ =	shalt  }
0x4d: {  	_ =	shalt  }
0x4e: {  	_ =	shalt  }
0x4f: {  	_ =	shalt  }
0x50: {  	_ =	shalt  }
0x51: {  	_ =	shalt  }
0x52: {  	_ =	shalt  }
0x53: {  	_ =	shalt  }
0x54: {  	_ =	shalt  }
0x55: {  	_ =	shalt  }
0x56: {  	_ =	shalt  }
0x57: {  	_ =	shalt  }
0x58: {  	_ =	shalt  }
0x59: {  	_ =	shalt  }
0x5a: {  	_ =	shalt  }
0x5b: {  	_ =	shalt  }
0x5c: {  	_ =	shalt  }
0x5d: {  	_ =	shalt  }
0x5e: {  	_ =	shalt  }
0x5f: {  	_ =	shalt  }
0x60: {  	_ =	shalt  }
0x61: {  	_ =	shalt  }
0x62: {  	_ =	shalt  }
0x63: {  	_ =	shalt  }
0x64: {  	_ =	shalt  }
0x65: {  	_ =	shalt  }
0x66: {  	_ =	shalt  }
0x67: {  	_ =	shalt  }
0x68: {  	_ =	shalt  }
0x69: {  	_ =	shalt  }
0x6a: {  	_ =	shalt  }
0x6b: {  	_ =	shalt  }
0x6c: {  	_ =	shalt  }
0x6d: {  	_ =	shalt  }
0x6e: {  	_ =	shalt  }
0x6f: {  	_ =	shalt  }
0x70: {  	_ =	shalt  }
0x71: {  	_ =	shalt  }
0x72: {  	_ =	shalt  }
0x73: {  	_ =	shalt  }
0x74: {  	_ =	shalt  }
0x75: {  	_ =	shalt  }
0x76: {  	_ =	shalt  }
0x77: {  	_ =	shalt  }
0x78: {  	_ =	shalt  }
0x79: {  	_ =	shalt  }
0x7a: {  	_ =	shalt  }
0x7b: {  	_ =	shalt  }
0x7c: {  	_ =	shalt  }
0x7d: {  	_ =	shalt  }
0x7e: {  	_ =	shalt  }
0x7f: {  	_ =	shalt  }
0x80: {  	_ =	shalt  }
0x81: {  	_ =	shalt  }
0x82: {  	_ =	shalt  }
0x83: {  	_ =	shalt  }
0x84: {  	_ =	shalt  }
0x85: {  	_ =	shalt  }
0x86: {  	_ =	shalt  }
0x87: {  	_ =	shalt  }
.Lfunc_end0:
.L_simem_size_0:
called_computation.2_lowered:
.L_overlay_start_0:
0x88: {  	s2 =	sld [smem:$0x3FD9]  }
0x89: {  	s3 =	sld [smem:$0x3FFE];
	_ =	sdelay $0x1  }
0x8a: {  	s1 =	srdreg.scid  }
0x8b: {  	s0 =	sand.u32 $0x1, s1  }
0x8c: {  	s16 =	sshll.u32 s0, $0xA;
	s2 =	sadd.s32 s3, s2  }
0x8d: {  	s2 =	sadd.s32 s2, s16  }
0x8e: {  	[smem:$0x3FC0] =	sst s2  }
0x8f: {  	_ = 	snop  }
0x90: {  	(tm) =	ssettm $0x1  }
0x91: {  	s17 =	sld [smem:$0x3FFB];
	_ =	sdelay $0x3  }
0x92: {  	_ =	strace s17  }
0x93: {  	s2 =	sld [smem:$0x3FFC];
	_ =	sdelay $0x3  }
0x94: {  	_ =	strace s2  }
0x95: {  	s2 =	sld [smem:$0x3FFD];
	_ =	sdelay $0x3  }
0x96: {  	_ =	strace s2  }
0x97: {  	_ =	strace $0x8FFFFFFF  }
0x98: {  	s18 =	sld [smem:$0x3FDB];
	_ =	sdelay $0x1  }
0x99: {  	s19 =	simm.s32 $_scs_section_size  }
0x9a: {  	s4 =	simm.s32 $_size__tile_overlayer_lowered;
	s5 =	simm.s32 $_tile_overlayer_lowered  }
0x9b: {  	s22 =	simm.s32 $0x1BFF;
	s21 =	sshll.u32 s5, $0x1;
	s2 =	sadd.s32 s19, s18  }
0x9c: {  	s6 =	simm.s32 $0x0;
	s20 =	sshll.u32 s4, $0x1;
	s4 =	sadd.s32 s21, s2  }
0x9d: {  	[timem:s6], [sflag:s22] =	dma.local [hbm:s4], s20  }
0x9e: {  	_ =	swait.ge [sflag:s22], s20  }
0x9f: {  	s3 =	ssub.s32 $0x0, s20;
	[sflag:s22] =	ssyncset.done $0x0  }
0xa0: {  	[sflag:s22] =	ssyncadd.s32 s3;
	_ =	sdelay $0x1  }
0xa1: {  	s23 =	simm.s32 $0x1B8B  }
0xa2: {  	_ =	swait.ge [sflag:s23], $0x1  }
0xa3: {  	[sflag:s23] =	ssyncset.done $0x0  }
0xa4: {  	s25 =	simm.s32 $0x1B8E;
	s24 =	sld [smem:$0x3FFE];
	[sflag:s23] =	ssyncadd.s32 $0xFFFFFFFF  }
0xa5: {  	s26 =	simm.s32 $execute0_lowered;
	[smem:$0x3FD2] =	sst s25  }
0xa6: {  	s4 =	sshll.u32 s26, $0x1;
	_ =	strace $0x8000004C;
	[dreg:$0x1] =	wrdreg $0xFFFFFFFF  }
0xa7: {  	s28 =	simm.s32 $_size_execute0_lowered;
	s2 =	sadd.s32 s2, s4;
	[dreg:$0x0] =	wrdreg $0x0  }
0xa8: {  	s4 =	sshll.u32 s28, $0x1;
	[dreg:$0x2] =	wrdreg s2  }
0xa9: {  	[dreg:$0x3] =	wrdreg s4  }
0xaa: {  	[dreg:$0x4] =	wrdreg $0xC0  }
0xab: {  	_ =	task [dreg:s6], $0x5FFFF  }
0xac: {  	[dreg:$0x1] =	wrdreg $0xFFFFFFFF  }
0xad: {  	[dreg:$0x0] =	wrdreg $0x60  }
0xae: {  	[dreg:$0x2] =	wrdreg s24  }
0xaf: {  	[dreg:$0x3] =	wrdreg $0x148800  }
0xb0: {  	[dreg:$0x4] =	wrdreg $0x9  }
0xb1: {  	_ =	task.clear_ibuf [dreg:s6], $0x5FFFF;
	_ =	strace $0x9000004C  }
0xb2: {  	s29 =	simm.s32 $0x9;
	_ =	strace $0x8000004E  }
0xb3: {  	_ =	swait.ge [sflag:s29], $0x1  }
0xb4: {  	[sflag:s29] =	ssyncadd.s32 $0xFFFFFFFF  }
0xb5: {  	_ =	strace $0x9000004E  }
0xb6: {  	_ =	sfence  }
0xb7: {  	s30 =	sld [smem:$0x0];
	_ =	sdelay $0x2  }
0xb8: {  	s31 =	sshll.u32 s1, $0xD;
	s1 =	sshrl.u32 s1, $0x2  }
0xb9: {  	s3 =	sand.u32 $0x4000, s31;
	s1 =	sadd.s32 s1, s30  }
0xba: {  	s0 =	sor.u32 s3, s0;
	s1 =	sshll.u32 s1, $0x11  }
0xbb: {  	s0 =	sor.u32 s1, s0  }
0xbc: {  	s0 =	sadd.s32 $0x8F2B, s0  }
0xbd: {  	[sflag:s0] =	ssyncadd.remote.s32 $0x1  }
0xbe: {  	_ =	sfence.sel $0xFFFF  }
0xbf: {  	[dreg:$0x0] =	wrdreg $0xFFFFFFFF;
	(pc) =	sbr.abs _section_cstart, $3  }
0xc0: {  	[dreg:$0x1] =	wrdreg $0xFFFFFFFF  }
0xc1: {  	_ =	task.clear_ibuf [dreg:s6], $0x2FFFF;
	_ =	strace $0x9FFFFFFF  }
0xc2: {  	(tm) =	ssettm $0x7FFFFFFF  }
0xc3: {  	_ =	shalt  }
tec
execute0_lowered:
.L_overlay_start_1:
0x0: {  	(tag) =	ssettag $0x1  }
0x1: {  	s0 =	rddreg [dreg:$0x0]  }
0x2: {  	s13 =	rddreg [dreg:$0x1];
	s17 =	simm.s32 $0x0;
	s1 =	srdreg.scid  }
0x3: {  	s11 =	stileid.u32;
	s30 =	simm.s32 $0x6000;
	s14 =	simm.s32 $0x8000  }
0x4: {  	s15 =	simm.s32 $0xE000;
	s16 =	simm.s32 $0x3;
	[smem:$0x7FF] =	sst s17  }
0x5: {  	s1 =	sand.u32 $0x1, s1;
	s2 =	smul.u32 $0x1880, s11;
	s4 =	sadd.s32 $0x66A00, s0  }
0x6: {  	s5 =	sadd.s32 $0x2800, s0;
	s6 =	sadd.s32 $0x34A00, s0;
	s10 =	smul.u32 $0xB000, s11  }
0x7: {  	s7 =	sadd.s32 $0x9EC00, s0;
	s8 =	sadd.s32 $0xD1200, s0;
	s11 =	smul.u32 $0xE000, s11  }
0x8: {  	s9 =	sadd.s32 $0xE9A00, s0;
	_ =	strace $0x8000004D;
	s3 =	smul.u32 $0x18800, s1  }
0x9: {  	s18 =	ssub.s32 $0x2, s1;
	p0 =	seq.s32 s1, $0x0;
	s1 =	sadd.s32 $0xE0000, s10  }
0xa: {  	s12 =	sshrl.u32 s18, $0x1;
	s3 =	sadd.s32 s2, s3;
	s1 =	smov.u32 @p0 s11  }
0xb: {  	s10 =	smov.u32 s13;
	s3 =	sshrl.u32 s3, $0x3;
	s19 =	sshrl.u32 s1, $0x3  }
0xc: {  	s11 =	simm.s32 $0x7;
	s0 =	sadd.s32 s3, s0;
	s20 =	sadd.s32 s4, s19  }
0xd: {  	s3 =	ssub.s32 s18, s12;
	s21 =	sadd.s32 s5, s19;
	[dreg:$0x5] =	wrdreg s20  }
0xe: {  	s12 =	simm.s32 $0x1C;
	s23 =	sadd.s32 s7, s19;
	[dreg:$0x6] =	wrdreg s21  }
0xf: {  	s18 =	sadd.s32 s2, s13;
	s2 =	sadd.s32 s6, s19;
	[dreg:$0x7] =	wrdreg s23  }
0x10: {  	s22 =	sor.u32 $0x80, s19;
	s13 =	simm.s32 $0x4000;
	[dreg:$0x8] =	wrdreg s2  }
0x11: {  	s19 =	simm.s32 $0x4;
	s24 =	sadd.s32 s4, s22;
	[dreg:$0x4] =	wrdreg s18  }
0x12: {  	s12 =	simm.s32 @!p0 $0x16;
	s25 =	sadd.s32 s5, s22;
	[dreg:$0x9] =	wrdreg s24  }
0x13: {  	s26 =	sadd.s32 s7, s22;
	s28 =	sadd.s32 s6, s22;
	[dreg:$0xa] =	wrdreg s25  }
0x14: {  	s21 =	sor.u32 $0x800, s1;
	s22 =	sor.u32 $0xC00, s1;
	[dreg:$0xb] =	wrdreg s26  }
0x15: {  	s0 =	sadd.s32 $0x98A00, s0;
	s31 =	smax.u32 s3, $0x1;
	[dreg:$0xc] =	wrdreg s28  }
0x16: {  	s1 =	simm.s32 $0xA000;
	s20 =	smov.u32 s12;
	[dreg:$0xe] =	wrdreg s0  }
0x17: {  	s29 =	sadd.s32 $0xFFFFFFFF, s12;
	[dreg:$0xf] =	wrdreg s31;
	s0 =	simm.s32 $0x400  }
0x18: {  	v0 =	vimm.f32 $0.0e+00;
	v1 =	vlaneseq.u32;
	s25 =	simm.s32 $0x2000;
	s12 =	simm.s32 $0x2;
	[dreg:$0xd] =	wrdreg s29  }
.LBB2_1:
0x19: {  	[dreg:$0x3] =	wrdreg s17;
	s2 =	simm.s32 $0x40;
	s3 =	simm.s32 $0x0  }
.LBB2_2:
0x1a: {  	p0 =	sne.s32 s2, $0x61C0;
	[tilespmem:s3+$0x13000] =	vst v0;
	s3 =	smov.u32 s2;
	s2 =	sadd.s32 $0x40, s2  }
.Ltmp0:
0x1b: {  	(pc) =	sbr.rel @p0 .LBB2_2-.Ltmp0, $2  }
0x1c: {  	_ =	sdelay $0x2  }
0x1d: {  	s3 =	sshra.s32 s3, $0x2  }
0x1e: {  	[tilespmem:s3+$0x13000] =	vst v0;
	s2 =	simm.s32 $0x13000  }
0x1f: {  	[spmem:s18] =	stream.linear.scatter [tilespmem:s2], [sflag:$0x7], $0x1880, $0x38;
	[tilespmem:$0x16100] =	vst v63  }
0x20: {  	_ =	swait.ge [sflag:s11], $0x1880  }
0x21: {  	[sflag:s11] =	ssyncset.done $0x0  }
0x22: {  	[sflag:s11] =	ssyncadd.s32 $0xFFFFE780  }
0x23: {  	[bflag:$0x0] =	sbarrier.arrive $0xFFFF  }
0x24: {  	s11 =	simm.s32 $0x0;
	s18 =	rddreg [dreg:$0x5]  }
0x25: {  	[tilespmem:s11], [sflag:$0x1] =	stream.linear.gather [hbm4b:s18+s11], $0x400, $0x38;
	[tilespmem:$0x16100] =	vst v63  }
0x26: {  	s24 =	simm.s32 $0x800;
	s23 =	rddreg [dreg:$0x6]  }
0x27: {  	[tilespmem:s24], [sflag:$0x1] =	stream.linear.gather [hbm4b:s23+s11], $0x400, $0x38;
	[tilespmem:$0x16100] =	vst v63  }
0x28: {  	s17 =	simm.s32 $0x1000;
	s26 =	rddreg [dreg:$0x7]  }
0x29: {  	[tilespmem:s17], [sflag:$0x1] =	stream.linear.gather [hbm4b:s26+s11], $0x400, $0x38;
	[tilespmem:$0x16100] =	vst v63  }
0x2a: {  	s29 =	simm.s32 $0x1800;
	s31 =	simm.s32 $0x1;
	s28 =	rddreg [dreg:$0x8]  }
0x2b: {  	[tilespmem:s29], [sflag:$0x1] =	stream.linear.gather [hbm4b:s28+s11], $0x400, $0x38;
	[tilespmem:$0x16100] =	vst v63  }
0x2c: {  	_ =	swait.ge [sflag:s31], $0x400  }
0x2d: {  	[sflag:s31] =	ssyncset.done $0x0  }
0x2e: {  	[sflag:s31] =	ssyncadd.s32 $0xFFFFFC00  }
0x2f: {  	_ =	swait.ge [sflag:s31], $0x400  }
0x30: {  	[sflag:s31] =	ssyncset.done $0x0  }
0x31: {  	[sflag:s31] =	ssyncadd.s32 $0xFFFFFC00  }
0x32: {  	_ =	swait.ge [sflag:s31], $0x400  }
0x33: {  	[sflag:s31] =	ssyncset.done $0x0  }
0x34: {  	[sflag:s31] =	ssyncadd.s32 $0xFFFFFC00  }
0x35: {  	_ =	swait.ge [sflag:s31], $0x400  }
0x36: {  	[sflag:s31] =	ssyncset.done $0x0  }
0x37: {  	[sflag:s31] =	ssyncadd.s32 $0xFFFFFC00  }
0x38: {  	[tilespmem:s25], [sflag:$0x3] =	stream.indirect.gather [hbm4b:s8+s0], $0x8, s11, s0, $0xb8;
	[tilespmem:$0x16100] =	vst v63  }
0x39: {  	_ = 	snop  }
0x3a: {  	[tilespmem:s30], [sflag:$0x3] =	stream.indirect.gather [hbm4b:s8+s0], $0x8, s24, s0, $0xb8;
	[tilespmem:$0x16100] =	vst v63  }
0x3b: {  	_ = 	snop  }
0x3c: {  	[tilespmem:s1], [sflag:$0x3] =	stream.indirect.gather [hbm4b:s9+s0], $0x10, s17, s0, $0xb8;
	[tilespmem:$0x16100] =	vst v63  }
0x3d: {  	s18 =	rddreg [dreg:$0x9]  }
0x3e: {  	[tilespmem:s0], [sflag:$0x2] =	stream.linear.gather [hbm4b:s18+s11], $0x400, $0x38;
	[tilespmem:$0x16100] =	vst v63  }
0x3f: {  	s23 =	rddreg [dreg:$0xa];
	s24 =	simm.s32 $0xC00  }
0x40: {  	[tilespmem:s24], [sflag:$0x2] =	stream.linear.gather [hbm4b:s23+s11], $0x400, $0x38;
	[tilespmem:$0x16100] =	vst v63  }
0x41: {  	s28 =	simm.s32 $0x1400;
	s26 =	rddreg [dreg:$0xb]  }
0x42: {  	[tilespmem:s28], [sflag:$0x2] =	stream.linear.gather [hbm4b:s26+s11], $0x400, $0x38;
	[tilespmem:$0x16100] =	vst v63  }
0x43: {  	s29 =	rddreg [dreg:$0xc];
	s31 =	simm.s32 $0x1C00;
	s26 =	simm.s32 $0x0  }
0x44: {  	[tilespmem:s31], [sflag:$0x2] =	stream.linear.gather [hbm4b:s29+s11], $0x400, $0x38;
	[tilespmem:$0x16100] =	vst v63  }
.LBB2_4:
0x45: {  	_ =	swait.ge [sflag:s12], $0x400  }
0x46: {  	[sflag:s12] =	ssyncset.done $0x0  }
0x47: {  	[sflag:s12] =	ssyncadd.s32 $0xFFFFFC00  }
0x48: {  	_ =	swait.ge [sflag:s12], $0x400  }
0x49: {  	[sflag:s12] =	ssyncset.done $0x0  }
0x4a: {  	[sflag:s12] =	ssyncadd.s32 $0xFFFFFC00  }
0x4b: {  	_ =	swait.ge [sflag:s12], $0x400  }
0x4c: {  	[sflag:s12] =	ssyncset.done $0x0  }
0x4d: {  	[sflag:s12] =	ssyncadd.s32 $0xFFFFFC00  }
0x4e: {  	_ =	swait.ge [sflag:s12], $0x400  }
0x4f: {  	[sflag:s12] =	ssyncset.done $0x0  }
0x50: {  	[sflag:s12] =	ssyncadd.s32 $0xFFFFFC00  }
0x51: {  	[tilespmem:s13], [sflag:$0x4] =	stream.indirect.gather [hbm4b:s8+s0], $0x8, s0, s0, $0xb8;
	[tilespmem:$0x16100] =	vst v63  }
0x52: {  	s2 =	simm.s32 $0xC00  }
0x53: {  	[tilespmem:s14], [sflag:$0x4] =	stream.indirect.gather [hbm4b:s8+s0], $0x8, s2, s0, $0xb8;
	[tilespmem:$0x16100] =	vst v63  }
0x54: {  	s29 =	simm.s32 $0x1400  }
0x55: {  	[tilespmem:s15], [sflag:$0x4] =	stream.indirect.gather [hbm4b:s9+s0], $0x10, s29, s0, $0xb8;
	[tilespmem:$0x16100] =	vst v63  }
0x56: {  	_ =	swait.ge [sflag:s16], $0x2000  }
0x57: {  	[sflag:s16] =	ssyncset.done $0x0  }
0x58: {  	[sflag:s16] =	ssyncadd.s32 $0xFFFFE000  }
0x59: {  	_ =	swait.ge [sflag:s16], $0x2000  }
0x5a: {  	[sflag:s16] =	ssyncset.done $0x0  }
0x5b: {  	[sflag:s16] =	ssyncadd.s32 $0xFFFFE000  }
0x5c: {  	v2 =	vor.u32 s11, v1;
	_ =	swait.ge [sflag:s16], $0x4000  }
0x5d: {  	p1 =	seq.s32 s26, $0x0;
	v5 =	vshll.u32 v2, $0x4;
	[sflag:s16] =	ssyncset.done $0x0  }
0x5e: {  	v4 =	vshll.u32 v2, $0x3;
	s2 =	simm.s32 @!p1 $0x5;
	[sflag:s16] =	ssyncadd.s32 $0xFFFFC000  }
0x5f: {  	v6 =	vor.u32 $0x1, v4;
	_ =	swait.ge @!p1 [sflag:s2], $0x400  }
0x60: {  	[sflag:s2] =	ssyncset.done @!p1 $0x0  }
0x61: {  	v7 =	vor.u32 $0x2, v4;
	[sflag:s2] =	ssyncadd.s32 @!p1 $0xFFFFFC00  }
0x62: {  	v8 =	vld.idx.msk [tilespmem:v5+s1+$0x0], $0xffff  }
0x63: {  	v2 =	vor.u32 $0x1, v5;
	v9 =	vld.idx.msk [tilespmem:v4+s25+$0x0], $0xffff  }
0x64: {  	v10 =	vor.u32 $0x3, v4;
	v11 =	vld.idx.msk [tilespmem:v6+s30+$0x0], $0xffff  }
0x65: {  	v12 =	vld.idx.msk [tilespmem:v4+s30+$0x0], $0xffff  }
0x66: {  	v13 =	vor.u32 $0x4, v4;
	v15 =	vld.idx.msk [tilespmem:v7+s30+$0x0], $0xffff  }
0x67: {  	v14 =	vor.u32 $0x2, v5  }
0x68: {  	v16 =	vld.idx.msk [tilespmem:v2+s1+$0x0], $0xffff  }
0x69: {  	v3 =	vld.idx.msk [tilespmem:v10+s30+$0x0], $0xffff  }
0x6a: {  	v20 =	vor.u32 $0x3, v5;
	v17 =	vmul.f32 v11, v9;
	v19 =	vmul.f32 v12, v9  }
0x6b: {  	v2 =	vld.idx.msk [tilespmem:v13+s30+$0x0], $0xffff;
	v18 =	vunpack.i.u.bf16.f32 v8;
	v8 =	vunpack.i.l.bf16.f32 v8;
	v31 =	vmul.f32 v15, v9  }
0x6c: {  	v14 =	vld.idx.msk [tilespmem:v14+s1+$0x0], $0xffff;
	v17 =	vmul.f32 v18, v17;
	v8 =	vmul.f32 v8, v19  }
0x6d: {  	v6 =	vld.idx.msk [tilespmem:v6+s25+$0x0], $0xffff;
	v32 =	vunpack.i.l.bf16.f32 v16  }
0x6e: {  	v33 =	vmul.f32 v3, v9;
	v18 =	vmul.f32 v32, v31;
	v8 =	vadd.f32 v8, v17  }
0x6f: {  	v34 =	vor.u32 $0x4, v5;
	v16 =	vunpack.i.u.bf16.f32 v16  }
0x70: {  	v20 =	vld.idx.msk [tilespmem:v20+s1+$0x0], $0xffff;
	v9 =	vmul.f32 v2, v9;
	v16 =	vmul.f32 v16, v33;
	v8 =	vadd.f32 v18, v8  }
0x71: {  	v35 =	vunpack.i.l.bf16.f32 v14  }
0x72: {  	v36 =	vmul.f32 v12, v6;
	v9 =	vmul.f32 v35, v9;
	v8 =	vadd.f32 v8, v16  }
0x73: {  	v37 =	vor.u32 $0x5, v5;
	v14 =	vunpack.i.u.bf16.f32 v14  }
0x74: {  	v38 =	vmul.f32 v11, v6;
	v14 =	vmul.f32 v14, v36;
	v17 =	vld.idx.msk [tilespmem:v34+s1+$0x0], $0xffff;
	v8 =	vadd.f32 v9, v8  }
0x75: {  	v9 =	vunpack.i.l.bf16.f32 v20  }
0x76: {  	v39 =	vmul.f32 v15, v6;
	v9 =	vmul.f32 v9, v38;
	v8 =	vadd.f32 v8, v14  }
0x77: {  	v40 =	vor.u32 $0x6, v5;
	v7 =	vld.idx.msk [tilespmem:v7+s25+$0x0], $0xffff;
	v41 =	vunpack.i.u.bf16.f32 v20  }
0x78: {  	v42 =	vmul.f32 v3, v6;
	v18 =	vmul.f32 v41, v39;
	v16 =	vld.idx.msk [tilespmem:v37+s1+$0x0], $0xffff;
	v8 =	vadd.f32 v9, v8  }
0x79: {  	v43 =	vor.u32 $0x7, v5;
	v9 =	vunpack.i.l.bf16.f32 v17  }
0x7a: {  	v6 =	vmul.f32 v2, v6;
	v9 =	vmul.f32 v9, v42;
	v8 =	vadd.f32 v8, v18  }
0x7b: {  	v17 =	vunpack.i.u.bf16.f32 v17  }
0x7c: {  	v44 =	vmul.f32 v12, v7;
	v14 =	vld.idx.msk [tilespmem:v40+s1+$0x0], $0xffff;
	v6 =	vmul.f32 v17, v6;
	v8 =	vadd.f32 v9, v8  }
0x7d: {  	v45 =	vor.u32 $0x8, v5;
	v46 =	vunpack.i.l.bf16.f32 v16;
	v9 =	vor.u32 $0x6, v4  }
0x7e: {  	v21 =	vmul.f32 v11, v7;
	v19 =	vmul.f32 v46, v44;
	v18 =	vld.idx.msk [tilespmem:v43+s1+$0x0], $0xffff;
	v6 =	vadd.f32 v8, v6  }
0x7f: {  	s17 =	simm.s32 $0x1800;
	v8 =	vld.idx.msk [tilespmem:v10+s25+$0x0], $0xffff;
	v10 =	vunpack.i.u.bf16.f32 v16  }
0x80: {  	v56 =	vld [tilespmem:s17+$0x0];
	v47 =	vmul.f32 v15, v7;
	v10 =	vmul.f32 v10, v21;
	v6 =	vadd.f32 v19, v6  }
0x81: {  	v49 =	vunpack.i.l.bf16.f32 v14  }
0x82: {  	v50 =	vmul.f32 v3, v7;
	v16 =	vmul.f32 v49, v47;
	v51 =	vld.idx.msk [tilespmem:v9+s25+$0x0], $0xffff;
	v6 =	vadd.f32 v6, v10  }
0x83: {  	v48 =	vor.u32 $0x9, v5;
	v7 =	vmul.f32 v2, v7;
	v17 =	vld.idx.msk [tilespmem:v45+s1+$0x0], $0xffff;
	v14 =	vunpack.i.u.bf16.f32 v14  }
0x84: {  	v14 =	vmul.f32 v14, v50;
	v22 =	vunpack.i.l.bf16.f32 v18;
	v9 =	vld.idx.msk [tilespmem:v9+s30+$0x0], $0xffff;
	v6 =	vadd.f32 v16, v6  }
0x85: {  	v58 =	vmul.f32 v56, v56;
	v7 =	vmul.f32 v22, v7;
	v10 =	vor.u32 $0xA, v5  }
0x86: {  	v53 =	vmul.f32 v12, v8;
	v23 =	vmul.f32 v11, v8;
	v6 =	vadd.f32 v6, v14  }
0x87: {  	v18 =	vunpack.i.u.bf16.f32 v18;
	v54 =	vmul.f32 v15, v8;
	v20 =	vmul.f32 $5.862991810e-01, v51  }
0x88: {  	v19 =	vld.idx.msk [tilespmem:v48+s1+$0x0], $0xffff;
	v55 =	vmul.f32 v3, v8;
	v18 =	vmul.f32 v18, v53;
	v6 =	vadd.f32 v7, v6  }
0x89: {  	v13 =	vld.idx.msk [tilespmem:v13+s25+$0x0], $0xffff;
	v7 =	vmul.f32 v2, v8;
	v8 =	vunpack.i.l.bf16.f32 v17;
	v9 =	vmul.f32 v9, v20  }
0x8a: {  	v52 =	vor.u32 $0xB, v5;
	v8 =	vmul.f32 v8, v23;
	v6 =	vadd.f32 v6, v18  }
0x8b: {  	v60 =	vmul.f32 v58, v58;
	v10 =	vld.idx.msk [tilespmem:v10+s1+$0x0], $0xffff;
	v17 =	vunpack.i.u.bf16.f32 v17;
	v9 =	vadd.f32 $2.882999900e+00, v9  }
0x8c: {  	v4 =	vor.u32 $0x5, v4;
	v14 =	vmul.f32 v17, v54;
	v6 =	vadd.f32 v8, v6  }
0x8d: {  	v5 =	vor.u32 $0xC, v5;
	v8 =	vunpack.i.l.bf16.f32 v19;
	v9 =	vmul.f32 v9, v9  }
0x8e: {  	v12 =	vmul.f32 v12, v13;
	v8 =	vmul.f32 v8, v55;
	v6 =	vadd.f32 v6, v14  }
0x8f: {  	v11 =	vmul.f32 v11, v13;
	v57 =	vunpack.i.u.bf16.f32 v19;
	v59 =	vmul.f32 v9, v9  }
0x90: {  	v16 =	vld.idx.msk [tilespmem:v52+s1+$0x0], $0xffff;
	v7 =	vmul.f32 v57, v7;
	v6 =	vadd.f32 v8, v6;
	v8 =	vunpack.i.l.bf16.f32 v10  }
0x91: {  	v61 =	vmul.f32 v59, v9;
	v8 =	vmul.f32 v8, v12  }
0x92: {  	v6 =	vadd.f32 v6, v7;
	v7 =	vunpack.i.u.bf16.f32 v10;
	v10 =	vmul.f32 v60, v58  }
0x93: {  	v62 =	vmul.f32 v15, v13;
	v9 =	vmul.f32 v61, v9  }
0x94: {  	v5 =	vld.idx.msk [tilespmem:v5+s1+$0x0], $0xffff;
	v7 =	vmul.f32 v7, v11;
	v6 =	vadd.f32 v8, v6;
	v8 =	vmul.f32 v10, v58  }
0x95: {  	v3 =	vmul.f32 v3, v13;
	v63 =	vunpack.i.l.bf16.f32 v16;
	v11 =	vld.idx.msk [tilespmem:v4+s25+$0x0], $0xffff;
	v10 =	vadd.f32 v61, v10  }
0x96: {  	v6 =	vadd.f32 v6, v7;
	v7 =	vmul.f32 v63, v62;
	v8 =	vadd.f32 v9, v8  }
0x97: {  	v2 =	vmul.f32 v2, v13;
	v4 =	vld.idx.msk [tilespmem:v4+s30+$0x0], $0xffff;
	v9 =	vunpack.i.u.bf16.f32 v16;
	(erf) = vrcp.f32 v10  }
0x98: {  	v3 =	vmul.f32 v9, v3;
	v6 =	vadd.f32 v7, v6;
	(erf) = vrcp.f32 v8  }
0x99: {  	v5 =	vunpack.i.l.bf16.f32 v5  }
0x9a: {  	v2 =	vmul.f32 v5, v2;
	v5 =	vmul.f32 $3.000000000e+00, v11;
	v3 =	vadd.f32 v6, v3;
	_ =	sdelay $0x1  }
0x9b: {  	v2 =	vadd.f32 v2, v3;
	v3 =	vmul.f32 v4, v5;
	_ =	sdelay $0x1  }
0x9c: {  	v3 =	vmul.f32 v3, v2;
	_ =	sdelay $0x1  }
0x9d: {  	v4 =	vpop (erf);
	v3 =	vmul.f32 $9.171000120e-01, v3  }
0x9e: {  	v5 =	vpop (erf)  }
0x9f: {  	v2 =	vmul.f32 v4, v2;
	v3 =	vmul.f32 v5, v3;
	_ =	sdelay $0x1  }
0xa0: {  	v2 =	vadd.f32 v3, v2;
	_ =	sdelay $0x1  }
0xa1: {  	v2 =	vmul.f32 $-5.000000000e-01, v2  }
0xa2: {  	s3 =	simm.s32 $0x10;
	s18 =	simm.s32 $0x12000  }
0xa3: {  	v4 =	vor.u32 s3, v1;
	[tilespmem:s18+$0x0] =	vst v2  }
0xa4: {  	s31 =	sshll.u32 s26, $0xB;
	v3 =	vshll.u32 v4, $0x3;
	v2 =	vshll.u32 v4, $0x4;
	v4 =	vld [tilespmem:s11+$0x0]  }
0xa5: {  	s24 =	simm.s32 $0x12800;
	s23 =	simm.s32 $0x12810;
	s2 =	simm.s32 $0x20;
	v9 =	vor.u32 $0x1, v3;
	v8 =	vor.u32 $0x2, v3;
	v10 =	vor.u32 $0x1, v2  }
.LBB2_5:
0xa6: {  	s17 =	sadd.s32 $0x10, s17  }
0xa7: {  	v11 =	vor.u32 $0x3, v3;
	v12 =	vor.u32 $0x4, v3;
	v13 =	vor.u32 $0x2, v2;
	s18 =	sadd.s32 $0x10, s18;
	s29 =	smov.u32 s2;
	s28 =	sadd.s32 $0x10, s2  }
0xa8: {  	p0 =	sne.s32 s2, $0x3F0;
	v14 =	vor.u32 $0x3, v2;
	v15 =	vor.u32 $0x4, v2;
	v16 =	vor.u32 $0x5, v2  }
0xa9: {  	v17 =	vor.u32 $0x6, v2;
	v18 =	vor.u32 $0x7, v2;
	v19 =	vor.u32 $0x6, v3;
	[tilespmem:s24+$0x0] =	vst v4;
	s24 =	smov.u32 s23  }
0xaa: {  	v21 =	vor.u32 $0x8, v2;
	v7 =	vor.u32 $0x9, v2;
	v6 =	vor.u32 $0xA, v2;
	v20 =	vld.idx.msk [tilespmem:v2+s1+$0x0], $0xffff  }
0xab: {  	v5 =	vor.u32 $0xB, v2;
	v4 =	vor.u32 $0xC, v2;
	v2 =	vor.u32 $0x5, v3;
	v22 =	vld.idx.msk [tilespmem:v3+s25+$0x0], $0xffff  }
0xac: {  	v23 =	vld.idx.msk [tilespmem:v9+s30+$0x0], $0xffff  }
0xad: {  	v3 =	vld.idx.msk [tilespmem:v3+s30+$0x0], $0xffff  }
0xae: {  	v24 =	vld.idx.msk [tilespmem:v8+s30+$0x0], $0xffff  }
0xaf: {  	v10 =	vld.idx.msk [tilespmem:v10+s1+$0x0], $0xffff  }
0xb0: {  	v25 =	vld.idx.msk [tilespmem:v11+s30+$0x0], $0xffff  }
0xb1: {  	v9 =	vld.idx.msk [tilespmem:v9+s25+$0x0], $0xffff  }
0xb2: {  	v27 =	vmul.f32 v23, v22;
	v26 =	vld.idx.msk [tilespmem:v12+s30+$0x0], $0xffff  }
0xb3: {  	v28 =	vunpack.i.u.bf16.f32 v20;
	v20 =	vunpack.i.l.bf16.f32 v20;
	v29 =	vmul.f32 v3, v22;
	v13 =	vld.idx.msk [tilespmem:v13+s1+$0x0], $0xffff  }
0xb4: {  	v27 =	vmul.f32 v28, v27;
	v28 =	vmul.f32 v24, v22  }
0xb5: {  	v20 =	vmul.f32 v20, v29;
	v29 =	vunpack.i.u.bf16.f32 v10;
	v10 =	vunpack.i.l.bf16.f32 v10  }
0xb6: {  	v10 =	vmul.f32 v10, v28;
	v28 =	vmul.f32 v25, v22;
	v8 =	vld.idx.msk [tilespmem:v8+s25+$0x0], $0xffff  }
0xb7: {  	v20 =	vadd.f32 v20, v27;
	v27 =	vmul.f32 v3, v9;
	v30 =	vmul.f32 v23, v9;
	v14 =	vld.idx.msk [tilespmem:v14+s1+$0x0], $0xffff  }
0xb8: {  	v28 =	vmul.f32 v29, v28;
	v22 =	vmul.f32 v26, v22  }
0xb9: {  	v29 =	vmul.f32 v24, v9;
	v10 =	vadd.f32 v10, v20;
	v20 =	vunpack.i.l.bf16.f32 v13  }
0xba: {  	v20 =	vmul.f32 v20, v22;
	v22 =	vmul.f32 v25, v9;
	v11 =	vld.idx.msk [tilespmem:v11+s25+$0x0], $0xffff  }
0xbb: {  	v13 =	vunpack.i.u.bf16.f32 v13;
	v9 =	vmul.f32 v26, v9;
	v10 =	vadd.f32 v10, v28;
	v15 =	vld.idx.msk [tilespmem:v15+s1+$0x0], $0xffff  }
0xbc: {  	v13 =	vmul.f32 v13, v27;
	v27 =	vmul.f32 v3, v8  }
0xbd: {  	v28 =	vmul.f32 v23, v8;
	v10 =	vadd.f32 v20, v10;
	v20 =	vunpack.i.l.bf16.f32 v14  }
0xbe: {  	v20 =	vmul.f32 v20, v30;
	v30 =	vmul.f32 v24, v8  }
0xbf: {  	v10 =	vadd.f32 v10, v13;
	v13 =	vunpack.i.u.bf16.f32 v14;
	v14 =	vld.idx.msk [tilespmem:v16+s1+$0x0], $0xffff;
	v16 =	vmul.f32 v25, v8  }
0xc0: {  	v13 =	vmul.f32 v13, v29;
	v8 =	vmul.f32 v26, v8;
	v12 =	vld.idx.msk [tilespmem:v12+s25+$0x0], $0xffff  }
0xc1: {  	v29 =	vmul.f32 v3, v11;
	v10 =	vadd.f32 v20, v10;
	v20 =	vunpack.i.l.bf16.f32 v15  }
0xc2: {  	v20 =	vmul.f32 v20, v22;
	v22 =	vmul.f32 v23, v11  }
0xc3: {  	v10 =	vadd.f32 v10, v13;
	v13 =	vunpack.i.u.bf16.f32 v15;
	v15 =	vld.idx.msk [tilespmem:v17+s1+$0x0], $0xffff;
	v17 =	vmul.f32 v24, v11  }
0xc4: {  	v9 =	vmul.f32 v13, v9;
	v13 =	vmul.f32 v25, v11  }
0xc5: {  	v11 =	vmul.f32 v26, v11;
	v10 =	vadd.f32 v20, v10;
	v20 =	vunpack.i.l.bf16.f32 v14  }
0xc6: {  	v20 =	vmul.f32 v20, v27;
	v3 =	vmul.f32 v3, v12  }
0xc7: {  	v9 =	vadd.f32 v10, v9;
	v10 =	vunpack.i.u.bf16.f32 v14;
	v14 =	vld.idx.msk [tilespmem:v18+s1+$0x0], $0xffff;
	v18 =	vmul.f32 v23, v12  }
0xc8: {  	v10 =	vmul.f32 v10, v28;
	v23 =	vmul.f32 v24, v12  }
0xc9: {  	v24 =	vmul.f32 v25, v12;
	v9 =	vadd.f32 v20, v9;
	v20 =	vunpack.i.l.bf16.f32 v15  }
0xca: {  	v12 =	vmul.f32 v26, v12;
	v20 =	vmul.f32 v20, v30;
	v25 =	vld.idx.msk [tilespmem:v19+s25+$0x0], $0xffff  }
0xcb: {  	v9 =	vadd.f32 v9, v10;
	v10 =	vunpack.i.u.bf16.f32 v15;
	v15 =	vld.idx.msk [tilespmem:v21+s1+$0x0], $0xffff  }
0xcc: {  	v10 =	vmul.f32 v10, v16;
	v16 =	vld.idx.msk [tilespmem:v19+s30+$0x0], $0xffff  }
0xcd: {  	v9 =	vadd.f32 v20, v9;
	v19 =	vunpack.i.l.bf16.f32 v14  }
0xce: {  	v8 =	vmul.f32 v19, v8  }
0xcf: {  	v9 =	vadd.f32 v9, v10;
	v10 =	vunpack.i.u.bf16.f32 v14;
	v7 =	vld.idx.msk [tilespmem:v7+s1+$0x0], $0xffff  }
0xd0: {  	v10 =	vmul.f32 v10, v29;
	v14 =	vmul.f32 $5.862991810e-01, v25  }
0xd1: {  	v8 =	vadd.f32 v8, v9;
	v9 =	vunpack.i.l.bf16.f32 v15;
	v19 =	vld [tilespmem:s17+$0x0]  }
0xd2: {  	v9 =	vmul.f32 v9, v22;
	v14 =	vmul.f32 v16, v14  }
0xd3: {  	v8 =	vadd.f32 v8, v10;
	v10 =	vunpack.i.u.bf16.f32 v15;
	v6 =	vld.idx.msk [tilespmem:v6+s1+$0x0], $0xffff  }
0xd4: {  	v10 =	vmul.f32 v10, v17;
	v14 =	vadd.f32 $2.882999900e+00, v14  }
0xd5: {  	v8 =	vadd.f32 v9, v8;
	v9 =	vunpack.i.l.bf16.f32 v7  }
0xd6: {  	v9 =	vmul.f32 v9, v13;
	v13 =	vmul.f32 v14, v14  }
0xd7: {  	v7 =	vunpack.i.u.bf16.f32 v7;
	v8 =	vadd.f32 v8, v10;
	v10 =	vmul.f32 v19, v19;
	v5 =	vld.idx.msk [tilespmem:v5+s1+$0x0], $0xffff  }
0xd8: {  	v7 =	vmul.f32 v7, v11;
	v11 =	vmul.f32 v13, v13  }
0xd9: {  	v8 =	vadd.f32 v9, v8;
	v9 =	vunpack.i.l.bf16.f32 v6;
	v14 =	vmul.f32 v10, v10  }
0xda: {  	v3 =	vmul.f32 v9, v3;
	v9 =	vmul.f32 v11, v13  }
0xdb: {  	v6 =	vunpack.i.u.bf16.f32 v6;
	v7 =	vadd.f32 v8, v7;
	v8 =	vmul.f32 v14, v10  }
0xdc: {  	v6 =	vmul.f32 v6, v18;
	v11 =	vmul.f32 v9, v13;
	v4 =	vld.idx.msk [tilespmem:v4+s1+$0x0], $0xffff  }
0xdd: {  	v3 =	vadd.f32 v3, v7;
	v10 =	vmul.f32 v8, v10;
	v8 =	vadd.f32 v9, v8;
	v7 =	vld.idx.msk [tilespmem:v2+s25+$0x0], $0xffff  }
0xde: {  	v9 =	vunpack.i.l.bf16.f32 v5  }
0xdf: {  	v3 =	vadd.f32 v3, v6;
	v6 =	vmul.f32 v9, v23;
	v9 =	vadd.f32 v11, v10;
	v2 =	vld.idx.msk [tilespmem:v2+s30+$0x0], $0xffff  }
0xe0: {  	v5 =	vunpack.i.u.bf16.f32 v5;
	(erf) = vrcp.f32 v8  }
0xe1: {  	v5 =	vmul.f32 v5, v24;
	v3 =	vadd.f32 v6, v3;
	(erf) = vrcp.f32 v9  }
0xe2: {  	v4 =	vunpack.i.l.bf16.f32 v4  }
0xe3: {  	v3 =	vadd.f32 v3, v5;
	v4 =	vmul.f32 v4, v12;
	v5 =	vmul.f32 $3.000000000e+00, v7;
	_ =	sdelay $0x1  }
0xe4: {  	v3 =	vadd.f32 v4, v3;
	v2 =	vmul.f32 v2, v5;
	_ =	sdelay $0x1  }
0xe5: {  	v2 =	vmul.f32 v2, v3;
	_ =	sdelay $0x1  }
0xe6: {  	v2 =	vmul.f32 $9.171000120e-01, v2;
	v4 =	vpop (erf)  }
0xe7: {  	v3 =	vmul.f32 v4, v3;
	v4 =	vpop (erf)  }
0xe8: {  	v2 =	vmul.f32 v4, v2;
	_ =	sdelay $0x1  }
0xe9: {  	v2 =	vadd.f32 v2, v3;
	_ =	sdelay $0x1  }
0xea: {  	v2 =	vmul.f32 $-5.000000000e-01, v2  }
.Ltmp1:
0xeb: {  	(pc) =	sbr.rel @p0 .LBB2_5-.Ltmp1, $4  }
0xec: {  	[tilespmem:s18+$0x0] =	vst v2  }
0xed: {  	v2 =	vor.u32 s29, v1;
	v4 =	vld [tilespmem:s3+$0x0]  }
0xee: {  	v3 =	vshll.u32 v2, $0x3;
	v2 =	vshll.u32 v2, $0x4  }
0xef: {  	s2 =	smov.u32 s28;
	s23 =	sadd.s32 $0x10, s23;
	s3 =	sadd.s32 $0x10, s3;
	v9 =	vor.u32 $0x1, v3;
	v8 =	vor.u32 $0x2, v3;
	v10 =	vor.u32 $0x1, v2  }
0xf0: {  	_ =	sdelay $0x2  }
0xf1: {  	[tilespmem:s24+$0x0] =	vst v4  }
0xf2: {  	v6 =	vld.idx.msk [tilespmem:v2+s1+$0x0], $0xffff  }
0xf3: {  	v7 =	vld.idx.msk [tilespmem:v3+s25+$0x0], $0xffff  }
0xf4: {  	v11 =	vor.u32 $0x3, v3;
	v12 =	vld.idx.msk [tilespmem:v9+s30+$0x0], $0xffff  }
0xf5: {  	v13 =	vld.idx.msk [tilespmem:v3+s30+$0x0], $0xffff  }
0xf6: {  	v14 =	vor.u32 $0x4, v3;
	v16 =	vld.idx.msk [tilespmem:v8+s30+$0x0], $0xffff  }
0xf7: {  	v15 =	vor.u32 $0x2, v2  }
0xf8: {  	v10 =	vld.idx.msk [tilespmem:v10+s1+$0x0], $0xffff  }
0xf9: {  	v5 =	vld.idx.msk [tilespmem:v11+s30+$0x0], $0xffff  }
0xfa: {  	v20 =	vor.u32 $0x3, v2;
	v17 =	vmul.f32 v12, v7;
	v19 =	vmul.f32 v13, v7  }
0xfb: {  	v4 =	vld.idx.msk [tilespmem:v14+s30+$0x0], $0xffff;
	v18 =	vunpack.i.u.bf16.f32 v6;
	v6 =	vunpack.i.l.bf16.f32 v6;
	v28 =	vmul.f32 v16, v7  }
0xfc: {  	v15 =	vld.idx.msk [tilespmem:v15+s1+$0x0], $0xffff;
	v17 =	vmul.f32 v18, v17;
	v6 =	vmul.f32 v6, v19  }
0xfd: {  	v9 =	vld.idx.msk [tilespmem:v9+s25+$0x0], $0xffff;
	v29 =	vunpack.i.l.bf16.f32 v10  }
0xfe: {  	v18 =	vmul.f32 v29, v28;
	v30 =	vmul.f32 v5, v7;
	v6 =	vadd.f32 v6, v17  }
0xff: {  	v31 =	vor.u32 $0x4, v2;
	v10 =	vunpack.i.u.bf16.f32 v10  }
0x100: {  	v20 =	vld.idx.msk [tilespmem:v20+s1+$0x0], $0xffff;
	v7 =	vmul.f32 v4, v7;
	v10 =	vmul.f32 v10, v30;
	v6 =	vadd.f32 v18, v6  }
0x101: {  	v32 =	vunpack.i.l.bf16.f32 v15  }
0x102: {  	v33 =	vmul.f32 v13, v9;
	v7 =	vmul.f32 v32, v7;
	v6 =	vadd.f32 v6, v10  }
0x103: {  	v15 =	vunpack.i.u.bf16.f32 v15;
	v10 =	vor.u32 $0x5, v2  }
0x104: {  	v34 =	vmul.f32 v12, v9;
	v15 =	vmul.f32 v15, v33;
	v17 =	vld.idx.msk [tilespmem:v31+s1+$0x0], $0xffff;
	v6 =	vadd.f32 v7, v6  }
0x105: {  	v7 =	vunpack.i.l.bf16.f32 v20  }
0x106: {  	v35 =	vmul.f32 v16, v9;
	v7 =	vmul.f32 v7, v34;
	v6 =	vadd.f32 v6, v15  }
0x107: {  	v36 =	vor.u32 $0x6, v2;
	v8 =	vld.idx.msk [tilespmem:v8+s25+$0x0], $0xffff;
	v37 =	vunpack.i.u.bf16.f32 v20  }
0x108: {  	v38 =	vmul.f32 v5, v9;
	v18 =	vmul.f32 v37, v35;
	v10 =	vld.idx.msk [tilespmem:v10+s1+$0x0], $0xffff;
	v6 =	vadd.f32 v7, v6  }
0x109: {  	v39 =	vor.u32 $0x7, v2;
	v7 =	vunpack.i.l.bf16.f32 v17  }
0x10a: {  	v9 =	vmul.f32 v4, v9;
	v7 =	vmul.f32 v7, v38;
	v6 =	vadd.f32 v6, v18  }
0x10b: {  	v17 =	vunpack.i.u.bf16.f32 v17  }
0x10c: {  	v40 =	vmul.f32 v13, v8;
	v15 =	vld.idx.msk [tilespmem:v36+s1+$0x0], $0xffff;
	v9 =	vmul.f32 v17, v9;
	v6 =	vadd.f32 v7, v6  }
0x10d: {  	v41 =	vor.u32 $0x8, v2;
	s2 =	sadd.s32 $0x10, s17;
	v7 =	vor.u32 $0x6, v3;
	v42 =	vunpack.i.l.bf16.f32 v10  }
0x10e: {  	v50 =	vld [tilespmem:s2+$0x0];
	v21 =	vmul.f32 v12, v8;
	v19 =	vmul.f32 v42, v40;
	v6 =	vadd.f32 v6, v9  }
0x10f: {  	v18 =	vld.idx.msk [tilespmem:v39+s1+$0x0], $0xffff;
	v10 =	vunpack.i.u.bf16.f32 v10  }
0x110: {  	v10 =	vmul.f32 v10, v21;
	v9 =	vld.idx.msk [tilespmem:v11+s25+$0x0], $0xffff;
	v11 =	vmul.f32 v16, v8;
	v6 =	vadd.f32 v19, v6  }
0x111: {  	v44 =	vunpack.i.l.bf16.f32 v15  }
0x112: {  	v45 =	vmul.f32 v5, v8;
	v11 =	vmul.f32 v44, v11;
	v46 =	vld.idx.msk [tilespmem:v7+s25+$0x0], $0xffff;
	v6 =	vadd.f32 v6, v10  }
0x113: {  	v43 =	vor.u32 $0x9, v2;
	v17 =	vld.idx.msk [tilespmem:v41+s1+$0x0], $0xffff;
	v15 =	vunpack.i.u.bf16.f32 v15;
	v8 =	vmul.f32 v4, v8  }
0x114: {  	v15 =	vmul.f32 v15, v45;
	v22 =	vunpack.i.l.bf16.f32 v18;
	v7 =	vld.idx.msk [tilespmem:v7+s30+$0x0], $0xffff;
	v6 =	vadd.f32 v11, v6  }
0x115: {  	v52 =	vmul.f32 v50, v50;
	v8 =	vmul.f32 v22, v8;
	v10 =	vor.u32 $0xA, v2  }
0x116: {  	v47 =	vmul.f32 v13, v9;
	v23 =	vmul.f32 v12, v9;
	v6 =	vadd.f32 v6, v15  }
0x117: {  	v14 =	vld.idx.msk [tilespmem:v14+s25+$0x0], $0xffff;
	v18 =	vunpack.i.u.bf16.f32 v18;
	v48 =	vmul.f32 v16, v9;
	v20 =	vmul.f32 $5.862991810e-01, v46  }
0x118: {  	v19 =	vld.idx.msk [tilespmem:v43+s1+$0x0], $0xffff;
	v49 =	vmul.f32 v5, v9;
	v18 =	vmul.f32 v18, v47;
	v6 =	vadd.f32 v8, v6  }
0x119: {  	v8 =	vmul.f32 v4, v9;
	v9 =	vunpack.i.l.bf16.f32 v17;
	v7 =	vmul.f32 v7, v20  }
0x11a: {  	v54 =	vmul.f32 v52, v52;
	v9 =	vmul.f32 v9, v23;
	v6 =	vadd.f32 v6, v18  }
0x11b: {  	v11 =	vor.u32 $0xB, v2;
	v10 =	vld.idx.msk [tilespmem:v10+s1+$0x0], $0xffff;
	v17 =	vunpack.i.u.bf16.f32 v17;
	v7 =	vadd.f32 $2.882999900e+00, v7  }
0x11c: {  	v3 =	vor.u32 $0x5, v3;
	v15 =	vmul.f32 v17, v48;
	v6 =	vadd.f32 v9, v6  }
0x11d: {  	v13 =	vmul.f32 v13, v14;
	v9 =	vunpack.i.l.bf16.f32 v19;
	v7 =	vmul.f32 v7, v7  }
0x11e: {  	v12 =	vmul.f32 v12, v14;
	v9 =	vmul.f32 v9, v49;
	v6 =	vadd.f32 v6, v15  }
0x11f: {  	v2 =	vor.u32 $0xC, v2;
	v51 =	vunpack.i.u.bf16.f32 v19;
	v53 =	vmul.f32 v7, v7  }
0x120: {  	v11 =	vld.idx.msk [tilespmem:v11+s1+$0x0], $0xffff;
	v8 =	vmul.f32 v51, v8;
	v6 =	vadd.f32 v9, v6;
	v9 =	vunpack.i.l.bf16.f32 v10  }
0x121: {  	v55 =	vmul.f32 v53, v7;
	v9 =	vmul.f32 v9, v13  }
0x122: {  	v6 =	vadd.f32 v6, v8;
	v8 =	vunpack.i.u.bf16.f32 v10;
	v10 =	vmul.f32 v54, v52  }
0x123: {  	v56 =	vmul.f32 v16, v14;
	v7 =	vmul.f32 v55, v7  }
0x124: {  	v2 =	vld.idx.msk [tilespmem:v2+s1+$0x0], $0xffff;
	v8 =	vmul.f32 v8, v12;
	v6 =	vadd.f32 v9, v6;
	v9 =	vmul.f32 v10, v52  }
0x125: {  	v57 =	vld.idx.msk [tilespmem:v3+s25+$0x0], $0xffff;
	v5 =	vmul.f32 v5, v14;
	v58 =	vunpack.i.l.bf16.f32 v11;
	v10 =	vadd.f32 v55, v10  }
0x126: {  	v6 =	vadd.f32 v6, v8;
	v8 =	vmul.f32 v58, v56;
	v7 =	vadd.f32 v7, v9  }
0x127: {  	v3 =	vld.idx.msk [tilespmem:v3+s30+$0x0], $0xffff;
	v4 =	vmul.f32 v4, v14;
	v9 =	vunpack.i.u.bf16.f32 v11;
	(erf) = vrcp.f32 v10  }
0x128: {  	v5 =	vmul.f32 v9, v5;
	v6 =	vadd.f32 v8, v6;
	(erf) = vrcp.f32 v7  }
0x129: {  	v2 =	vunpack.i.l.bf16.f32 v2  }
0x12a: {  	v2 =	vmul.f32 v2, v4;
	v4 =	vmul.f32 $3.000000000e+00, v57;
	v5 =	vadd.f32 v6, v5;
	_ =	sdelay $0x1  }
0x12b: {  	v3 =	vmul.f32 v3, v4;
	v2 =	vadd.f32 v2, v5;
	_ =	sdelay $0x1  }
0x12c: {  	v3 =	vmul.f32 v3, v2;
	_ =	sdelay $0x1  }
0x12d: {  	v4 =	vpop (erf);
	v3 =	vmul.f32 $9.171000120e-01, v3  }
0x12e: {  	v5 =	vpop (erf)  }
0x12f: {  	v2 =	vmul.f32 v4, v2;
	v3 =	vmul.f32 v5, v3;
	_ =	sdelay $0x1  }
0x130: {  	v2 =	vadd.f32 v3, v2;
	_ =	sdelay $0x1  }
0x131: {  	v2 =	vmul.f32 $-5.000000000e-01, v2  }
0x132: {  	s29 =	sadd.s32 $0x10, s18  }
0x133: {  	[tilespmem:s29+$0x0] =	vst v2  }
0x134: {  	v2 =	vld [tilespmem:s3+$0x0];
	_ =	sdelay $0x1  }
0x135: {  	s18 =	rddreg [dreg:$0xd]  }
0x136: {  	p0 =	sge.u32 s26, s18  }
0x137: {  	s2 =	sadd.s32 @!p0 s31, s21  }
0x138: {  	s17 =	simm.s32 $0x12000;
	s2 =	sshrl.u32 @!p0 s2, $0x3;
	s3 =	simm.s32 $0x12800;
	[tilespmem:s23+$0x0] =	vst v2  }
0x139: {  	[spmem:s10] =	stream.indirect.scatter.add.f32 [tilespmem:s17], [sflag:$0x5], $0x1, s3, s0, $0xb8;
	[tilespmem:$0x16100] =	vst v63  }
0x13a: {  	s3 =	sadd.s32 @!p0 s4, s2;
	s17 =	simm.s32 @!p0 $0x0  }
0x13b: {  	[tilespmem:s17], [sflag:$0x1] =	stream.linear.gather @!p0 [hbm4b:s3+s17], $0x400, $0x38;
	[tilespmem:$0x16100] =	vst v63  }
0x13c: {  	s18 =	simm.s32 @!p0 $0x800;
	s3 =	sadd.s32 @!p0 s5, s2  }
0x13d: {  	[tilespmem:s18], [sflag:$0x1] =	stream.linear.gather @!p0 [hbm4b:s3+s17], $0x400, $0x38;
	[tilespmem:$0x16100] =	vst v63  }
0x13e: {  	s23 =	simm.s32 @!p0 $0x1000;
	s3 =	sadd.s32 @!p0 s7, s2  }
0x13f: {  	[tilespmem:s23], [sflag:$0x1] =	stream.linear.gather @!p0 [hbm4b:s3+s17], $0x400, $0x38;
	[tilespmem:$0x16100] =	vst v63  }
0x140: {  	s2 =	sadd.s32 @!p0 s6, s2;
	s3 =	simm.s32 @!p0 $0x1800  }
0x141: {  	[tilespmem:s3], [sflag:$0x1] =	stream.linear.gather @!p0 [hbm4b:s2+s17], $0x400, $0x38;
	[tilespmem:$0x16100] =	vst v63  }
0x142: {  	s2 =	simm.s32 @!p0 $0x1  }
0x143: {  	_ =	swait.ge @!p0 [sflag:s2], $0x400  }
0x144: {  	[sflag:s2] =	ssyncset.done @!p0 $0x0  }
0x145: {  	[sflag:s2] =	ssyncadd.s32 @!p0 $0xFFFFFC00  }
0x146: {  	_ =	swait.ge @!p0 [sflag:s2], $0x400  }
0x147: {  	[sflag:s2] =	ssyncset.done @!p0 $0x0  }
0x148: {  	[sflag:s2] =	ssyncadd.s32 @!p0 $0xFFFFFC00  }
0x149: {  	_ =	swait.ge @!p0 [sflag:s2], $0x400  }
0x14a: {  	[sflag:s2] =	ssyncset.done @!p0 $0x0  }
0x14b: {  	[sflag:s2] =	ssyncadd.s32 @!p0 $0xFFFFFC00  }
0x14c: {  	_ =	swait.ge @!p0 [sflag:s2], $0x400  }
0x14d: {  	[sflag:s2] =	ssyncset.done @!p0 $0x0  }
0x14e: {  	s3 =	simm.s32 @!p0 $0x2000;
	[sflag:s2] =	ssyncadd.s32 @!p0 $0xFFFFFC00;
	s2 =	simm.s32 @!p0 $0x400  }
0x14f: {  	[tilespmem:s3], [sflag:$0x3] =	stream.indirect.gather @!p0 [hbm4b:s8+s2], $0x8, s17, s2, $0xb8;
	[tilespmem:$0x16100] =	vst v63  }
0x150: {  	s3 =	simm.s32 @!p0 $0x6000  }
0x151: {  	[tilespmem:s3], [sflag:$0x3] =	stream.indirect.gather @!p0 [hbm4b:s8+s2], $0x8, s18, s2, $0xb8;
	[tilespmem:$0x16100] =	vst v63  }
0x152: {  	s3 =	simm.s32 @!p0 $0xA000  }
0x153: {  	[tilespmem:s3], [sflag:$0x3] =	stream.indirect.gather @!p0 [hbm4b:s9+s2], $0x10, s23, s2, $0xb8;
	[tilespmem:$0x16100] =	vst v63  }
0x154: {  	_ =	swait.ge [sflag:s19], $0x2000  }
0x155: {  	[sflag:s19] =	ssyncset.done $0x0  }
0x156: {  	[sflag:s19] =	ssyncadd.s32 $0xFFFFE000  }
0x157: {  	_ =	swait.ge [sflag:s19], $0x2000  }
0x158: {  	[sflag:s19] =	ssyncset.done $0x0  }
0x159: {  	s23 =	simm.s32 $0x0;
	[sflag:s19] =	ssyncadd.s32 $0xFFFFE000  }
0x15a: {  	v2 =	vor.u32 s23, v1;
	_ =	swait.ge [sflag:s19], $0x4000  }
0x15b: {  	v5 =	vshll.u32 v2, $0x4;
	[sflag:s19] =	ssyncset.done $0x0  }
0x15c: {  	s2 =	simm.s32 @!p1 $0x6;
	v4 =	vshll.u32 v2, $0x3;
	[sflag:s19] =	ssyncadd.s32 $0xFFFFC000  }
0x15d: {  	v6 =	vor.u32 $0x1, v4;
	_ =	swait.ge @!p1 [sflag:s2], $0x400  }
0x15e: {  	[sflag:s2] =	ssyncset.done @!p1 $0x0  }
0x15f: {  	v7 =	vor.u32 $0x2, v4;
	[sflag:s2] =	ssyncadd.s32 @!p1 $0xFFFFFC00  }
0x160: {  	v8 =	vld.idx.msk [tilespmem:v5+s15+$0x0], $0xffff  }
0x161: {  	v2 =	vor.u32 $0x1, v5;
	v9 =	vld.idx.msk [tilespmem:v4+s13+$0x0], $0xffff  }
0x162: {  	v10 =	vor.u32 $0x3, v4;
	v11 =	vld.idx.msk [tilespmem:v6+s14+$0x0], $0xffff  }
0x163: {  	v59 =	vld.idx.msk [tilespmem:v4+s14+$0x0], $0xffff  }
0x164: {  	v60 =	vor.u32 $0x4, v4;
	v62 =	vld.idx.msk [tilespmem:v7+s14+$0x0], $0xffff  }
0x165: {  	v61 =	vor.u32 $0x2, v5  }
0x166: {  	v63 =	vld.idx.msk [tilespmem:v2+s15+$0x0], $0xffff  }
0x167: {  	v3 =	vld.idx.msk [tilespmem:v10+s14+$0x0], $0xffff  }
0x168: {  	v27 =	vor.u32 $0x3, v5;
	v24 =	vmul.f32 v11, v9;
	v26 =	vmul.f32 v59, v9  }
0x169: {  	v2 =	vld.idx.msk [tilespmem:v60+s14+$0x0], $0xffff;
	v25 =	vunpack.i.u.bf16.f32 v8;
	v8 =	vunpack.i.l.bf16.f32 v8;
	v28 =	vmul.f32 v62, v9  }
0x16a: {  	v14 =	vld.idx.msk [tilespmem:v61+s15+$0x0], $0xffff;
	v17 =	vmul.f32 v25, v24;
	v8 =	vmul.f32 v8, v26  }
0x16b: {  	v6 =	vld.idx.msk [tilespmem:v6+s13+$0x0], $0xffff;
	v29 =	vunpack.i.l.bf16.f32 v63  }
0x16c: {  	v30 =	vmul.f32 v3, v9;
	v18 =	vmul.f32 v29, v28;
	v8 =	vadd.f32 v8, v17  }
0x16d: {  	v31 =	vor.u32 $0x4, v5;
	v16 =	vunpack.i.u.bf16.f32 v63  }
0x16e: {  	v20 =	vld.idx.msk [tilespmem:v27+s15+$0x0], $0xffff;
	v9 =	vmul.f32 v2, v9;
	v16 =	vmul.f32 v16, v30;
	v8 =	vadd.f32 v18, v8  }
0x16f: {  	v32 =	vunpack.i.l.bf16.f32 v14  }
0x170: {  	v33 =	vmul.f32 v59, v6;
	v9 =	vmul.f32 v32, v9;
	v8 =	vadd.f32 v8, v16  }
0x171: {  	v34 =	vor.u32 $0x5, v5;
	v14 =	vunpack.i.u.bf16.f32 v14  }
0x172: {  	v35 =	vmul.f32 v11, v6;
	v14 =	vmul.f32 v14, v33;
	v17 =	vld.idx.msk [tilespmem:v31+s15+$0x0], $0xffff;
	v8 =	vadd.f32 v9, v8  }
0x173: {  	v9 =	vunpack.i.l.bf16.f32 v20  }
0x174: {  	v36 =	vmul.f32 v62, v6;
	v9 =	vmul.f32 v9, v35;
	v8 =	vadd.f32 v8, v14  }
0x175: {  	v37 =	vor.u32 $0x6, v5;
	v7 =	vld.idx.msk [tilespmem:v7+s13+$0x0], $0xffff;
	v38 =	vunpack.i.u.bf16.f32 v20  }
0x176: {  	v39 =	vmul.f32 v3, v6;
	v18 =	vmul.f32 v38, v36;
	v16 =	vld.idx.msk [tilespmem:v34+s15+$0x0], $0xffff;
	v8 =	vadd.f32 v9, v8  }
0x177: {  	v40 =	vor.u32 $0x7, v5;
	v9 =	vunpack.i.l.bf16.f32 v17  }
0x178: {  	v6 =	vmul.f32 v2, v6;
	v9 =	vmul.f32 v9, v39;
	v8 =	vadd.f32 v8, v18  }
0x179: {  	v17 =	vunpack.i.u.bf16.f32 v17  }
0x17a: {  	v41 =	vmul.f32 v59, v7;
	v14 =	vld.idx.msk [tilespmem:v37+s15+$0x0], $0xffff;
	v6 =	vmul.f32 v17, v6;
	v8 =	vadd.f32 v9, v8  }
0x17b: {  	v42 =	vor.u32 $0x8, v5;
	v43 =	vunpack.i.l.bf16.f32 v16;
	v9 =	vor.u32 $0x6, v4  }
0x17c: {  	v44 =	vmul.f32 v11, v7;
	v19 =	vmul.f32 v43, v41;
	v18 =	vld.idx.msk [tilespmem:v40+s15+$0x0], $0xffff;
	v6 =	vadd.f32 v8, v6  }
0x17d: {  	v8 =	vld.idx.msk [tilespmem:v10+s13+$0x0], $0xffff;
	v10 =	vunpack.i.u.bf16.f32 v16  }
0x17e: {  	v45 =	vmul.f32 v62, v7;
	v10 =	vmul.f32 v10, v44;
	v6 =	vadd.f32 v19, v6  }
0x17f: {  	v47 =	vunpack.i.l.bf16.f32 v14  }
0x180: {  	v48 =	vmul.f32 v3, v7;
	v16 =	vmul.f32 v47, v45;
	v49 =	vld.idx.msk [tilespmem:v9+s13+$0x0], $0xffff;
	v6 =	vadd.f32 v6, v10  }
0x181: {  	v46 =	vor.u32 $0x9, v5;
	v7 =	vmul.f32 v2, v7;
	v17 =	vld.idx.msk [tilespmem:v42+s15+$0x0], $0xffff;
	v14 =	vunpack.i.u.bf16.f32 v14  }
0x182: {  	s3 =	simm.s32 $0x1C00;
	v14 =	vmul.f32 v14, v48;
	v52 =	vunpack.i.l.bf16.f32 v18;
	v9 =	vld.idx.msk [tilespmem:v9+s14+$0x0], $0xffff;
	v6 =	vadd.f32 v16, v6  }
0x183: {  	v50 =	vor.u32 $0xB, v5;
	v56 =	vld [tilespmem:s3+$0x0];
	v7 =	vmul.f32 v52, v7;
	v10 =	vor.u32 $0xA, v5  }
0x184: {  	v13 =	vld.idx.msk [tilespmem:v60+s13+$0x0], $0xffff;
	v51 =	vmul.f32 v59, v8;
	v53 =	vmul.f32 v11, v8;
	v6 =	vadd.f32 v6, v14  }
0x185: {  	v18 =	vunpack.i.u.bf16.f32 v18;
	v54 =	vmul.f32 v62, v8;
	v20 =	vmul.f32 $5.862991810e-01, v49  }
0x186: {  	v19 =	vld.idx.msk [tilespmem:v46+s15+$0x0], $0xffff;
	v55 =	vmul.f32 v3, v8;
	v18 =	vmul.f32 v18, v51;
	v6 =	vadd.f32 v7, v6  }
0x187: {  	v7 =	vmul.f32 v2, v8;
	v8 =	vunpack.i.l.bf16.f32 v17;
	v9 =	vmul.f32 v9, v20  }
0x188: {  	v58 =	vmul.f32 v56, v56;
	v8 =	vmul.f32 v8, v53;
	v6 =	vadd.f32 v6, v18  }
0x189: {  	v12 =	vmul.f32 v59, v13;
	v10 =	vld.idx.msk [tilespmem:v10+s15+$0x0], $0xffff;
	v17 =	vunpack.i.u.bf16.f32 v17;
	v9 =	vadd.f32 $2.882999900e+00, v9  }
0x18a: {  	v60 =	vmul.f32 v58, v58;
	v14 =	vmul.f32 v17, v54;
	v6 =	vadd.f32 v8, v6  }
0x18b: {  	v4 =	vor.u32 $0x5, v4;
	v8 =	vunpack.i.l.bf16.f32 v19;
	v9 =	vmul.f32 v9, v9  }
0x18c: {  	v5 =	vor.u32 $0xC, v5;
	v8 =	vmul.f32 v8, v55;
	v6 =	vadd.f32 v6, v14  }
0x18d: {  	v11 =	vmul.f32 v11, v13;
	v57 =	vunpack.i.u.bf16.f32 v19;
	v59 =	vmul.f32 v9, v9  }
0x18e: {  	v16 =	vld.idx.msk [tilespmem:v50+s15+$0x0], $0xffff;
	v7 =	vmul.f32 v57, v7;
	v6 =	vadd.f32 v8, v6;
	v8 =	vunpack.i.l.bf16.f32 v10  }
0x18f: {  	v61 =	vmul.f32 v59, v9;
	v8 =	vmul.f32 v8, v12  }
0x190: {  	v6 =	vadd.f32 v6, v7;
	v7 =	vunpack.i.u.bf16.f32 v10;
	v10 =	vmul.f32 v60, v58  }
0x191: {  	v62 =	vmul.f32 v62, v13;
	v9 =	vmul.f32 v61, v9  }
0x192: {  	v5 =	vld.idx.msk [tilespmem:v5+s15+$0x0], $0xffff;
	v7 =	vmul.f32 v7, v11;
	v6 =	vadd.f32 v8, v6;
	v8 =	vmul.f32 v10, v58  }
0x193: {  	v3 =	vmul.f32 v3, v13;
	v63 =	vunpack.i.l.bf16.f32 v16;
	v11 =	vld.idx.msk [tilespmem:v4+s13+$0x0], $0xffff;
	v10 =	vadd.f32 v61, v10  }
0x194: {  	v6 =	vadd.f32 v6, v7;
	v7 =	vmul.f32 v63, v62;
	v8 =	vadd.f32 v9, v8  }
0x195: {  	v2 =	vmul.f32 v2, v13;
	v4 =	vld.idx.msk [tilespmem:v4+s14+$0x0], $0xffff;
	v9 =	vunpack.i.u.bf16.f32 v16;
	(erf) = vrcp.f32 v10  }
0x196: {  	v3 =	vmul.f32 v9, v3;
	v6 =	vadd.f32 v7, v6;
	(erf) = vrcp.f32 v8  }
0x197: {  	v5 =	vunpack.i.l.bf16.f32 v5  }
0x198: {  	v2 =	vmul.f32 v5, v2;
	v5 =	vmul.f32 $3.000000000e+00, v11;
	v3 =	vadd.f32 v6, v3;
	_ =	sdelay $0x1  }
0x199: {  	v2 =	vadd.f32 v2, v3;
	v3 =	vmul.f32 v4, v5;
	_ =	sdelay $0x1  }
0x19a: {  	v3 =	vmul.f32 v3, v2;
	_ =	sdelay $0x1  }
0x19b: {  	v4 =	vpop (erf);
	v3 =	vmul.f32 $9.171000120e-01, v3  }
0x19c: {  	v5 =	vpop (erf)  }
0x19d: {  	v2 =	vmul.f32 v4, v2;
	v3 =	vmul.f32 v5, v3;
	_ =	sdelay $0x1  }
0x19e: {  	v2 =	vadd.f32 v3, v2;
	_ =	sdelay $0x1  }
0x19f: {  	v2 =	vmul.f32 $-5.000000000e-01, v2  }
0x1a0: {  	s24 =	simm.s32 $0x10;
	s17 =	simm.s32 $0x12400  }
0x1a1: {  	s29 =	simm.s32 $0x400;
	v4 =	vor.u32 s24, v1;
	[tilespmem:s17+$0x0] =	vst v2  }
0x1a2: {  	s28 =	simm.s32 $0x20;
	v3 =	vshll.u32 v4, $0x3;
	v2 =	vshll.u32 v4, $0x4;
	v4 =	vld [tilespmem:s29+$0x0]  }
0x1a3: {  	s18 =	simm.s32 $0x12C10;
	s23 =	simm.s32 $0x410;
	s24 =	simm.s32 $0x12C00;
	v9 =	vor.u32 $0x1, v3;
	v8 =	vor.u32 $0x2, v3;
	v10 =	vor.u32 $0x1, v2  }
.LBB2_7:
0x1a4: {  	s3 =	sadd.s32 $0x10, s3  }
0x1a5: {  	v11 =	vor.u32 $0x3, v3;
	v12 =	vor.u32 $0x4, v3;
	v13 =	vor.u32 $0x2, v2;
	s17 =	sadd.s32 $0x10, s17;
	s29 =	smov.u32 s28;
	s2 =	sadd.s32 $0x10, s28  }
0x1a6: {  	p1 =	sne.s32 s28, $0x3F0;
	v14 =	vor.u32 $0x3, v2;
	v15 =	vor.u32 $0x4, v2;
	v16 =	vor.u32 $0x5, v2  }
0x1a7: {  	v17 =	vor.u32 $0x6, v2;
	v18 =	vor.u32 $0x7, v2;
	v19 =	vor.u32 $0x6, v3;
	[tilespmem:s24+$0x0] =	vst v4;
	s24 =	smov.u32 s18  }
0x1a8: {  	v21 =	vor.u32 $0x8, v2;
	v7 =	vor.u32 $0x9, v2;
	v6 =	vor.u32 $0xA, v2;
	v20 =	vld.idx.msk [tilespmem:v2+s15+$0x0], $0xffff  }
0x1a9: {  	v5 =	vor.u32 $0xB, v2;
	v4 =	vor.u32 $0xC, v2;
	v2 =	vor.u32 $0x5, v3;
	v22 =	vld.idx.msk [tilespmem:v3+s13+$0x0], $0xffff  }
0x1aa: {  	v23 =	vld.idx.msk [tilespmem:v9+s14+$0x0], $0xffff  }
0x1ab: {  	v3 =	vld.idx.msk [tilespmem:v3+s14+$0x0], $0xffff  }
0x1ac: {  	v24 =	vld.idx.msk [tilespmem:v8+s14+$0x0], $0xffff  }
0x1ad: {  	v10 =	vld.idx.msk [tilespmem:v10+s15+$0x0], $0xffff  }
0x1ae: {  	v25 =	vld.idx.msk [tilespmem:v11+s14+$0x0], $0xffff  }
0x1af: {  	v9 =	vld.idx.msk [tilespmem:v9+s13+$0x0], $0xffff  }
0x1b0: {  	v27 =	vmul.f32 v23, v22;
	v26 =	vld.idx.msk [tilespmem:v12+s14+$0x0], $0xffff  }
0x1b1: {  	v28 =	vunpack.i.u.bf16.f32 v20;
	v20 =	vunpack.i.l.bf16.f32 v20;
	v29 =	vmul.f32 v3, v22;
	v13 =	vld.idx.msk [tilespmem:v13+s15+$0x0], $0xffff  }
0x1b2: {  	v27 =	vmul.f32 v28, v27;
	v28 =	vmul.f32 v24, v22  }
0x1b3: {  	v20 =	vmul.f32 v20, v29;
	v29 =	vunpack.i.u.bf16.f32 v10;
	v10 =	vunpack.i.l.bf16.f32 v10  }
0x1b4: {  	v10 =	vmul.f32 v10, v28;
	v28 =	vmul.f32 v25, v22;
	v8 =	vld.idx.msk [tilespmem:v8+s13+$0x0], $0xffff  }
0x1b5: {  	v20 =	vadd.f32 v20, v27;
	v27 =	vmul.f32 v3, v9;
	v30 =	vmul.f32 v23, v9;
	v14 =	vld.idx.msk [tilespmem:v14+s15+$0x0], $0xffff  }
0x1b6: {  	v28 =	vmul.f32 v29, v28;
	v22 =	vmul.f32 v26, v22  }
0x1b7: {  	v29 =	vmul.f32 v24, v9;
	v10 =	vadd.f32 v10, v20;
	v20 =	vunpack.i.l.bf16.f32 v13  }
0x1b8: {  	v20 =	vmul.f32 v20, v22;
	v22 =	vmul.f32 v25, v9;
	v11 =	vld.idx.msk [tilespmem:v11+s13+$0x0], $0xffff  }
0x1b9: {  	v13 =	vunpack.i.u.bf16.f32 v13;
	v9 =	vmul.f32 v26, v9;
	v10 =	vadd.f32 v10, v28;
	v15 =	vld.idx.msk [tilespmem:v15+s15+$0x0], $0xffff  }
0x1ba: {  	v13 =	vmul.f32 v13, v27;
	v27 =	vmul.f32 v3, v8  }
0x1bb: {  	v28 =	vmul.f32 v23, v8;
	v10 =	vadd.f32 v20, v10;
	v20 =	vunpack.i.l.bf16.f32 v14  }
0x1bc: {  	v20 =	vmul.f32 v20, v30;
	v30 =	vmul.f32 v24, v8  }
0x1bd: {  	v10 =	vadd.f32 v10, v13;
	v13 =	vunpack.i.u.bf16.f32 v14;
	v14 =	vld.idx.msk [tilespmem:v16+s15+$0x0], $0xffff;
	v16 =	vmul.f32 v25, v8  }
0x1be: {  	v13 =	vmul.f32 v13, v29;
	v8 =	vmul.f32 v26, v8;
	v12 =	vld.idx.msk [tilespmem:v12+s13+$0x0], $0xffff  }
0x1bf: {  	v29 =	vmul.f32 v3, v11;
	v10 =	vadd.f32 v20, v10;
	v20 =	vunpack.i.l.bf16.f32 v15  }
0x1c0: {  	v20 =	vmul.f32 v20, v22;
	v22 =	vmul.f32 v23, v11  }
0x1c1: {  	v10 =	vadd.f32 v10, v13;
	v13 =	vunpack.i.u.bf16.f32 v15;
	v15 =	vld.idx.msk [tilespmem:v17+s15+$0x0], $0xffff;
	v17 =	vmul.f32 v24, v11  }
0x1c2: {  	v9 =	vmul.f32 v13, v9;
	v13 =	vmul.f32 v25, v11  }
0x1c3: {  	v11 =	vmul.f32 v26, v11;
	v10 =	vadd.f32 v20, v10;
	v20 =	vunpack.i.l.bf16.f32 v14  }
0x1c4: {  	v20 =	vmul.f32 v20, v27;
	v3 =	vmul.f32 v3, v12  }
0x1c5: {  	v9 =	vadd.f32 v10, v9;
	v10 =	vunpack.i.u.bf16.f32 v14;
	v14 =	vld.idx.msk [tilespmem:v18+s15+$0x0], $0xffff;
	v18 =	vmul.f32 v23, v12  }
0x1c6: {  	v10 =	vmul.f32 v10, v28;
	v23 =	vmul.f32 v24, v12  }
0x1c7: {  	v24 =	vmul.f32 v25, v12;
	v9 =	vadd.f32 v20, v9;
	v20 =	vunpack.i.l.bf16.f32 v15  }
0x1c8: {  	v12 =	vmul.f32 v26, v12;
	v20 =	vmul.f32 v20, v30;
	v25 =	vld.idx.msk [tilespmem:v19+s13+$0x0], $0xffff  }
0x1c9: {  	v9 =	vadd.f32 v9, v10;
	v10 =	vunpack.i.u.bf16.f32 v15;
	v15 =	vld.idx.msk [tilespmem:v21+s15+$0x0], $0xffff  }
0x1ca: {  	v10 =	vmul.f32 v10, v16;
	v16 =	vld.idx.msk [tilespmem:v19+s14+$0x0], $0xffff  }
0x1cb: {  	v9 =	vadd.f32 v20, v9;
	v19 =	vunpack.i.l.bf16.f32 v14  }
0x1cc: {  	v8 =	vmul.f32 v19, v8  }
0x1cd: {  	v9 =	vadd.f32 v9, v10;
	v10 =	vunpack.i.u.bf16.f32 v14;
	v7 =	vld.idx.msk [tilespmem:v7+s15+$0x0], $0xffff  }
0x1ce: {  	v10 =	vmul.f32 v10, v29;
	v14 =	vmul.f32 $5.862991810e-01, v25  }
0x1cf: {  	v8 =	vadd.f32 v8, v9;
	v9 =	vunpack.i.l.bf16.f32 v15;
	v19 =	vld [tilespmem:s3+$0x0]  }
0x1d0: {  	v9 =	vmul.f32 v9, v22;
	v14 =	vmul.f32 v16, v14  }
0x1d1: {  	v8 =	vadd.f32 v8, v10;
	v10 =	vunpack.i.u.bf16.f32 v15;
	v6 =	vld.idx.msk [tilespmem:v6+s15+$0x0], $0xffff  }
0x1d2: {  	v10 =	vmul.f32 v10, v17;
	v14 =	vadd.f32 $2.882999900e+00, v14  }
0x1d3: {  	v8 =	vadd.f32 v9, v8;
	v9 =	vunpack.i.l.bf16.f32 v7  }
0x1d4: {  	v9 =	vmul.f32 v9, v13;
	v13 =	vmul.f32 v14, v14  }
0x1d5: {  	v7 =	vunpack.i.u.bf16.f32 v7;
	v8 =	vadd.f32 v8, v10;
	v10 =	vmul.f32 v19, v19;
	v5 =	vld.idx.msk [tilespmem:v5+s15+$0x0], $0xffff  }
0x1d6: {  	v7 =	vmul.f32 v7, v11;
	v11 =	vmul.f32 v13, v13  }
0x1d7: {  	v8 =	vadd.f32 v9, v8;
	v9 =	vunpack.i.l.bf16.f32 v6;
	v14 =	vmul.f32 v10, v10  }
0x1d8: {  	v3 =	vmul.f32 v9, v3;
	v9 =	vmul.f32 v11, v13  }
0x1d9: {  	v6 =	vunpack.i.u.bf16.f32 v6;
	v7 =	vadd.f32 v8, v7;
	v8 =	vmul.f32 v14, v10  }
0x1da: {  	v6 =	vmul.f32 v6, v18;
	v11 =	vmul.f32 v9, v13;
	v4 =	vld.idx.msk [tilespmem:v4+s15+$0x0], $0xffff  }
0x1db: {  	v3 =	vadd.f32 v3, v7;
	v10 =	vmul.f32 v8, v10;
	v8 =	vadd.f32 v9, v8;
	v7 =	vld.idx.msk [tilespmem:v2+s13+$0x0], $0xffff  }
0x1dc: {  	v9 =	vunpack.i.l.bf16.f32 v5  }
0x1dd: {  	v3 =	vadd.f32 v3, v6;
	v6 =	vmul.f32 v9, v23;
	v9 =	vadd.f32 v11, v10;
	v2 =	vld.idx.msk [tilespmem:v2+s14+$0x0], $0xffff  }
0x1de: {  	v5 =	vunpack.i.u.bf16.f32 v5;
	(erf) = vrcp.f32 v8  }
0x1df: {  	v5 =	vmul.f32 v5, v24;
	v3 =	vadd.f32 v6, v3;
	(erf) = vrcp.f32 v9  }
0x1e0: {  	v4 =	vunpack.i.l.bf16.f32 v4  }
0x1e1: {  	v3 =	vadd.f32 v3, v5;
	v4 =	vmul.f32 v4, v12;
	v5 =	vmul.f32 $3.000000000e+00, v7;
	_ =	sdelay $0x1  }
0x1e2: {  	v3 =	vadd.f32 v4, v3;
	v2 =	vmul.f32 v2, v5;
	_ =	sdelay $0x1  }
0x1e3: {  	v2 =	vmul.f32 v2, v3;
	_ =	sdelay $0x1  }
0x1e4: {  	v2 =	vmul.f32 $9.171000120e-01, v2;
	v4 =	vpop (erf)  }
0x1e5: {  	v3 =	vmul.f32 v4, v3;
	v4 =	vpop (erf)  }
0x1e6: {  	v2 =	vmul.f32 v4, v2;
	_ =	sdelay $0x1  }
0x1e7: {  	v2 =	vadd.f32 v2, v3;
	_ =	sdelay $0x1  }
0x1e8: {  	v2 =	vmul.f32 $-5.000000000e-01, v2  }
.Ltmp2:
0x1e9: {  	(pc) =	sbr.rel @p1 .LBB2_7-.Ltmp2, $4  }
0x1ea: {  	[tilespmem:s17+$0x0] =	vst v2  }
0x1eb: {  	v2 =	vor.u32 s29, v1;
	v4 =	vld [tilespmem:s23+$0x0]  }
0x1ec: {  	v3 =	vshll.u32 v2, $0x3;
	v2 =	vshll.u32 v2, $0x4  }
0x1ed: {  	s28 =	smov.u32 s2;
	s18 =	sadd.s32 $0x10, s18;
	s23 =	sadd.s32 $0x10, s23;
	v9 =	vor.u32 $0x1, v3;
	v8 =	vor.u32 $0x2, v3;
	v10 =	vor.u32 $0x1, v2  }
0x1ee: {  	_ =	sdelay $0x2  }
0x1ef: {  	[tilespmem:s24+$0x0] =	vst v4  }
0x1f0: {  	v6 =	vld.idx.msk [tilespmem:v2+s15+$0x0], $0xffff  }
0x1f1: {  	v7 =	vld.idx.msk [tilespmem:v3+s13+$0x0], $0xffff  }
0x1f2: {  	v11 =	vor.u32 $0x3, v3;
	v12 =	vld.idx.msk [tilespmem:v9+s14+$0x0], $0xffff  }
0x1f3: {  	v13 =	vld.idx.msk [tilespmem:v3+s14+$0x0], $0xffff  }
0x1f4: {  	v14 =	vor.u32 $0x4, v3;
	v16 =	vld.idx.msk [tilespmem:v8+s14+$0x0], $0xffff  }
0x1f5: {  	v15 =	vor.u32 $0x2, v2  }
0x1f6: {  	v10 =	vld.idx.msk [tilespmem:v10+s15+$0x0], $0xffff  }
0x1f7: {  	v5 =	vld.idx.msk [tilespmem:v11+s14+$0x0], $0xffff  }
0x1f8: {  	v20 =	vor.u32 $0x3, v2;
	v17 =	vmul.f32 v12, v7;
	v19 =	vmul.f32 v13, v7  }
0x1f9: {  	v4 =	vld.idx.msk [tilespmem:v14+s14+$0x0], $0xffff;
	v18 =	vunpack.i.u.bf16.f32 v6;
	v6 =	vunpack.i.l.bf16.f32 v6;
	v51 =	vmul.f32 v16, v7  }
0x1fa: {  	v15 =	vld.idx.msk [tilespmem:v15+s15+$0x0], $0xffff;
	v17 =	vmul.f32 v18, v17;
	v6 =	vmul.f32 v6, v19  }
0x1fb: {  	v52 =	vld.idx.msk [tilespmem:v9+s13+$0x0], $0xffff;
	v53 =	vunpack.i.l.bf16.f32 v10  }
0x1fc: {  	v18 =	vmul.f32 v53, v51;
	v54 =	vmul.f32 v5, v7;
	v6 =	vadd.f32 v6, v17  }
0x1fd: {  	v55 =	vor.u32 $0x4, v2;
	v10 =	vunpack.i.u.bf16.f32 v10  }
0x1fe: {  	v20 =	vld.idx.msk [tilespmem:v20+s15+$0x0], $0xffff;
	v7 =	vmul.f32 v4, v7;
	v10 =	vmul.f32 v10, v54;
	v6 =	vadd.f32 v18, v6  }
0x1ff: {  	v56 =	vunpack.i.l.bf16.f32 v15  }
0x200: {  	v57 =	vmul.f32 v13, v52;
	v7 =	vmul.f32 v56, v7;
	v6 =	vadd.f32 v6, v10  }
0x201: {  	v58 =	vor.u32 $0x5, v2;
	v15 =	vunpack.i.u.bf16.f32 v15  }
0x202: {  	v59 =	vmul.f32 v12, v52;
	v15 =	vmul.f32 v15, v57;
	v17 =	vld.idx.msk [tilespmem:v55+s15+$0x0], $0xffff;
	v6 =	vadd.f32 v7, v6  }
0x203: {  	v60 =	vunpack.i.l.bf16.f32 v20  }
0x204: {  	v61 =	vmul.f32 v16, v52;
	v7 =	vmul.f32 v60, v59;
	v6 =	vadd.f32 v6, v15  }
0x205: {  	v62 =	vor.u32 $0x6, v2;
	v63 =	vld.idx.msk [tilespmem:v8+s13+$0x0], $0xffff;
	v24 =	vunpack.i.u.bf16.f32 v20  }
0x206: {  	v25 =	vmul.f32 v5, v52;
	v18 =	vmul.f32 v24, v61;
	v10 =	vld.idx.msk [tilespmem:v58+s15+$0x0], $0xffff;
	v6 =	vadd.f32 v7, v6  }
0x207: {  	v26 =	vunpack.i.l.bf16.f32 v17  }
0x208: {  	v9 =	vmul.f32 v4, v52;
	v7 =	vmul.f32 v26, v25;
	v6 =	vadd.f32 v6, v18  }
0x209: {  	v27 =	vor.u32 $0x7, v2;
	v17 =	vunpack.i.u.bf16.f32 v17  }
0x20a: {  	v28 =	vmul.f32 v13, v63;
	v9 =	vmul.f32 v17, v9;
	v15 =	vld.idx.msk [tilespmem:v62+s15+$0x0], $0xffff;
	v6 =	vadd.f32 v7, v6  }
0x20b: {  	v29 =	vor.u32 $0x6, v3;
	v31 =	vunpack.i.l.bf16.f32 v10  }
0x20c: {  	v21 =	vmul.f32 v12, v63;
	v19 =	vmul.f32 v31, v28;
	v6 =	vadd.f32 v6, v9  }
0x20d: {  	v30 =	vor.u32 $0x8, v2;
	v10 =	vunpack.i.u.bf16.f32 v10  }
0x20e: {  	v33 =	vmul.f32 v16, v63;
	v10 =	vmul.f32 v10, v21;
	v18 =	vld.idx.msk [tilespmem:v27+s15+$0x0], $0xffff;
	v6 =	vadd.f32 v19, v6  }
0x20f: {  	v32 =	vld.idx.msk [tilespmem:v11+s13+$0x0], $0xffff;
	v35 =	vunpack.i.l.bf16.f32 v15  }
0x210: {  	v36 =	vmul.f32 v5, v63;
	v11 =	vmul.f32 v35, v33;
	v6 =	vadd.f32 v6, v10  }
0x211: {  	v34 =	vor.u32 $0x9, v2;
	v37 =	vld.idx.msk [tilespmem:v29+s13+$0x0], $0xffff;
	v15 =	vunpack.i.u.bf16.f32 v15  }
0x212: {  	v8 =	vmul.f32 v4, v63;
	v17 =	vld.idx.msk [tilespmem:v30+s15+$0x0], $0xffff;
	v15 =	vmul.f32 v15, v36;
	v6 =	vadd.f32 v11, v6  }
0x213: {  	v38 =	vor.u32 $0xA, v2;
	v7 =	vld.idx.msk [tilespmem:v29+s14+$0x0], $0xffff;
	v22 =	vunpack.i.l.bf16.f32 v18  }
0x214: {  	s2 =	sadd.s32 $0x10, s3;
	v40 =	vmul.f32 v13, v32;
	v8 =	vmul.f32 v22, v8;
	v6 =	vadd.f32 v6, v15  }
0x215: {  	v39 =	vor.u32 $0xB, v2;
	v45 =	vld [tilespmem:s2+$0x0];
	v23 =	vmul.f32 v12, v32;
	v18 =	vunpack.i.u.bf16.f32 v18  }
0x216: {  	v20 =	vmul.f32 $5.862991810e-01, v37;
	v19 =	vld.idx.msk [tilespmem:v34+s15+$0x0], $0xffff;
	v18 =	vmul.f32 v18, v40;
	v6 =	vadd.f32 v8, v6  }
0x217: {  	v2 =	vor.u32 $0xC, v2;
	v41 =	vmul.f32 v16, v32;
	v44 =	vunpack.i.l.bf16.f32 v17  }
0x218: {  	v14 =	vld.idx.msk [tilespmem:v14+s13+$0x0], $0xffff;
	v9 =	vmul.f32 v44, v23;
	v7 =	vmul.f32 v7, v20;
	v6 =	vadd.f32 v6, v18  }
0x219: {  	v3 =	vor.u32 $0x5, v3;
	v42 =	vmul.f32 v5, v32;
	v17 =	vunpack.i.u.bf16.f32 v17  }
0x21a: {  	v10 =	vld.idx.msk [tilespmem:v38+s15+$0x0], $0xffff;
	v7 =	vadd.f32 $2.882999900e+00, v7;
	v15 =	vmul.f32 v17, v41;
	v6 =	vadd.f32 v9, v6  }
0x21b: {  	v48 =	vmul.f32 v45, v45;
	v43 =	vmul.f32 v4, v32;
	v46 =	vunpack.i.l.bf16.f32 v19  }
0x21c: {  	v7 =	vmul.f32 v7, v7;
	v9 =	vmul.f32 v46, v42;
	v6 =	vadd.f32 v6, v15  }
0x21d: {  	v13 =	vmul.f32 v13, v14;
	v51 =	vmul.f32 v48, v48;
	v47 =	vunpack.i.u.bf16.f32 v19  }
0x21e: {  	v11 =	vld.idx.msk [tilespmem:v39+s15+$0x0], $0xffff;
	v49 =	vmul.f32 v7, v7;
	v8 =	vmul.f32 v47, v43;
	v6 =	vadd.f32 v9, v6  }
0x21f: {  	v12 =	vmul.f32 v12, v14;
	v54 =	vmul.f32 v51, v48;
	v50 =	vunpack.i.l.bf16.f32 v10  }
0x220: {  	v52 =	vmul.f32 v49, v7;
	v9 =	vmul.f32 v50, v13;
	v6 =	vadd.f32 v6, v8  }
0x221: {  	v55 =	vmul.f32 v16, v14;
	v56 =	vmul.f32 v54, v48;
	v53 =	vunpack.i.u.bf16.f32 v10  }
0x222: {  	v2 =	vld.idx.msk [tilespmem:v2+s15+$0x0], $0xffff;
	v7 =	vmul.f32 v52, v7;
	v8 =	vmul.f32 v53, v12;
	v6 =	vadd.f32 v9, v6  }
0x223: {  	v5 =	vmul.f32 v5, v14;
	v57 =	vld.idx.msk [tilespmem:v3+s13+$0x0], $0xffff;
	v58 =	vunpack.i.l.bf16.f32 v11;
	v10 =	vadd.f32 v52, v54  }
0x224: {  	v59 =	vmul.f32 v58, v55;
	v7 =	vadd.f32 v7, v56;
	v6 =	vadd.f32 v6, v8  }
0x225: {  	v4 =	vmul.f32 v4, v14;
	v3 =	vld.idx.msk [tilespmem:v3+s14+$0x0], $0xffff;
	v60 =	vunpack.i.u.bf16.f32 v11;
	(erf) = vrcp.f32 v10  }
0x226: {  	v5 =	vmul.f32 v60, v5;
	(erf) = vrcp.f32 v7;
	v6 =	vadd.f32 v59, v6  }
0x227: {  	v2 =	vunpack.i.l.bf16.f32 v2  }
0x228: {  	v2 =	vmul.f32 v2, v4;
	v61 =	vmul.f32 $3.000000000e+00, v57;
	v5 =	vadd.f32 v6, v5;
	_ =	sdelay $0x1  }
0x229: {  	v3 =	vmul.f32 v3, v61;
	v2 =	vadd.f32 v2, v5;
	_ =	sdelay $0x1  }
0x22a: {  	v3 =	vmul.f32 v3, v2;
	_ =	sdelay $0x1  }
0x22b: {  	v62 =	vpop (erf);
	v3 =	vmul.f32 $9.171000120e-01, v3  }
0x22c: {  	v63 =	vpop (erf)  }
0x22d: {  	v2 =	vmul.f32 v62, v2;
	v3 =	vmul.f32 v63, v3;
	_ =	sdelay $0x1  }
0x22e: {  	v2 =	vadd.f32 v3, v2;
	_ =	sdelay $0x1  }
0x22f: {  	v2 =	vmul.f32 $-5.000000000e-01, v2  }
0x230: {  	s24 =	sadd.s32 $0x10, s17  }
0x231: {  	[tilespmem:s24+$0x0] =	vst v2  }
0x232: {  	v2 =	vld [tilespmem:s23+$0x0];
	_ =	sdelay $0x3  }
0x233: {  	s2 =	sadd.s32 @!p0 s31, s22  }
0x234: {  	s28 =	simm.s32 $0x12C00;
	s29 =	simm.s32 $0x12400;
	s2 =	sshrl.u32 @!p0 s2, $0x3;
	[tilespmem:s18+$0x0] =	vst v2  }
0x235: {  	[spmem:s10] =	stream.indirect.scatter.add.f32 [tilespmem:s29], [sflag:$0x6], $0x1, s28, s0, $0xb8;
	[tilespmem:$0x16100] =	vst v63  }
0x236: {  	s17 =	simm.s32 @!p0 $0x0;
	s3 =	sadd.s32 @!p0 s4, s2;
	s18 =	simm.s32 @!p0 $0x400  }
0x237: {  	[tilespmem:s18], [sflag:$0x2] =	stream.linear.gather @!p0 [hbm4b:s3+s17], $0x400, $0x38;
	[tilespmem:$0x16100] =	vst v63  }
0x238: {  	s3 =	sadd.s32 @!p0 s5, s2;
	s18 =	simm.s32 @!p0 $0xC00  }
0x239: {  	[tilespmem:s18], [sflag:$0x2] =	stream.linear.gather @!p0 [hbm4b:s3+s17], $0x400, $0x38;
	[tilespmem:$0x16100] =	vst v63  }
0x23a: {  	s3 =	sadd.s32 @!p0 s7, s2;
	s18 =	simm.s32 @!p0 $0x1400  }
0x23b: {  	[tilespmem:s18], [sflag:$0x2] =	stream.linear.gather @!p0 [hbm4b:s3+s17], $0x400, $0x38;
	[tilespmem:$0x16100] =	vst v63  }
0x23c: {  	s26 =	sadd.s32 $0x1, s26;
	s2 =	sadd.s32 @!p0 s6, s2;
	s3 =	simm.s32 @!p0 $0x1C00  }
0x23d: {  	[tilespmem:s3], [sflag:$0x2] =	stream.linear.gather @!p0 [hbm4b:s2+s17], $0x400, $0x38;
	[tilespmem:$0x16100] =	vst v63  }
0x23e: {  	p0 =	sne.s32 s26, s20  }
.Ltmp3:
0x23f: {  	_ = 	snop;
	(pc) =	sbr.rel @p0 .LBB2_4-.Ltmp3, $1  }
0x240: {  	_ =	sdelay $0x3  }
0x241: {  	s2 =	simm.s32 $0x5  }
0x242: {  	_ =	swait.ge [sflag:s2], $0x400  }
0x243: {  	[sflag:s2] =	ssyncset.done $0x0  }
0x244: {  	s28 =	simm.s32 $0x6;
	[sflag:s2] =	ssyncadd.s32 $0xFFFFFC00  }
0x245: {  	_ =	swait.ge [sflag:s28], $0x400  }
0x246: {  	[sflag:s28] =	ssyncset.done $0x0  }
0x247: {  	[sflag:s28] =	ssyncadd.s32 $0xFFFFFC00  }
0x248: {  	s29 =	stileid.u32;
	[bflag:$0x0] =	sbarrier.arrive $0xFFFF  }
0x249: {  	s2 =	sshll.u32 s29, $0x6;
	s18 =	rddreg [dreg:$0x4]  }
0x24a: {  	s2 =	sor.u32 $0x1C07, s2;
	s11 =	rddreg [dreg:$0xe];
	s3 =	sshrl.u32 s18, $0x3  }
0x24b: {  	[hbm:s11], [sflag:s2] =	dma.local [spmem:s3], $0x310  }
0x24c: {  	s11 =	simm.s32 $0x7  }
0x24d: {  	_ =	swait.ge [sflag:s11], $0x310  }
0x24e: {  	s17 =	rddreg [dreg:$0x3]  }
0x24f: {  	s31 =	rddreg [dreg:$0xf];
	s17 =	sadd.s32 $0x1, s17  }
0x250: {  	p0 =	sne.s32 s17, s31  }
.Ltmp4:
0x251: {  	_ = 	snop;
	(pc) =	sbr.rel @p0 .LBB2_1-.Ltmp4, $3  }
0x252: {  	_ =	sdelay $0x1  }
0x253: {  	[sflag:s11] =	ssyncset.done $0x0  }
0x254: {  	[sflag:s11] =	ssyncadd.s32 $0xFFFFFCF0  }
0x255: {  	_ =	sfence.sel $0x180000  }
0x256: {  	[bflag:$0x0] =	sbarrier.arrive $0xFFFF  }
0x257: {  	_ =	strace $0x9000004D  }
0x258: {  	s0 =	stileid.u32;
	[bflag:$0x2] =	sbarrier.arrive $0xFFFF  }
0x259: {  	p0 =	sne.s32 s0, $0x0;
	s0 =	rddreg [dreg:$0x2]  }
0x25a: {  	s0 =	sadd.s32 @!p0 $0x100000, s0  }
0x25b: {  	[sflag:s0] =	ssyncadd.tile.s32 @!p0 $0x1;
	_ =	shalt  }
.Lfunc_end2:
_tile_overlayer_lowered:
.L_overlay_start_2:
0x25c: {  	(tag) =	ssettag $0x2  }
0x25d: {  	s0 =	rddreg [dreg:$0x0];
	s2 =	stileid.u32  }
0x25e: {  	s1 =	rddreg [dreg:$0x1];
	p0 =	sne.s32 s2, $0x0  }
0x25f: {  	s3 =	rddreg [dreg:$0x2];
	[bflag:$0x3] =	sbarrier.arrive $0xFFFF;
	s2 =	simm.s32 @!p0 $0x1C07  }
0x260: {  	[timem:s3], [sflag:s2] =	dma.local @!p0 [hbm:s0], s1  }
0x261: {  	s0 =	simm.s32 @!p0 $0x7  }
0x262: {  	_ =	swait.ge @!p0 [sflag:s0], s1  }
0x263: {  	s1 =	ssub.s32 @!p0 $0x0, s1;
	[sflag:s0] =	ssyncset.done @!p0 $0x0  }
0x264: {  	[sflag:s0] =	ssyncadd.s32 @!p0 s1  }
0x265: {  	[bflag:$0x3] =	sbarrier.arrive $0xFFFF  }
0x266: {  	_ =	shalt  }

// kernel: kernel.6.cloned.1.call-start
scs
__scs_entry_jumppad:
0x0: {  	(pc) =	sbr.rel $0x88, $3  }
0x1: {  	(tag) =	ssettag $0x0;
	lr =	simm.s32 $0x1  }
0x2: {  	[smem:$0x3F99] =	sst lr;
	_ =	strace $0xD0000000  }
0x3: {  	_ = 	snop  }
0x4: {  	_ = 	snop  }
0x5: {  	_ = 	snop  }
0x6: {  	_ = 	snop  }
0x7: {  	_ = 	snop  }
__scs_overlays_trampoline_lowered:
0x8: {  	[smem:$0x3FA8] =	sst s0  }
0x9: {  	[smem:$0x3FA9] =	sst s1  }
0xa: {  	[smem:$0x3FAA] =	sst s2  }
0xb: {  	[smem:$0x3FAB] =	sst s3  }
0xc: {  	[smem:$0x3FAC] =	sst s4  }
0xd: {  	[smem:$0x3FAD] =	sst s5  }
0xe: {  	[smem:$0x3FAE] =	sst s6  }
0xf: {  	[smem:$0x3FAF] =	sst s7  }
0x10: {  	[smem:$0x3FB0] =	sst s8  }
0x11: {  	[smem:$0x3FB1] =	sst s9;
	s0 =	simm.s32 @!p0 $0x0  }
0x12: {  	s1 =	sld [smem:$0x3F97];
	s0 =	simm.s32 @p0 $0x1  }
0x13: {  	[smem:$0x3FB2] =	sst s0;
	s0 =	simm.s32 @!p1 $0x0  }
0x14: {  	s2 =	sld [smem:$0x3F96];
	s0 =	simm.s32 @p1 $0x1  }
0x15: {  	[smem:$0x3FB3] =	sst s0;
	s0 =	simm.s32 @!p2 $0x0  }
0x16: {  	s3 =	sld [smem:$0x3FDB];
	s0 =	simm.s32 @p2 $0x1  }
0x17: {  	s4 =	simm.s32 $0x1BF5;
	[smem:$0x3FB5] =	sst s0  }
0x18: {  	s0 =	sld [smem:$0x3F98];
	_ =	swait.ge [sflag:s4], $0x0  }
0x19: {  	s7 =	sld [smem:$0x3F99]  }
0x1a: {  	s8 =	sadd.s32 $0xFFFFE003, lr  }
0x1b: {  	s9 =	sadd.s32 $0xFFFFFEF7, lr;
	s5 =	simm.s32 $0xFFFFFFFF;
	p2 =	slt.u32 s8, $0xFFFFF086  }
0x1c: {  	p1 =	slt.u32 s9, $0xF7A;
	s5 =	simm.s32 @!p2 $0x0  }
0x1d: {  	s5 =	simm.s32 @p1 $0x1;
	p0 =	seq.s32 s7, s2  }
0x1e: {  	s7 =	smul.u32 @!p0 $0xF7A, s2;
	p2 =	seq.s32 @!p0 s5, $0x0  }
0x1f: {  	s9 =	smul.u32 $0xF7A, s1;
	s8 =	simm.s32 @!p0 $0x1BF5;
	p2 =	por !p2, p0  }
0x20: {  	[sflag:s8] =	ssyncset.s32 @!p0 $0xFFFFF086;
	s6 =	sadd.s32 @!p0 s3, s7;
	s7 =	simm.s32 @!p0 $0x108  }
0x21: {  	s3 =	sadd.s32 s3, s9;
	s6 =	sadd.s32 @!p0 $0x88, s6;
	s7 =	simm.s32 @p2 $0x1082  }
0x22: {  	[simem:s7], [sflag:s8] =	dma.local @!p0 [hbm:s6], $0xF7A  }
0x23: {  	s9 =	sor.u32 $0xD0000000, s2;
	s6 =	simm.s32 $0x108;
	_ =	swait.ge @!p0 [sflag:s8], $0x0  }
0x24: {  	s3 =	sadd.s32 $0x88, s3;
	s6 =	simm.s32 @!p1 $0x1082;
	[sflag:s4] =	ssyncset.s32 $0xFFFFF086  }
0x25: {  	[simem:s6], [sflag:s4] =	dma.local [hbm:s3], $0xF7A  }
0x26: {  	[smem:$0x3F99] =	sst s1;
	(tag) =	ssettag s2;
	_ =	strace s9  }
0x27: {  	s1 =	sld [smem:$0x3FA9]  }
0x28: {  	s2 =	sld [smem:$0x3FAA]  }
0x29: {  	s4 =	sld [smem:$0x3FAC]  }
0x2a: {  	p0 =	seq.s32 s5, $0x0;
	s5 =	sld [smem:$0x3FAD]  }
0x2b: {  	s6 =	sld [smem:$0x3FAE]  }
0x2c: {  	s7 =	sld [smem:$0x3FAF]  }
0x2d: {  	s3 =	simm.s32 $0x108;
	s8 =	sld [smem:$0x3FB0]  }
0x2e: {  	s3 =	simm.s32 @!p0 $0x1082;
	s9 =	sld [smem:$0x3FB1]  }
0x2f: {  	lr =	sadd.s32 s0, s3;
	s0 =	sld [smem:$0x3FA8]  }
0x30: {  	s3 =	sld [smem:$0x3FAB]  }
0x31: {  	[smem:$0x3FB4] =	sst s10  }
0x32: {  	s10 =	sld [smem:$0x3FB2];
	_ =	sdelay $0x3  }
0x33: {  	p0 =	seq.s32 s10, $0x1;
	s10 =	sld [smem:$0x3FB4];
	_ =	sdelay $0x3  }
0x34: {  	[smem:$0x3FB4] =	sst s10  }
0x35: {  	s10 =	sld [smem:$0x3FB3];
	_ =	sdelay $0x3  }
0x36: {  	p1 =	seq.s32 s10, $0x1;
	s10 =	sld [smem:$0x3FB4];
	_ =	sdelay $0x3  }
0x37: {  	[smem:$0x3FB4] =	sst s10  }
0x38: {  	s10 =	sld [smem:$0x3FB5]  }
0x39: {  	_ = 	snop;
	(pc) =	sbr.ind lr, $3  }
0x3a: {  	_ = 	snop  }
0x3b: {  	_ = 	snop  }
0x3c: {  	p2 =	seq.s32 s10, $0x1;
	s10 =	sld [smem:$0x3FB4]  }
0x3d: {  	_ =	shalt  }
0x3e: {  	_ =	shalt  }
0x3f: {  	_ =	shalt  }
0x40: {  	_ =	shalt  }
0x41: {  	_ =	shalt  }
0x42: {  	_ =	shalt  }
0x43: {  	_ =	shalt  }
0x44: {  	_ =	shalt  }
0x45: {  	_ =	shalt  }
0x46: {  	_ =	shalt  }
0x47: {  	_ =	shalt  }
0x48: {  	_ =	shalt  }
0x49: {  	_ =	shalt  }
0x4a: {  	_ =	shalt  }
0x4b: {  	_ =	shalt  }
0x4c: {  	_ =	shalt  }
0x4d: {  	_ =	shalt  }
0x4e: {  	_ =	shalt  }
0x4f: {  	_ =	shalt  }
0x50: {  	_ =	shalt  }
0x51: {  	_ =	shalt  }
0x52: {  	_ =	shalt  }
0x53: {  	_ =	shalt  }
0x54: {  	_ =	shalt  }
0x55: {  	_ =	shalt  }
0x56: {  	_ =	shalt  }
0x57: {  	_ =	shalt  }
0x58: {  	_ =	shalt  }
0x59: {  	_ =	shalt  }
0x5a: {  	_ =	shalt  }
0x5b: {  	_ =	shalt  }
0x5c: {  	_ =	shalt  }
0x5d: {  	_ =	shalt  }
0x5e: {  	_ =	shalt  }
0x5f: {  	_ =	shalt  }
0x60: {  	_ =	shalt  }
0x61: {  	_ =	shalt  }
0x62: {  	_ =	shalt  }
0x63: {  	_ =	shalt  }
0x64: {  	_ =	shalt  }
0x65: {  	_ =	shalt  }
0x66: {  	_ =	shalt  }
0x67: {  	_ =	shalt  }
0x68: {  	_ =	shalt  }
0x69: {  	_ =	shalt  }
0x6a: {  	_ =	shalt  }
0x6b: {  	_ =	shalt  }
0x6c: {  	_ =	shalt  }
0x6d: {  	_ =	shalt  }
0x6e: {  	_ =	shalt  }
0x6f: {  	_ =	shalt  }
0x70: {  	_ =	shalt  }
0x71: {  	_ =	shalt  }
0x72: {  	_ =	shalt  }
0x73: {  	_ =	shalt  }
0x74: {  	_ =	shalt  }
0x75: {  	_ =	shalt  }
0x76: {  	_ =	shalt  }
0x77: {  	_ =	shalt  }
0x78: {  	_ =	shalt  }
0x79: {  	_ =	shalt  }
0x7a: {  	_ =	shalt  }
0x7b: {  	_ =	shalt  }
0x7c: {  	_ =	shalt  }
0x7d: {  	_ =	shalt  }
0x7e: {  	_ =	shalt  }
0x7f: {  	_ =	shalt  }
0x80: {  	_ =	shalt  }
0x81: {  	_ =	shalt  }
0x82: {  	_ =	shalt  }
0x83: {  	_ =	shalt  }
0x84: {  	_ =	shalt  }
0x85: {  	_ =	shalt  }
0x86: {  	_ =	shalt  }
0x87: {  	_ =	shalt  }
.Lfunc_end0:
.L_simem_size_0:
called_computation_lowered:
.L_overlay_start_0:
0x88: {  	s2 =	sld [smem:$0x3FD9]  }
0x89: {  	s3 =	sld [smem:$0x3FFE];
	_ =	sdelay $0x1  }
0x8a: {  	s1 =	srdreg.scid  }
0x8b: {  	s0 =	sand.u32 $0x1, s1  }
0x8c: {  	s17 =	sshll.u32 s0, $0xA;
	s2 =	sadd.s32 s3, s2  }
0x8d: {  	s2 =	sadd.s32 s2, s17  }
0x8e: {  	[smem:$0x3FC0] =	sst s2  }
0x8f: {  	_ = 	snop  }
0x90: {  	s2 =	sld [smem:$0x3FD0];
	(tm) =	ssettm $0x1  }
0x91: {  	s18 =	sld [smem:$0x3FFB];
	_ =	sdelay $0x3  }
0x92: {  	_ =	strace s18  }
0x93: {  	s3 =	sld [smem:$0x3FFC];
	_ =	sdelay $0x3  }
0x94: {  	_ =	strace s3  }
0x95: {  	s3 =	sld [smem:$0x3FFD];
	_ =	sdelay $0x3  }
0x96: {  	_ =	strace s3  }
0x97: {  	_ =	strace $0x8FFFFFFF  }
0x98: {  	s19 =	sld [smem:$0x3FDB];
	_ =	sdelay $0x1  }
0x99: {  	s4 =	simm.s32 $_scs_section_size  }
0x9a: {  	s5 =	simm.s32 $_size__tile_overlayer_lowered;
	s6 =	simm.s32 $_tile_overlayer_lowered  }
0x9b: {  	s22 =	simm.s32 $0x1BFF;
	s21 =	sshll.u32 s6, $0x1;
	s3 =	sadd.s32 s4, s19  }
0x9c: {  	s7 =	simm.s32 $0x0;
	s20 =	sshll.u32 s5, $0x1;
	s5 =	sadd.s32 s21, s3  }
0x9d: {  	[timem:s7], [sflag:s22] =	dma.local [hbm:s5], s20  }
0x9e: {  	_ =	swait.ge [sflag:s22], s20  }
0x9f: {  	s4 =	ssub.s32 $0x0, s20;
	[sflag:s22] =	ssyncset.done $0x0  }
0xa0: {  	[sflag:s22] =	ssyncadd.s32 s4;
	_ =	sdelay $0x1  }
0xa1: {  	s23 =	simm.s32 $0x1B8B  }
0xa2: {  	_ =	swait.ge [sflag:s23], $0x1  }
0xa3: {  	[sflag:s23] =	ssyncset.done $0x0  }
0xa4: {  	s25 =	simm.s32 $0x1B8E;
	s24 =	sld [smem:$0x3FFE];
	[sflag:s23] =	ssyncadd.s32 $0xFFFFFFFF  }
0xa5: {  	s26 =	simm.s32 $execute0_lowered;
	[smem:$0x3FD2] =	sst s25  }
0xa6: {  	s5 =	sshll.u32 s26, $0x1;
	_ =	strace $0x80000046;
	[dreg:$0x1] =	wrdreg $0xFFFFFFFF  }
0xa7: {  	s28 =	simm.s32 $_size_execute0_lowered;
	s3 =	sadd.s32 s3, s5;
	[dreg:$0x0] =	wrdreg $0x0  }
0xa8: {  	s5 =	sshll.u32 s28, $0x1;
	[dreg:$0x2] =	wrdreg s3  }
0xa9: {  	[dreg:$0x3] =	wrdreg s5  }
0xaa: {  	[dreg:$0x4] =	wrdreg $0xC0  }
0xab: {  	_ =	task [dreg:s7], $0x5FFFF  }
0xac: {  	[dreg:$0x1] =	wrdreg $0xFFFFFFFF  }
0xad: {  	[dreg:$0x0] =	wrdreg $0x60  }
0xae: {  	[dreg:$0x2] =	wrdreg s2  }
0xaf: {  	[dreg:$0x3] =	wrdreg s24  }
0xb0: {  	[dreg:$0x4] =	wrdreg $0x58E00  }
0xb1: {  	[dreg:$0x5] =	wrdreg $0x9  }
0xb2: {  	_ =	task.clear_ibuf [dreg:s7], $0x6FFFF;
	_ =	strace $0x90000046  }
0xb3: {  	s29 =	simm.s32 $0x9;
	_ =	strace $0x80000048  }
0xb4: {  	_ =	swait.ge [sflag:s29], $0x1  }
0xb5: {  	[sflag:s29] =	ssyncadd.s32 $0xFFFFFFFF  }
0xb6: {  	_ =	strace $0x90000048  }
0xb7: {  	_ =	sfence  }
0xb8: {  	s30 =	sld [smem:$0x0];
	_ =	sdelay $0x2  }
0xb9: {  	s31 =	sshll.u32 s1, $0xD;
	s1 =	sshrl.u32 s1, $0x2  }
0xba: {  	s3 =	sand.u32 $0x4000, s31;
	s1 =	sadd.s32 s1, s30  }
0xbb: {  	s0 =	sor.u32 s3, s0;
	s1 =	sshll.u32 s1, $0x11  }
0xbc: {  	s0 =	sor.u32 s1, s0  }
0xbd: {  	s0 =	sadd.s32 $0x8F2B, s0  }
0xbe: {  	[sflag:s0] =	ssyncadd.remote.s32 $0x1  }
0xbf: {  	_ =	sfence.sel $0xFFFF  }
0xc0: {  	[dreg:$0x0] =	wrdreg $0xFFFFFFFF;
	(pc) =	sbr.abs _section_cstart, $3  }
0xc1: {  	[dreg:$0x1] =	wrdreg $0xFFFFFFFF  }
0xc2: {  	_ =	task.clear_ibuf [dreg:s7], $0x2FFFF;
	_ =	strace $0x9FFFFFFF  }
0xc3: {  	(tm) =	ssettm $0x7FFFFFFF  }
tec
execute0_lowered:
.L_overlay_start_1:
0x0: {  	(tag) =	ssettag $0x1  }
0x1: {  	s1 =	rddreg [dreg:$0x0]  }
0x2: {  	s0 =	rddreg [dreg:$0x1]  }
0x3: {  	s3 =	rddreg [dreg:$0x2]  }
0x4: {  	s2 =	srdreg.scid;
	s11 =	stileid.u32  }
0x5: {  	s4 =	simm.s32 $0x0;
	s28 =	simm.s32 $0xC00;
	s30 =	simm.s32 $0x2  }
0x6: {  	s14 =	simm.s32 $0x2800;
	s15 =	simm.s32 $0x3800;
	s16 =	simm.s32 $0x3000  }
0x7: {  	s17 =	simm.s32 $0x4;
	s29 =	simm.s32 $0x3C00;
	s8 =	smul.u32 $0x1880, s11  }
0x8: {  	s2 =	sand.u32 $0x1, s2;
	[smem:$0x7FF] =	sst s4;
	s10 =	smul.u32 $0xA800, s11  }
0x9: {  	s5 =	sadd.s32 $0x66A00, s0;
	s6 =	sadd.s32 $0x2800, s0;
	s11 =	smul.u32 $0xE800, s11  }
0xa: {  	s12 =	sadd.s32 $0x34800, s0;
	s7 =	smul.u32 $0x18800, s2;
	_ =	strace $0x80000047  }
0xb: {  	[dreg:$0x4] =	wrdreg s12;
	s13 =	ssub.s32 $0x2, s2;
	p0 =	seq.s32 s2, $0x0  }
0xc: {  	s12 =	simm.s32 $0x0;
	s19 =	sshrl.u32 s13, $0x1;
	s9 =	sadd.s32 s8, s7  }
0xd: {  	s24 =	sadd.s32 s8, s3;
	s7 =	sadd.s32 $0x34A00, s0;
	s9 =	sshrl.u32 s9, $0x3  }
0xe: {  	s8 =	simm.s32 $0x9;
	[dreg:$0x5] =	wrdreg s24;
	s18 =	sadd.s32 s9, s0  }
0xf: {  	s9 =	sadd.s32 $0xE8000, s10;
	s10 =	sadd.s32 $0x9EC00, s0;
	s0 =	ssub.s32 s13, s19  }
0x10: {  	s13 =	simm.s32 $0x3;
	s9 =	smov.u32 @p0 s11;
	s11 =	simm.s32 $0x1D  }
0x11: {  	s31 =	sadd.s32 $0x98A00, s18;
	s0 =	smax.u32 s0, $0x1;
	s18 =	simm.s32 $0x2C00  }
0x12: {  	s20 =	sshrl.u32 s9, $0x3;
	s11 =	simm.s32 @!p0 $0x15;
	[dreg:$0xc] =	wrdreg s31  }
0x13: {  	[dreg:$0xd] =	wrdreg s0;
	s0 =	simm.s32 $0x400;
	s21 =	sadd.s32 s5, s20  }
0x14: {  	s22 =	sadd.s32 s6, s20;
	s23 =	sadd.s32 s7, s20;
	[dreg:$0x6] =	wrdreg s21  }
0x15: {  	s2 =	sor.u32 $0x80, s20;
	s19 =	sadd.s32 $0xFFFFFFFF, s11;
	[dreg:$0x7] =	wrdreg s22  }
0x16: {  	s20 =	sadd.s32 $0x800, s9;
	[dreg:$0x8] =	wrdreg s23;
	s25 =	sadd.s32 s5, s2  }
0x17: {  	s26 =	sadd.s32 s6, s2;
	s2 =	sadd.s32 s7, s2;
	[dreg:$0x9] =	wrdreg s25  }
0x18: {  	s21 =	sor.u32 $0x400, s9;
	s22 =	sadd.s32 $0xC00, s9;
	[dreg:$0xa] =	wrdreg s26  }
0x19: {  	v0 =	vimm.f32 $0.0e+00;
	s23 =	simm.s32 $0x3400;
	[dreg:$0xb] =	wrdreg s2;
	s25 =	simm.s32 $0x4000  }
.LBB2_1:
0x1a: {  	[dreg:$0xe] =	wrdreg s12  }
0x1b: {  	s2 =	rddreg [dreg:$0x4]  }
0x1c: {  	[tilespmem:s25], [sflag:$0x9] =	stream.linear.gather [hbm4b:s2+s4], $0x60, $0x38;
	[tilespmem:$0x7160] =	vst v63  }
0x1d: {  	_ =	swait.ge [sflag:s8], $0x60  }
0x1e: {  	[sflag:s8] =	ssyncset.done $0x0  }
0x1f: {  	s12 =	simm.s32 $0x0;
	s2 =	simm.s32 $0x40;
	[sflag:s8] =	ssyncadd.s32 $0xFFFFFFA0  }
.LBB2_2:
0x20: {  	p0 =	sne.s32 s2, $0x61C0;
	[tilespmem:s12+$0x4060] =	vst v0;
	s12 =	smov.u32 s2;
	s2 =	sadd.s32 $0x40, s2  }
.Ltmp0:
0x21: {  	(pc) =	sbr.rel @p0 .LBB2_2-.Ltmp0, $2  }
0x22: {  	_ =	sdelay $0x2  }
0x23: {  	s12 =	sshra.s32 s12, $0x2  }
0x24: {  	[tilespmem:s12+$0x4060] =	vst v0;
	s2 =	simm.s32 $0x4060  }
0x25: {  	[spmem:s24] =	stream.linear.scatter [tilespmem:s2], [sflag:$0x9], $0x1880, $0x38;
	[tilespmem:$0x7160] =	vst v63  }
0x26: {  	_ =	swait.ge [sflag:s8], $0x1880  }
0x27: {  	[sflag:s8] =	ssyncset.done $0x0  }
0x28: {  	[sflag:s8] =	ssyncadd.s32 $0xFFFFE780  }
0x29: {  	[bflag:$0x0] =	sbarrier.arrive $0xFFFF  }
0x2a: {  	s12 =	simm.s32 $0x0;
	s8 =	rddreg [dreg:$0x6]  }
0x2b: {  	[tilespmem:s12], [sflag:$0x1] =	stream.linear.gather [hbm4b:s8+s12], $0x400, $0x38;
	[tilespmem:$0x7160] =	vst v63  }
0x2c: {  	s24 =	rddreg [dreg:$0x7];
	s8 =	simm.s32 $0x800  }
0x2d: {  	[tilespmem:s8], [sflag:$0x1] =	stream.linear.gather [hbm4b:s24+s12], $0x400, $0x38;
	[tilespmem:$0x7160] =	vst v63  }
0x2e: {  	s31 =	simm.s32 $0x1000;
	s26 =	rddreg [dreg:$0x8];
	s24 =	simm.s32 $0x1  }
0x2f: {  	[tilespmem:s31], [sflag:$0x1] =	stream.linear.gather [hbm4b:s26+s12], $0x400, $0x38;
	[tilespmem:$0x7160] =	vst v63  }
0x30: {  	_ =	swait.ge [sflag:s24], $0x400  }
0x31: {  	[sflag:s24] =	ssyncset.done $0x0  }
0x32: {  	[sflag:s24] =	ssyncadd.s32 $0xFFFFFC00  }
0x33: {  	_ =	swait.ge [sflag:s24], $0x400  }
0x34: {  	[sflag:s24] =	ssyncset.done $0x0  }
0x35: {  	[sflag:s24] =	ssyncadd.s32 $0xFFFFFC00  }
0x36: {  	_ =	swait.ge [sflag:s24], $0x400  }
0x37: {  	[sflag:s24] =	ssyncset.done $0x0  }
0x38: {  	s26 =	simm.s32 $0x1800;
	[sflag:s24] =	ssyncadd.s32 $0xFFFFFC00  }
0x39: {  	[tilespmem:s26], [sflag:$0x3] =	stream.indirect.gather [hbm4b:s1+s0], $0x1, s12, s0, $0xb8;
	[tilespmem:$0x7160] =	vst v63  }
0x3a: {  	s31 =	simm.s32 $0x2000  }
0x3b: {  	[tilespmem:s31], [sflag:$0x3] =	stream.indirect.gather [hbm4b:s1+s0], $0x1, s8, s0, $0xb8;
	[tilespmem:$0x7160] =	vst v63  }
0x3c: {  	s8 =	rddreg [dreg:$0x9]  }
0x3d: {  	[tilespmem:s0], [sflag:$0x2] =	stream.linear.gather [hbm4b:s8+s12], $0x400, $0x38;
	[tilespmem:$0x7160] =	vst v63  }
0x3e: {  	s24 =	rddreg [dreg:$0xa]  }
0x3f: {  	[tilespmem:s28], [sflag:$0x2] =	stream.linear.gather [hbm4b:s24+s12], $0x400, $0x38;
	[tilespmem:$0x7160] =	vst v63  }
0x40: {  	s26 =	rddreg [dreg:$0xb];
	s31 =	simm.s32 $0x1400  }
0x41: {  	[tilespmem:s31], [sflag:$0x2] =	stream.linear.gather [hbm4b:s26+s12], $0x400, $0x38;
	[tilespmem:$0x7160] =	vst v63  }
.LBB2_4:
0x42: {  	_ =	swait.ge [sflag:s30], $0x400  }
0x43: {  	[sflag:s30] =	ssyncset.done $0x0  }
0x44: {  	[sflag:s30] =	ssyncadd.s32 $0xFFFFFC00  }
0x45: {  	_ =	swait.ge [sflag:s30], $0x400  }
0x46: {  	[sflag:s30] =	ssyncset.done $0x0  }
0x47: {  	[sflag:s30] =	ssyncadd.s32 $0xFFFFFC00  }
0x48: {  	_ =	swait.ge [sflag:s30], $0x400  }
0x49: {  	[sflag:s30] =	ssyncset.done $0x0  }
0x4a: {  	s2 =	simm.s32 $0x1C00;
	[sflag:s30] =	ssyncadd.s32 $0xFFFFFC00  }
0x4b: {  	[tilespmem:s2], [sflag:$0x4] =	stream.indirect.gather [hbm4b:s1+s0], $0x1, s0, s0, $0xb8;
	[tilespmem:$0x7160] =	vst v63  }
0x4c: {  	s26 =	simm.s32 $0x2400  }
0x4d: {  	[tilespmem:s26], [sflag:$0x4] =	stream.indirect.gather [hbm4b:s1+s0], $0x1, s28, s0, $0xb8;
	[tilespmem:$0x7160] =	vst v63  }
0x4e: {  	_ =	swait.ge [sflag:s13], $0x400  }
0x4f: {  	[sflag:s13] =	ssyncset.done $0x0  }
0x50: {  	[sflag:s13] =	ssyncadd.s32 $0xFFFFFC00  }
0x51: {  	_ =	swait.ge [sflag:s13], $0x400  }
0x52: {  	p1 =	seq.s32 s12, $0x0;
	[sflag:s13] =	ssyncset.done $0x0  }
0x53: {  	s2 =	simm.s32 @!p1 $0x5;
	[sflag:s13] =	ssyncadd.s32 $0xFFFFFC00  }
0x54: {  	_ =	swait.ge @!p1 [sflag:s2], $0x400  }
0x55: {  	[sflag:s2] =	ssyncset.done @!p1 $0x0  }
0x56: {  	[sflag:s2] =	ssyncadd.s32 @!p1 $0xFFFFFC00;
	s2 =	simm.s32 @!p1 $0x7  }
0x57: {  	_ =	swait.ge @!p1 [sflag:s2], $0x400  }
0x58: {  	[sflag:s2] =	ssyncset.done @!p1 $0x0  }
0x59: {  	s31 =	simm.s32 $0x0;
	[sflag:s2] =	ssyncadd.s32 @!p1 $0xFFFFFC00  }
0x5a: {  	v1 =	vld [tilespmem:s31+$0x1800]  }
0x5b: {  	v2 =	vld [tilespmem:s31+$0x2000];
	_ =	sdelay $0x1  }
0x5c: {  	v3 =	vld [tilespmem:s31+$0x1000];
	_ =	sdelay $0x4  }
0x5d: {  	(erf) = vrcp.f32 v3;
	v4 =	vld.idx.msk [tilespmem:v1+s25+$0x0], $0xffff  }
0x5e: {  	v3 =	vld.idx.msk [tilespmem:v2+s25+$0x0], $0xffff;
	_ =	sdelay $0x4  }
0x5f: {  	v3 =	vadd.f32 v3, v4;
	_ =	sdelay $0x1  }
0x60: {  	v3 =	vmul.f32 $1.333333370e+00, v3  }
0x61: {  	v63 =	vpop (erf)  }
0x62: {  	v3 =	vmul.f32 v63, v3;
	_ =	sdelay $0x1  }
0x63: {  	v3 =	vadd.f32 $-1.000000000e+00, v3;
	_ =	sdelay $0x1  }
0x64: {  	v3 =	vmul.f32 $-1.600000000e+01, v3;
	_ =	sdelay $0x1  }
0x65: {  	v3 =	vmul.f32 $1.442695020e+00, v3;
	_ =	sdelay $0x1  }
0x66: {  	(erf) = vpow2.f32 v3;
	_ =	sdelay $0x6  }
0x67: {  	v1 =	vmul.u32 $0x5F, v1;
	_ =	sdelay $0x1  }
0x68: {  	v1 =	vadd.s32 v2, v1;
	v3 =	vld [tilespmem:s31+$0x0];
	v2 =	vpop (erf)  }
0x69: {  	[tilespmem:s31+$0x2800] =	vst v1;
	v1 =	vadd.f32 $1.000000000e+00, v2;
	_ =	sdelay $0x1  }
0x6a: {  	(erf) = vrcp.f32 v1;
	_ =	sdelay $0x1  }
0x6b: {  	s2 =	simm.s32 $0x10;
	[tilespmem:s31+$0x3800] =	vst v3  }
0x6c: {  	s24 =	simm.s32 $0x80;
	s26 =	sshll.u32 s12, $0xB;
	v1 =	vld [tilespmem:s2+$0x1800]  }
.LBB2_5:
0x6d: {  	p0 =	sne.s32 s24, $0xFC0;
	v2 =	vld [tilespmem:s2+$0x2000];
	_ =	sdelay $0x2  }
0x6e: {  	v3 =	vld [tilespmem:s2+$0x1000]  }
0x6f: {  	v4 =	vld [tilespmem:s2+$0x0]  }
0x70: {  	v5 =	vmul.u32 $0x5F, v1;
	v6 =	vpop (erf)  }
0x71: {  	[tilespmem:s31+$0x3000] =	vst v6;
	s31 =	smov.u32 s2  }
0x72: {  	v5 =	vadd.s32 v2, v5;
	v1 =	vld.idx.msk [tilespmem:v1+s25+$0x0], $0xffff  }
0x73: {  	v2 =	vld.idx.msk [tilespmem:v2+s25+$0x0], $0xffff;
	[tilespmem:s31+$0x2800] =	vst v5;
	(erf) = vrcp.f32 v3  }
0x74: {  	[tilespmem:s31+$0x3800] =	vst v4;
	_ =	sdelay $0x4  }
0x75: {  	v1 =	vadd.f32 v2, v1;
	_ =	sdelay $0x1  }
0x76: {  	v1 =	vmul.f32 $1.333333370e+00, v1  }
0x77: {  	v2 =	vpop (erf)  }
0x78: {  	v1 =	vmul.f32 v2, v1;
	_ =	sdelay $0x1  }
0x79: {  	v1 =	vadd.f32 $-1.000000000e+00, v1;
	_ =	sdelay $0x1  }
0x7a: {  	v1 =	vmul.f32 $-1.600000000e+01, v1;
	_ =	sdelay $0x1  }
0x7b: {  	v1 =	vmul.f32 $1.442695020e+00, v1;
	_ =	sdelay $0x1  }
0x7c: {  	(erf) = vpow2.f32 v1;
	_ =	sdelay $0x8  }
0x7d: {  	v1 =	vpop (erf)  }
0x7e: {  	v1 =	vadd.f32 $1.000000000e+00, v1  }
.Ltmp1:
0x7f: {  	(pc) =	sbr.rel @p0 .LBB2_5-.Ltmp1, $3  }
0x80: {  	(erf) = vrcp.f32 v1;
	_ =	sdelay $0x1  }
0x81: {  	s2 =	sshra.s32 s24, $0x2  }
0x82: {  	s24 =	sadd.s32 $0x40, s24;
	v1 =	vld [tilespmem:s2+$0x1800]  }
0x83: {  	_ = 	snop  }
0x84: {  	v2 =	vld [tilespmem:s2+$0x2000];
	_ =	sdelay $0x1  }
0x85: {  	v3 =	vld [tilespmem:s2+$0x1000];
	_ =	sdelay $0x2  }
0x86: {  	v5 =	vpop (erf)  }
0x87: {  	v4 =	vld [tilespmem:s2+$0x0];
	[tilespmem:s31+$0x3000] =	vst v5  }
0x88: {  	(erf) = vrcp.f32 v3;
	v5 =	vld.idx.msk [tilespmem:v1+s25+$0x0], $0xffff  }
0x89: {  	v3 =	vld.idx.msk [tilespmem:v2+s25+$0x0], $0xffff;
	_ =	sdelay $0x4  }
0x8a: {  	v3 =	vadd.f32 v3, v5;
	_ =	sdelay $0x1  }
0x8b: {  	v3 =	vmul.f32 $1.333333370e+00, v3  }
0x8c: {  	v61 =	vpop (erf)  }
0x8d: {  	v3 =	vmul.f32 v61, v3;
	_ =	sdelay $0x1  }
0x8e: {  	v3 =	vadd.f32 $-1.000000000e+00, v3;
	_ =	sdelay $0x1  }
0x8f: {  	v3 =	vmul.f32 $-1.600000000e+01, v3;
	_ =	sdelay $0x1  }
0x90: {  	v3 =	vmul.f32 $1.442695020e+00, v3;
	_ =	sdelay $0x1  }
0x91: {  	(erf) = vpow2.f32 v3;
	_ =	sdelay $0x8  }
0x92: {  	v3 =	vpop (erf)  }
0x93: {  	v3 =	vadd.f32 $1.000000000e+00, v3;
	_ =	sdelay $0x1  }
0x94: {  	(erf) = vrcp.f32 v3;
	_ =	sdelay $0x3  }
0x95: {  	v1 =	vmul.u32 $0x5F, v1;
	_ =	sdelay $0x1  }
0x96: {  	v1 =	vadd.s32 v2, v1;
	_ =	sdelay $0x1  }
0x97: {  	s24 =	sadd.s32 s9, s26;
	[tilespmem:s2+$0x3800] =	vst v4  }
0x98: {  	p0 =	sge.u32 s12, s19;
	s24 =	sshrl.u32 s24, $0x3;
	[tilespmem:s2+$0x2800] =	vst v1;
	v1 =	vpop (erf)  }
0x99: {  	s24 =	sadd.s32 s10, s24;
	[tilespmem:s2+$0x3000] =	vst v1;
	s2 =	sadd.s32 @!p0 s26, s20  }
0x9a: {  	[hbm4b:s24+s4] =	stream.linear.scatter [tilespmem:s14], [sflag:$0x5], $0x400, $0x38;
	[tilespmem:$0x7160] =	vst v63  }
0x9b: {  	s2 =	sshrl.u32 @!p0 s2, $0x3  }
0x9c: {  	[spmem:s3] =	stream.indirect.scatter.add.f32 [tilespmem:s16], [sflag:$0x7], $0x1, s15, s0, $0xb8;
	[tilespmem:$0x7160] =	vst v63  }
0x9d: {  	s31 =	simm.s32 @!p0 $0x0;
	s24 =	sadd.s32 @!p0 s5, s2  }
0x9e: {  	[tilespmem:s31], [sflag:$0x1] =	stream.linear.gather @!p0 [hbm4b:s24+s31], $0x400, $0x38;
	[tilespmem:$0x7160] =	vst v63  }
0x9f: {  	s8 =	simm.s32 @!p0 $0x800;
	s24 =	sadd.s32 @!p0 s6, s2  }
0xa0: {  	[tilespmem:s8], [sflag:$0x1] =	stream.linear.gather @!p0 [hbm4b:s24+s31], $0x400, $0x38;
	[tilespmem:$0x7160] =	vst v63  }
0xa1: {  	s2 =	sadd.s32 @!p0 s7, s2;
	s24 =	simm.s32 @!p0 $0x1000  }
0xa2: {  	[tilespmem:s24], [sflag:$0x1] =	stream.linear.gather @!p0 [hbm4b:s2+s31], $0x400, $0x38;
	[tilespmem:$0x7160] =	vst v63  }
0xa3: {  	s2 =	simm.s32 @!p0 $0x1  }
0xa4: {  	_ =	swait.ge @!p0 [sflag:s2], $0x400  }
0xa5: {  	[sflag:s2] =	ssyncset.done @!p0 $0x0  }
0xa6: {  	[sflag:s2] =	ssyncadd.s32 @!p0 $0xFFFFFC00  }
0xa7: {  	_ =	swait.ge @!p0 [sflag:s2], $0x400  }
0xa8: {  	[sflag:s2] =	ssyncset.done @!p0 $0x0  }
0xa9: {  	[sflag:s2] =	ssyncadd.s32 @!p0 $0xFFFFFC00  }
0xaa: {  	_ =	swait.ge @!p0 [sflag:s2], $0x400  }
0xab: {  	[sflag:s2] =	ssyncset.done @!p0 $0x0  }
0xac: {  	s24 =	simm.s32 @!p0 $0x1800;
	[sflag:s2] =	ssyncadd.s32 @!p0 $0xFFFFFC00;
	s2 =	simm.s32 @!p0 $0x400  }
0xad: {  	[tilespmem:s24], [sflag:$0x3] =	stream.indirect.gather @!p0 [hbm4b:s1+s2], $0x1, s31, s2, $0xb8;
	[tilespmem:$0x7160] =	vst v63  }
0xae: {  	s24 =	simm.s32 @!p0 $0x2000  }
0xaf: {  	[tilespmem:s24], [sflag:$0x3] =	stream.indirect.gather @!p0 [hbm4b:s1+s2], $0x1, s8, s2, $0xb8;
	[tilespmem:$0x7160] =	vst v63  }
0xb0: {  	_ =	swait.ge [sflag:s17], $0x400  }
0xb1: {  	[sflag:s17] =	ssyncset.done $0x0  }
0xb2: {  	[sflag:s17] =	ssyncadd.s32 $0xFFFFFC00  }
0xb3: {  	_ =	swait.ge [sflag:s17], $0x400  }
0xb4: {  	[sflag:s17] =	ssyncset.done $0x0  }
0xb5: {  	s2 =	simm.s32 @!p1 $0x6;
	[sflag:s17] =	ssyncadd.s32 $0xFFFFFC00  }
0xb6: {  	_ =	swait.ge @!p1 [sflag:s2], $0x400  }
0xb7: {  	[sflag:s2] =	ssyncset.done @!p1 $0x0  }
0xb8: {  	[sflag:s2] =	ssyncadd.s32 @!p1 $0xFFFFFC00;
	s2 =	simm.s32 @!p1 $0x8  }
0xb9: {  	_ =	swait.ge @!p1 [sflag:s2], $0x400  }
0xba: {  	[sflag:s2] =	ssyncset.done @!p1 $0x0  }
0xbb: {  	s31 =	simm.s32 $0x0;
	[sflag:s2] =	ssyncadd.s32 @!p1 $0xFFFFFC00  }
0xbc: {  	v1 =	vld [tilespmem:s31+$0x1C00]  }
0xbd: {  	v2 =	vld [tilespmem:s31+$0x2400];
	_ =	sdelay $0x1  }
0xbe: {  	v3 =	vld [tilespmem:s31+$0x1400];
	_ =	sdelay $0x4  }
0xbf: {  	(erf) = vrcp.f32 v3;
	v62 =	vld.idx.msk [tilespmem:v1+s25+$0x0], $0xffff  }
0xc0: {  	v3 =	vld.idx.msk [tilespmem:v2+s25+$0x0], $0xffff;
	_ =	sdelay $0x4  }
0xc1: {  	v3 =	vadd.f32 v3, v62;
	_ =	sdelay $0x1  }
0xc2: {  	v3 =	vmul.f32 $1.333333370e+00, v3  }
0xc3: {  	v63 =	vpop (erf)  }
0xc4: {  	v3 =	vmul.f32 v63, v3;
	_ =	sdelay $0x1  }
0xc5: {  	v3 =	vadd.f32 $-1.000000000e+00, v3;
	_ =	sdelay $0x1  }
0xc6: {  	v3 =	vmul.f32 $-1.600000000e+01, v3;
	_ =	sdelay $0x1  }
0xc7: {  	v3 =	vmul.f32 $1.442695020e+00, v3;
	_ =	sdelay $0x1  }
0xc8: {  	(erf) = vpow2.f32 v3;
	_ =	sdelay $0x6  }
0xc9: {  	v1 =	vmul.u32 $0x5F, v1;
	_ =	sdelay $0x1  }
0xca: {  	v1 =	vadd.s32 v2, v1;
	v3 =	vld [tilespmem:s31+$0x400];
	v2 =	vpop (erf)  }
0xcb: {  	[tilespmem:s31+$0x2C00] =	vst v1;
	v1 =	vadd.f32 $1.000000000e+00, v2;
	_ =	sdelay $0x1  }
0xcc: {  	(erf) = vrcp.f32 v1;
	_ =	sdelay $0x1  }
0xcd: {  	s2 =	simm.s32 $0x10;
	[tilespmem:s31+$0x3C00] =	vst v3  }
0xce: {  	s24 =	simm.s32 $0x80;
	v1 =	vld [tilespmem:s2+$0x1C00]  }
.LBB2_7:
0xcf: {  	p1 =	sne.s32 s24, $0xFC0;
	v2 =	vld [tilespmem:s2+$0x2400];
	_ =	sdelay $0x2  }
0xd0: {  	v3 =	vld [tilespmem:s2+$0x1400]  }
0xd1: {  	v4 =	vld [tilespmem:s2+$0x400]  }
0xd2: {  	v5 =	vmul.u32 $0x5F, v1;
	v6 =	vpop (erf)  }
0xd3: {  	[tilespmem:s31+$0x3400] =	vst v6;
	s31 =	smov.u32 s2  }
0xd4: {  	v5 =	vadd.s32 v2, v5;
	v1 =	vld.idx.msk [tilespmem:v1+s25+$0x0], $0xffff  }
0xd5: {  	v2 =	vld.idx.msk [tilespmem:v2+s25+$0x0], $0xffff;
	[tilespmem:s31+$0x2C00] =	vst v5;
	(erf) = vrcp.f32 v3  }
0xd6: {  	[tilespmem:s31+$0x3C00] =	vst v4;
	_ =	sdelay $0x4  }
0xd7: {  	v1 =	vadd.f32 v2, v1;
	_ =	sdelay $0x1  }
0xd8: {  	v1 =	vmul.f32 $1.333333370e+00, v1  }
0xd9: {  	v2 =	vpop (erf)  }
0xda: {  	v1 =	vmul.f32 v2, v1;
	_ =	sdelay $0x1  }
0xdb: {  	v1 =	vadd.f32 $-1.000000000e+00, v1;
	_ =	sdelay $0x1  }
0xdc: {  	v1 =	vmul.f32 $-1.600000000e+01, v1;
	_ =	sdelay $0x1  }
0xdd: {  	v1 =	vmul.f32 $1.442695020e+00, v1;
	_ =	sdelay $0x1  }
0xde: {  	(erf) = vpow2.f32 v1;
	_ =	sdelay $0x8  }
0xdf: {  	v1 =	vpop (erf)  }
0xe0: {  	v1 =	vadd.f32 $1.000000000e+00, v1  }
.Ltmp2:
0xe1: {  	(pc) =	sbr.rel @p1 .LBB2_7-.Ltmp2, $3  }
0xe2: {  	(erf) = vrcp.f32 v1;
	_ =	sdelay $0x1  }
0xe3: {  	s2 =	sshra.s32 s24, $0x2  }
0xe4: {  	s24 =	sadd.s32 $0x40, s24;
	v1 =	vld [tilespmem:s2+$0x1C00]  }
0xe5: {  	_ = 	snop  }
0xe6: {  	v2 =	vld [tilespmem:s2+$0x2400];
	_ =	sdelay $0x1  }
0xe7: {  	v3 =	vld [tilespmem:s2+$0x1400];
	_ =	sdelay $0x2  }
0xe8: {  	v5 =	vpop (erf)  }
0xe9: {  	v4 =	vld [tilespmem:s2+$0x400];
	[tilespmem:s31+$0x3400] =	vst v5  }
0xea: {  	(erf) = vrcp.f32 v3;
	v5 =	vld.idx.msk [tilespmem:v1+s25+$0x0], $0xffff  }
0xeb: {  	v3 =	vld.idx.msk [tilespmem:v2+s25+$0x0], $0xffff;
	_ =	sdelay $0x4  }
0xec: {  	v3 =	vadd.f32 v3, v5;
	_ =	sdelay $0x1  }
0xed: {  	v3 =	vmul.f32 $1.333333370e+00, v3  }
0xee: {  	v63 =	vpop (erf)  }
0xef: {  	v3 =	vmul.f32 v63, v3;
	_ =	sdelay $0x1  }
0xf0: {  	v3 =	vadd.f32 $-1.000000000e+00, v3;
	_ =	sdelay $0x1  }
0xf1: {  	v3 =	vmul.f32 $-1.600000000e+01, v3;
	_ =	sdelay $0x1  }
0xf2: {  	v3 =	vmul.f32 $1.442695020e+00, v3;
	_ =	sdelay $0x1  }
0xf3: {  	(erf) = vpow2.f32 v3;
	_ =	sdelay $0x8  }
0xf4: {  	v3 =	vpop (erf)  }
0xf5: {  	v3 =	vadd.f32 $1.000000000e+00, v3;
	_ =	sdelay $0x1  }
0xf6: {  	(erf) = vrcp.f32 v3;
	_ =	sdelay $0x3  }
0xf7: {  	v1 =	vmul.u32 $0x5F, v1;
	_ =	sdelay $0x1  }
0xf8: {  	v1 =	vadd.s32 v2, v1;
	_ =	sdelay $0x1  }
0xf9: {  	s8 =	sadd.s32 s26, s21;
	[tilespmem:s2+$0x3C00] =	vst v4  }
0xfa: {  	s8 =	sshrl.u32 s8, $0x3;
	[tilespmem:s2+$0x2C00] =	vst v1;
	v1 =	vpop (erf)  }
0xfb: {  	s31 =	sadd.s32 s10, s8;
	[tilespmem:s2+$0x3400] =	vst v1;
	s2 =	sadd.s32 @!p0 s26, s22  }
0xfc: {  	[hbm4b:s31+s4] =	stream.linear.scatter [tilespmem:s18], [sflag:$0x6], $0x400, $0x38;
	[tilespmem:$0x7160] =	vst v63  }
0xfd: {  	s2 =	sshrl.u32 @!p0 s2, $0x3  }
0xfe: {  	[spmem:s3] =	stream.indirect.scatter.add.f32 [tilespmem:s23], [sflag:$0x8], $0x1, s29, s0, $0xb8;
	[tilespmem:$0x7160] =	vst v63  }
0xff: {  	s24 =	simm.s32 @!p0 $0x0;
	s26 =	simm.s32 @!p0 $0x400;
	s8 =	sadd.s32 @!p0 s5, s2  }
0x100: {  	[tilespmem:s26], [sflag:$0x2] =	stream.linear.gather @!p0 [hbm4b:s8+s24], $0x400, $0x38;
	[tilespmem:$0x7160] =	vst v63  }
0x101: {  	s8 =	sadd.s32 @!p0 s6, s2;
	s26 =	simm.s32 @!p0 $0xC00  }
0x102: {  	[tilespmem:s26], [sflag:$0x2] =	stream.linear.gather @!p0 [hbm4b:s8+s24], $0x400, $0x38;
	[tilespmem:$0x7160] =	vst v63  }
0x103: {  	s12 =	sadd.s32 $0x1, s12;
	s2 =	sadd.s32 @!p0 s7, s2;
	s8 =	simm.s32 @!p0 $0x1400  }
0x104: {  	[tilespmem:s8], [sflag:$0x2] =	stream.linear.gather @!p0 [hbm4b:s2+s24], $0x400, $0x38;
	[tilespmem:$0x7160] =	vst v63  }
0x105: {  	p0 =	sne.s32 s12, s11  }
.Ltmp3:
0x106: {  	_ = 	snop;
	(pc) =	sbr.rel @p0 .LBB2_4-.Ltmp3, $1  }
0x107: {  	_ =	sdelay $0x3  }
0x108: {  	s2 =	simm.s32 $0x5  }
0x109: {  	_ =	swait.ge [sflag:s2], $0x400  }
0x10a: {  	[sflag:s2] =	ssyncset.done $0x0  }
0x10b: {  	s31 =	simm.s32 $0x6;
	[sflag:s2] =	ssyncadd.s32 $0xFFFFFC00  }
0x10c: {  	_ =	swait.ge [sflag:s31], $0x400  }
0x10d: {  	[sflag:s31] =	ssyncset.done $0x0  }
0x10e: {  	s8 =	simm.s32 $0x7;
	[sflag:s31] =	ssyncadd.s32 $0xFFFFFC00  }
0x10f: {  	_ =	swait.ge [sflag:s8], $0x400  }
0x110: {  	[sflag:s8] =	ssyncset.done $0x0  }
0x111: {  	s12 =	simm.s32 $0x8;
	[sflag:s8] =	ssyncadd.s32 $0xFFFFFC00  }
0x112: {  	_ =	swait.ge [sflag:s12], $0x400  }
0x113: {  	[sflag:s12] =	ssyncset.done $0x0  }
0x114: {  	[sflag:s12] =	ssyncadd.s32 $0xFFFFFC00  }
0x115: {  	s24 =	stileid.u32;
	[bflag:$0x0] =	sbarrier.arrive $0xFFFF  }
0x116: {  	s2 =	sshll.u32 s24, $0x6;
	s24 =	rddreg [dreg:$0x5]  }
0x117: {  	s2 =	sor.u32 $0x1C09, s2;
	s12 =	rddreg [dreg:$0xc];
	s8 =	sshrl.u32 s24, $0x3  }
0x118: {  	[hbm:s12], [sflag:s2] =	dma.local [spmem:s8], $0x310  }
0x119: {  	s8 =	simm.s32 $0x9  }
0x11a: {  	_ =	swait.ge [sflag:s8], $0x310  }
0x11b: {  	s26 =	rddreg [dreg:$0xe]  }
0x11c: {  	s31 =	rddreg [dreg:$0xd];
	s12 =	sadd.s32 $0x1, s26  }
0x11d: {  	p0 =	sne.s32 s12, s31  }
.Ltmp4:
0x11e: {  	_ = 	snop;
	(pc) =	sbr.rel @p0 .LBB2_1-.Ltmp4, $3  }
0x11f: {  	_ =	sdelay $0x1  }
0x120: {  	[sflag:s8] =	ssyncset.done $0x0  }
0x121: {  	[sflag:s8] =	ssyncadd.s32 $0xFFFFFCF0  }
0x122: {  	_ =	sfence.sel $0x180000  }
0x123: {  	[bflag:$0x0] =	sbarrier.arrive $0xFFFF  }
0x124: {  	_ =	strace $0x90000047  }
0x125: {  	s0 =	stileid.u32;
	[bflag:$0x2] =	sbarrier.arrive $0xFFFF  }
0x126: {  	p0 =	sne.s32 s0, $0x0;
	s0 =	rddreg [dreg:$0x3]  }
0x127: {  	s0 =	sadd.s32 @!p0 $0x100000, s0  }
0x128: {  	[sflag:s0] =	ssyncadd.tile.s32 @!p0 $0x1;
	_ =	shalt  }
.Lfunc_end2:
_tile_overlayer_lowered:
.L_overlay_start_2:
0x129: {  	(tag) =	ssettag $0x2  }
0x12a: {  	s0 =	rddreg [dreg:$0x0];
	s2 =	stileid.u32  }
0x12b: {  	s1 =	rddreg [dreg:$0x1];
	p0 =	sne.s32 s2, $0x0  }
0x12c: {  	s3 =	rddreg [dreg:$0x2];
	[bflag:$0x3] =	sbarrier.arrive $0xFFFF;
	s2 =	simm.s32 @!p0 $0x1C09  }
0x12d: {  	[timem:s3], [sflag:s2] =	dma.local @!p0 [hbm:s0], s1  }
0x12e: {  	s0 =	simm.s32 @!p0 $0x9  }
0x12f: {  	_ =	swait.ge @!p0 [sflag:s0], s1  }
0x130: {  	s1 =	ssub.s32 @!p0 $0x0, s1;
	[sflag:s0] =	ssyncset.done @!p0 $0x0  }
0x131: {  	[sflag:s0] =	ssyncadd.s32 @!p0 s1  }
0x132: {  	[bflag:$0x3] =	sbarrier.arrive $0xFFFF  }
0x133: {  	_ =	shalt  }

// kernel: kernel.9.cloned.1.call-start
scs
__scs_entry_jumppad:
0x0: {  	(pc) =	sbr.rel $0x88, $3  }
0x1: {  	(tag) =	ssettag $0x0;
	lr =	simm.s32 $0x1  }
0x2: {  	[smem:$0x3F99] =	sst lr;
	_ =	strace $0xD0000000  }
0x3: {  	_ = 	snop  }
0x4: {  	_ = 	snop  }
0x5: {  	_ = 	snop  }
0x6: {  	_ = 	snop  }
0x7: {  	_ = 	snop  }
__scs_overlays_trampoline_lowered:
0x8: {  	[smem:$0x3FA8] =	sst s0  }
0x9: {  	[smem:$0x3FA9] =	sst s1  }
0xa: {  	[smem:$0x3FAA] =	sst s2  }
0xb: {  	[smem:$0x3FAB] =	sst s3  }
0xc: {  	[smem:$0x3FAC] =	sst s4  }
0xd: {  	[smem:$0x3FAD] =	sst s5  }
0xe: {  	[smem:$0x3FAE] =	sst s6  }
0xf: {  	[smem:$0x3FAF] =	sst s7  }
0x10: {  	[smem:$0x3FB0] =	sst s8  }
0x11: {  	[smem:$0x3FB1] =	sst s9;
	s0 =	simm.s32 @!p0 $0x0  }
0x12: {  	s1 =	sld [smem:$0x3F97];
	s0 =	simm.s32 @p0 $0x1  }
0x13: {  	[smem:$0x3FB2] =	sst s0;
	s0 =	simm.s32 @!p1 $0x0  }
0x14: {  	s2 =	sld [smem:$0x3F96];
	s0 =	simm.s32 @p1 $0x1  }
0x15: {  	[smem:$0x3FB3] =	sst s0;
	s0 =	simm.s32 @!p2 $0x0  }
0x16: {  	s3 =	sld [smem:$0x3FDB];
	s0 =	simm.s32 @p2 $0x1  }
0x17: {  	s4 =	simm.s32 $0x1BF5;
	[smem:$0x3FB5] =	sst s0  }
0x18: {  	s0 =	sld [smem:$0x3F98];
	_ =	swait.ge [sflag:s4], $0x0  }
0x19: {  	s7 =	sld [smem:$0x3F99]  }
0x1a: {  	s8 =	sadd.s32 $0xFFFFE003, lr  }
0x1b: {  	s9 =	sadd.s32 $0xFFFFFEF7, lr;
	s5 =	simm.s32 $0xFFFFFFFF;
	p2 =	slt.u32 s8, $0xFFFFF086  }
0x1c: {  	p1 =	slt.u32 s9, $0xF7A;
	s5 =	simm.s32 @!p2 $0x0  }
0x1d: {  	s5 =	simm.s32 @p1 $0x1;
	p0 =	seq.s32 s7, s2  }
0x1e: {  	s7 =	smul.u32 @!p0 $0xF7A, s2;
	p2 =	seq.s32 @!p0 s5, $0x0  }
0x1f: {  	s9 =	smul.u32 $0xF7A, s1;
	s8 =	simm.s32 @!p0 $0x1BF5;
	p2 =	por !p2, p0  }
0x20: {  	[sflag:s8] =	ssyncset.s32 @!p0 $0xFFFFF086;
	s6 =	sadd.s32 @!p0 s3, s7;
	s7 =	simm.s32 @!p0 $0x108  }
0x21: {  	s3 =	sadd.s32 s3, s9;
	s6 =	sadd.s32 @!p0 $0x88, s6;
	s7 =	simm.s32 @p2 $0x1082  }
0x22: {  	[simem:s7], [sflag:s8] =	dma.local @!p0 [hbm:s6], $0xF7A  }
0x23: {  	s9 =	sor.u32 $0xD0000000, s2;
	s6 =	simm.s32 $0x108;
	_ =	swait.ge @!p0 [sflag:s8], $0x0  }
0x24: {  	s3 =	sadd.s32 $0x88, s3;
	s6 =	simm.s32 @!p1 $0x1082;
	[sflag:s4] =	ssyncset.s32 $0xFFFFF086  }
0x25: {  	[simem:s6], [sflag:s4] =	dma.local [hbm:s3], $0xF7A  }
0x26: {  	[smem:$0x3F99] =	sst s1;
	(tag) =	ssettag s2;
	_ =	strace s9  }
0x27: {  	s1 =	sld [smem:$0x3FA9]  }
0x28: {  	s2 =	sld [smem:$0x3FAA]  }
0x29: {  	s4 =	sld [smem:$0x3FAC]  }
0x2a: {  	p0 =	seq.s32 s5, $0x0;
	s5 =	sld [smem:$0x3FAD]  }
0x2b: {  	s6 =	sld [smem:$0x3FAE]  }
0x2c: {  	s7 =	sld [smem:$0x3FAF]  }
0x2d: {  	s3 =	simm.s32 $0x108;
	s8 =	sld [smem:$0x3FB0]  }
0x2e: {  	s3 =	simm.s32 @!p0 $0x1082;
	s9 =	sld [smem:$0x3FB1]  }
0x2f: {  	lr =	sadd.s32 s0, s3;
	s0 =	sld [smem:$0x3FA8]  }
0x30: {  	s3 =	sld [smem:$0x3FAB]  }
0x31: {  	[smem:$0x3FB4] =	sst s10  }
0x32: {  	s10 =	sld [smem:$0x3FB2];
	_ =	sdelay $0x3  }
0x33: {  	p0 =	seq.s32 s10, $0x1;
	s10 =	sld [smem:$0x3FB4];
	_ =	sdelay $0x3  }
0x34: {  	[smem:$0x3FB4] =	sst s10  }
0x35: {  	s10 =	sld [smem:$0x3FB3];
	_ =	sdelay $0x3  }
0x36: {  	p1 =	seq.s32 s10, $0x1;
	s10 =	sld [smem:$0x3FB4];
	_ =	sdelay $0x3  }
0x37: {  	[smem:$0x3FB4] =	sst s10  }
0x38: {  	s10 =	sld [smem:$0x3FB5]  }
0x39: {  	_ = 	snop;
	(pc) =	sbr.ind lr, $3  }
0x3a: {  	_ = 	snop  }
0x3b: {  	_ = 	snop  }
0x3c: {  	p2 =	seq.s32 s10, $0x1;
	s10 =	sld [smem:$0x3FB4]  }
0x3d: {  	_ =	shalt  }
0x3e: {  	_ =	shalt  }
0x3f: {  	_ =	shalt  }
0x40: {  	_ =	shalt  }
0x41: {  	_ =	shalt  }
0x42: {  	_ =	shalt  }
0x43: {  	_ =	shalt  }
0x44: {  	_ =	shalt  }
0x45: {  	_ =	shalt  }
0x46: {  	_ =	shalt  }
0x47: {  	_ =	shalt  }
0x48: {  	_ =	shalt  }
0x49: {  	_ =	shalt  }
0x4a: {  	_ =	shalt  }
0x4b: {  	_ =	shalt  }
0x4c: {  	_ =	shalt  }
0x4d: {  	_ =	shalt  }
0x4e: {  	_ =	shalt  }
0x4f: {  	_ =	shalt  }
0x50: {  	_ =	shalt  }
0x51: {  	_ =	shalt  }
0x52: {  	_ =	shalt  }
0x53: {  	_ =	shalt  }
0x54: {  	_ =	shalt  }
0x55: {  	_ =	shalt  }
0x56: {  	_ =	shalt  }
0x57: {  	_ =	shalt  }
0x58: {  	_ =	shalt  }
0x59: {  	_ =	shalt  }
0x5a: {  	_ =	shalt  }
0x5b: {  	_ =	shalt  }
0x5c: {  	_ =	shalt  }
0x5d: {  	_ =	shalt  }
0x5e: {  	_ =	shalt  }
0x5f: {  	_ =	shalt  }
0x60: {  	_ =	shalt  }
0x61: {  	_ =	shalt  }
0x62: {  	_ =	shalt  }
0x63: {  	_ =	shalt  }
0x64: {  	_ =	shalt  }
0x65: {  	_ =	shalt  }
0x66: {  	_ =	shalt  }
0x67: {  	_ =	shalt  }
0x68: {  	_ =	shalt  }
0x69: {  	_ =	shalt  }
0x6a: {  	_ =	shalt  }
0x6b: {  	_ =	shalt  }
0x6c: {  	_ =	shalt  }
0x6d: {  	_ =	shalt  }
0x6e: {  	_ =	shalt  }
0x6f: {  	_ =	shalt  }
0x70: {  	_ =	shalt  }
0x71: {  	_ =	shalt  }
0x72: {  	_ =	shalt  }
0x73: {  	_ =	shalt  }
0x74: {  	_ =	shalt  }
0x75: {  	_ =	shalt  }
0x76: {  	_ =	shalt  }
0x77: {  	_ =	shalt  }
0x78: {  	_ =	shalt  }
0x79: {  	_ =	shalt  }
0x7a: {  	_ =	shalt  }
0x7b: {  	_ =	shalt  }
0x7c: {  	_ =	shalt  }
0x7d: {  	_ =	shalt  }
0x7e: {  	_ =	shalt  }
0x7f: {  	_ =	shalt  }
0x80: {  	_ =	shalt  }
0x81: {  	_ =	shalt  }
0x82: {  	_ =	shalt  }
0x83: {  	_ =	shalt  }
0x84: {  	_ =	shalt  }
0x85: {  	_ =	shalt  }
0x86: {  	_ =	shalt  }
0x87: {  	_ =	shalt  }
.Lfunc_end0:
.L_simem_size_0:
called_computation.1_lowered:
.L_overlay_start_0:
0x88: {  	s2 =	sld [smem:$0x3FD9]  }
0x89: {  	s3 =	sld [smem:$0x3FFE];
	_ =	sdelay $0x1  }
0x8a: {  	s1 =	srdreg.scid  }
0x8b: {  	s0 =	sand.u32 $0x1, s1  }
0x8c: {  	s17 =	sshll.u32 s0, $0xA;
	s2 =	sadd.s32 s3, s2  }
0x8d: {  	s2 =	sadd.s32 s2, s17  }
0x8e: {  	[smem:$0x3FC0] =	sst s2  }
0x8f: {  	_ = 	snop  }
0x90: {  	s2 =	sld [smem:$0x3FD0];
	(tm) =	ssettm $0x1  }
0x91: {  	s18 =	sld [smem:$0x3FFB];
	_ =	sdelay $0x3  }
0x92: {  	_ =	strace s18  }
0x93: {  	s3 =	sld [smem:$0x3FFC];
	_ =	sdelay $0x3  }
0x94: {  	_ =	strace s3  }
0x95: {  	s3 =	sld [smem:$0x3FFD];
	_ =	sdelay $0x3  }
0x96: {  	_ =	strace s3  }
0x97: {  	_ =	strace $0x8FFFFFFF  }
0x98: {  	s19 =	sld [smem:$0x3FDB];
	_ =	sdelay $0x1  }
0x99: {  	s4 =	simm.s32 $_scs_section_size  }
0x9a: {  	s5 =	simm.s32 $_size__tile_overlayer_lowered;
	s6 =	simm.s32 $_tile_overlayer_lowered  }
0x9b: {  	s22 =	simm.s32 $0x1BFF;
	s21 =	sshll.u32 s6, $0x1;
	s3 =	sadd.s32 s4, s19  }
0x9c: {  	s7 =	simm.s32 $0x0;
	s20 =	sshll.u32 s5, $0x1;
	s5 =	sadd.s32 s21, s3  }
0x9d: {  	[timem:s7], [sflag:s22] =	dma.local [hbm:s5], s20  }
0x9e: {  	_ =	swait.ge [sflag:s22], s20  }
0x9f: {  	s4 =	ssub.s32 $0x0, s20;
	[sflag:s22] =	ssyncset.done $0x0  }
0xa0: {  	[sflag:s22] =	ssyncadd.s32 s4;
	_ =	sdelay $0x1  }
0xa1: {  	s23 =	simm.s32 $0x1B8B  }
0xa2: {  	_ =	swait.ge [sflag:s23], $0x1  }
0xa3: {  	[sflag:s23] =	ssyncset.done $0x0  }
0xa4: {  	s25 =	simm.s32 $0x1B8E;
	s24 =	sld [smem:$0x3FFE];
	[sflag:s23] =	ssyncadd.s32 $0xFFFFFFFF  }
0xa5: {  	s26 =	simm.s32 $execute0_lowered;
	[smem:$0x3FD2] =	sst s25  }
0xa6: {  	s5 =	sshll.u32 s26, $0x1;
	_ =	strace $0x80000049;
	[dreg:$0x1] =	wrdreg $0xFFFFFFFF  }
0xa7: {  	s28 =	simm.s32 $_size_execute0_lowered;
	s3 =	sadd.s32 s3, s5;
	[dreg:$0x0] =	wrdreg $0x0  }
0xa8: {  	s5 =	sshll.u32 s28, $0x1;
	[dreg:$0x2] =	wrdreg s3  }
0xa9: {  	[dreg:$0x3] =	wrdreg s5  }
0xaa: {  	[dreg:$0x4] =	wrdreg $0xC0  }
0xab: {  	_ =	task [dreg:s7], $0x5FFFF  }
0xac: {  	[dreg:$0x1] =	wrdreg $0xFFFFFFFF  }
0xad: {  	[dreg:$0x0] =	wrdreg $0x60  }
0xae: {  	[dreg:$0x2] =	wrdreg s24  }
0xaf: {  	[dreg:$0x3] =	wrdreg s2  }
0xb0: {  	[dreg:$0x4] =	wrdreg $0x9  }
0xb1: {  	_ =	task.clear_ibuf [dreg:s7], $0x5FFFF;
	_ =	strace $0x90000049  }
0xb2: {  	s29 =	simm.s32 $0x9;
	_ =	strace $0x8000004B  }
0xb3: {  	_ =	swait.ge [sflag:s29], $0x1  }
0xb4: {  	[sflag:s29] =	ssyncadd.s32 $0xFFFFFFFF  }
0xb5: {  	_ =	strace $0x9000004B  }
0xb6: {  	_ =	sfence  }
0xb7: {  	s30 =	sld [smem:$0x0];
	_ =	sdelay $0x2  }
0xb8: {  	s31 =	sshll.u32 s1, $0xD;
	s1 =	sshrl.u32 s1, $0x2  }
0xb9: {  	s3 =	sand.u32 $0x4000, s31;
	s1 =	sadd.s32 s1, s30  }
0xba: {  	s0 =	sor.u32 s3, s0;
	s1 =	sshll.u32 s1, $0x11  }
0xbb: {  	s0 =	sor.u32 s1, s0  }
0xbc: {  	s0 =	sadd.s32 $0x8F2B, s0  }
0xbd: {  	[sflag:s0] =	ssyncadd.remote.s32 $0x1  }
0xbe: {  	_ =	sfence.sel $0xFFFF  }
0xbf: {  	[dreg:$0x0] =	wrdreg $0xFFFFFFFF;
	(pc) =	sbr.abs _section_cstart, $3  }
0xc0: {  	[dreg:$0x1] =	wrdreg $0xFFFFFFFF  }
0xc1: {  	_ =	task.clear_ibuf [dreg:s7], $0x2FFFF;
	_ =	strace $0x9FFFFFFF  }
0xc2: {  	(tm) =	ssettm $0x7FFFFFFF  }
0xc3: {  	_ =	shalt  }
tec
execute0_lowered:
.L_overlay_start_1:
0x0: {  	(tag) =	ssettag $0x1  }
0x1: {  	s0 =	srdreg.scid;
	s6 =	rddreg [dreg:$0x0]  }
0x2: {  	s8 =	rddreg [dreg:$0x1];
	s2 =	simm.s32 $0x0;
	s13 =	simm.s32 $0x88A0  }
0x3: {  	s14 =	simm.s32 $0x8900;
	s15 =	simm.s32 $0x24C0;
	s5 =	sand.u32 $0x1, s0  }
0x4: {  	s16 =	simm.s32 $0x0;
	s0 =	stileid.u32;
	s1 =	sshll.u32 s5, $0x4  }
0x5: {  	[smem:$0x7FF] =	sst s2;
	s3 =	sadd.s32 $0xD0C00, s6;
	s1 =	sor.u32 s0, s1  }
0x6: {  	s4 =	sadd.s32 $0xD1000, s6;
	s11 =	ssub.s32 $0x2, s5;
	s7 =	smul.u32 $0xC40, s1  }
0x7: {  	s5 =	sadd.s32 $0xD0E00, s6;
	s31 =	sshrl.u32 s11, $0x1;
	s1 =	rddreg [dreg:$0x2]  }
0x8: {  	_ =	strace $0x8000004A;
	s11 =	ssub.s32 s11, s31;
	s9 =	sshrl.u32 s7, $0x3  }
0x9: {  	s12 =	sadd.s32 s7, s6;
	s10 =	sadd.s32 s9, s6;
	s8 =	sadd.s32 s8, s9  }
0xa: {  	v0 =	vlaneseq.u32;
	s9 =	sadd.s32 $0xD1200, s12;
	s12 =	simm.s32 $0x1;
	s6 =	sadd.s32 $0x98A00, s10  }
0xb: {  	v1 =	vimm.f32 $0.0e+00;
	v0 =	vmul.u32 $0x8, v0;
	s7 =	sadd.s32 $0x9BB00, s10;
	s10 =	smax.u32 s11, $0x1;
	s11 =	simm.s32 $0x86C0  }
.LBB2_1:
0xc: {  	[tilespmem:s11], [sflag:$0x1] =	stream.linear.gather [hbm4b:s3+s2], $0x1E0, $0x38;
	[tilespmem:$0x8960] =	vst v63  }
0xd: {  	_ =	swait.ge [sflag:s12], $0x1E0  }
0xe: {  	[sflag:s12] =	ssyncset.done $0x0  }
0xf: {  	[sflag:s12] =	ssyncadd.s32 $0xFFFFFE20  }
0x10: {  	[tilespmem:s13], [sflag:$0x1] =	stream.linear.gather [hbm4b:s4+s2], $0x60, $0x38;
	[tilespmem:$0x8960] =	vst v63  }
0x11: {  	_ =	swait.ge [sflag:s12], $0x60  }
0x12: {  	[sflag:s12] =	ssyncset.done $0x0  }
0x13: {  	[sflag:s12] =	ssyncadd.s32 $0xFFFFFFA0  }
0x14: {  	[tilespmem:s14], [sflag:$0x1] =	stream.linear.gather [hbm4b:s5+s2], $0x60, $0x38;
	[tilespmem:$0x8960] =	vst v63  }
0x15: {  	_ =	swait.ge [sflag:s12], $0x60  }
0x16: {  	[sflag:s12] =	ssyncset.done $0x0  }
0x17: {  	[sflag:s12] =	ssyncadd.s32 $0xFFFFFFA0  }
0x18: {  	[tilespmem:s2], [sflag:$0x1] =	stream.linear.gather [hbm4b:s6+s2], $0xC40, $0x38;
	[tilespmem:$0x8960] =	vst v63  }
0x19: {  	_ =	swait.ge [sflag:s12], $0xC40  }
0x1a: {  	[sflag:s12] =	ssyncset.done $0x0  }
0x1b: {  	s17 =	simm.s32 $0xC40;
	[sflag:s12] =	ssyncadd.s32 $0xFFFFF3C0  }
0x1c: {  	[tilespmem:s17], [sflag:$0x1] =	stream.linear.gather [hbm4b:s7+s2], $0xC40, $0x38;
	[tilespmem:$0x8960] =	vst v63  }
0x1d: {  	_ =	swait.ge [sflag:s12], $0xC40  }
0x1e: {  	[sflag:s12] =	ssyncset.done $0x0  }
0x1f: {  	s18 =	simm.s32 $0x1880;
	[sflag:s12] =	ssyncadd.s32 $0xFFFFF3C0  }
0x20: {  	[tilespmem:s18], [sflag:$0x1] =	stream.linear.gather [hbm4b:s8+s2], $0xC40, $0x38;
	[tilespmem:$0x8960] =	vst v63  }
0x21: {  	_ =	swait.ge [sflag:s12], $0xC40  }
0x22: {  	[sflag:s12] =	ssyncset.done $0x0  }
0x23: {  	[sflag:s12] =	ssyncadd.s32 $0xFFFFF3C0  }
0x24: {  	v2 =	vld [tilespmem:s18+$0x0];
	_ =	sdelay $0x4  }
0x25: {  	v9 =	vmul.u32 $0x5, v2;
	_ =	sdelay $0x1  }
0x26: {  	v3 =	vadd.s32 $0x1, v9  }
0x27: {  	v4 =	vadd.s32 $0x2, v9  }
0x28: {  	v10 =	vld [tilespmem:s17+$0x0];
	v13 =	vadd.s32 $0x3, v9  }
0x29: {  	v11 =	vld [tilespmem:s2+$0x0]  }
0x2a: {  	v5 =	vmov s2;
	v6 =	vld.idx.msk [tilespmem:v9+s11+$0x0], $0xffff  }
0x2b: {  	s21 =	simm.s32 $0x10;
	s22 =	simm.s32 $0x1890;
	v5 =	vshll.u32 v5, $0x3;
	v12 =	vadd.s32 $0x4, v9;
	v7 =	vld.idx.msk [tilespmem:v3+s11+$0x0], $0xffff  }
0x2c: {  	s23 =	simm.s32 $0xC50;
	s24 =	simm.s32 $0x20;
	s20 =	simm.s32 $0x1890;
	v3 =	vor.u32 v0, v5;
	v8 =	vld.idx.msk [tilespmem:v4+s11+$0x0], $0xffff  }
0x2d: {  	s19 =	simm.s32 $0xC50;
	s17 =	simm.s32 $0x10;
	s18 =	simm.s32 $0x10;
	v9 =	vld.idx.msk [tilespmem:v13+s11+$0x0], $0xffff;
	v4 =	vor.u32 $0x3, v3;
	v5 =	vor.u32 $0x1, v3  }
.LBB2_2:
0x2e: {  	s22 =	sadd.s32 $0x10, s22;
	s21 =	sadd.s32 $0x10, s21;
	s23 =	sadd.s32 $0x10, s23;
	v10 =	vadd.f32 v10, v11  }
0x2f: {  	p0 =	sne.s32 s24, $0xC30;
	s25 =	smov.u32 s24;
	s24 =	sadd.s32 $0x10, s24  }
0x30: {  	v11 =	vld.idx.msk [tilespmem:v12+s11+$0x0], $0xffff;
	v12 =	vsub.f32 v10, v6  }
0x31: {  	v13 =	vmax.f32 v6, v7;
	v14 =	vsub.f32 v10, v7  }
0x32: {  	v13 =	vmax.f32 v13, v8;
	v16 =	vsub.f32 v10, v8;
	v15 =	vmul.f32 $-4.000000000e+00, v12  }
0x33: {  	v13 =	vmax.f32 v13, v9;
	v17 =	vmul.f32 $-4.000000000e+00, v14;
	v18 =	vsub.f32 v10, v9  }
0x34: {  	v12 =	vmul.f32 v15, v12;
	v15 =	vmul.f32 $-4.000000000e+00, v16  }
0x35: {  	v14 =	vmul.f32 v17, v14;
	v17 =	vmul.f32 $-4.000000000e+00, v18  }
0x36: {  	v10 =	vsub.f32 v10, v11;
	v12 =	vmul.f32 $1.442695020e+00, v12;
	v15 =	vmul.f32 v15, v16  }
0x37: {  	v13 =	vmax.f32 v13, v11;
	v14 =	vmul.f32 $1.442695020e+00, v14;
	v16 =	vmul.f32 v17, v18  }
0x38: {  	vm2 =	veq.f32 v6, v13;
	v15 =	vmul.f32 $1.442695020e+00, v15;
	(erf) = vpow2.f32 v12  }
0x39: {  	vm1 =	veq.f32 v7, v13;
	v6 =	vmul.f32 $-4.000000000e+00, v10;
	(erf) = vpow2.f32 v14  }
0x3a: {  	vm3 =	veq.f32 v8, v13;
	vm4 =	veq.f32 v9, v13;
	v7 =	vmul.f32 $1.442695020e+00, v16  }
0x3b: {  	vm0 =	veq.f32 v11, v13;
	v6 =	vmul.f32 v6, v10;
	(erf) = vpow2.f32 v15;
	_ =	sdelay $0x1  }
0x3c: {  	v6 =	vmul.f32 $1.442695020e+00, v6;
	(erf) = vpow2.f32 v7;
	_ =	sdelay $0x1  }
0x3d: {  	(erf) = vpow2.f32 v6;
	_ =	sdelay $0x1  }
0x3e: {  	v6 =	vpop (erf)  }
0x3f: {  	v7 =	vpop (erf)  }
0x40: {  	v8 =	vadd.f32 v7, v6  }
0x41: {  	v9 =	vpop (erf)  }
0x42: {  	v8 =	vadd.f32 v9, v8  }
0x43: {  	v10 =	vpop (erf)  }
0x44: {  	v8 =	vadd.f32 v10, v8  }
0x45: {  	v11 =	vpop (erf)  }
0x46: {  	v8 =	vadd.f32 v11, v8;
	_ =	sdelay $0x1  }
0x47: {  	vm5 =	vlt.f32 v8, $1.000000000e-30  }
0x48: {  	v8 =	vsel vm5, $0x3F800000, v8  }
0x49: {  	(erf) = vrcp.f32 v8;
	_ =	sdelay $0x5  }
0x4a: {  	v8 =	vmov s17;
	s17 =	smov.u32 s25  }
0x4b: {  	v12 =	vor.u32 $0x4, v3;
	v8 =	vshll.u32 v8, $0x3  }
0x4c: {  	v13 =	vor.u32 $0x2, v3;
	v14 =	vsel vm4, $0x3F800000, v1;
	v8 =	vor.u32 v0, v8  }
0x4d: {  	v17 =	vsel vm3, $0x3F800000, v1;
	v16 =	vsel vm2, $0x3F800000, v1;
	v15 =	vor.u32 $0x3, v8;
	v18 =	vpop (erf)  }
0x4e: {  	v19 =	vor.u32 $0x1, v8;
	v6 =	vmul.f32 v18, v6;
	v7 =	vmul.f32 v18, v7  }
0x4f: {  	v20 =	vsel vm1, $0x3F800000, v1;
	v9 =	vmul.f32 v18, v9;
	v10 =	vmul.f32 v18, v10  }
0x50: {  	v11 =	vmul.f32 v18, v11;
	v6 =	vsel vm5, v16, v6;
	v7 =	vsel vm5, v20, v7  }
0x51: {  	[tilespmem:v3+s15+$0x0] =	vst.idx.msk $0xffff, v6;
	v6 =	vsel vm5, v17, v9;
	v9 =	vsel vm5, v14, v10;
	v10 =	vsel vm0, $0x3F800000, v1  }
0x52: {  	[tilespmem:v5+s15+$0x0] =	vst.idx.msk $0xffff, v7;
	v7 =	vsel vm5, v10, v11;
	v5 =	vmov v19  }
0x53: {  	[tilespmem:v13+s15+$0x0] =	vst.idx.msk $0xffff, v6  }
0x54: {  	[tilespmem:v4+s15+$0x0] =	vst.idx.msk $0xffff, v9;
	v4 =	vmov v15  }
0x55: {  	[tilespmem:v12+s15+$0x0] =	vst.idx.msk $0xffff, v7  }
0x56: {  	v6 =	vld.idx.msk [tilespmem:v2+s13+$0x0], $0xffff  }
0x57: {  	v7 =	vor.u32 $0x5, v3;
	_ =	sdelay $0x4  }
0x58: {  	[tilespmem:v7+s15+$0x0] =	vst.idx.msk $0xffff, v6  }
0x59: {  	v6 =	vld.idx.msk [tilespmem:v2+s14+$0x0], $0xffff  }
0x5a: {  	v7 =	vor.u32 $0x6, v3  }
0x5b: {  	v9 =	vor.u32 $0x7, v3;
	v3 =	vmov v8;
	_ =	sdelay $0x2  }
0x5c: {  	v2 =	vcvt.s32.f32 v2  }
0x5d: {  	[tilespmem:v7+s15+$0x0] =	vst.idx.msk $0xffff, v6  }
0x5e: {  	[tilespmem:v9+s15+$0x0] =	vst.idx.msk $0xffff, v2  }
0x5f: {  	v2 =	vld [tilespmem:s20+$0x0];
	s20 =	smov.u32 s22;
	_ =	sdelay $0x4  }
0x60: {  	v8 =	vmul.u32 $0x5, v2;
	_ =	sdelay $0x1  }
0x61: {  	v7 =	vadd.s32 $0x1, v8;
	v9 =	vadd.s32 $0x2, v8;
	_ =	sdelay $0x1  }
0x62: {  	v13 =	vadd.s32 $0x3, v8;
	v10 =	vld [tilespmem:s19+$0x0];
	s19 =	smov.u32 s23  }
.Ltmp0:
0x63: {  	v11 =	vld [tilespmem:s18+$0x0];
	s18 =	smov.u32 s21;
	(pc) =	sbr.rel @p0 .LBB2_2-.Ltmp0, $4  }
0x64: {  	v6 =	vld.idx.msk [tilespmem:v8+s11+$0x0], $0xffff  }
0x65: {  	v12 =	vadd.s32 $0x4, v8;
	v7 =	vld.idx.msk [tilespmem:v7+s11+$0x0], $0xffff  }
0x66: {  	v8 =	vld.idx.msk [tilespmem:v9+s11+$0x0], $0xffff  }
0x67: {  	v9 =	vld.idx.msk [tilespmem:v13+s11+$0x0], $0xffff  }
0x68: {  	_ =	sdelay $0x1  }
0x69: {  	v10 =	vadd.f32 v10, v11;
	_ =	sdelay $0x1  }
0x6a: {  	v12 =	vld.idx.msk [tilespmem:v12+s11+$0x0], $0xffff;
	v11 =	vsub.f32 v10, v6  }
0x6b: {  	v13 =	vsub.f32 v10, v7  }
0x6c: {  	v15 =	vsub.f32 v10, v8;
	v14 =	vmul.f32 $-4.000000000e+00, v11  }
0x6d: {  	v16 =	vmul.f32 $-4.000000000e+00, v13;
	v17 =	vsub.f32 v10, v9  }
0x6e: {  	v50 =	vmul.f32 $-4.000000000e+00, v15;
	v11 =	vmul.f32 v14, v11  }
0x6f: {  	v10 =	vsub.f32 v10, v12;
	v13 =	vmul.f32 v16, v13;
	v51 =	vmul.f32 $-4.000000000e+00, v17  }
0x70: {  	v14 =	vmul.f32 v50, v15;
	v11 =	vmul.f32 $1.442695020e+00, v11  }
0x71: {  	v53 =	vmul.f32 $-4.000000000e+00, v10;
	v13 =	vmul.f32 $1.442695020e+00, v13  }
0x72: {  	v52 =	vmul.f32 v51, v17;
	(erf) = vpow2.f32 v11  }
0x73: {  	v14 =	vmul.f32 $1.442695020e+00, v14;
	(erf) = vpow2.f32 v13  }
0x74: {  	v10 =	vmul.f32 v53, v10  }
0x75: {  	v54 =	vmul.f32 $1.442695020e+00, v52;
	(erf) = vpow2.f32 v14;
	_ =	sdelay $0x1  }
0x76: {  	v10 =	vmul.f32 $1.442695020e+00, v10;
	(erf) = vpow2.f32 v54;
	_ =	sdelay $0x1  }
0x77: {  	(erf) = vpow2.f32 v10;
	_ =	sdelay $0x1  }
0x78: {  	v55 =	vpop (erf)  }
0x79: {  	v56 =	vpop (erf)  }
0x7a: {  	v57 =	vadd.f32 v56, v55  }
0x7b: {  	v14 =	vpop (erf)  }
0x7c: {  	v13 =	vadd.f32 v14, v57  }
0x7d: {  	v58 =	vpop (erf)  }
0x7e: {  	v13 =	vadd.f32 v58, v13  }
0x7f: {  	v59 =	vpop (erf)  }
0x80: {  	v13 =	vadd.f32 v59, v13;
	_ =	sdelay $0x1  }
0x81: {  	vm0 =	vlt.f32 v13, $1.000000000e-30  }
0x82: {  	v13 =	vsel vm0, $0x3F800000, v13  }
0x83: {  	(erf) = vrcp.f32 v13;
	_ =	sdelay $0x4  }
0x84: {  	v60 =	vmax.f32 v6, v7  }
0x85: {  	v13 =	vmax.f32 v60, v8  }
0x86: {  	v13 =	vmax.f32 v13, v9  }
0x87: {  	v62 =	vor.u32 $0x2, v3;
	v13 =	vmax.f32 v13, v12  }
0x88: {  	v17 =	vor.u32 $0x4, v3;
	vm1 =	veq.f32 v6, v13;
	vm2 =	veq.f32 v7, v13;
	v61 =	vpop (erf)  }
0x89: {  	vm3 =	veq.f32 v8, v13;
	vm4 =	veq.f32 v9, v13;
	v63 =	vmul.f32 v61, v55  }
0x8a: {  	vm5 =	veq.f32 v12, v13;
	v18 =	vsel vm1, $0x3F800000, v1;
	v11 =	vmul.f32 v61, v56  }
0x8b: {  	v19 =	vsel vm2, $0x3F800000, v1;
	v20 =	vmul.f32 v61, v14;
	v8 =	vsel vm0, v18, v63  }
0x8c: {  	v21 =	vsel vm3, $0x3F800000, v1;
	v22 =	vmul.f32 v61, v58;
	v11 =	vsel vm0, v19, v11;
	[tilespmem:v3+s15+$0x0] =	vst.idx.msk $0xffff, v8  }
0x8d: {  	v23 =	vsel vm4, $0x3F800000, v1;
	v6 =	vmul.f32 v61, v59;
	v10 =	vsel vm0, v21, v20;
	[tilespmem:v5+s15+$0x0] =	vst.idx.msk $0xffff, v11  }
0x8e: {  	v25 =	vsel vm5, $0x3F800000, v1;
	v24 =	vsel vm0, v23, v22;
	[tilespmem:v62+s15+$0x0] =	vst.idx.msk $0xffff, v10  }
0x8f: {  	v6 =	vsel vm0, v25, v6;
	[tilespmem:v4+s15+$0x0] =	vst.idx.msk $0xffff, v24  }
0x90: {  	[tilespmem:v17+s15+$0x0] =	vst.idx.msk $0xffff, v6  }
0x91: {  	v26 =	vor.u32 $0x5, v3;
	v4 =	vld.idx.msk [tilespmem:v2+s13+$0x0], $0xffff;
	_ =	sdelay $0x4  }
0x92: {  	[tilespmem:v26+s15+$0x0] =	vst.idx.msk $0xffff, v4  }
0x93: {  	v27 =	vor.u32 $0x6, v3;
	v4 =	vld.idx.msk [tilespmem:v2+s14+$0x0], $0xffff  }
0x94: {  	v3 =	vor.u32 $0x7, v3;
	_ =	sdelay $0x2  }
0x95: {  	v2 =	vcvt.s32.f32 v2  }
0x96: {  	[tilespmem:v27+s15+$0x0] =	vst.idx.msk $0xffff, v4  }
0x97: {  	[tilespmem:v3+s15+$0x0] =	vst.idx.msk $0xffff, v2  }
0x98: {  	v2 =	vld [tilespmem:s20+$0x0];
	_ =	sdelay $0x4  }
0x99: {  	v3 =	vmul.u32 $0x5, v2;
	_ =	sdelay $0x1  }
0x9a: {  	v28 =	vadd.s32 $0x1, v3  }
0x9b: {  	v6 =	vld [tilespmem:s19+$0x0];
	v29 =	vadd.s32 $0x2, v3  }
0x9c: {  	v31 =	vld [tilespmem:s18+$0x0];
	v30 =	vadd.s32 $0x3, v3;
	_ =	sdelay $0x1  }
0x9d: {  	v9 =	vld.idx.msk [tilespmem:v3+s11+$0x0], $0xffff  }
0x9e: {  	v4 =	vld.idx.msk [tilespmem:v28+s11+$0x0], $0xffff  }
0x9f: {  	v3 =	vadd.s32 $0x4, v3;
	v5 =	vld.idx.msk [tilespmem:v29+s11+$0x0], $0xffff  }
0xa0: {  	v6 =	vadd.f32 v6, v31;
	v7 =	vld.idx.msk [tilespmem:v30+s11+$0x0], $0xffff;
	_ =	sdelay $0x1  }
0xa1: {  	v8 =	vsub.f32 v6, v9  }
0xa2: {  	v32 =	vsub.f32 v6, v4  }
0xa3: {  	v3 =	vld.idx.msk [tilespmem:v3+s11+$0x0], $0xffff;
	v34 =	vsub.f32 v6, v5;
	v33 =	vmul.f32 $-4.000000000e+00, v8  }
0xa4: {  	v36 =	vsub.f32 v6, v7;
	v35 =	vmul.f32 $-4.000000000e+00, v32  }
0xa5: {  	v37 =	vmul.f32 $-4.000000000e+00, v34;
	v8 =	vmul.f32 v33, v8  }
0xa6: {  	v38 =	vmul.f32 $-4.000000000e+00, v36;
	v10 =	vmul.f32 v35, v32  }
0xa7: {  	v11 =	vmul.f32 v37, v34;
	v8 =	vmul.f32 $1.442695020e+00, v8  }
0xa8: {  	v6 =	vsub.f32 v6, v3;
	v39 =	vmul.f32 v38, v36;
	v10 =	vmul.f32 $1.442695020e+00, v10  }
0xa9: {  	v11 =	vmul.f32 $1.442695020e+00, v11;
	(erf) = vpow2.f32 v8  }
0xaa: {  	v40 =	vmul.f32 $-4.000000000e+00, v6;
	(erf) = vpow2.f32 v10  }
0xab: {  	v41 =	vmul.f32 $1.442695020e+00, v39  }
0xac: {  	v6 =	vmul.f32 v40, v6;
	(erf) = vpow2.f32 v11;
	_ =	sdelay $0x1  }
0xad: {  	v6 =	vmul.f32 $1.442695020e+00, v6;
	(erf) = vpow2.f32 v41;
	_ =	sdelay $0x1  }
0xae: {  	(erf) = vpow2.f32 v6;
	_ =	sdelay $0x1  }
0xaf: {  	v42 =	vpop (erf)  }
0xb0: {  	v43 =	vpop (erf)  }
0xb1: {  	v44 =	vadd.f32 v43, v42  }
0xb2: {  	v11 =	vpop (erf)  }
0xb3: {  	v10 =	vadd.f32 v11, v44  }
0xb4: {  	v45 =	vpop (erf)  }
0xb5: {  	v10 =	vadd.f32 v45, v10  }
0xb6: {  	v46 =	vpop (erf)  }
0xb7: {  	v10 =	vadd.f32 v46, v10;
	_ =	sdelay $0x1  }
0xb8: {  	vm10 =	vlt.f32 v10, $1.000000000e-30  }
0xb9: {  	v10 =	vsel vm10, $0x3F800000, v10  }
0xba: {  	(erf) = vrcp.f32 v10;
	_ =	sdelay $0x3  }
0xbb: {  	v48 =	vmov s17  }
0xbc: {  	v14 =	vshll.u32 v48, $0x3;
	v47 =	vmax.f32 v9, v4  }
0xbd: {  	v14 =	vor.u32 v0, v14;
	v10 =	vmax.f32 v47, v5  }
0xbe: {  	v49 =	vor.u32 $0x3, v14;
	v10 =	vmax.f32 v10, v7  }
0xbf: {  	v50 =	vor.u32 $0x1, v14;
	v53 =	vor.u32 $0x4, v14;
	v10 =	vmax.f32 v10, v3  }
0xc0: {  	vm11 =	veq.f32 v9, v10;
	vm12 =	veq.f32 v4, v10;
	vm13 =	veq.f32 v5, v10;
	v51 =	vpop (erf)  }
0xc1: {  	vm15 =	veq.f32 v3, v10;
	v3 =	vor.u32 $0x2, v14;
	v52 =	vmul.f32 v51, v42  }
0xc2: {  	vm14 =	veq.f32 v7, v10;
	v54 =	vsel vm11, $0x3F800000, v1;
	v8 =	vmul.f32 v51, v43  }
0xc3: {  	v55 =	vsel vm12, $0x3F800000, v1;
	v56 =	vmul.f32 v51, v11;
	v5 =	vsel vm10, v54, v52  }
0xc4: {  	v57 =	vsel vm13, $0x3F800000, v1;
	v58 =	vmul.f32 v51, v45;
	v8 =	vsel vm10, v55, v8;
	[tilespmem:v14+s15+$0x0] =	vst.idx.msk $0xffff, v5  }
0xc5: {  	v59 =	vsel vm14, $0x3F800000, v1;
	v4 =	vmul.f32 v51, v46;
	v7 =	vsel vm10, v57, v56;
	[tilespmem:v50+s15+$0x0] =	vst.idx.msk $0xffff, v8  }
0xc6: {  	v60 =	vsel vm15, $0x3F800000, v1;
	v5 =	vsel vm10, v59, v58;
	[tilespmem:v3+s15+$0x0] =	vst.idx.msk $0xffff, v7  }
0xc7: {  	v3 =	vsel vm10, v60, v4;
	[tilespmem:v49+s15+$0x0] =	vst.idx.msk $0xffff, v5  }
0xc8: {  	[tilespmem:v53+s15+$0x0] =	vst.idx.msk $0xffff, v3  }
0xc9: {  	v61 =	vor.u32 $0x5, v14;
	v3 =	vld.idx.msk [tilespmem:v2+s13+$0x0], $0xffff;
	_ =	sdelay $0x4  }
0xca: {  	[tilespmem:v61+s15+$0x0] =	vst.idx.msk $0xffff, v3  }
0xcb: {  	v62 =	vor.u32 $0x6, v14;
	v3 =	vld.idx.msk [tilespmem:v2+s14+$0x0], $0xffff  }
0xcc: {  	v63 =	vor.u32 $0x7, v14;
	_ =	sdelay $0x2  }
0xcd: {  	s16 =	sadd.s32 $0x1, s16;
	v2 =	vcvt.s32.f32 v2  }
0xce: {  	p0 =	sne.s32 s16, s10;
	[tilespmem:v62+s15+$0x0] =	vst.idx.msk $0xffff, v3  }
.Ltmp1:
0xcf: {  	[tilespmem:v63+s15+$0x0] =	vst.idx.msk $0xffff, v2;
	(pc) =	sbr.rel @p0 .LBB2_1-.Ltmp1, $4  }
0xd0: {  	[hbm4b:s9+s2] =	stream.linear.scatter [tilespmem:s15], [sflag:$0x1], $0x6200, $0x38;
	[tilespmem:$0x8960] =	vst v63  }
0xd1: {  	_ =	swait.ge [sflag:s12], $0x6200  }
0xd2: {  	[sflag:s12] =	ssyncset.done $0x0  }
0xd3: {  	[sflag:s12] =	ssyncadd.s32 $0xFFFF9E00  }
0xd4: {  	_ =	sfence.sel $0x180000  }
0xd5: {  	[bflag:$0x0] =	sbarrier.arrive $0xFFFF  }
0xd6: {  	p0 =	sne.s32 s0, $0x0;
	_ =	strace $0x9000004A  }
0xd7: {  	s0 =	sadd.s32 @!p0 $0x100000, s1;
	[bflag:$0x2] =	sbarrier.arrive $0xFFFF  }
0xd8: {  	[sflag:s0] =	ssyncadd.tile.s32 @!p0 $0x1;
	_ =	shalt  }
.Lfunc_end2:
_tile_overlayer_lowered:
.L_overlay_start_2:
0xd9: {  	(tag) =	ssettag $0x2  }
0xda: {  	s0 =	rddreg [dreg:$0x0];
	s2 =	stileid.u32  }
0xdb: {  	s1 =	rddreg [dreg:$0x1];
	p0 =	sne.s32 s2, $0x0  }
0xdc: {  	s3 =	rddreg [dreg:$0x2];
	[bflag:$0x3] =	sbarrier.arrive $0xFFFF;
	s2 =	simm.s32 @!p0 $0x1C01  }
0xdd: {  	[timem:s3], [sflag:s2] =	dma.local @!p0 [hbm:s0], s1  }
0xde: {  	s0 =	simm.s32 @!p0 $0x1  }
0xdf: {  	_ =	swait.ge @!p0 [sflag:s0], s1  }
0xe0: {  	s1 =	ssub.s32 @!p0 $0x0, s1;
	[sflag:s0] =	ssyncset.done @!p0 $0x0  }
0xe1: {  	[sflag:s0] =	ssyncadd.s32 @!p0 s1  }
0xe2: {  	[bflag:$0x3] =	sbarrier.arrive $0xFFFF  }
0xe3: {  	_ =	shalt  }

</sc_bundles>
